<compile_context>
chip_gen: v7x
topology: tpu7x:2x2x1
jax: 0.10.2.dev20260603
libtpu: 0.0.44.dev20260713+nightly
codegen_flags: <defaults>
</compile_context>

<pallas_src>
import jax
import jax.numpy as jnp
from jax import lax
from jax.experimental import pallas as pl
from jax.experimental.pallas import tpu as pltpu
from jax.experimental.pallas import tpu_sc as plsc

NUM_FIXED = 2
D = 64
BATCH = 16384
SEQ = 26
NC, NS, L = 2, 16, 16
NW = NC * NS

TBL = 999998
W = 384
NBLK = 999936 // W
TMAIN = NBLK * W
NEXTRA = NUM_FIXED + (TBL - TMAIN)

B_PER_W = BATCH // NW
SB = 32
N_SUP = B_PER_W // SB
NGRP = SB * SEQ // L


H = TMAIN // 2
KB = 11904
NTB = H // KB


def _tr_body(a_ref, b_ref, o_ref):
    o_ref[:, 0:D] = a_ref[...].T
    o_ref[:, D:2 * D] = b_ref[...].T



def _gbody(idx_hbm, extras_hbm, train_hbm, out_hbm,
           idx_v, idxc0, idxc1, rows0, rows1, extras_v, gsem, osem0, osem1):
    wid = lax.axis_index("s") * NC + lax.axis_index("c")
    idxcs = (idxc0, idxc1)
    rows = (rows0, rows1)
    osems = (osem0, osem1)
    pltpu.sync_copy(extras_hbm, extras_v)

    def superchunk(s2, carry):
        for par in range(2):
            s = s2 * 2 + par
            b0 = wid * B_PER_W + s * SB
            rows_v = rows[par]
            idxc_v = idxcs[par]

            @pl.when(s >= 2)
            def _():
                pltpu.make_async_copy(
                    rows_v, out_hbm.at[pl.ds(0, SB)], osems[par]).wait()

            pltpu.sync_copy(idx_hbm.at[pl.ds(b0, SB)], idx_v)

            def prep(g, c):
                p = g * L + lax.iota(jnp.int32, L)
                r = p // SEQ
                col = p % SEQ
                iv = plsc.load_gather(idx_v, [r, col])
                t = jnp.clip(iv - NUM_FIXED, 0, TMAIN - 1)
                f = jnp.where(t >= H, 2 * (t - H) + 1, 2 * t)
                plsc.store_scatter(idxc_v, [r, col], f)
                return c

            lax.fori_loop(0, NGRP, prep, 0)

            cps = [
                pltpu.async_copy(
                    train_hbm.at[idxc_v.at[bb]], rows_v.at[bb], gsem)
                for bb in range(SB)
            ]
            for cp in cps:
                cp.wait()

            def fix(g, c):
                p = g * L + lax.iota(jnp.int32, L)
                r = p // SEQ
                col = p % SEQ
                iv = plsc.load_gather(idx_v, [r, col])
                m_lo = iv < NUM_FIXED
                m_hi = iv >= TMAIN + NUM_FIXED
                m = m_lo | m_hi

                @pl.when(plsc.all_reduce_population_count(m)[0] > 0)
                def _():
                    e = jnp.where(m_lo, iv, iv - TMAIN)
                    e = jnp.clip(e, 0, NEXTRA - 1)
                    for cc in range(D):
                        cvec = jnp.full((L,), cc, jnp.int32)
                        v = plsc.load_gather(extras_v, [e, cvec], mask=m)
                        plsc.store_scatter(rows_v, [r, col, cvec], v, mask=m)

                return c

            lax.fori_loop(0, NGRP, fix, 0)

            pltpu.async_copy(rows_v, out_hbm.at[pl.ds(b0, SB)], osems[par])

        return carry

    lax.fori_loop(0, N_SUP // 2, superchunk, 0)

    for par in range(2):
        pltpu.make_async_copy(
            rows[par], out_hbm.at[pl.ds(0, SB)], osems[par]).wait()


def _run_impl(idx, weights_freeze, weights_train):
    mesh = plsc.VectorSubcoreMesh(core_axis_name="c", subcore_axis_name="s")

    transpose = pl.pallas_call(
        _tr_body,
        grid=(NTB,),
        in_specs=[
            pl.BlockSpec((D, KB), lambda i: (0, i)),
            pl.BlockSpec((D, KB), lambda i: (0, i + NTB)),
        ],
        out_specs=pl.BlockSpec((KB, 2 * D), lambda i: (i, 0)),
        out_shape=jax.ShapeDtypeStruct((H, 2 * D), jnp.float32),
    )
    wt = weights_train.T
    table2d = transpose(wt, wt)
    table_lin = table2d.reshape(TMAIN, D)
    extras = jnp.concatenate(
        [weights_freeze, weights_train[TMAIN:]], axis=0)

    gather = pl.kernel(
        _gbody,
        out_type=jax.ShapeDtypeStruct((BATCH, SEQ, D), jnp.float32),
        mesh=mesh,
        scratch_types=[
            pltpu.VMEM((SB, SEQ), jnp.int32),
            pltpu.VMEM((SB, SEQ), jnp.int32),
            pltpu.VMEM((SB, SEQ), jnp.int32),
            pltpu.VMEM((SB, SEQ, D), jnp.float32),
            pltpu.VMEM((SB, SEQ, D), jnp.float32),
            pltpu.VMEM((NEXTRA, D), jnp.float32),
            pltpu.SemaphoreType.DMA,
            pltpu.SemaphoreType.DMA,
            pltpu.SemaphoreType.DMA,
        ],
        compiler_params=pltpu.CompilerParams(
            needs_layout_passes=False, use_tc_tiling_on_sc=False),
    )
    return gather(idx, extras, table_lin)


_run = jax.jit(_run_impl)


def kernel(idx, weights_freeze, weights_train):
    return _run(idx.astype(jnp.int32), weights_freeze.astype(jnp.float32),
                weights_train.astype(jnp.float32))

# --- scband reference (transcript-rebuilt; emitter-appended) ---
"""Pipeline reference for scband-fixed-embedding-50646254354455 (READ-ONLY COPY).

The authoritative reference and input builder live on the scoring server;
editing this copy changes nothing except your own understanding.
"""

import jax, jax.numpy as jnp
import numpy as np

NUM_EMBEDDINGS = 1000000
EMBED_DIM = 64
NUM_FIXED = 2

def setup_inputs(seed: int = 0) -> dict:
    key = jax.random.key(seed)
    k_idx, k_freeze, k_train = jax.random.split(key, 3)
    idx = jax.random.randint(k_idx, (16384, 26), 0, NUM_EMBEDDINGS, dtype=jnp.int64 if jax.config.jax_enable_x64 else jnp.int32)
    # fixed embeds: vstack of dict values (pad=zeros, unk=ones), as in the torch module
    weights_freeze = jnp.concatenate([jnp.zeros((1, EMBED_DIM), dtype=jnp.float32), jnp.ones((1, EMBED_DIM), dtype=jnp.float32)], axis=0)
    weights_train = jax.random.normal(k_train, (NUM_EMBEDDINGS - NUM_FIXED, EMBED_DIM), dtype=jnp.float32)
    return {"idx": idx, "weights_freeze": weights_freeze, "weights_train": weights_train}

def reference(idx, weights_freeze, weights_train):
    weights = jnp.concatenate([weights_freeze, weights_train], axis=0).astype(jnp.float32)
    return jnp.take(weights, idx, axis=0)

if __name__ == "__main__":
    import jax
    _d = setup_inputs()
    print(jax.jit(kernel)(*tuple(_d.values())))

</pallas_src>

<mosaic_0001>
#map = affine_map<(d0, d1) -> (0, 0)>
#map1 = affine_map<(d0, d1) -> (0, 0, 0)>
module attributes {stable_mosaic.version = 14 : i64} {
  func.func @_gbody(%arg0: i32, %arg1: i32, %arg2: memref<16384x26xi32, #tpu.memory_space<hbm>>, %arg3: memref<64x64xf32, #tpu.memory_space<hbm>>, %arg4: memref<999936x64xf32, #tpu.memory_space<hbm>>, %arg5: memref<16384x26x64xf32, #tpu.memory_space<hbm>>, %arg6: memref<32x26xi32, #tpu.memory_space<vmem>>, %arg7: memref<32x26xi32, #tpu.memory_space<vmem>>, %arg8: memref<32x26xi32, #tpu.memory_space<vmem>>, %arg9: memref<32x26x64xf32, #tpu.memory_space<vmem>>, %arg10: memref<32x26x64xf32, #tpu.memory_space<vmem>>, %arg11: memref<64x64xf32, #tpu.memory_space<vmem>>, %arg12: memref<!tpu.dma_semaphore, #tpu.memory_space<semaphore_mem>>, %arg13: memref<!tpu.dma_semaphore, #tpu.memory_space<semaphore_mem>>, %arg14: memref<!tpu.dma_semaphore, #tpu.memory_space<semaphore_mem>>) attributes {dimension_semantics = [#tpu.dimension_semantics<core_parallel>, #tpu.dimension_semantics<subcore_parallel>], iteration_bounds = array<i64: 2, 16>, scalar_prefetch = 0 : i64, scratch_operands = 9 : i64, tpu.core_type = #tpu.core_type<sc_vector_subcore>, window_params = [{transform_indices = #map}, {transform_indices = #map}, {transform_indices = #map}, {transform_indices = #map1}]} {
    %mul3A = arith.constant 2 : i32
    %mul3A_0 = arith.muli %arg1, %mul3A : i32
    %add3A = arith.addi %mul3A_0, %arg0 : i32
    "tpu.region"() ({
      %run_scoped3A = tpu.sem_alloc : memref<!tpu.dma_semaphore, #tpu.memory_space<semaphore_mem>>
      tpu.enqueue_dma source(%arg3 : memref<64x64xf32, #tpu.memory_space<hbm>>) target(%arg11 : memref<64x64xf32, #tpu.memory_space<vmem>>) target_semaphore(%run_scoped3A : memref<!tpu.dma_semaphore, #tpu.memory_space<semaphore_mem>>)
      tpu.wait_dma2 semaphore(%run_scoped3A : memref<!tpu.dma_semaphore, #tpu.memory_space<semaphore_mem>>) src(%arg3 : memref<64x64xf32, #tpu.memory_space<hbm>>) dst(%arg11 : memref<64x64xf32, #tpu.memory_space<vmem>>)
      tpu.yield
    }) : () -> ()
    %scan3A = arith.constant 0 : i32
    %scan3A_1 = arith.constant 0 : i32
    %scan3A_2 = arith.constant 8 : i32
    %scan3A_3 = arith.addi %scan3A_1, %scan3A_2 : i32
    %scan3A_4 = arith.constant 1 : i32
    scf.for %scan3A_21 = %scan3A_1 to %scan3A_3 step %scan3A_4  : i32 {
      %mul3A_22 = arith.constant 2 : i32
      %mul3A_23 = arith.muli %scan3A_21, %mul3A_22 : i32
      %add3A_24 = arith.constant 0 : i32
      %add3A_25 = arith.addi %mul3A_23, %add3A_24 : i32
      %mul3A_26 = arith.constant 512 : i32
      %mul3A_27 = arith.muli %add3A, %mul3A_26 : i32
      %mul3A_28 = arith.constant 32 : i32
      %mul3A_29 = arith.muli %add3A_25, %mul3A_28 : i32
      %add3A_30 = arith.addi %mul3A_27, %mul3A_29 : i32
      %ge3A = arith.constant 2 : i32
      %ge3A_31 = arith.cmpi sge, %add3A_25, %ge3A : i32
      %convert_element_type3A = arith.extui %ge3A_31 : i1 to i32
      %cond3A = arith.constant 0 : i32
      %cond3A_32 = arith.cmpi ne, %convert_element_type3A, %cond3A : i32
      scf.if %cond3A_32 {
        %dma_wait3A_1618 = arith.constant 0 : i32
        %dma_wait3A_1619 = arith.constant 0 : i32
        %dma_wait3A_1620 = arith.constant 0 : i32
        %dma_wait3A_1621 = tpu.memref_slice %arg5[%dma_wait3A_1618, %dma_wait3A_1619, %dma_wait3A_1620] : memref<16384x26x64xf32, #tpu.memory_space<hbm>> -> memref<32x26x64xf32, #tpu.memory_space<hbm>>
        %dma_wait3A_1622 = arith.constant 0 : i32
        %dma_wait3A_1623 = arith.constant 0 : i32
        %dma_wait3A_1624 = arith.constant 0 : i32
        %dma_wait3A_1625 = tpu.memref_slice %arg5[%dma_wait3A_1622, %dma_wait3A_1623, %dma_wait3A_1624] : memref<16384x26x64xf32, #tpu.memory_space<hbm>> -> memref<32x26x64xf32, #tpu.memory_space<hbm>>
        tpu.wait_dma2 semaphore(%arg13 : memref<!tpu.dma_semaphore, #tpu.memory_space<semaphore_mem>>) src(%arg9 : memref<32x26x64xf32, #tpu.memory_space<vmem>>) dst(%dma_wait3A_1625 : memref<32x26x64xf32, #tpu.memory_space<hbm>>)
      } else {
      }
      "tpu.region"() ({
        %run_scoped3A = tpu.sem_alloc : memref<!tpu.dma_semaphore, #tpu.memory_space<semaphore_mem>>
        %dma_start3A_1618 = arith.constant 0 : i32
        %dma_start3A_1619 = tpu.memref_slice %arg2[%add3A_30, %dma_start3A_1618] : memref<16384x26xi32, #tpu.memory_space<hbm>> -> memref<32x26xi32, #tpu.memory_space<hbm>>
        %dma_start3A_1620 = arith.constant 0 : i32
        %dma_start3A_1621 = tpu.memref_slice %arg2[%add3A_30, %dma_start3A_1620] : memref<16384x26xi32, #tpu.memory_space<hbm>> -> memref<32x26xi32, #tpu.memory_space<hbm>>
        tpu.enqueue_dma source(%dma_start3A_1621 : memref<32x26xi32, #tpu.memory_space<hbm>>) target(%arg6 : memref<32x26xi32, #tpu.memory_space<vmem>>) target_semaphore(%run_scoped3A : memref<!tpu.dma_semaphore, #tpu.memory_space<semaphore_mem>>)
        %dma_wait3A_1622 = arith.constant 0 : i32
        %dma_wait3A_1623 = tpu.memref_slice %arg2[%add3A_30, %dma_wait3A_1622] : memref<16384x26xi32, #tpu.memory_space<hbm>> -> memref<32x26xi32, #tpu.memory_space<hbm>>
        %dma_wait3A_1624 = arith.constant 0 : i32
        %dma_wait3A_1625 = tpu.memref_slice %arg2[%add3A_30, %dma_wait3A_1624] : memref<16384x26xi32, #tpu.memory_space<hbm>> -> memref<32x26xi32, #tpu.memory_space<hbm>>
        tpu.wait_dma2 semaphore(%run_scoped3A : memref<!tpu.dma_semaphore, #tpu.memory_space<semaphore_mem>>) src(%dma_wait3A_1625 : memref<32x26xi32, #tpu.memory_space<hbm>>) dst(%arg6 : memref<32x26xi32, #tpu.memory_space<vmem>>)
        tpu.yield
      }) : () -> ()
      %scan3A_33 = arith.constant 0 : i32
      %scan3A_34 = arith.constant 0 : i32
      %scan3A_35 = arith.constant 52 : i32
      %scan3A_36 = arith.addi %scan3A_34, %scan3A_35 : i32
      %scan3A_37 = arith.constant 1 : i32
      scf.for %scan3A_1618 = %scan3A_34 to %scan3A_36 step %scan3A_37  : i32 {
        %mul3A_1619 = arith.constant 16 : i32
        %mul3A_1620 = arith.muli %scan3A_1618, %mul3A_1619 : i32
        %iota3A = tpu.iota {dimensions = array<i32: 0>} : vector<16xi32>
        %add3A_1621 = vector.broadcast %mul3A_1620 : i32 to vector<16xi32>
        %add3A_1622 = arith.addi %add3A_1621, %iota3A : vector<16xi32>
        %jit3A = arith.constant 26 : i32
        %div3A = vector.broadcast %jit3A : i32 to vector<16xi32>
        %div3A_1623 = arith.divsi %add3A_1622, %div3A : vector<16xi32>
        %sign3A = arith.constant 0 : i32
        %sign3A_1624 = vector.broadcast %sign3A : i32 to vector<16xi32>
        %sign3A_1625 = arith.cmpi sgt, %add3A_1622, %sign3A_1624 : vector<16xi32>
        %sign3A_1626 = arith.extui %sign3A_1625 : vector<16xi1> to vector<16xi32>
        %sign3A_1627 = arith.constant 0 : i32
        %sign3A_1628 = vector.broadcast %sign3A_1627 : i32 to vector<16xi32>
        %sign3A_1629 = arith.cmpi slt, %add3A_1622, %sign3A_1628 : vector<16xi32>
        %sign3A_1630 = arith.extui %sign3A_1629 : vector<16xi1> to vector<16xi32>
        %sign3A_1631 = arith.subi %sign3A_1626, %sign3A_1630 : vector<16xi32>
        %sign3A_1632 = arith.constant 0 : i32
        %sign3A_1633 = arith.cmpi sgt, %jit3A, %sign3A_1632 : i32
        %sign3A_1634 = arith.extui %sign3A_1633 : i1 to i32
        %sign3A_1635 = arith.constant 0 : i32
        %sign3A_1636 = arith.cmpi slt, %jit3A, %sign3A_1635 : i32
        %sign3A_1637 = arith.extui %sign3A_1636 : i1 to i32
        %sign3A_1638 = arith.subi %sign3A_1634, %sign3A_1637 : i32
        %ne3A = vector.broadcast %sign3A_1638 : i32 to vector<16xi32>
        %ne3A_1639 = arith.cmpi ne, %sign3A_1631, %ne3A : vector<16xi32>
        %rem3A = vector.broadcast %jit3A : i32 to vector<16xi32>
        %rem3A_1640 = arith.remsi %add3A_1622, %rem3A : vector<16xi32>
        %ne3A_1641 = arith.constant 0 : i32
        %ne3A_1642 = vector.broadcast %ne3A_1641 : i32 to vector<16xi32>
        %ne3A_1643 = arith.cmpi ne, %rem3A_1640, %ne3A_1642 : vector<16xi32>
        %and3A = arith.andi %ne3A_1639, %ne3A_1643 : vector<16xi1>
        %sub3A = arith.constant 1 : i32
        %sub3A_1644 = vector.broadcast %sub3A : i32 to vector<16xi32>
        %sub3A_1645 = arith.subi %div3A_1623, %sub3A_1644 : vector<16xi32>
        %select_n3A = arith.select %and3A, %sub3A_1645, %div3A_1623 : vector<16xi1>, vector<16xi32>
        %jit3A_1646 = arith.constant 26 : i32
        %eq3A = arith.constant 0 : i32
        %eq3A_1647 = arith.cmpi eq, %jit3A_1646, %eq3A : i32
        %jit3A_1648 = arith.constant 1 : i32
        %select_n3A_1649 = arith.select %eq3A_1647, %jit3A_1648, %jit3A_1646 : i32
        %rem3A_1650 = vector.broadcast %select_n3A_1649 : i32 to vector<16xi32>
        %rem3A_1651 = arith.remsi %add3A_1622, %rem3A_1650 : vector<16xi32>
        %ne3A_1652 = arith.constant 0 : i32
        %ne3A_1653 = vector.broadcast %ne3A_1652 : i32 to vector<16xi32>
        %ne3A_1654 = arith.cmpi ne, %rem3A_1651, %ne3A_1653 : vector<16xi32>
        %lt3A = arith.constant 0 : i32
        %lt3A_1655 = vector.broadcast %lt3A : i32 to vector<16xi32>
        %lt3A_1656 = arith.cmpi slt, %rem3A_1651, %lt3A_1655 : vector<16xi32>
        %lt3A_1657 = arith.constant 0 : i32
        %lt3A_1658 = arith.cmpi slt, %select_n3A_1649, %lt3A_1657 : i32
        %ne3A_1659 = vector.broadcast %lt3A_1658 : i1 to vector<16xi1>
        %ne3A_1660 = vector.broadcast %ne3A_1659 : vector<16xi1> to vector<16xi1>
        %ne3A_1661 = arith.xori %lt3A_1656, %ne3A_1660 : vector<16xi1>
        %and3A_1662 = arith.andi %ne3A_1661, %ne3A_1654 : vector<16xi1>
        %add3A_1663 = vector.broadcast %select_n3A_1649 : i32 to vector<16xi32>
        %add3A_1664 = arith.addi %rem3A_1651, %add3A_1663 : vector<16xi32>
        %select_n3A_1665 = arith.select %and3A_1662, %add3A_1664, %rem3A_1651 : vector<16xi1>, vector<16xi32>
        %gather3A = tpu.vector_load_idx %arg6[%select_n3A, %select_n3A_1665] : memref<32x26xi32, #tpu.memory_space<vmem>>[vector<16xi32>, vector<16xi32>], vector<16xi32>,
        %sub3A_1666 = arith.constant 2 : i32
        %sub3A_1667 = vector.broadcast %sub3A_1666 : i32 to vector<16xi32>
        %sub3A_1668 = arith.subi %gather3A, %sub3A_1667 : vector<16xi32>
        %jit3A_1669 = arith.constant 0 : i32
        %jit3A_1670 = arith.constant 999935 : i32
        %max3A = vector.broadcast %jit3A_1669 : i32 to vector<16xi32>
        %max3A_1671 = arith.maxsi %max3A, %sub3A_1668 : vector<16xi32>
        %min3A = vector.broadcast %jit3A_1670 : i32 to vector<16xi32>
        %min3A_1672 = arith.minsi %min3A, %max3A_1671 : vector<16xi32>
        %ge3A_1673 = arith.constant 499968 : i32
        %ge3A_1674 = vector.broadcast %ge3A_1673 : i32 to vector<16xi32>
        %ge3A_1675 = arith.cmpi sge, %min3A_1672, %ge3A_1674 : vector<16xi32>
        %sub3A_1676 = arith.constant 499968 : i32
        %sub3A_1677 = vector.broadcast %sub3A_1676 : i32 to vector<16xi32>
        %sub3A_1678 = arith.subi %min3A_1672, %sub3A_1677 : vector<16xi32>
        %mul3A_1679 = arith.constant 2 : i32
        %mul3A_1680 = vector.broadcast %mul3A_1679 : i32 to vector<16xi32>
        %mul3A_1681 = arith.muli %mul3A_1680, %sub3A_1678 : vector<16xi32>
        %add3A_1682 = arith.constant 1 : i32
        %add3A_1683 = vector.broadcast %add3A_1682 : i32 to vector<16xi32>
        %add3A_1684 = arith.addi %mul3A_1681, %add3A_1683 : vector<16xi32>
        %mul3A_1685 = arith.constant 2 : i32
        %mul3A_1686 = vector.broadcast %mul3A_1685 : i32 to vector<16xi32>
        %mul3A_1687 = arith.muli %mul3A_1686, %min3A_1672 : vector<16xi32>
        %select_n3A_1688 = arith.select %ge3A_1675, %add3A_1684, %mul3A_1687 : vector<16xi1>, vector<16xi32>
        tpu.vector_store_idx %arg7[%select_n3A, %select_n3A_1665], %select_n3A_1688 : memref<32x26xi32, #tpu.memory_space<vmem>>[vector<16xi32>, vector<16xi32>], vector<16xi32>,
      }
      %scan3A_38 = arith.constant 52 : i32
      %dma_start3A = arith.constant 0 : i32
      %dma_start3A_39 = arith.constant 0 : i32
      %dma_start3A_40 = arith.constant 0 : i32
      %dma_start3A_41 = arith.constant 0 : i32
      %dma_start3A_42 = tpu.memref_slice %arg9[%dma_start3A_39, %dma_start3A_40, %dma_start3A_41] : memref<32x26x64xf32, #tpu.memory_space<vmem>> -> memref<1x26x64xf32, #tpu.memory_space<vmem>>
      %dma_start3A_43 = tpu.memref_squeeze %dma_start3A_42 : memref<1x26x64xf32, #tpu.memory_space<vmem>> -> memref<26x64xf32, #tpu.memory_space<vmem>>
      %dma_start3A_44 = arith.constant 0 : i32
      %dma_start3A_45 = tpu.memref_slice %arg7[%dma_start3A, %dma_start3A_44] : memref<32x26xi32, #tpu.memory_space<vmem>> -> memref<1x26xi32, #tpu.memory_space<vmem>>
      %dma_start3A_46 = tpu.memref_squeeze %dma_start3A_45 : memref<1x26xi32, #tpu.memory_space<vmem>> -> memref<26xi32, #tpu.memory_space<vmem>>
      %dma_start3A_47 = arith.constant 0 : i32
      %dma_start3A_48 = arith.constant 0 : i32
      %dma_start3A_49 = tpu.memref_slice %arg4[%dma_start3A_47, %dma_start3A_48] : memref<999936x64xf32, #tpu.memory_space<hbm>> -> memref<999936x64xf32, #tpu.memory_space<hbm>>
      tpu.enqueue_indirect_dma source(%dma_start3A_49 : memref<999936x64xf32, #tpu.memory_space<hbm>>) target(%dma_start3A_43 : memref<26x64xf32, #tpu.memory_space<vmem>>) offsets(%dma_start3A_46 : memref<26xi32, #tpu.memory_space<vmem>>) semaphore(%arg12 : memref<!tpu.dma_semaphore, #tpu.memory_space<semaphore_mem>>)
      %dma_start3A_50 = arith.constant 1 : i32
      %dma_start3A_51 = arith.constant 1 : i32
      %dma_start3A_52 = arith.constant 0 : i32
      %dma_start3A_53 = arith.constant 0 : i32
      %dma_start3A_54 = tpu.memref_slice %arg9[%dma_start3A_51, %dma_start3A_52, %dma_start3A_53] : memref<32x26x64xf32, #tpu.memory_space<vmem>> -> memref<1x26x64xf32, #tpu.memory_space<vmem>>
      %dma_start3A_55 = tpu.memref_squeeze %dma_start3A_54 : memref<1x26x64xf32, #tpu.memory_space<vmem>> -> memref<26x64xf32, #tpu.memory_space<vmem>>
      %dma_start3A_56 = arith.constant 0 : i32
      %dma_start3A_57 = tpu.memref_slice %arg7[%dma_start3A_50, %dma_start3A_56] : memref<32x26xi32, #tpu.memory_space<vmem>> -> memref<1x26xi32, #tpu.memory_space<vmem>>
      %dma_start3A_58 = tpu.memref_squeeze %dma_start3A_57 : memref<1x26xi32, #tpu.memory_space<vmem>> -> memref<26xi32, #tpu.memory_space<vmem>>
      %dma_start3A_59 = arith.constant 0 : i32
      %dma_start3A_60 = arith.constant 0 : i32
      %dma_start3A_61 = tpu.memref_slice %arg4[%dma_start3A_59, %dma_start3A_60] : memref<999936x64xf32, #tpu.memory_space<hbm>> -> memref<999936x64xf32, #tpu.memory_space<hbm>>
      tpu.enqueue_indirect_dma source(%dma_start3A_61 : memref<999936x64xf32, #tpu.memory_space<hbm>>) target(%dma_start3A_55 : memref<26x64xf32, #tpu.memory_space<vmem>>) offsets(%dma_start3A_58 : memref<26xi32, #tpu.memory_space<vmem>>) semaphore(%arg12 : memref<!tpu.dma_semaphore, #tpu.memory_space<semaphore_mem>>)
      %dma_start3A_62 = arith.constant 2 : i32
      %dma_start3A_63 = arith.constant 2 : i32
      %dma_start3A_64 = arith.constant 0 : i32
      %dma_start3A_65 = arith.constant 0 : i32
      %dma_start3A_66 = tpu.memref_slice %arg9[%dma_start3A_63, %dma_start3A_64, %dma_start3A_65] : memref<32x26x64xf32, #tpu.memory_space<vmem>> -> memref<1x26x64xf32, #tpu.memory_space<vmem>>
      %dma_start3A_67 = tpu.memref_squeeze %dma_start3A_66 : memref<1x26x64xf32, #tpu.memory_space<vmem>> -> memref<26x64xf32, #tpu.memory_space<vmem>>
      %dma_start3A_68 = arith.constant 0 : i32
      %dma_start3A_69 = tpu.memref_slice %arg7[%dma_start3A_62, %dma_start3A_68] : memref<32x26xi32, #tpu.memory_space<vmem>> -> memref<1x26xi32, #tpu.memory_space<vmem>>
      %dma_start3A_70 = tpu.memref_squeeze %dma_start3A_69 : memref<1x26xi32, #tpu.memory_space<vmem>> -> memref<26xi32, #tpu.memory_space<vmem>>
      %dma_start3A_71 = arith.constant 0 : i32
      %dma_start3A_72 = arith.constant 0 : i32
      %dma_start3A_73 = tpu.memref_slice %arg4[%dma_start3A_71, %dma_start3A_72] : memref<999936x64xf32, #tpu.memory_space<hbm>> -> memref<999936x64xf32, #tpu.memory_space<hbm>>
      tpu.enqueue_indirect_dma source(%dma_start3A_73 : memref<999936x64xf32, #tpu.memory_space<hbm>>) target(%dma_start3A_67 : memref<26x64xf32, #tpu.memory_space<vmem>>) offsets(%dma_start3A_70 : memref<26xi32, #tpu.memory_space<vmem>>) semaphore(%arg12 : memref<!tpu.dma_semaphore, #tpu.memory_space<semaphore_mem>>)
      %dma_start3A_74 = arith.constant 3 : i32
      %dma_start3A_75 = arith.constant 3 : i32
      %dma_start3A_76 = arith.constant 0 : i32
      %dma_start3A_77 = arith.constant 0 : i32
      %dma_start3A_78 = tpu.memref_slice %arg9[%dma_start3A_75, %dma_start3A_76, %dma_start3A_77] : memref<32x26x64xf32, #tpu.memory_space<vmem>> -> memref<1x26x64xf32, #tpu.memory_space<vmem>>
      %dma_start3A_79 = tpu.memref_squeeze %dma_start3A_78 : memref<1x26x64xf32, #tpu.memory_space<vmem>> -> memref<26x64xf32, #tpu.memory_space<vmem>>
      %dma_start3A_80 = arith.constant 0 : i32
      %dma_start3A_81 = tpu.memref_slice %arg7[%dma_start3A_74, %dma_start3A_80] : memref<32x26xi32, #tpu.memory_space<vmem>> -> memref<1x26xi32, #tpu.memory_space<vmem>>
      %dma_start3A_82 = tpu.memref_squeeze %dma_start3A_81 : memref<1x26xi32, #tpu.memory_space<vmem>> -> memref<26xi32, #tpu.memory_space<vmem>>
      %dma_start3A_83 = arith.constant 0 : i32
      %dma_start3A_84 = arith.constant 0 : i32
      %dma_start3A_85 = tpu.memref_slice %arg4[%dma_start3A_83, %dma_start3A_84] : memref<999936x64xf32, #tpu.memory_space<hbm>> -> memref<999936x64xf32, #tpu.memory_space<hbm>>
      tpu.enqueue_indirect_dma source(%dma_start3A_85 : memref<999936x64xf32, #tpu.memory_space<hbm>>) target(%dma_start3A_79 : memref<26x64xf32, #tpu.memory_space<vmem>>) offsets(%dma_start3A_82 : memref<26xi32, #tpu.memory_space<vmem>>) semaphore(%arg12 : memref<!tpu.dma_semaphore, #tpu.memory_space<semaphore_mem>>)
      %dma_start3A_86 = arith.constant 4 : i32
      %dma_start3A_87 = arith.constant 4 : i32
      %dma_start3A_88 = arith.constant 0 : i32
      %dma_start3A_89 = arith.constant 0 : i32
      %dma_start3A_90 = tpu.memref_slice %arg9[%dma_start3A_87, %dma_start3A_88, %dma_start3A_89] : memref<32x26x64xf32, #tpu.memory_space<vmem>> -> memref<1x26x64xf32, #tpu.memory_space<vmem>>
      %dma_start3A_91 = tpu.memref_squeeze %dma_start3A_90 : memref<1x26x64xf32, #tpu.memory_space<vmem>> -> memref<26x64xf32, #tpu.memory_space<vmem>>
      %dma_start3A_92 = arith.constant 0 : i32
      %dma_start3A_93 = tpu.memref_slice %arg7[%dma_start3A_86, %dma_start3A_92] : memref<32x26xi32, #tpu.memory_space<vmem>> -> memref<1x26xi32, #tpu.memory_space<vmem>>
      %dma_start3A_94 = tpu.memref_squeeze %dma_start3A_93 : memref<1x26xi32, #tpu.memory_space<vmem>> -> memref<26xi32, #tpu.memory_space<vmem>>
      %dma_start3A_95 = arith.constant 0 : i32
      %dma_start3A_96 = arith.constant 0 : i32
      %dma_start3A_97 = tpu.memref_slice %arg4[%dma_start3A_95, %dma_start3A_96] : memref<999936x64xf32, #tpu.memory_space<hbm>> -> memref<999936x64xf32, #tpu.memory_space<hbm>>
      tpu.enqueue_indirect_dma source(%dma_start3A_97 : memref<999936x64xf32, #tpu.memory_space<hbm>>) target(%dma_start3A_91 : memref<26x64xf32, #tpu.memory_space<vmem>>) offsets(%dma_start3A_94 : memref<26xi32, #tpu.memory_space<vmem>>) semaphore(%arg12 : memref<!tpu.dma_semaphore, #tpu.memory_space<semaphore_mem>>)
      %dma_start3A_98 = arith.constant 5 : i32
      %dma_start3A_99 = arith.constant 5 : i32
      %dma_start3A_100 = arith.constant 0 : i32
      %dma_start3A_101 = arith.constant 0 : i32
      %dma_start3A_102 = tpu.memref_slice %arg9[%dma_start3A_99, %dma_start3A_100, %dma_start3A_101] : memref<32x26x64xf32, #tpu.memory_space<vmem>> -> memref<1x26x64xf32, #tpu.memory_space<vmem>>
      %dma_start3A_103 = tpu.memref_squeeze %dma_start3A_102 : memref<1x26x64xf32, #tpu.memory_space<vmem>> -> memref<26x64xf32, #tpu.memory_space<vmem>>
      %dma_start3A_104 = arith.constant 0 : i32
      %dma_start3A_105 = tpu.memref_slice %arg7[%dma_start3A_98, %dma_start3A_104] : memref<32x26xi32, #tpu.memory_space<vmem>> -> memref<1x26xi32, #tpu.memory_space<vmem>>
      %dma_start3A_106 = tpu.memref_squeeze %dma_start3A_105 : memref<1x26xi32, #tpu.memory_space<vmem>> -> memref<26xi32, #tpu.memory_space<vmem>>
      %dma_start3A_107 = arith.constant 0 : i32
      %dma_start3A_108 = arith.constant 0 : i32
      %dma_start3A_109 = tpu.memref_slice %arg4[%dma_start3A_107, %dma_start3A_108] : memref<999936x64xf32, #tpu.memory_space<hbm>> -> memref<999936x64xf32, #tpu.memory_space<hbm>>
      tpu.enqueue_indirect_dma source(%dma_start3A_109 : memref<999936x64xf32, #tpu.memory_space<hbm>>) target(%dma_start3A_103 : memref<26x64xf32, #tpu.memory_space<vmem>>) offsets(%dma_start3A_106 : memref<26xi32, #tpu.memory_space<vmem>>) semaphore(%arg12 : memref<!tpu.dma_semaphore, #tpu.memory_space<semaphore_mem>>)
      %dma_start3A_110 = arith.constant 6 : i32
      %dma_start3A_111 = arith.constant 6 : i32
      %dma_start3A_112 = arith.constant 0 : i32
      %dma_start3A_113 = arith.constant 0 : i32
      %dma_start3A_114 = tpu.memref_slice %arg9[%dma_start3A_111, %dma_start3A_112, %dma_start3A_113] : memref<32x26x64xf32, #tpu.memory_space<vmem>> -> memref<1x26x64xf32, #tpu.memory_space<vmem>>
      %dma_start3A_115 = tpu.memref_squeeze %dma_start3A_114 : memref<1x26x64xf32, #tpu.memory_space<vmem>> -> memref<26x64xf32, #tpu.memory_space<vmem>>
      %dma_start3A_116 = arith.constant 0 : i32
      %dma_start3A_117 = tpu.memref_slice %arg7[%dma_start3A_110, %dma_start3A_116] : memref<32x26xi32, #tpu.memory_space<vmem>> -> memref<1x26xi32, #tpu.memory_space<vmem>>
      %dma_start3A_118 = tpu.memref_squeeze %dma_start3A_117 : memref<1x26xi32, #tpu.memory_space<vmem>> -> memref<26xi32, #tpu.memory_space<vmem>>
      %dma_start3A_119 = arith.constant 0 : i32
      %dma_start3A_120 = arith.constant 0 : i32
      %dma_start3A_121 = tpu.memref_slice %arg4[%dma_start3A_119, %dma_start3A_120] : memref<999936x64xf32, #tpu.memory_space<hbm>> -> memref<999936x64xf32, #tpu.memory_space<hbm>>
      tpu.enqueue_indirect_dma source(%dma_start3A_121 : memref<999936x64xf32, #tpu.memory_space<hbm>>) target(%dma_start3A_115 : memref<26x64xf32, #tpu.memory_space<vmem>>) offsets(%dma_start3A_118 : memref<26xi32, #tpu.memory_space<vmem>>) semaphore(%arg12 : memref<!tpu.dma_semaphore, #tpu.memory_space<semaphore_mem>>)
      %dma_start3A_122 = arith.constant 7 : i32
      %dma_start3A_123 = arith.constant 7 : i32
      %dma_start3A_124 = arith.constant 0 : i32
      %dma_start3A_125 = arith.constant 0 : i32
      %dma_start3A_126 = tpu.memref_slice %arg9[%dma_start3A_123, %dma_start3A_124, %dma_start3A_125] : memref<32x26x64xf32, #tpu.memory_space<vmem>> -> memref<1x26x64xf32, #tpu.memory_space<vmem>>
      %dma_start3A_127 = tpu.memref_squeeze %dma_start3A_126 : memref<1x26x64xf32, #tpu.memory_space<vmem>> -> memref<26x64xf32, #tpu.memory_space<vmem>>
      %dma_start3A_128 = arith.constant 0 : i32
      %dma_start3A_129 = tpu.memref_slice %arg7[%dma_start3A_122, %dma_start3A_128] : memref<32x26xi32, #tpu.memory_space<vmem>> -> memref<1x26xi32, #tpu.memory_space<vmem>>
      %dma_start3A_130 = tpu.memref_squeeze %dma_start3A_129 : memref<1x26xi32, #tpu.memory_space<vmem>> -> memref<26xi32, #tpu.memory_space<vmem>>
      %dma_start3A_131 = arith.constant 0 : i32
      %dma_start3A_132 = arith.constant 0 : i32
      %dma_start3A_133 = tpu.memref_slice %arg4[%dma_start3A_131, %dma_start3A_132] : memref<999936x64xf32, #tpu.memory_space<hbm>> -> memref<999936x64xf32, #tpu.memory_space<hbm>>
      tpu.enqueue_indirect_dma source(%dma_start3A_133 : memref<999936x64xf32, #tpu.memory_space<hbm>>) target(%dma_start3A_127 : memref<26x64xf32, #tpu.memory_space<vmem>>) offsets(%dma_start3A_130 : memref<26xi32, #tpu.memory_space<vmem>>) semaphore(%arg12 : memref<!tpu.dma_semaphore, #tpu.memory_space<semaphore_mem>>)
      %dma_start3A_134 = arith.constant 8 : i32
      %dma_start3A_135 = arith.constant 8 : i32
      %dma_start3A_136 = arith.constant 0 : i32
      %dma_start3A_137 = arith.constant 0 : i32
      %dma_start3A_138 = tpu.memref_slice %arg9[%dma_start3A_135, %dma_start3A_136, %dma_start3A_137] : memref<32x26x64xf32, #tpu.memory_space<vmem>> -> memref<1x26x64xf32, #tpu.memory_space<vmem>>
      %dma_start3A_139 = tpu.memref_squeeze %dma_start3A_138 : memref<1x26x64xf32, #tpu.memory_space<vmem>> -> memref<26x64xf32, #tpu.memory_space<vmem>>
      %dma_start3A_140 = arith.constant 0 : i32
      %dma_start3A_141 = tpu.memref_slice %arg7[%dma_start3A_134, %dma_start3A_140] : memref<32x26xi32, #tpu.memory_space<vmem>> -> memref<1x26xi32, #tpu.memory_space<vmem>>
      %dma_start3A_142 = tpu.memref_squeeze %dma_start3A_141 : memref<1x26xi32, #tpu.memory_space<vmem>> -> memref<26xi32, #tpu.memory_space<vmem>>
      %dma_start3A_143 = arith.constant 0 : i32
      %dma_start3A_144 = arith.constant 0 : i32
      %dma_start3A_145 = tpu.memref_slice %arg4[%dma_start3A_143, %dma_start3A_144] : memref<999936x64xf32, #tpu.memory_space<hbm>> -> memref<999936x64xf32, #tpu.memory_space<hbm>>
      tpu.enqueue_indirect_dma source(%dma_start3A_145 : memref<999936x64xf32, #tpu.memory_space<hbm>>) target(%dma_start3A_139 : memref<26x64xf32, #tpu.memory_space<vmem>>) offsets(%dma_start3A_142 : memref<26xi32, #tpu.memory_space<vmem>>) semaphore(%arg12 : memref<!tpu.dma_semaphore, #tpu.memory_space<semaphore_mem>>)
      %dma_start3A_146 = arith.constant 9 : i32
      %dma_start3A_147 = arith.constant 9 : i32
      %dma_start3A_148 = arith.constant 0 : i32
      %dma_start3A_149 = arith.constant 0 : i32
      %dma_start3A_150 = tpu.memref_slice %arg9[%dma_start3A_147, %dma_start3A_148, %dma_start3A_149] : memref<32x26x64xf32, #tpu.memory_space<vmem>> -> memref<1x26x64xf32, #tpu.memory_space<vmem>>
      %dma_start3A_151 = tpu.memref_squeeze %dma_start3A_150 : memref<1x26x64xf32, #tpu.memory_space<vmem>> -> memref<26x64xf32, #tpu.memory_space<vmem>>
      %dma_start3A_152 = arith.constant 0 : i32
      %dma_start3A_153 = tpu.memref_slice %arg7[%dma_start3A_146, %dma_start3A_152] : memref<32x26xi32, #tpu.memory_space<vmem>> -> memref<1x26xi32, #tpu.memory_space<vmem>>
      %dma_start3A_154 = tpu.memref_squeeze %dma_start3A_153 : memref<1x26xi32, #tpu.memory_space<vmem>> -> memref<26xi32, #tpu.memory_space<vmem>>
      %dma_start3A_155 = arith.constant 0 : i32
      %dma_start3A_156 = arith.constant 0 : i32
      %dma_start3A_157 = tpu.memref_slice %arg4[%dma_start3A_155, %dma_start3A_156] : memref<999936x64xf32, #tpu.memory_space<hbm>> -> memref<999936x64xf32, #tpu.memory_space<hbm>>
      tpu.enqueue_indirect_dma source(%dma_start3A_157 : memref<999936x64xf32, #tpu.memory_space<hbm>>) target(%dma_start3A_151 : memref<26x64xf32, #tpu.memory_space<vmem>>) offsets(%dma_start3A_154 : memref<26xi32, #tpu.memory_space<vmem>>) semaphore(%arg12 : memref<!tpu.dma_semaphore, #tpu.memory_space<semaphore_mem>>)
      %dma_start3A_158 = arith.constant 10 : i32
      %dma_start3A_159 = arith.constant 10 : i32
      %dma_start3A_160 = arith.constant 0 : i32
      %dma_start3A_161 = arith.constant 0 : i32
      %dma_start3A_162 = tpu.memref_slice %arg9[%dma_start3A_159, %dma_start3A_160, %dma_start3A_161] : memref<32x26x64xf32, #tpu.memory_space<vmem>> -> memref<1x26x64xf32, #tpu.memory_space<vmem>>
      %dma_start3A_163 = tpu.memref_squeeze %dma_start3A_162 : memref<1x26x64xf32, #tpu.memory_space<vmem>> -> memref<26x64xf32, #tpu.memory_space<vmem>>
      %dma_start3A_164 = arith.constant 0 : i32
      %dma_start3A_165 = tpu.memref_slice %arg7[%dma_start3A_158, %dma_start3A_164] : memref<32x26xi32, #tpu.memory_space<vmem>> -> memref<1x26xi32, #tpu.memory_space<vmem>>
      %dma_start3A_166 = tpu.memref_squeeze %dma_start3A_165 : memref<1x26xi32, #tpu.memory_space<vmem>> -> memref<26xi32, #tpu.memory_space<vmem>>
      %dma_start3A_167 = arith.constant 0 : i32
      %dma_start3A_168 = arith.constant 0 : i32
      %dma_start3A_169 = tpu.memref_slice %arg4[%dma_start3A_167, %dma_start3A_168] : memref<999936x64xf32, #tpu.memory_space<hbm>> -> memref<999936x64xf32, #tpu.memory_space<hbm>>
      tpu.enqueue_indirect_dma source(%dma_start3A_169 : memref<999936x64xf32, #tpu.memory_space<hbm>>) target(%dma_start3A_163 : memref<26x64xf32, #tpu.memory_space<vmem>>) offsets(%dma_start3A_166 : memref<26xi32, #tpu.memory_space<vmem>>) semaphore(%arg12 : memref<!tpu.dma_semaphore, #tpu.memory_space<semaphore_mem>>)
      %dma_start3A_170 = arith.constant 11 : i32
      %dma_start3A_171 = arith.constant 11 : i32
      %dma_start3A_172 = arith.constant 0 : i32
      %dma_start3A_173 = arith.constant 0 : i32
      %dma_start3A_174 = tpu.memref_slice %arg9[%dma_start3A_171, %dma_start3A_172, %dma_start3A_173] : memref<32x26x64xf32, #tpu.memory_space<vmem>> -> memref<1x26x64xf32, #tpu.memory_space<vmem>>
      %dma_start3A_175 = tpu.memref_squeeze %dma_start3A_174 : memref<1x26x64xf32, #tpu.memory_space<vmem>> -> memref<26x64xf32, #tpu.memory_space<vmem>>
      %dma_start3A_176 = arith.constant 0 : i32
      %dma_start3A_177 = tpu.memref_slice %arg7[%dma_start3A_170, %dma_start3A_176] : memref<32x26xi32, #tpu.memory_space<vmem>> -> memref<1x26xi32, #tpu.memory_space<vmem>>
      %dma_start3A_178 = tpu.memref_squeeze %dma_start3A_177 : memref<1x26xi32, #tpu.memory_space<vmem>> -> memref<26xi32, #tpu.memory_space<vmem>>
      %dma_start3A_179 = arith.constant 0 : i32
      %dma_start3A_180 = arith.constant 0 : i32
      %dma_start3A_181 = tpu.memref_slice %arg4[%dma_start3A_179, %dma_start3A_180] : memref<999936x64xf32, #tpu.memory_space<hbm>> -> memref<999936x64xf32, #tpu.memory_space<hbm>>
      tpu.enqueue_indirect_dma source(%dma_start3A_181 : memref<999936x64xf32, #tpu.memory_space<hbm>>) target(%dma_start3A_175 : memref<26x64xf32, #tpu.memory_space<vmem>>) offsets(%dma_start3A_178 : memref<26xi32, #tpu.memory_space<vmem>>) semaphore(%arg12 : memref<!tpu.dma_semaphore, #tpu.memory_space<semaphore_mem>>)
      %dma_start3A_182 = arith.constant 12 : i32
      %dma_start3A_183 = arith.constant 12 : i32
      %dma_start3A_184 = arith.constant 0 : i32
      %dma_start3A_185 = arith.constant 0 : i32
      %dma_start3A_186 = tpu.memref_slice %arg9[%dma_start3A_183, %dma_start3A_184, %dma_start3A_185] : memref<32x26x64xf32, #tpu.memory_space<vmem>> -> memref<1x26x64xf32, #tpu.memory_space<vmem>>
      %dma_start3A_187 = tpu.memref_squeeze %dma_start3A_186 : memref<1x26x64xf32, #tpu.memory_space<vmem>> -> memref<26x64xf32, #tpu.memory_space<vmem>>
      %dma_start3A_188 = arith.constant 0 : i32
      %dma_start3A_189 = tpu.memref_slice %arg7[%dma_start3A_182, %dma_start3A_188] : memref<32x26xi32, #tpu.memory_space<vmem>> -> memref<1x26xi32, #tpu.memory_space<vmem>>
      %dma_start3A_190 = tpu.memref_squeeze %dma_start3A_189 : memref<1x26xi32, #tpu.memory_space<vmem>> -> memref<26xi32, #tpu.memory_space<vmem>>
      %dma_start3A_191 = arith.constant 0 : i32
      %dma_start3A_192 = arith.constant 0 : i32
      %dma_start3A_193 = tpu.memref_slice %arg4[%dma_start3A_191, %dma_start3A_192] : memref<999936x64xf32, #tpu.memory_space<hbm>> -> memref<999936x64xf32, #tpu.memory_space<hbm>>
      tpu.enqueue_indirect_dma source(%dma_start3A_193 : memref<999936x64xf32, #tpu.memory_space<hbm>>) target(%dma_start3A_187 : memref<26x64xf32, #tpu.memory_space<vmem>>) offsets(%dma_start3A_190 : memref<26xi32, #tpu.memory_space<vmem>>) semaphore(%arg12 : memref<!tpu.dma_semaphore, #tpu.memory_space<semaphore_mem>>)
      %dma_start3A_194 = arith.constant 13 : i32
      %dma_start3A_195 = arith.constant 13 : i32
      %dma_start3A_196 = arith.constant 0 : i32
      %dma_start3A_197 = arith.constant 0 : i32
      %dma_start3A_198 = tpu.memref_slice %arg9[%dma_start3A_195, %dma_start3A_196, %dma_start3A_197] : memref<32x26x64xf32, #tpu.memory_space<vmem>> -> memref<1x26x64xf32, #tpu.memory_space<vmem>>
      %dma_start3A_199 = tpu.memref_squeeze %dma_start3A_198 : memref<1x26x64xf32, #tpu.memory_space<vmem>> -> memref<26x64xf32, #tpu.memory_space<vmem>>
      %dma_start3A_200 = arith.constant 0 : i32
      %dma_start3A_201 = tpu.memref_slice %arg7[%dma_start3A_194, %dma_start3A_200] : memref<32x26xi32, #tpu.memory_space<vmem>> -> memref<1x26xi32, #tpu.memory_space<vmem>>
      %dma_start3A_202 = tpu.memref_squeeze %dma_start3A_201 : memref<1x26xi32, #tpu.memory_space<vmem>> -> memref<26xi32, #tpu.memory_space<vmem>>
      %dma_start3A_203 = arith.constant 0 : i32
      %dma_start3A_204 = arith.constant 0 : i32
      %dma_start3A_205 = tpu.memref_slice %arg4[%dma_start3A_203, %dma_start3A_204] : memref<999936x64xf32, #tpu.memory_space<hbm>> -> memref<999936x64xf32, #tpu.memory_space<hbm>>
      tpu.enqueue_indirect_dma source(%dma_start3A_205 : memref<999936x64xf32, #tpu.memory_space<hbm>>) target(%dma_start3A_199 : memref<26x64xf32, #tpu.memory_space<vmem>>) offsets(%dma_start3A_202 : memref<26xi32, #tpu.memory_space<vmem>>) semaphore(%arg12 : memref<!tpu.dma_semaphore, #tpu.memory_space<semaphore_mem>>)
      %dma_start3A_206 = arith.constant 14 : i32
      %dma_start3A_207 = arith.constant 14 : i32
      %dma_start3A_208 = arith.constant 0 : i32
      %dma_start3A_209 = arith.constant 0 : i32
      %dma_start3A_210 = tpu.memref_slice %arg9[%dma_start3A_207, %dma_start3A_208, %dma_start3A_209] : memref<32x26x64xf32, #tpu.memory_space<vmem>> -> memref<1x26x64xf32, #tpu.memory_space<vmem>>
      %dma_start3A_211 = tpu.memref_squeeze %dma_start3A_210 : memref<1x26x64xf32, #tpu.memory_space<vmem>> -> memref<26x64xf32, #tpu.memory_space<vmem>>
      %dma_start3A_212 = arith.constant 0 : i32
      %dma_start3A_213 = tpu.memref_slice %arg7[%dma_start3A_206, %dma_start3A_212] : memref<32x26xi32, #tpu.memory_space<vmem>> -> memref<1x26xi32, #tpu.memory_space<vmem>>
      %dma_start3A_214 = tpu.memref_squeeze %dma_start3A_213 : memref<1x26xi32, #tpu.memory_space<vmem>> -> memref<26xi32, #tpu.memory_space<vmem>>
      %dma_start3A_215 = arith.constant 0 : i32
      %dma_start3A_216 = arith.constant 0 : i32
      %dma_start3A_217 = tpu.memref_slice %arg4[%dma_start3A_215, %dma_start3A_216] : memref<999936x64xf32, #tpu.memory_space<hbm>> -> memref<999936x64xf32, #tpu.memory_space<hbm>>
      tpu.enqueue_indirect_dma source(%dma_start3A_217 : memref<999936x64xf32, #tpu.memory_space<hbm>>) target(%dma_start3A_211 : memref<26x64xf32, #tpu.memory_space<vmem>>) offsets(%dma_start3A_214 : memref<26xi32, #tpu.memory_space<vmem>>) semaphore(%arg12 : memref<!tpu.dma_semaphore, #tpu.memory_space<semaphore_mem>>)
      %dma_start3A_218 = arith.constant 15 : i32
      %dma_start3A_219 = arith.constant 15 : i32
      %dma_start3A_220 = arith.constant 0 : i32
      %dma_start3A_221 = arith.constant 0 : i32
      %dma_start3A_222 = tpu.memref_slice %arg9[%dma_start3A_219, %dma_start3A_220, %dma_start3A_221] : memref<32x26x64xf32, #tpu.memory_space<vmem>> -> memref<1x26x64xf32, #tpu.memory_space<vmem>>
      %dma_start3A_223 = tpu.memref_squeeze %dma_start3A_222 : memref<1x26x64xf32, #tpu.memory_space<vmem>> -> memref<26x64xf32, #tpu.memory_space<vmem>>
      %dma_start3A_224 = arith.constant 0 : i32
      %dma_start3A_225 = tpu.memref_slice %arg7[%dma_start3A_218, %dma_start3A_224] : memref<32x26xi32, #tpu.memory_space<vmem>> -> memref<1x26xi32, #tpu.memory_space<vmem>>
      %dma_start3A_226 = tpu.memref_squeeze %dma_start3A_225 : memref<1x26xi32, #tpu.memory_space<vmem>> -> memref<26xi32, #tpu.memory_space<vmem>>
      %dma_start3A_227 = arith.constant 0 : i32
      %dma_start3A_228 = arith.constant 0 : i32
      %dma_start3A_229 = tpu.memref_slice %arg4[%dma_start3A_227, %dma_start3A_228] : memref<999936x64xf32, #tpu.memory_space<hbm>> -> memref<999936x64xf32, #tpu.memory_space<hbm>>
      tpu.enqueue_indirect_dma source(%dma_start3A_229 : memref<999936x64xf32, #tpu.memory_space<hbm>>) target(%dma_start3A_223 : memref<26x64xf32, #tpu.memory_space<vmem>>) offsets(%dma_start3A_226 : memref<26xi32, #tpu.memory_space<vmem>>) semaphore(%arg12 : memref<!tpu.dma_semaphore, #tpu.memory_space<semaphore_mem>>)
      %dma_start3A_230 = arith.constant 16 : i32
      %dma_start3A_231 = arith.constant 16 : i32
      %dma_start3A_232 = arith.constant 0 : i32
      %dma_start3A_233 = arith.constant 0 : i32
      %dma_start3A_234 = tpu.memref_slice %arg9[%dma_start3A_231, %dma_start3A_232, %dma_start3A_233] : memref<32x26x64xf32, #tpu.memory_space<vmem>> -> memref<1x26x64xf32, #tpu.memory_space<vmem>>
      %dma_start3A_235 = tpu.memref_squeeze %dma_start3A_234 : memref<1x26x64xf32, #tpu.memory_space<vmem>> -> memref<26x64xf32, #tpu.memory_space<vmem>>
      %dma_start3A_236 = arith.constant 0 : i32
      %dma_start3A_237 = tpu.memref_slice %arg7[%dma_start3A_230, %dma_start3A_236] : memref<32x26xi32, #tpu.memory_space<vmem>> -> memref<1x26xi32, #tpu.memory_space<vmem>>
      %dma_start3A_238 = tpu.memref_squeeze %dma_start3A_237 : memref<1x26xi32, #tpu.memory_space<vmem>> -> memref<26xi32, #tpu.memory_space<vmem>>
      %dma_start3A_239 = arith.constant 0 : i32
      %dma_start3A_240 = arith.constant 0 : i32
      %dma_start3A_241 = tpu.memref_slice %arg4[%dma_start3A_239, %dma_start3A_240] : memref<999936x64xf32, #tpu.memory_space<hbm>> -> memref<999936x64xf32, #tpu.memory_space<hbm>>
      tpu.enqueue_indirect_dma source(%dma_start3A_241 : memref<999936x64xf32, #tpu.memory_space<hbm>>) target(%dma_start3A_235 : memref<26x64xf32, #tpu.memory_space<vmem>>) offsets(%dma_start3A_238 : memref<26xi32, #tpu.memory_space<vmem>>) semaphore(%arg12 : memref<!tpu.dma_semaphore, #tpu.memory_space<semaphore_mem>>)
      %dma_start3A_242 = arith.constant 17 : i32
      %dma_start3A_243 = arith.constant 17 : i32
      %dma_start3A_244 = arith.constant 0 : i32
      %dma_start3A_245 = arith.constant 0 : i32
      %dma_start3A_246 = tpu.memref_slice %arg9[%dma_start3A_243, %dma_start3A_244, %dma_start3A_245] : memref<32x26x64xf32, #tpu.memory_space<vmem>> -> memref<1x26x64xf32, #tpu.memory_space<vmem>>
      %dma_start3A_247 = tpu.memref_squeeze %dma_start3A_246 : memref<1x26x64xf32, #tpu.memory_space<vmem>> -> memref<26x64xf32, #tpu.memory_space<vmem>>
      %dma_start3A_248 = arith.constant 0 : i32
      %dma_start3A_249 = tpu.memref_slice %arg7[%dma_start3A_242, %dma_start3A_248] : memref<32x26xi32, #tpu.memory_space<vmem>> -> memref<1x26xi32, #tpu.memory_space<vmem>>
      %dma_start3A_250 = tpu.memref_squeeze %dma_start3A_249 : memref<1x26xi32, #tpu.memory_space<vmem>> -> memref<26xi32, #tpu.memory_space<vmem>>
      %dma_start3A_251 = arith.constant 0 : i32
      %dma_start3A_252 = arith.constant 0 : i32
      %dma_start3A_253 = tpu.memref_slice %arg4[%dma_start3A_251, %dma_start3A_252] : memref<999936x64xf32, #tpu.memory_space<hbm>> -> memref<999936x64xf32, #tpu.memory_space<hbm>>
      tpu.enqueue_indirect_dma source(%dma_start3A_253 : memref<999936x64xf32, #tpu.memory_space<hbm>>) target(%dma_start3A_247 : memref<26x64xf32, #tpu.memory_space<vmem>>) offsets(%dma_start3A_250 : memref<26xi32, #tpu.memory_space<vmem>>) semaphore(%arg12 : memref<!tpu.dma_semaphore, #tpu.memory_space<semaphore_mem>>)
      %dma_start3A_254 = arith.constant 18 : i32
      %dma_start3A_255 = arith.constant 18 : i32
      %dma_start3A_256 = arith.constant 0 : i32
      %dma_start3A_257 = arith.constant 0 : i32
      %dma_start3A_258 = tpu.memref_slice %arg9[%dma_start3A_255, %dma_start3A_256, %dma_start3A_257] : memref<32x26x64xf32, #tpu.memory_space<vmem>> -> memref<1x26x64xf32, #tpu.memory_space<vmem>>
      %dma_start3A_259 = tpu.memref_squeeze %dma_start3A_258 : memref<1x26x64xf32, #tpu.memory_space<vmem>> -> memref<26x64xf32, #tpu.memory_space<vmem>>
      %dma_start3A_260 = arith.constant 0 : i32
      %dma_start3A_261 = tpu.memref_slice %arg7[%dma_start3A_254, %dma_start3A_260] : memref<32x26xi32, #tpu.memory_space<vmem>> -> memref<1x26xi32, #tpu.memory_space<vmem>>
      %dma_start3A_262 = tpu.memref_squeeze %dma_start3A_261 : memref<1x26xi32, #tpu.memory_space<vmem>> -> memref<26xi32, #tpu.memory_space<vmem>>
      %dma_start3A_263 = arith.constant 0 : i32
      %dma_start3A_264 = arith.constant 0 : i32
      %dma_start3A_265 = tpu.memref_slice %arg4[%dma_start3A_263, %dma_start3A_264] : memref<999936x64xf32, #tpu.memory_space<hbm>> -> memref<999936x64xf32, #tpu.memory_space<hbm>>
      tpu.enqueue_indirect_dma source(%dma_start3A_265 : memref<999936x64xf32, #tpu.memory_space<hbm>>) target(%dma_start3A_259 : memref<26x64xf32, #tpu.memory_space<vmem>>) offsets(%dma_start3A_262 : memref<26xi32, #tpu.memory_space<vmem>>) semaphore(%arg12 : memref<!tpu.dma_semaphore, #tpu.memory_space<semaphore_mem>>)
      %dma_start3A_266 = arith.constant 19 : i32
      %dma_start3A_267 = arith.constant 19 : i32
      %dma_start3A_268 = arith.constant 0 : i32
      %dma_start3A_269 = arith.constant 0 : i32
      %dma_start3A_270 = tpu.memref_slice %arg9[%dma_start3A_267, %dma_start3A_268, %dma_start3A_269] : memref<32x26x64xf32, #tpu.memory_space<vmem>> -> memref<1x26x64xf32, #tpu.memory_space<vmem>>
      %dma_start3A_271 = tpu.memref_squeeze %dma_start3A_270 : memref<1x26x64xf32, #tpu.memory_space<vmem>> -> memref<26x64xf32, #tpu.memory_space<vmem>>
      %dma_start3A_272 = arith.constant 0 : i32
      %dma_start3A_273 = tpu.memref_slice %arg7[%dma_start3A_266, %dma_start3A_272] : memref<32x26xi32, #tpu.memory_space<vmem>> -> memref<1x26xi32, #tpu.memory_space<vmem>>
      %dma_start3A_274 = tpu.memref_squeeze %dma_start3A_273 : memref<1x26xi32, #tpu.memory_space<vmem>> -> memref<26xi32, #tpu.memory_space<vmem>>
      %dma_start3A_275 = arith.constant 0 : i32
      %dma_start3A_276 = arith.constant 0 : i32
      %dma_start3A_277 = tpu.memref_slice %arg4[%dma_start3A_275, %dma_start3A_276] : memref<999936x64xf32, #tpu.memory_space<hbm>> -> memref<999936x64xf32, #tpu.memory_space<hbm>>
      tpu.enqueue_indirect_dma source(%dma_start3A_277 : memref<999936x64xf32, #tpu.memory_space<hbm>>) target(%dma_start3A_271 : memref<26x64xf32, #tpu.memory_space<vmem>>) offsets(%dma_start3A_274 : memref<26xi32, #tpu.memory_space<vmem>>) semaphore(%arg12 : memref<!tpu.dma_semaphore, #tpu.memory_space<semaphore_mem>>)
      %dma_start3A_278 = arith.constant 20 : i32
      %dma_start3A_279 = arith.constant 20 : i32
      %dma_start3A_280 = arith.constant 0 : i32
      %dma_start3A_281 = arith.constant 0 : i32
      %dma_start3A_282 = tpu.memref_slice %arg9[%dma_start3A_279, %dma_start3A_280, %dma_start3A_281] : memref<32x26x64xf32, #tpu.memory_space<vmem>> -> memref<1x26x64xf32, #tpu.memory_space<vmem>>
      %dma_start3A_283 = tpu.memref_squeeze %dma_start3A_282 : memref<1x26x64xf32, #tpu.memory_space<vmem>> -> memref<26x64xf32, #tpu.memory_space<vmem>>
      %dma_start3A_284 = arith.constant 0 : i32
      %dma_start3A_285 = tpu.memref_slice %arg7[%dma_start3A_278, %dma_start3A_284] : memref<32x26xi32, #tpu.memory_space<vmem>> -> memref<1x26xi32, #tpu.memory_space<vmem>>
      %dma_start3A_286 = tpu.memref_squeeze %dma_start3A_285 : memref<1x26xi32, #tpu.memory_space<vmem>> -> memref<26xi32, #tpu.memory_space<vmem>>
      %dma_start3A_287 = arith.constant 0 : i32
      %dma_start3A_288 = arith.constant 0 : i32
      %dma_start3A_289 = tpu.memref_slice %arg4[%dma_start3A_287, %dma_start3A_288] : memref<999936x64xf32, #tpu.memory_space<hbm>> -> memref<999936x64xf32, #tpu.memory_space<hbm>>
      tpu.enqueue_indirect_dma source(%dma_start3A_289 : memref<999936x64xf32, #tpu.memory_space<hbm>>) target(%dma_start3A_283 : memref<26x64xf32, #tpu.memory_space<vmem>>) offsets(%dma_start3A_286 : memref<26xi32, #tpu.memory_space<vmem>>) semaphore(%arg12 : memref<!tpu.dma_semaphore, #tpu.memory_space<semaphore_mem>>)
      %dma_start3A_290 = arith.constant 21 : i32
      %dma_start3A_291 = arith.constant 21 : i32
      %dma_start3A_292 = arith.constant 0 : i32
      %dma_start3A_293 = arith.constant 0 : i32
      %dma_start3A_294 = tpu.memref_slice %arg9[%dma_start3A_291, %dma_start3A_292, %dma_start3A_293] : memref<32x26x64xf32, #tpu.memory_space<vmem>> -> memref<1x26x64xf32, #tpu.memory_space<vmem>>
      %dma_start3A_295 = tpu.memref_squeeze %dma_start3A_294 : memref<1x26x64xf32, #tpu.memory_space<vmem>> -> memref<26x64xf32, #tpu.memory_space<vmem>>
      %dma_start3A_296 = arith.constant 0 : i32
      %dma_start3A_297 = tpu.memref_slice %arg7[%dma_start3A_290, %dma_start3A_296] : memref<32x26xi32, #tpu.memory_space<vmem>> -> memref<1x26xi32, #tpu.memory_space<vmem>>
      %dma_start3A_298 = tpu.memref_squeeze %dma_start3A_297 : memref<1x26xi32, #tpu.memory_space<vmem>> -> memref<26xi32, #tpu.memory_space<vmem>>
      %dma_start3A_299 = arith.constant 0 : i32
      %dma_start3A_300 = arith.constant 0 : i32
      %dma_start3A_301 = tpu.memref_slice %arg4[%dma_start3A_299, %dma_start3A_300] : memref<999936x64xf32, #tpu.memory_space<hbm>> -> memref<999936x64xf32, #tpu.memory_space<hbm>>
      tpu.enqueue_indirect_dma source(%dma_start3A_301 : memref<999936x64xf32, #tpu.memory_space<hbm>>) target(%dma_start3A_295 : memref<26x64xf32, #tpu.memory_space<vmem>>) offsets(%dma_start3A_298 : memref<26xi32, #tpu.memory_space<vmem>>) semaphore(%arg12 : memref<!tpu.dma_semaphore, #tpu.memory_space<semaphore_mem>>)
      %dma_start3A_302 = arith.constant 22 : i32
      %dma_start3A_303 = arith.constant 22 : i32
      %dma_start3A_304 = arith.constant 0 : i32
      %dma_start3A_305 = arith.constant 0 : i32
      %dma_start3A_306 = tpu.memref_slice %arg9[%dma_start3A_303, %dma_start3A_304, %dma_start3A_305] : memref<32x26x64xf32, #tpu.memory_space<vmem>> -> memref<1x26x64xf32, #tpu.memory_space<vmem>>
      %dma_start3A_307 = tpu.memref_squeeze %dma_start3A_306 : memref<1x26x64xf32, #tpu.memory_space<vmem>> -> memref<26x64xf32, #tpu.memory_space<vmem>>
      %dma_start3A_308 = arith.constant 0 : i32
      %dma_start3A_309 = tpu.memref_slice %arg7[%dma_start3A_302, %dma_start3A_308] : memref<32x26xi32, #tpu.memory_space<vmem>> -> memref<1x26xi32, #tpu.memory_space<vmem>>
      %dma_start3A_310 = tpu.memref_squeeze %dma_start3A_309 : memref<1x26xi32, #tpu.memory_space<vmem>> -> memref<26xi32, #tpu.memory_space<vmem>>
      %dma_start3A_311 = arith.constant 0 : i32
      %dma_start3A_312 = arith.constant 0 : i32
      %dma_start3A_313 = tpu.memref_slice %arg4[%dma_start3A_311, %dma_start3A_312] : memref<999936x64xf32, #tpu.memory_space<hbm>> -> memref<999936x64xf32, #tpu.memory_space<hbm>>
      tpu.enqueue_indirect_dma source(%dma_start3A_313 : memref<999936x64xf32, #tpu.memory_space<hbm>>) target(%dma_start3A_307 : memref<26x64xf32, #tpu.memory_space<vmem>>) offsets(%dma_start3A_310 : memref<26xi32, #tpu.memory_space<vmem>>) semaphore(%arg12 : memref<!tpu.dma_semaphore, #tpu.memory_space<semaphore_mem>>)
      %dma_start3A_314 = arith.constant 23 : i32
      %dma_start3A_315 = arith.constant 23 : i32
      %dma_start3A_316 = arith.constant 0 : i32
      %dma_start3A_317 = arith.constant 0 : i32
      %dma_start3A_318 = tpu.memref_slice %arg9[%dma_start3A_315, %dma_start3A_316, %dma_start3A_317] : memref<32x26x64xf32, #tpu.memory_space<vmem>> -> memref<1x26x64xf32, #tpu.memory_space<vmem>>
      %dma_start3A_319 = tpu.memref_squeeze %dma_start3A_318 : memref<1x26x64xf32, #tpu.memory_space<vmem>> -> memref<26x64xf32, #tpu.memory_space<vmem>>
      %dma_start3A_320 = arith.constant 0 : i32
      %dma_start3A_321 = tpu.memref_slice %arg7[%dma_start3A_314, %dma_start3A_320] : memref<32x26xi32, #tpu.memory_space<vmem>> -> memref<1x26xi32, #tpu.memory_space<vmem>>
      %dma_start3A_322 = tpu.memref_squeeze %dma_start3A_321 : memref<1x26xi32, #tpu.memory_space<vmem>> -> memref<26xi32, #tpu.memory_space<vmem>>
      %dma_start3A_323 = arith.constant 0 : i32
      %dma_start3A_324 = arith.constant 0 : i32
      %dma_start3A_325 = tpu.memref_slice %arg4[%dma_start3A_323, %dma_start3A_324] : memref<999936x64xf32, #tpu.memory_space<hbm>> -> memref<999936x64xf32, #tpu.memory_space<hbm>>
      tpu.enqueue_indirect_dma source(%dma_start3A_325 : memref<999936x64xf32, #tpu.memory_space<hbm>>) target(%dma_start3A_319 : memref<26x64xf32, #tpu.memory_space<vmem>>) offsets(%dma_start3A_322 : memref<26xi32, #tpu.memory_space<vmem>>) semaphore(%arg12 : memref<!tpu.dma_semaphore, #tpu.memory_space<semaphore_mem>>)
      %dma_start3A_326 = arith.constant 24 : i32
      %dma_start3A_327 = arith.constant 24 : i32
      %dma_start3A_328 = arith.constant 0 : i32
      %dma_start3A_329 = arith.constant 0 : i32
      %dma_start3A_330 = tpu.memref_slice %arg9[%dma_start3A_327, %dma_start3A_328, %dma_start3A_329] : memref<32x26x64xf32, #tpu.memory_space<vmem>> -> memref<1x26x64xf32, #tpu.memory_space<vmem>>
      %dma_start3A_331 = tpu.memref_squeeze %dma_start3A_330 : memref<1x26x64xf32, #tpu.memory_space<vmem>> -> memref<26x64xf32, #tpu.memory_space<vmem>>
      %dma_start3A_332 = arith.constant 0 : i32
      %dma_start3A_333 = tpu.memref_slice %arg7[%dma_start3A_326, %dma_start3A_332] : memref<32x26xi32, #tpu.memory_space<vmem>> -> memref<1x26xi32, #tpu.memory_space<vmem>>
      %dma_start3A_334 = tpu.memref_squeeze %dma_start3A_333 : memref<1x26xi32, #tpu.memory_space<vmem>> -> memref<26xi32, #tpu.memory_space<vmem>>
      %dma_start3A_335 = arith.constant 0 : i32
      %dma_start3A_336 = arith.constant 0 : i32
      %dma_start3A_337 = tpu.memref_slice %arg4[%dma_start3A_335, %dma_start3A_336] : memref<999936x64xf32, #tpu.memory_space<hbm>> -> memref<999936x64xf32, #tpu.memory_space<hbm>>
      tpu.enqueue_indirect_dma source(%dma_start3A_337 : memref<999936x64xf32, #tpu.memory_space<hbm>>) target(%dma_start3A_331 : memref<26x64xf32, #tpu.memory_space<vmem>>) offsets(%dma_start3A_334 : memref<26xi32, #tpu.memory_space<vmem>>) semaphore(%arg12 : memref<!tpu.dma_semaphore, #tpu.memory_space<semaphore_mem>>)
      %dma_start3A_338 = arith.constant 25 : i32
      %dma_start3A_339 = arith.constant 25 : i32
      %dma_start3A_340 = arith.constant 0 : i32
      %dma_start3A_341 = arith.constant 0 : i32
      %dma_start3A_342 = tpu.memref_slice %arg9[%dma_start3A_339, %dma_start3A_340, %dma_start3A_341] : memref<32x26x64xf32, #tpu.memory_space<vmem>> -> memref<1x26x64xf32, #tpu.memory_space<vmem>>
      %dma_start3A_343 = tpu.memref_squeeze %dma_start3A_342 : memref<1x26x64xf32, #tpu.memory_space<vmem>> -> memref<26x64xf32, #tpu.memory_space<vmem>>
      %dma_start3A_344 = arith.constant 0 : i32
      %dma_start3A_345 = tpu.memref_slice %arg7[%dma_start3A_338, %dma_start3A_344] : memref<32x26xi32, #tpu.memory_space<vmem>> -> memref<1x26xi32, #tpu.memory_space<vmem>>
      %dma_start3A_346 = tpu.memref_squeeze %dma_start3A_345 : memref<1x26xi32, #tpu.memory_space<vmem>> -> memref<26xi32, #tpu.memory_space<vmem>>
      %dma_start3A_347 = arith.constant 0 : i32
      %dma_start3A_348 = arith.constant 0 : i32
      %dma_start3A_349 = tpu.memref_slice %arg4[%dma_start3A_347, %dma_start3A_348] : memref<999936x64xf32, #tpu.memory_space<hbm>> -> memref<999936x64xf32, #tpu.memory_space<hbm>>
      tpu.enqueue_indirect_dma source(%dma_start3A_349 : memref<999936x64xf32, #tpu.memory_space<hbm>>) target(%dma_start3A_343 : memref<26x64xf32, #tpu.memory_space<vmem>>) offsets(%dma_start3A_346 : memref<26xi32, #tpu.memory_space<vmem>>) semaphore(%arg12 : memref<!tpu.dma_semaphore, #tpu.memory_space<semaphore_mem>>)
      %dma_start3A_350 = arith.constant 26 : i32
      %dma_start3A_351 = arith.constant 26 : i32
      %dma_start3A_352 = arith.constant 0 : i32
      %dma_start3A_353 = arith.constant 0 : i32
      %dma_start3A_354 = tpu.memref_slice %arg9[%dma_start3A_351, %dma_start3A_352, %dma_start3A_353] : memref<32x26x64xf32, #tpu.memory_space<vmem>> -> memref<1x26x64xf32, #tpu.memory_space<vmem>>
      %dma_start3A_355 = tpu.memref_squeeze %dma_start3A_354 : memref<1x26x64xf32, #tpu.memory_space<vmem>> -> memref<26x64xf32, #tpu.memory_space<vmem>>
      %dma_start3A_356 = arith.constant 0 : i32
      %dma_start3A_357 = tpu.memref_slice %arg7[%dma_start3A_350, %dma_start3A_356] : memref<32x26xi32, #tpu.memory_space<vmem>> -> memref<1x26xi32, #tpu.memory_space<vmem>>
      %dma_start3A_358 = tpu.memref_squeeze %dma_start3A_357 : memref<1x26xi32, #tpu.memory_space<vmem>> -> memref<26xi32, #tpu.memory_space<vmem>>
      %dma_start3A_359 = arith.constant 0 : i32
      %dma_start3A_360 = arith.constant 0 : i32
      %dma_start3A_361 = tpu.memref_slice %arg4[%dma_start3A_359, %dma_start3A_360] : memref<999936x64xf32, #tpu.memory_space<hbm>> -> memref<999936x64xf32, #tpu.memory_space<hbm>>
      tpu.enqueue_indirect_dma source(%dma_start3A_361 : memref<999936x64xf32, #tpu.memory_space<hbm>>) target(%dma_start3A_355 : memref<26x64xf32, #tpu.memory_space<vmem>>) offsets(%dma_start3A_358 : memref<26xi32, #tpu.memory_space<vmem>>) semaphore(%arg12 : memref<!tpu.dma_semaphore, #tpu.memory_space<semaphore_mem>>)
      %dma_start3A_362 = arith.constant 27 : i32
      %dma_start3A_363 = arith.constant 27 : i32
      %dma_start3A_364 = arith.constant 0 : i32
      %dma_start3A_365 = arith.constant 0 : i32
      %dma_start3A_366 = tpu.memref_slice %arg9[%dma_start3A_363, %dma_start3A_364, %dma_start3A_365] : memref<32x26x64xf32, #tpu.memory_space<vmem>> -> memref<1x26x64xf32, #tpu.memory_space<vmem>>
      %dma_start3A_367 = tpu.memref_squeeze %dma_start3A_366 : memref<1x26x64xf32, #tpu.memory_space<vmem>> -> memref<26x64xf32, #tpu.memory_space<vmem>>
      %dma_start3A_368 = arith.constant 0 : i32
      %dma_start3A_369 = tpu.memref_slice %arg7[%dma_start3A_362, %dma_start3A_368] : memref<32x26xi32, #tpu.memory_space<vmem>> -> memref<1x26xi32, #tpu.memory_space<vmem>>
      %dma_start3A_370 = tpu.memref_squeeze %dma_start3A_369 : memref<1x26xi32, #tpu.memory_space<vmem>> -> memref<26xi32, #tpu.memory_space<vmem>>
      %dma_start3A_371 = arith.constant 0 : i32
      %dma_start3A_372 = arith.constant 0 : i32
      %dma_start3A_373 = tpu.memref_slice %arg4[%dma_start3A_371, %dma_start3A_372] : memref<999936x64xf32, #tpu.memory_space<hbm>> -> memref<999936x64xf32, #tpu.memory_space<hbm>>
      tpu.enqueue_indirect_dma source(%dma_start3A_373 : memref<999936x64xf32, #tpu.memory_space<hbm>>) target(%dma_start3A_367 : memref<26x64xf32, #tpu.memory_space<vmem>>) offsets(%dma_start3A_370 : memref<26xi32, #tpu.memory_space<vmem>>) semaphore(%arg12 : memref<!tpu.dma_semaphore, #tpu.memory_space<semaphore_mem>>)
      %dma_start3A_374 = arith.constant 28 : i32
      %dma_start3A_375 = arith.constant 28 : i32
      %dma_start3A_376 = arith.constant 0 : i32
      %dma_start3A_377 = arith.constant 0 : i32
      %dma_start3A_378 = tpu.memref_slice %arg9[%dma_start3A_375, %dma_start3A_376, %dma_start3A_377] : memref<32x26x64xf32, #tpu.memory_space<vmem>> -> memref<1x26x64xf32, #tpu.memory_space<vmem>>
      %dma_start3A_379 = tpu.memref_squeeze %dma_start3A_378 : memref<1x26x64xf32, #tpu.memory_space<vmem>> -> memref<26x64xf32, #tpu.memory_space<vmem>>
      %dma_start3A_380 = arith.constant 0 : i32
      %dma_start3A_381 = tpu.memref_slice %arg7[%dma_start3A_374, %dma_start3A_380] : memref<32x26xi32, #tpu.memory_space<vmem>> -> memref<1x26xi32, #tpu.memory_space<vmem>>
      %dma_start3A_382 = tpu.memref_squeeze %dma_start3A_381 : memref<1x26xi32, #tpu.memory_space<vmem>> -> memref<26xi32, #tpu.memory_space<vmem>>
      %dma_start3A_383 = arith.constant 0 : i32
      %dma_start3A_384 = arith.constant 0 : i32
      %dma_start3A_385 = tpu.memref_slice %arg4[%dma_start3A_383, %dma_start3A_384] : memref<999936x64xf32, #tpu.memory_space<hbm>> -> memref<999936x64xf32, #tpu.memory_space<hbm>>
      tpu.enqueue_indirect_dma source(%dma_start3A_385 : memref<999936x64xf32, #tpu.memory_space<hbm>>) target(%dma_start3A_379 : memref<26x64xf32, #tpu.memory_space<vmem>>) offsets(%dma_start3A_382 : memref<26xi32, #tpu.memory_space<vmem>>) semaphore(%arg12 : memref<!tpu.dma_semaphore, #tpu.memory_space<semaphore_mem>>)
      %dma_start3A_386 = arith.constant 29 : i32
      %dma_start3A_387 = arith.constant 29 : i32
      %dma_start3A_388 = arith.constant 0 : i32
      %dma_start3A_389 = arith.constant 0 : i32
      %dma_start3A_390 = tpu.memref_slice %arg9[%dma_start3A_387, %dma_start3A_388, %dma_start3A_389] : memref<32x26x64xf32, #tpu.memory_space<vmem>> -> memref<1x26x64xf32, #tpu.memory_space<vmem>>
      %dma_start3A_391 = tpu.memref_squeeze %dma_start3A_390 : memref<1x26x64xf32, #tpu.memory_space<vmem>> -> memref<26x64xf32, #tpu.memory_space<vmem>>
      %dma_start3A_392 = arith.constant 0 : i32
      %dma_start3A_393 = tpu.memref_slice %arg7[%dma_start3A_386, %dma_start3A_392] : memref<32x26xi32, #tpu.memory_space<vmem>> -> memref<1x26xi32, #tpu.memory_space<vmem>>
      %dma_start3A_394 = tpu.memref_squeeze %dma_start3A_393 : memref<1x26xi32, #tpu.memory_space<vmem>> -> memref<26xi32, #tpu.memory_space<vmem>>
      %dma_start3A_395 = arith.constant 0 : i32
      %dma_start3A_396 = arith.constant 0 : i32
      %dma_start3A_397 = tpu.memref_slice %arg4[%dma_start3A_395, %dma_start3A_396] : memref<999936x64xf32, #tpu.memory_space<hbm>> -> memref<999936x64xf32, #tpu.memory_space<hbm>>
      tpu.enqueue_indirect_dma source(%dma_start3A_397 : memref<999936x64xf32, #tpu.memory_space<hbm>>) target(%dma_start3A_391 : memref<26x64xf32, #tpu.memory_space<vmem>>) offsets(%dma_start3A_394 : memref<26xi32, #tpu.memory_space<vmem>>) semaphore(%arg12 : memref<!tpu.dma_semaphore, #tpu.memory_space<semaphore_mem>>)
      %dma_start3A_398 = arith.constant 30 : i32
      %dma_start3A_399 = arith.constant 30 : i32
      %dma_start3A_400 = arith.constant 0 : i32
      %dma_start3A_401 = arith.constant 0 : i32
      %dma_start3A_402 = tpu.memref_slice %arg9[%dma_start3A_399, %dma_start3A_400, %dma_start3A_401] : memref<32x26x64xf32, #tpu.memory_space<vmem>> -> memref<1x26x64xf32, #tpu.memory_space<vmem>>
      %dma_start3A_403 = tpu.memref_squeeze %dma_start3A_402 : memref<1x26x64xf32, #tpu.memory_space<vmem>> -> memref<26x64xf32, #tpu.memory_space<vmem>>
      %dma_start3A_404 = arith.constant 0 : i32
      %dma_start3A_405 = tpu.memref_slice %arg7[%dma_start3A_398, %dma_start3A_404] : memref<32x26xi32, #tpu.memory_space<vmem>> -> memref<1x26xi32, #tpu.memory_space<vmem>>
      %dma_start3A_406 = tpu.memref_squeeze %dma_start3A_405 : memref<1x26xi32, #tpu.memory_space<vmem>> -> memref<26xi32, #tpu.memory_space<vmem>>
      %dma_start3A_407 = arith.constant 0 : i32
      %dma_start3A_408 = arith.constant 0 : i32
      %dma_start3A_409 = tpu.memref_slice %arg4[%dma_start3A_407, %dma_start3A_408] : memref<999936x64xf32, #tpu.memory_space<hbm>> -> memref<999936x64xf32, #tpu.memory_space<hbm>>
      tpu.enqueue_indirect_dma source(%dma_start3A_409 : memref<999936x64xf32, #tpu.memory_space<hbm>>) target(%dma_start3A_403 : memref<26x64xf32, #tpu.memory_space<vmem>>) offsets(%dma_start3A_406 : memref<26xi32, #tpu.memory_space<vmem>>) semaphore(%arg12 : memref<!tpu.dma_semaphore, #tpu.memory_space<semaphore_mem>>)
      %dma_start3A_410 = arith.constant 31 : i32
      %dma_start3A_411 = arith.constant 31 : i32
      %dma_start3A_412 = arith.constant 0 : i32
      %dma_start3A_413 = arith.constant 0 : i32
      %dma_start3A_414 = tpu.memref_slice %arg9[%dma_start3A_411, %dma_start3A_412, %dma_start3A_413] : memref<32x26x64xf32, #tpu.memory_space<vmem>> -> memref<1x26x64xf32, #tpu.memory_space<vmem>>
      %dma_start3A_415 = tpu.memref_squeeze %dma_start3A_414 : memref<1x26x64xf32, #tpu.memory_space<vmem>> -> memref<26x64xf32, #tpu.memory_space<vmem>>
      %dma_start3A_416 = arith.constant 0 : i32
      %dma_start3A_417 = tpu.memref_slice %arg7[%dma_start3A_410, %dma_start3A_416] : memref<32x26xi32, #tpu.memory_space<vmem>> -> memref<1x26xi32, #tpu.memory_space<vmem>>
      %dma_start3A_418 = tpu.memref_squeeze %dma_start3A_417 : memref<1x26xi32, #tpu.memory_space<vmem>> -> memref<26xi32, #tpu.memory_space<vmem>>
      %dma_start3A_419 = arith.constant 0 : i32
      %dma_start3A_420 = arith.constant 0 : i32
      %dma_start3A_421 = tpu.memref_slice %arg4[%dma_start3A_419, %dma_start3A_420] : memref<999936x64xf32, #tpu.memory_space<hbm>> -> memref<999936x64xf32, #tpu.memory_space<hbm>>
      tpu.enqueue_indirect_dma source(%dma_start3A_421 : memref<999936x64xf32, #tpu.memory_space<hbm>>) target(%dma_start3A_415 : memref<26x64xf32, #tpu.memory_space<vmem>>) offsets(%dma_start3A_418 : memref<26xi32, #tpu.memory_space<vmem>>) semaphore(%arg12 : memref<!tpu.dma_semaphore, #tpu.memory_space<semaphore_mem>>)
      %dma_wait3A_422 = arith.constant 0 : i32
      %dma_wait3A_423 = arith.constant 0 : i32
      %dma_wait3A_424 = arith.constant 0 : i32
      %dma_wait3A_425 = arith.constant 0 : i32
      %dma_wait3A_426 = tpu.memref_slice %arg9[%dma_wait3A_423, %dma_wait3A_424, %dma_wait3A_425] : memref<32x26x64xf32, #tpu.memory_space<vmem>> -> memref<1x26x64xf32, #tpu.memory_space<vmem>>
      %dma_wait3A_427 = tpu.memref_squeeze %dma_wait3A_426 : memref<1x26x64xf32, #tpu.memory_space<vmem>> -> memref<26x64xf32, #tpu.memory_space<vmem>>
      %dma_wait3A_428 = arith.constant 0 : i32
      %dma_wait3A_429 = tpu.memref_slice %arg7[%dma_wait3A_422, %dma_wait3A_428] : memref<32x26xi32, #tpu.memory_space<vmem>> -> memref<1x26xi32, #tpu.memory_space<vmem>>
      %dma_wait3A_430 = tpu.memref_squeeze %dma_wait3A_429 : memref<1x26xi32, #tpu.memory_space<vmem>> -> memref<26xi32, #tpu.memory_space<vmem>>
      %dma_wait3A_431 = arith.constant 0 : i32
      %dma_wait3A_432 = arith.constant 0 : i32
      %dma_wait3A_433 = tpu.memref_slice %arg4[%dma_wait3A_431, %dma_wait3A_432] : memref<999936x64xf32, #tpu.memory_space<hbm>> -> memref<999936x64xf32, #tpu.memory_space<hbm>>
      tpu.wait_indirect_dma semaphore(%arg12 : memref<!tpu.dma_semaphore, #tpu.memory_space<semaphore_mem>>) src(%dma_wait3A_433 : memref<999936x64xf32, #tpu.memory_space<hbm>>) dst(%dma_wait3A_427 : memref<26x64xf32, #tpu.memory_space<vmem>>)
      %dma_wait3A_434 = arith.constant 1 : i32
      %dma_wait3A_435 = arith.constant 1 : i32
      %dma_wait3A_436 = arith.constant 0 : i32
      %dma_wait3A_437 = arith.constant 0 : i32
      %dma_wait3A_438 = tpu.memref_slice %arg9[%dma_wait3A_435, %dma_wait3A_436, %dma_wait3A_437] : memref<32x26x64xf32, #tpu.memory_space<vmem>> -> memref<1x26x64xf32, #tpu.memory_space<vmem>>
      %dma_wait3A_439 = tpu.memref_squeeze %dma_wait3A_438 : memref<1x26x64xf32, #tpu.memory_space<vmem>> -> memref<26x64xf32, #tpu.memory_space<vmem>>
      %dma_wait3A_440 = arith.constant 0 : i32
      %dma_wait3A_441 = tpu.memref_slice %arg7[%dma_wait3A_434, %dma_wait3A_440] : memref<32x26xi32, #tpu.memory_space<vmem>> -> memref<1x26xi32, #tpu.memory_space<vmem>>
      %dma_wait3A_442 = tpu.memref_squeeze %dma_wait3A_441 : memref<1x26xi32, #tpu.memory_space<vmem>> -> memref<26xi32, #tpu.memory_space<vmem>>
      %dma_wait3A_443 = arith.constant 0 : i32
      %dma_wait3A_444 = arith.constant 0 : i32
      %dma_wait3A_445 = tpu.memref_slice %arg4[%dma_wait3A_443, %dma_wait3A_444] : memref<999936x64xf32, #tpu.memory_space<hbm>> -> memref<999936x64xf32, #tpu.memory_space<hbm>>
      tpu.wait_indirect_dma semaphore(%arg12 : memref<!tpu.dma_semaphore, #tpu.memory_space<semaphore_mem>>) src(%dma_wait3A_445 : memref<999936x64xf32, #tpu.memory_space<hbm>>) dst(%dma_wait3A_439 : memref<26x64xf32, #tpu.memory_space<vmem>>)
      %dma_wait3A_446 = arith.constant 2 : i32
      %dma_wait3A_447 = arith.constant 2 : i32
      %dma_wait3A_448 = arith.constant 0 : i32
      %dma_wait3A_449 = arith.constant 0 : i32
      %dma_wait3A_450 = tpu.memref_slice %arg9[%dma_wait3A_447, %dma_wait3A_448, %dma_wait3A_449] : memref<32x26x64xf32, #tpu.memory_space<vmem>> -> memref<1x26x64xf32, #tpu.memory_space<vmem>>
      %dma_wait3A_451 = tpu.memref_squeeze %dma_wait3A_450 : memref<1x26x64xf32, #tpu.memory_space<vmem>> -> memref<26x64xf32, #tpu.memory_space<vmem>>
      %dma_wait3A_452 = arith.constant 0 : i32
      %dma_wait3A_453 = tpu.memref_slice %arg7[%dma_wait3A_446, %dma_wait3A_452] : memref<32x26xi32, #tpu.memory_space<vmem>> -> memref<1x26xi32, #tpu.memory_space<vmem>>
      %dma_wait3A_454 = tpu.memref_squeeze %dma_wait3A_453 : memref<1x26xi32, #tpu.memory_space<vmem>> -> memref<26xi32, #tpu.memory_space<vmem>>
      %dma_wait3A_455 = arith.constant 0 : i32
      %dma_wait3A_456 = arith.constant 0 : i32
      %dma_wait3A_457 = tpu.memref_slice %arg4[%dma_wait3A_455, %dma_wait3A_456] : memref<999936x64xf32, #tpu.memory_space<hbm>> -> memref<999936x64xf32, #tpu.memory_space<hbm>>
      tpu.wait_indirect_dma semaphore(%arg12 : memref<!tpu.dma_semaphore, #tpu.memory_space<semaphore_mem>>) src(%dma_wait3A_457 : memref<999936x64xf32, #tpu.memory_space<hbm>>) dst(%dma_wait3A_451 : memref<26x64xf32, #tpu.memory_space<vmem>>)
      %dma_wait3A_458 = arith.constant 3 : i32
      %dma_wait3A_459 = arith.constant 3 : i32
      %dma_wait3A_460 = arith.constant 0 : i32
      %dma_wait3A_461 = arith.constant 0 : i32
      %dma_wait3A_462 = tpu.memref_slice %arg9[%dma_wait3A_459, %dma_wait3A_460, %dma_wait3A_461] : memref<32x26x64xf32, #tpu.memory_space<vmem>> -> memref<1x26x64xf32, #tpu.memory_space<vmem>>
      %dma_wait3A_463 = tpu.memref_squeeze %dma_wait3A_462 : memref<1x26x64xf32, #tpu.memory_space<vmem>> -> memref<26x64xf32, #tpu.memory_space<vmem>>
      %dma_wait3A_464 = arith.constant 0 : i32
      %dma_wait3A_465 = tpu.memref_slice %arg7[%dma_wait3A_458, %dma_wait3A_464] : memref<32x26xi32, #tpu.memory_space<vmem>> -> memref<1x26xi32, #tpu.memory_space<vmem>>
      %dma_wait3A_466 = tpu.memref_squeeze %dma_wait3A_465 : memref<1x26xi32, #tpu.memory_space<vmem>> -> memref<26xi32, #tpu.memory_space<vmem>>
      %dma_wait3A_467 = arith.constant 0 : i32
      %dma_wait3A_468 = arith.constant 0 : i32
      %dma_wait3A_469 = tpu.memref_slice %arg4[%dma_wait3A_467, %dma_wait3A_468] : memref<999936x64xf32, #tpu.memory_space<hbm>> -> memref<999936x64xf32, #tpu.memory_space<hbm>>
      tpu.wait_indirect_dma semaphore(%arg12 : memref<!tpu.dma_semaphore, #tpu.memory_space<semaphore_mem>>) src(%dma_wait3A_469 : memref<999936x64xf32, #tpu.memory_space<hbm>>) dst(%dma_wait3A_463 : memref<26x64xf32, #tpu.memory_space<vmem>>)
      %dma_wait3A_470 = arith.constant 4 : i32
      %dma_wait3A_471 = arith.constant 4 : i32
      %dma_wait3A_472 = arith.constant 0 : i32
      %dma_wait3A_473 = arith.constant 0 : i32
      %dma_wait3A_474 = tpu.memref_slice %arg9[%dma_wait3A_471, %dma_wait3A_472, %dma_wait3A_473] : memref<32x26x64xf32, #tpu.memory_space<vmem>> -> memref<1x26x64xf32, #tpu.memory_space<vmem>>
      %dma_wait3A_475 = tpu.memref_squeeze %dma_wait3A_474 : memref<1x26x64xf32, #tpu.memory_space<vmem>> -> memref<26x64xf32, #tpu.memory_space<vmem>>
      %dma_wait3A_476 = arith.constant 0 : i32
      %dma_wait3A_477 = tpu.memref_slice %arg7[%dma_wait3A_470, %dma_wait3A_476] : memref<32x26xi32, #tpu.memory_space<vmem>> -> memref<1x26xi32, #tpu.memory_space<vmem>>
      %dma_wait3A_478 = tpu.memref_squeeze %dma_wait3A_477 : memref<1x26xi32, #tpu.memory_space<vmem>> -> memref<26xi32, #tpu.memory_space<vmem>>
      %dma_wait3A_479 = arith.constant 0 : i32
      %dma_wait3A_480 = arith.constant 0 : i32
      %dma_wait3A_481 = tpu.memref_slice %arg4[%dma_wait3A_479, %dma_wait3A_480] : memref<999936x64xf32, #tpu.memory_space<hbm>> -> memref<999936x64xf32, #tpu.memory_space<hbm>>
      tpu.wait_indirect_dma semaphore(%arg12 : memref<!tpu.dma_semaphore, #tpu.memory_space<semaphore_mem>>) src(%dma_wait3A_481 : memref<999936x64xf32, #tpu.memory_space<hbm>>) dst(%dma_wait3A_475 : memref<26x64xf32, #tpu.memory_space<vmem>>)
      %dma_wait3A_482 = arith.constant 5 : i32
      %dma_wait3A_483 = arith.constant 5 : i32
      %dma_wait3A_484 = arith.constant 0 : i32
      %dma_wait3A_485 = arith.constant 0 : i32
      %dma_wait3A_486 = tpu.memref_slice %arg9[%dma_wait3A_483, %dma_wait3A_484, %dma_wait3A_485] : memref<32x26x64xf32, #tpu.memory_space<vmem>> -> memref<1x26x64xf32, #tpu.memory_space<vmem>>
      %dma_wait3A_487 = tpu.memref_squeeze %dma_wait3A_486 : memref<1x26x64xf32, #tpu.memory_space<vmem>> -> memref<26x64xf32, #tpu.memory_space<vmem>>
      %dma_wait3A_488 = arith.constant 0 : i32
      %dma_wait3A_489 = tpu.memref_slice %arg7[%dma_wait3A_482, %dma_wait3A_488] : memref<32x26xi32, #tpu.memory_space<vmem>> -> memref<1x26xi32, #tpu.memory_space<vmem>>
      %dma_wait3A_490 = tpu.memref_squeeze %dma_wait3A_489 : memref<1x26xi32, #tpu.memory_space<vmem>> -> memref<26xi32, #tpu.memory_space<vmem>>
      %dma_wait3A_491 = arith.constant 0 : i32
      %dma_wait3A_492 = arith.constant 0 : i32
      %dma_wait3A_493 = tpu.memref_slice %arg4[%dma_wait3A_491, %dma_wait3A_492] : memref<999936x64xf32, #tpu.memory_space<hbm>> -> memref<999936x64xf32, #tpu.memory_space<hbm>>
      tpu.wait_indirect_dma semaphore(%arg12 : memref<!tpu.dma_semaphore, #tpu.memory_space<semaphore_mem>>) src(%dma_wait3A_493 : memref<999936x64xf32, #tpu.memory_space<hbm>>) dst(%dma_wait3A_487 : memref<26x64xf32, #tpu.memory_space<vmem>>)
      %dma_wait3A_494 = arith.constant 6 : i32
      %dma_wait3A_495 = arith.constant 6 : i32
      %dma_wait3A_496 = arith.constant 0 : i32
      %dma_wait3A_497 = arith.constant 0 : i32
      %dma_wait3A_498 = tpu.memref_slice %arg9[%dma_wait3A_495, %dma_wait3A_496, %dma_wait3A_497] : memref<32x26x64xf32, #tpu.memory_space<vmem>> -> memref<1x26x64xf32, #tpu.memory_space<vmem>>
      %dma_wait3A_499 = tpu.memref_squeeze %dma_wait3A_498 : memref<1x26x64xf32, #tpu.memory_space<vmem>> -> memref<26x64xf32, #tpu.memory_space<vmem>>
      %dma_wait3A_500 = arith.constant 0 : i32
      %dma_wait3A_501 = tpu.memref_slice %arg7[%dma_wait3A_494, %dma_wait3A_500] : memref<32x26xi32, #tpu.memory_space<vmem>> -> memref<1x26xi32, #tpu.memory_space<vmem>>
      %dma_wait3A_502 = tpu.memref_squeeze %dma_wait3A_501 : memref<1x26xi32, #tpu.memory_space<vmem>> -> memref<26xi32, #tpu.memory_space<vmem>>
      %dma_wait3A_503 = arith.constant 0 : i32
      %dma_wait3A_504 = arith.constant 0 : i32
      %dma_wait3A_505 = tpu.memref_slice %arg4[%dma_wait3A_503, %dma_wait3A_504] : memref<999936x64xf32, #tpu.memory_space<hbm>> -> memref<999936x64xf32, #tpu.memory_space<hbm>>
      tpu.wait_indirect_dma semaphore(%arg12 : memref<!tpu.dma_semaphore, #tpu.memory_space<semaphore_mem>>) src(%dma_wait3A_505 : memref<999936x64xf32, #tpu.memory_space<hbm>>) dst(%dma_wait3A_499 : memref<26x64xf32, #tpu.memory_space<vmem>>)
      %dma_wait3A_506 = arith.constant 7 : i32
      %dma_wait3A_507 = arith.constant 7 : i32
      %dma_wait3A_508 = arith.constant 0 : i32
      %dma_wait3A_509 = arith.constant 0 : i32
      %dma_wait3A_510 = tpu.memref_slice %arg9[%dma_wait3A_507, %dma_wait3A_508, %dma_wait3A_509] : memref<32x26x64xf32, #tpu.memory_space<vmem>> -> memref<1x26x64xf32, #tpu.memory_space<vmem>>
      %dma_wait3A_511 = tpu.memref_squeeze %dma_wait3A_510 : memref<1x26x64xf32, #tpu.memory_space<vmem>> -> memref<26x64xf32, #tpu.memory_space<vmem>>
      %dma_wait3A_512 = arith.constant 0 : i32
      %dma_wait3A_513 = tpu.memref_slice %arg7[%dma_wait3A_506, %dma_wait3A_512] : memref<32x26xi32, #tpu.memory_space<vmem>> -> memref<1x26xi32, #tpu.memory_space<vmem>>
      %dma_wait3A_514 = tpu.memref_squeeze %dma_wait3A_513 : memref<1x26xi32, #tpu.memory_space<vmem>> -> memref<26xi32, #tpu.memory_space<vmem>>
      %dma_wait3A_515 = arith.constant 0 : i32
      %dma_wait3A_516 = arith.constant 0 : i32
      %dma_wait3A_517 = tpu.memref_slice %arg4[%dma_wait3A_515, %dma_wait3A_516] : memref<999936x64xf32, #tpu.memory_space<hbm>> -> memref<999936x64xf32, #tpu.memory_space<hbm>>
      tpu.wait_indirect_dma semaphore(%arg12 : memref<!tpu.dma_semaphore, #tpu.memory_space<semaphore_mem>>) src(%dma_wait3A_517 : memref<999936x64xf32, #tpu.memory_space<hbm>>) dst(%dma_wait3A_511 : memref<26x64xf32, #tpu.memory_space<vmem>>)
      %dma_wait3A_518 = arith.constant 8 : i32
      %dma_wait3A_519 = arith.constant 8 : i32
      %dma_wait3A_520 = arith.constant 0 : i32
      %dma_wait3A_521 = arith.constant 0 : i32
      %dma_wait3A_522 = tpu.memref_slice %arg9[%dma_wait3A_519, %dma_wait3A_520, %dma_wait3A_521] : memref<32x26x64xf32, #tpu.memory_space<vmem>> -> memref<1x26x64xf32, #tpu.memory_space<vmem>>
      %dma_wait3A_523 = tpu.memref_squeeze %dma_wait3A_522 : memref<1x26x64xf32, #tpu.memory_space<vmem>> -> memref<26x64xf32, #tpu.memory_space<vmem>>
      %dma_wait3A_524 = arith.constant 0 : i32
      %dma_wait3A_525 = tpu.memref_slice %arg7[%dma_wait3A_518, %dma_wait3A_524] : memref<32x26xi32, #tpu.memory_space<vmem>> -> memref<1x26xi32, #tpu.memory_space<vmem>>
      %dma_wait3A_526 = tpu.memref_squeeze %dma_wait3A_525 : memref<1x26xi32, #tpu.memory_space<vmem>> -> memref<26xi32, #tpu.memory_space<vmem>>
      %dma_wait3A_527 = arith.constant 0 : i32
      %dma_wait3A_528 = arith.constant 0 : i32
      %dma_wait3A_529 = tpu.memref_slice %arg4[%dma_wait3A_527, %dma_wait3A_528] : memref<999936x64xf32, #tpu.memory_space<hbm>> -> memref<999936x64xf32, #tpu.memory_space<hbm>>
      tpu.wait_indirect_dma semaphore(%arg12 : memref<!tpu.dma_semaphore, #tpu.memory_space<semaphore_mem>>) src(%dma_wait3A_529 : memref<999936x64xf32, #tpu.memory_space<hbm>>) dst(%dma_wait3A_523 : memref<26x64xf32, #tpu.memory_space<vmem>>)
      %dma_wait3A_530 = arith.constant 9 : i32
      %dma_wait3A_531 = arith.constant 9 : i32
      %dma_wait3A_532 = arith.constant 0 : i32
      %dma_wait3A_533 = arith.constant 0 : i32
      %dma_wait3A_534 = tpu.memref_slice %arg9[%dma_wait3A_531, %dma_wait3A_532, %dma_wait3A_533] : memref<32x26x64xf32, #tpu.memory_space<vmem>> -> memref<1x26x64xf32, #tpu.memory_space<vmem>>
      %dma_wait3A_535 = tpu.memref_squeeze %dma_wait3A_534 : memref<1x26x64xf32, #tpu.memory_space<vmem>> -> memref<26x64xf32, #tpu.memory_space<vmem>>
      %dma_wait3A_536 = arith.constant 0 : i32
      %dma_wait3A_537 = tpu.memref_slice %arg7[%dma_wait3A_530, %dma_wait3A_536] : memref<32x26xi32, #tpu.memory_space<vmem>> -> memref<1x26xi32, #tpu.memory_space<vmem>>
      %dma_wait3A_538 = tpu.memref_squeeze %dma_wait3A_537 : memref<1x26xi32, #tpu.memory_space<vmem>> -> memref<26xi32, #tpu.memory_space<vmem>>
      %dma_wait3A_539 = arith.constant 0 : i32
      %dma_wait3A_540 = arith.constant 0 : i32
      %dma_wait3A_541 = tpu.memref_slice %arg4[%dma_wait3A_539, %dma_wait3A_540] : memref<999936x64xf32, #tpu.memory_space<hbm>> -> memref<999936x64xf32, #tpu.memory_space<hbm>>
      tpu.wait_indirect_dma semaphore(%arg12 : memref<!tpu.dma_semaphore, #tpu.memory_space<semaphore_mem>>) src(%dma_wait3A_541 : memref<999936x64xf32, #tpu.memory_space<hbm>>) dst(%dma_wait3A_535 : memref<26x64xf32, #tpu.memory_space<vmem>>)
      %dma_wait3A_542 = arith.constant 10 : i32
      %dma_wait3A_543 = arith.constant 10 : i32
      %dma_wait3A_544 = arith.constant 0 : i32
      %dma_wait3A_545 = arith.constant 0 : i32
      %dma_wait3A_546 = tpu.memref_slice %arg9[%dma_wait3A_543, %dma_wait3A_544, %dma_wait3A_545] : memref<32x26x64xf32, #tpu.memory_space<vmem>> -> memref<1x26x64xf32, #tpu.memory_space<vmem>>
      %dma_wait3A_547 = tpu.memref_squeeze %dma_wait3A_546 : memref<1x26x64xf32, #tpu.memory_space<vmem>> -> memref<26x64xf32, #tpu.memory_space<vmem>>
      %dma_wait3A_548 = arith.constant 0 : i32
      %dma_wait3A_549 = tpu.memref_slice %arg7[%dma_wait3A_542, %dma_wait3A_548] : memref<32x26xi32, #tpu.memory_space<vmem>> -> memref<1x26xi32, #tpu.memory_space<vmem>>
      %dma_wait3A_550 = tpu.memref_squeeze %dma_wait3A_549 : memref<1x26xi32, #tpu.memory_space<vmem>> -> memref<26xi32, #tpu.memory_space<vmem>>
      %dma_wait3A_551 = arith.constant 0 : i32
      %dma_wait3A_552 = arith.constant 0 : i32
      %dma_wait3A_553 = tpu.memref_slice %arg4[%dma_wait3A_551, %dma_wait3A_552] : memref<999936x64xf32, #tpu.memory_space<hbm>> -> memref<999936x64xf32, #tpu.memory_space<hbm>>
      tpu.wait_indirect_dma semaphore(%arg12 : memref<!tpu.dma_semaphore, #tpu.memory_space<semaphore_mem>>) src(%dma_wait3A_553 : memref<999936x64xf32, #tpu.memory_space<hbm>>) dst(%dma_wait3A_547 : memref<26x64xf32, #tpu.memory_space<vmem>>)
      %dma_wait3A_554 = arith.constant 11 : i32
      %dma_wait3A_555 = arith.constant 11 : i32
      %dma_wait3A_556 = arith.constant 0 : i32
      %dma_wait3A_557 = arith.constant 0 : i32
      %dma_wait3A_558 = tpu.memref_slice %arg9[%dma_wait3A_555, %dma_wait3A_556, %dma_wait3A_557] : memref<32x26x64xf32, #tpu.memory_space<vmem>> -> memref<1x26x64xf32, #tpu.memory_space<vmem>>
      %dma_wait3A_559 = tpu.memref_squeeze %dma_wait3A_558 : memref<1x26x64xf32, #tpu.memory_space<vmem>> -> memref<26x64xf32, #tpu.memory_space<vmem>>
      %dma_wait3A_560 = arith.constant 0 : i32
      %dma_wait3A_561 = tpu.memref_slice %arg7[%dma_wait3A_554, %dma_wait3A_560] : memref<32x26xi32, #tpu.memory_space<vmem>> -> memref<1x26xi32, #tpu.memory_space<vmem>>
      %dma_wait3A_562 = tpu.memref_squeeze %dma_wait3A_561 : memref<1x26xi32, #tpu.memory_space<vmem>> -> memref<26xi32, #tpu.memory_space<vmem>>
      %dma_wait3A_563 = arith.constant 0 : i32
      %dma_wait3A_564 = arith.constant 0 : i32
      %dma_wait3A_565 = tpu.memref_slice %arg4[%dma_wait3A_563, %dma_wait3A_564] : memref<999936x64xf32, #tpu.memory_space<hbm>> -> memref<999936x64xf32, #tpu.memory_space<hbm>>
      tpu.wait_indirect_dma semaphore(%arg12 : memref<!tpu.dma_semaphore, #tpu.memory_space<semaphore_mem>>) src(%dma_wait3A_565 : memref<999936x64xf32, #tpu.memory_space<hbm>>) dst(%dma_wait3A_559 : memref<26x64xf32, #tpu.memory_space<vmem>>)
      %dma_wait3A_566 = arith.constant 12 : i32
      %dma_wait3A_567 = arith.constant 12 : i32
      %dma_wait3A_568 = arith.constant 0 : i32
      %dma_wait3A_569 = arith.constant 0 : i32
      %dma_wait3A_570 = tpu.memref_slice %arg9[%dma_wait3A_567, %dma_wait3A_568, %dma_wait3A_569] : memref<32x26x64xf32, #tpu.memory_space<vmem>> -> memref<1x26x64xf32, #tpu.memory_space<vmem>>
      %dma_wait3A_571 = tpu.memref_squeeze %dma_wait3A_570 : memref<1x26x64xf32, #tpu.memory_space<vmem>> -> memref<26x64xf32, #tpu.memory_space<vmem>>
      %dma_wait3A_572 = arith.constant 0 : i32
      %dma_wait3A_573 = tpu.memref_slice %arg7[%dma_wait3A_566, %dma_wait3A_572] : memref<32x26xi32, #tpu.memory_space<vmem>> -> memref<1x26xi32, #tpu.memory_space<vmem>>
      %dma_wait3A_574 = tpu.memref_squeeze %dma_wait3A_573 : memref<1x26xi32, #tpu.memory_space<vmem>> -> memref<26xi32, #tpu.memory_space<vmem>>
      %dma_wait3A_575 = arith.constant 0 : i32
      %dma_wait3A_576 = arith.constant 0 : i32
      %dma_wait3A_577 = tpu.memref_slice %arg4[%dma_wait3A_575, %dma_wait3A_576] : memref<999936x64xf32, #tpu.memory_space<hbm>> -> memref<999936x64xf32, #tpu.memory_space<hbm>>
      tpu.wait_indirect_dma semaphore(%arg12 : memref<!tpu.dma_semaphore, #tpu.memory_space<semaphore_mem>>) src(%dma_wait3A_577 : memref<999936x64xf32, #tpu.memory_space<hbm>>) dst(%dma_wait3A_571 : memref<26x64xf32, #tpu.memory_space<vmem>>)
      %dma_wait3A_578 = arith.constant 13 : i32
      %dma_wait3A_579 = arith.constant 13 : i32
      %dma_wait3A_580 = arith.constant 0 : i32
      %dma_wait3A_581 = arith.constant 0 : i32
      %dma_wait3A_582 = tpu.memref_slice %arg9[%dma_wait3A_579, %dma_wait3A_580, %dma_wait3A_581] : memref<32x26x64xf32, #tpu.memory_space<vmem>> -> memref<1x26x64xf32, #tpu.memory_space<vmem>>
      %dma_wait3A_583 = tpu.memref_squeeze %dma_wait3A_582 : memref<1x26x64xf32, #tpu.memory_space<vmem>> -> memref<26x64xf32, #tpu.memory_space<vmem>>
      %dma_wait3A_584 = arith.constant 0 : i32
      %dma_wait3A_585 = tpu.memref_slice %arg7[%dma_wait3A_578, %dma_wait3A_584] : memref<32x26xi32, #tpu.memory_space<vmem>> -> memref<1x26xi32, #tpu.memory_space<vmem>>
      %dma_wait3A_586 = tpu.memref_squeeze %dma_wait3A_585 : memref<1x26xi32, #tpu.memory_space<vmem>> -> memref<26xi32, #tpu.memory_space<vmem>>
      %dma_wait3A_587 = arith.constant 0 : i32
      %dma_wait3A_588 = arith.constant 0 : i32
      %dma_wait3A_589 = tpu.memref_slice %arg4[%dma_wait3A_587, %dma_wait3A_588] : memref<999936x64xf32, #tpu.memory_space<hbm>> -> memref<999936x64xf32, #tpu.memory_space<hbm>>
      tpu.wait_indirect_dma semaphore(%arg12 : memref<!tpu.dma_semaphore, #tpu.memory_space<semaphore_mem>>) src(%dma_wait3A_589 : memref<999936x64xf32, #tpu.memory_space<hbm>>) dst(%dma_wait3A_583 : memref<26x64xf32, #tpu.memory_space<vmem>>)
      %dma_wait3A_590 = arith.constant 14 : i32
      %dma_wait3A_591 = arith.constant 14 : i32
      %dma_wait3A_592 = arith.constant 0 : i32
      %dma_wait3A_593 = arith.constant 0 : i32
      %dma_wait3A_594 = tpu.memref_slice %arg9[%dma_wait3A_591, %dma_wait3A_592, %dma_wait3A_593] : memref<32x26x64xf32, #tpu.memory_space<vmem>> -> memref<1x26x64xf32, #tpu.memory_space<vmem>>
      %dma_wait3A_595 = tpu.memref_squeeze %dma_wait3A_594 : memref<1x26x64xf32, #tpu.memory_space<vmem>> -> memref<26x64xf32, #tpu.memory_space<vmem>>
      %dma_wait3A_596 = arith.constant 0 : i32
      %dma_wait3A_597 = tpu.memref_slice %arg7[%dma_wait3A_590, %dma_wait3A_596] : memref<32x26xi32, #tpu.memory_space<vmem>> -> memref<1x26xi32, #tpu.memory_space<vmem>>
      %dma_wait3A_598 = tpu.memref_squeeze %dma_wait3A_597 : memref<1x26xi32, #tpu.memory_space<vmem>> -> memref<26xi32, #tpu.memory_space<vmem>>
      %dma_wait3A_599 = arith.constant 0 : i32
      %dma_wait3A_600 = arith.constant 0 : i32
      %dma_wait3A_601 = tpu.memref_slice %arg4[%dma_wait3A_599, %dma_wait3A_600] : memref<999936x64xf32, #tpu.memory_space<hbm>> -> memref<999936x64xf32, #tpu.memory_space<hbm>>
      tpu.wait_indirect_dma semaphore(%arg12 : memref<!tpu.dma_semaphore, #tpu.memory_space<semaphore_mem>>) src(%dma_wait3A_601 : memref<999936x64xf32, #tpu.memory_space<hbm>>) dst(%dma_wait3A_595 : memref<26x64xf32, #tpu.memory_space<vmem>>)
      %dma_wait3A_602 = arith.constant 15 : i32
      %dma_wait3A_603 = arith.constant 15 : i32
      %dma_wait3A_604 = arith.constant 0 : i32
      %dma_wait3A_605 = arith.constant 0 : i32
      %dma_wait3A_606 = tpu.memref_slice %arg9[%dma_wait3A_603, %dma_wait3A_604, %dma_wait3A_605] : memref<32x26x64xf32, #tpu.memory_space<vmem>> -> memref<1x26x64xf32, #tpu.memory_space<vmem>>
      %dma_wait3A_607 = tpu.memref_squeeze %dma_wait3A_606 : memref<1x26x64xf32, #tpu.memory_space<vmem>> -> memref<26x64xf32, #tpu.memory_space<vmem>>
      %dma_wait3A_608 = arith.constant 0 : i32
      %dma_wait3A_609 = tpu.memref_slice %arg7[%dma_wait3A_602, %dma_wait3A_608] : memref<32x26xi32, #tpu.memory_space<vmem>> -> memref<1x26xi32, #tpu.memory_space<vmem>>
      %dma_wait3A_610 = tpu.memref_squeeze %dma_wait3A_609 : memref<1x26xi32, #tpu.memory_space<vmem>> -> memref<26xi32, #tpu.memory_space<vmem>>
      %dma_wait3A_611 = arith.constant 0 : i32
      %dma_wait3A_612 = arith.constant 0 : i32
      %dma_wait3A_613 = tpu.memref_slice %arg4[%dma_wait3A_611, %dma_wait3A_612] : memref<999936x64xf32, #tpu.memory_space<hbm>> -> memref<999936x64xf32, #tpu.memory_space<hbm>>
      tpu.wait_indirect_dma semaphore(%arg12 : memref<!tpu.dma_semaphore, #tpu.memory_space<semaphore_mem>>) src(%dma_wait3A_613 : memref<999936x64xf32, #tpu.memory_space<hbm>>) dst(%dma_wait3A_607 : memref<26x64xf32, #tpu.memory_space<vmem>>)
      %dma_wait3A_614 = arith.constant 16 : i32
      %dma_wait3A_615 = arith.constant 16 : i32
      %dma_wait3A_616 = arith.constant 0 : i32
      %dma_wait3A_617 = arith.constant 0 : i32
      %dma_wait3A_618 = tpu.memref_slice %arg9[%dma_wait3A_615, %dma_wait3A_616, %dma_wait3A_617] : memref<32x26x64xf32, #tpu.memory_space<vmem>> -> memref<1x26x64xf32, #tpu.memory_space<vmem>>
      %dma_wait3A_619 = tpu.memref_squeeze %dma_wait3A_618 : memref<1x26x64xf32, #tpu.memory_space<vmem>> -> memref<26x64xf32, #tpu.memory_space<vmem>>
      %dma_wait3A_620 = arith.constant 0 : i32
      %dma_wait3A_621 = tpu.memref_slice %arg7[%dma_wait3A_614, %dma_wait3A_620] : memref<32x26xi32, #tpu.memory_space<vmem>> -> memref<1x26xi32, #tpu.memory_space<vmem>>
      %dma_wait3A_622 = tpu.memref_squeeze %dma_wait3A_621 : memref<1x26xi32, #tpu.memory_space<vmem>> -> memref<26xi32, #tpu.memory_space<vmem>>
      %dma_wait3A_623 = arith.constant 0 : i32
      %dma_wait3A_624 = arith.constant 0 : i32
      %dma_wait3A_625 = tpu.memref_slice %arg4[%dma_wait3A_623, %dma_wait3A_624] : memref<999936x64xf32, #tpu.memory_space<hbm>> -> memref<999936x64xf32, #tpu.memory_space<hbm>>
      tpu.wait_indirect_dma semaphore(%arg12 : memref<!tpu.dma_semaphore, #tpu.memory_space<semaphore_mem>>) src(%dma_wait3A_625 : memref<999936x64xf32, #tpu.memory_space<hbm>>) dst(%dma_wait3A_619 : memref<26x64xf32, #tpu.memory_space<vmem>>)
      %dma_wait3A_626 = arith.constant 17 : i32
      %dma_wait3A_627 = arith.constant 17 : i32
      %dma_wait3A_628 = arith.constant 0 : i32
      %dma_wait3A_629 = arith.constant 0 : i32
      %dma_wait3A_630 = tpu.memref_slice %arg9[%dma_wait3A_627, %dma_wait3A_628, %dma_wait3A_629] : memref<32x26x64xf32, #tpu.memory_space<vmem>> -> memref<1x26x64xf32, #tpu.memory_space<vmem>>
      %dma_wait3A_631 = tpu.memref_squeeze %dma_wait3A_630 : memref<1x26x64xf32, #tpu.memory_space<vmem>> -> memref<26x64xf32, #tpu.memory_space<vmem>>
      %dma_wait3A_632 = arith.constant 0 : i32
      %dma_wait3A_633 = tpu.memref_slice %arg7[%dma_wait3A_626, %dma_wait3A_632] : memref<32x26xi32, #tpu.memory_space<vmem>> -> memref<1x26xi32, #tpu.memory_space<vmem>>
      %dma_wait3A_634 = tpu.memref_squeeze %dma_wait3A_633 : memref<1x26xi32, #tpu.memory_space<vmem>> -> memref<26xi32, #tpu.memory_space<vmem>>
      %dma_wait3A_635 = arith.constant 0 : i32
      %dma_wait3A_636 = arith.constant 0 : i32
      %dma_wait3A_637 = tpu.memref_slice %arg4[%dma_wait3A_635, %dma_wait3A_636] : memref<999936x64xf32, #tpu.memory_space<hbm>> -> memref<999936x64xf32, #tpu.memory_space<hbm>>
      tpu.wait_indirect_dma semaphore(%arg12 : memref<!tpu.dma_semaphore, #tpu.memory_space<semaphore_mem>>) src(%dma_wait3A_637 : memref<999936x64xf32, #tpu.memory_space<hbm>>) dst(%dma_wait3A_631 : memref<26x64xf32, #tpu.memory_space<vmem>>)
      %dma_wait3A_638 = arith.constant 18 : i32
      %dma_wait3A_639 = arith.constant 18 : i32
      %dma_wait3A_640 = arith.constant 0 : i32
      %dma_wait3A_641 = arith.constant 0 : i32
      %dma_wait3A_642 = tpu.memref_slice %arg9[%dma_wait3A_639, %dma_wait3A_640, %dma_wait3A_641] : memref<32x26x64xf32, #tpu.memory_space<vmem>> -> memref<1x26x64xf32, #tpu.memory_space<vmem>>
      %dma_wait3A_643 = tpu.memref_squeeze %dma_wait3A_642 : memref<1x26x64xf32, #tpu.memory_space<vmem>> -> memref<26x64xf32, #tpu.memory_space<vmem>>
      %dma_wait3A_644 = arith.constant 0 : i32
      %dma_wait3A_645 = tpu.memref_slice %arg7[%dma_wait3A_638, %dma_wait3A_644] : memref<32x26xi32, #tpu.memory_space<vmem>> -> memref<1x26xi32, #tpu.memory_space<vmem>>
      %dma_wait3A_646 = tpu.memref_squeeze %dma_wait3A_645 : memref<1x26xi32, #tpu.memory_space<vmem>> -> memref<26xi32, #tpu.memory_space<vmem>>
      %dma_wait3A_647 = arith.constant 0 : i32
      %dma_wait3A_648 = arith.constant 0 : i32
      %dma_wait3A_649 = tpu.memref_slice %arg4[%dma_wait3A_647, %dma_wait3A_648] : memref<999936x64xf32, #tpu.memory_space<hbm>> -> memref<999936x64xf32, #tpu.memory_space<hbm>>
      tpu.wait_indirect_dma semaphore(%arg12 : memref<!tpu.dma_semaphore, #tpu.memory_space<semaphore_mem>>) src(%dma_wait3A_649 : memref<999936x64xf32, #tpu.memory_space<hbm>>) dst(%dma_wait3A_643 : memref<26x64xf32, #tpu.memory_space<vmem>>)
      %dma_wait3A_650 = arith.constant 19 : i32
      %dma_wait3A_651 = arith.constant 19 : i32
      %dma_wait3A_652 = arith.constant 0 : i32
      %dma_wait3A_653 = arith.constant 0 : i32
      %dma_wait3A_654 = tpu.memref_slice %arg9[%dma_wait3A_651, %dma_wait3A_652, %dma_wait3A_653] : memref<32x26x64xf32, #tpu.memory_space<vmem>> -> memref<1x26x64xf32, #tpu.memory_space<vmem>>
      %dma_wait3A_655 = tpu.memref_squeeze %dma_wait3A_654 : memref<1x26x64xf32, #tpu.memory_space<vmem>> -> memref<26x64xf32, #tpu.memory_space<vmem>>
      %dma_wait3A_656 = arith.constant 0 : i32
      %dma_wait3A_657 = tpu.memref_slice %arg7[%dma_wait3A_650, %dma_wait3A_656] : memref<32x26xi32, #tpu.memory_space<vmem>> -> memref<1x26xi32, #tpu.memory_space<vmem>>
      %dma_wait3A_658 = tpu.memref_squeeze %dma_wait3A_657 : memref<1x26xi32, #tpu.memory_space<vmem>> -> memref<26xi32, #tpu.memory_space<vmem>>
      %dma_wait3A_659 = arith.constant 0 : i32
      %dma_wait3A_660 = arith.constant 0 : i32
      %dma_wait3A_661 = tpu.memref_slice %arg4[%dma_wait3A_659, %dma_wait3A_660] : memref<999936x64xf32, #tpu.memory_space<hbm>> -> memref<999936x64xf32, #tpu.memory_space<hbm>>
      tpu.wait_indirect_dma semaphore(%arg12 : memref<!tpu.dma_semaphore, #tpu.memory_space<semaphore_mem>>) src(%dma_wait3A_661 : memref<999936x64xf32, #tpu.memory_space<hbm>>) dst(%dma_wait3A_655 : memref<26x64xf32, #tpu.memory_space<vmem>>)
      %dma_wait3A_662 = arith.constant 20 : i32
      %dma_wait3A_663 = arith.constant 20 : i32
      %dma_wait3A_664 = arith.constant 0 : i32
      %dma_wait3A_665 = arith.constant 0 : i32
      %dma_wait3A_666 = tpu.memref_slice %arg9[%dma_wait3A_663, %dma_wait3A_664, %dma_wait3A_665] : memref<32x26x64xf32, #tpu.memory_space<vmem>> -> memref<1x26x64xf32, #tpu.memory_space<vmem>>
      %dma_wait3A_667 = tpu.memref_squeeze %dma_wait3A_666 : memref<1x26x64xf32, #tpu.memory_space<vmem>> -> memref<26x64xf32, #tpu.memory_space<vmem>>
      %dma_wait3A_668 = arith.constant 0 : i32
      %dma_wait3A_669 = tpu.memref_slice %arg7[%dma_wait3A_662, %dma_wait3A_668] : memref<32x26xi32, #tpu.memory_space<vmem>> -> memref<1x26xi32, #tpu.memory_space<vmem>>
      %dma_wait3A_670 = tpu.memref_squeeze %dma_wait3A_669 : memref<1x26xi32, #tpu.memory_space<vmem>> -> memref<26xi32, #tpu.memory_space<vmem>>
      %dma_wait3A_671 = arith.constant 0 : i32
      %dma_wait3A_672 = arith.constant 0 : i32
      %dma_wait3A_673 = tpu.memref_slice %arg4[%dma_wait3A_671, %dma_wait3A_672] : memref<999936x64xf32, #tpu.memory_space<hbm>> -> memref<999936x64xf32, #tpu.memory_space<hbm>>
      tpu.wait_indirect_dma semaphore(%arg12 : memref<!tpu.dma_semaphore, #tpu.memory_space<semaphore_mem>>) src(%dma_wait3A_673 : memref<999936x64xf32, #tpu.memory_space<hbm>>) dst(%dma_wait3A_667 : memref<26x64xf32, #tpu.memory_space<vmem>>)
      %dma_wait3A_674 = arith.constant 21 : i32
      %dma_wait3A_675 = arith.constant 21 : i32
      %dma_wait3A_676 = arith.constant 0 : i32
      %dma_wait3A_677 = arith.constant 0 : i32
      %dma_wait3A_678 = tpu.memref_slice %arg9[%dma_wait3A_675, %dma_wait3A_676, %dma_wait3A_677] : memref<32x26x64xf32, #tpu.memory_space<vmem>> -> memref<1x26x64xf32, #tpu.memory_space<vmem>>
      %dma_wait3A_679 = tpu.memref_squeeze %dma_wait3A_678 : memref<1x26x64xf32, #tpu.memory_space<vmem>> -> memref<26x64xf32, #tpu.memory_space<vmem>>
      %dma_wait3A_680 = arith.constant 0 : i32
      %dma_wait3A_681 = tpu.memref_slice %arg7[%dma_wait3A_674, %dma_wait3A_680] : memref<32x26xi32, #tpu.memory_space<vmem>> -> memref<1x26xi32, #tpu.memory_space<vmem>>
      %dma_wait3A_682 = tpu.memref_squeeze %dma_wait3A_681 : memref<1x26xi32, #tpu.memory_space<vmem>> -> memref<26xi32, #tpu.memory_space<vmem>>
      %dma_wait3A_683 = arith.constant 0 : i32
      %dma_wait3A_684 = arith.constant 0 : i32
      %dma_wait3A_685 = tpu.memref_slice %arg4[%dma_wait3A_683, %dma_wait3A_684] : memref<999936x64xf32, #tpu.memory_space<hbm>> -> memref<999936x64xf32, #tpu.memory_space<hbm>>
      tpu.wait_indirect_dma semaphore(%arg12 : memref<!tpu.dma_semaphore, #tpu.memory_space<semaphore_mem>>) src(%dma_wait3A_685 : memref<999936x64xf32, #tpu.memory_space<hbm>>) dst(%dma_wait3A_679 : memref<26x64xf32, #tpu.memory_space<vmem>>)
      %dma_wait3A_686 = arith.constant 22 : i32
      %dma_wait3A_687 = arith.constant 22 : i32
      %dma_wait3A_688 = arith.constant 0 : i32
      %dma_wait3A_689 = arith.constant 0 : i32
      %dma_wait3A_690 = tpu.memref_slice %arg9[%dma_wait3A_687, %dma_wait3A_688, %dma_wait3A_689] : memref<32x26x64xf32, #tpu.memory_space<vmem>> -> memref<1x26x64xf32, #tpu.memory_space<vmem>>
      %dma_wait3A_691 = tpu.memref_squeeze %dma_wait3A_690 : memref<1x26x64xf32, #tpu.memory_space<vmem>> -> memref<26x64xf32, #tpu.memory_space<vmem>>
      %dma_wait3A_692 = arith.constant 0 : i32
      %dma_wait3A_693 = tpu.memref_slice %arg7[%dma_wait3A_686, %dma_wait3A_692] : memref<32x26xi32, #tpu.memory_space<vmem>> -> memref<1x26xi32, #tpu.memory_space<vmem>>
      %dma_wait3A_694 = tpu.memref_squeeze %dma_wait3A_693 : memref<1x26xi32, #tpu.memory_space<vmem>> -> memref<26xi32, #tpu.memory_space<vmem>>
      %dma_wait3A_695 = arith.constant 0 : i32
      %dma_wait3A_696 = arith.constant 0 : i32
      %dma_wait3A_697 = tpu.memref_slice %arg4[%dma_wait3A_695, %dma_wait3A_696] : memref<999936x64xf32, #tpu.memory_space<hbm>> -> memref<999936x64xf32, #tpu.memory_space<hbm>>
      tpu.wait_indirect_dma semaphore(%arg12 : memref<!tpu.dma_semaphore, #tpu.memory_space<semaphore_mem>>) src(%dma_wait3A_697 : memref<999936x64xf32, #tpu.memory_space<hbm>>) dst(%dma_wait3A_691 : memref<26x64xf32, #tpu.memory_space<vmem>>)
      %dma_wait3A_698 = arith.constant 23 : i32
      %dma_wait3A_699 = arith.constant 23 : i32
      %dma_wait3A_700 = arith.constant 0 : i32
      %dma_wait3A_701 = arith.constant 0 : i32
      %dma_wait3A_702 = tpu.memref_slice %arg9[%dma_wait3A_699, %dma_wait3A_700, %dma_wait3A_701] : memref<32x26x64xf32, #tpu.memory_space<vmem>> -> memref<1x26x64xf32, #tpu.memory_space<vmem>>
      %dma_wait3A_703 = tpu.memref_squeeze %dma_wait3A_702 : memref<1x26x64xf32, #tpu.memory_space<vmem>> -> memref<26x64xf32, #tpu.memory_space<vmem>>
      %dma_wait3A_704 = arith.constant 0 : i32
      %dma_wait3A_705 = tpu.memref_slice %arg7[%dma_wait3A_698, %dma_wait3A_704] : memref<32x26xi32, #tpu.memory_space<vmem>> -> memref<1x26xi32, #tpu.memory_space<vmem>>
      %dma_wait3A_706 = tpu.memref_squeeze %dma_wait3A_705 : memref<1x26xi32, #tpu.memory_space<vmem>> -> memref<26xi32, #tpu.memory_space<vmem>>
      %dma_wait3A_707 = arith.constant 0 : i32
      %dma_wait3A_708 = arith.constant 0 : i32
      %dma_wait3A_709 = tpu.memref_slice %arg4[%dma_wait3A_707, %dma_wait3A_708] : memref<999936x64xf32, #tpu.memory_space<hbm>> -> memref<999936x64xf32, #tpu.memory_space<hbm>>
      tpu.wait_indirect_dma semaphore(%arg12 : memref<!tpu.dma_semaphore, #tpu.memory_space<semaphore_mem>>) src(%dma_wait3A_709 : memref<999936x64xf32, #tpu.memory_space<hbm>>) dst(%dma_wait3A_703 : memref<26x64xf32, #tpu.memory_space<vmem>>)
      %dma_wait3A_710 = arith.constant 24 : i32
      %dma_wait3A_711 = arith.constant 24 : i32
      %dma_wait3A_712 = arith.constant 0 : i32
      %dma_wait3A_713 = arith.constant 0 : i32
      %dma_wait3A_714 = tpu.memref_slice %arg9[%dma_wait3A_711, %dma_wait3A_712, %dma_wait3A_713] : memref<32x26x64xf32, #tpu.memory_space<vmem>> -> memref<1x26x64xf32, #tpu.memory_space<vmem>>
      %dma_wait3A_715 = tpu.memref_squeeze %dma_wait3A_714 : memref<1x26x64xf32, #tpu.memory_space<vmem>> -> memref<26x64xf32, #tpu.memory_space<vmem>>
      %dma_wait3A_716 = arith.constant 0 : i32
      %dma_wait3A_717 = tpu.memref_slice %arg7[%dma_wait3A_710, %dma_wait3A_716] : memref<32x26xi32, #tpu.memory_space<vmem>> -> memref<1x26xi32, #tpu.memory_space<vmem>>
      %dma_wait3A_718 = tpu.memref_squeeze %dma_wait3A_717 : memref<1x26xi32, #tpu.memory_space<vmem>> -> memref<26xi32, #tpu.memory_space<vmem>>
      %dma_wait3A_719 = arith.constant 0 : i32
      %dma_wait3A_720 = arith.constant 0 : i32
      %dma_wait3A_721 = tpu.memref_slice %arg4[%dma_wait3A_719, %dma_wait3A_720] : memref<999936x64xf32, #tpu.memory_space<hbm>> -> memref<999936x64xf32, #tpu.memory_space<hbm>>
      tpu.wait_indirect_dma semaphore(%arg12 : memref<!tpu.dma_semaphore, #tpu.memory_space<semaphore_mem>>) src(%dma_wait3A_721 : memref<999936x64xf32, #tpu.memory_space<hbm>>) dst(%dma_wait3A_715 : memref<26x64xf32, #tpu.memory_space<vmem>>)
      %dma_wait3A_722 = arith.constant 25 : i32
      %dma_wait3A_723 = arith.constant 25 : i32
      %dma_wait3A_724 = arith.constant 0 : i32
      %dma_wait3A_725 = arith.constant 0 : i32
      %dma_wait3A_726 = tpu.memref_slice %arg9[%dma_wait3A_723, %dma_wait3A_724, %dma_wait3A_725] : memref<32x26x64xf32, #tpu.memory_space<vmem>> -> memref<1x26x64xf32, #tpu.memory_space<vmem>>
      %dma_wait3A_727 = tpu.memref_squeeze %dma_wait3A_726 : memref<1x26x64xf32, #tpu.memory_space<vmem>> -> memref<26x64xf32, #tpu.memory_space<vmem>>
      %dma_wait3A_728 = arith.constant 0 : i32
      %dma_wait3A_729 = tpu.memref_slice %arg7[%dma_wait3A_722, %dma_wait3A_728] : memref<32x26xi32, #tpu.memory_space<vmem>> -> memref<1x26xi32, #tpu.memory_space<vmem>>
      %dma_wait3A_730 = tpu.memref_squeeze %dma_wait3A_729 : memref<1x26xi32, #tpu.memory_space<vmem>> -> memref<26xi32, #tpu.memory_space<vmem>>
      %dma_wait3A_731 = arith.constant 0 : i32
      %dma_wait3A_732 = arith.constant 0 : i32
      %dma_wait3A_733 = tpu.memref_slice %arg4[%dma_wait3A_731, %dma_wait3A_732] : memref<999936x64xf32, #tpu.memory_space<hbm>> -> memref<999936x64xf32, #tpu.memory_space<hbm>>
      tpu.wait_indirect_dma semaphore(%arg12 : memref<!tpu.dma_semaphore, #tpu.memory_space<semaphore_mem>>) src(%dma_wait3A_733 : memref<999936x64xf32, #tpu.memory_space<hbm>>) dst(%dma_wait3A_727 : memref<26x64xf32, #tpu.memory_space<vmem>>)
      %dma_wait3A_734 = arith.constant 26 : i32
      %dma_wait3A_735 = arith.constant 26 : i32
      %dma_wait3A_736 = arith.constant 0 : i32
      %dma_wait3A_737 = arith.constant 0 : i32
      %dma_wait3A_738 = tpu.memref_slice %arg9[%dma_wait3A_735, %dma_wait3A_736, %dma_wait3A_737] : memref<32x26x64xf32, #tpu.memory_space<vmem>> -> memref<1x26x64xf32, #tpu.memory_space<vmem>>
      %dma_wait3A_739 = tpu.memref_squeeze %dma_wait3A_738 : memref<1x26x64xf32, #tpu.memory_space<vmem>> -> memref<26x64xf32, #tpu.memory_space<vmem>>
      %dma_wait3A_740 = arith.constant 0 : i32
      %dma_wait3A_741 = tpu.memref_slice %arg7[%dma_wait3A_734, %dma_wait3A_740] : memref<32x26xi32, #tpu.memory_space<vmem>> -> memref<1x26xi32, #tpu.memory_space<vmem>>
      %dma_wait3A_742 = tpu.memref_squeeze %dma_wait3A_741 : memref<1x26xi32, #tpu.memory_space<vmem>> -> memref<26xi32, #tpu.memory_space<vmem>>
      %dma_wait3A_743 = arith.constant 0 : i32
      %dma_wait3A_744 = arith.constant 0 : i32
      %dma_wait3A_745 = tpu.memref_slice %arg4[%dma_wait3A_743, %dma_wait3A_744] : memref<999936x64xf32, #tpu.memory_space<hbm>> -> memref<999936x64xf32, #tpu.memory_space<hbm>>
      tpu.wait_indirect_dma semaphore(%arg12 : memref<!tpu.dma_semaphore, #tpu.memory_space<semaphore_mem>>) src(%dma_wait3A_745 : memref<999936x64xf32, #tpu.memory_space<hbm>>) dst(%dma_wait3A_739 : memref<26x64xf32, #tpu.memory_space<vmem>>)
      %dma_wait3A_746 = arith.constant 27 : i32
      %dma_wait3A_747 = arith.constant 27 : i32
      %dma_wait3A_748 = arith.constant 0 : i32
      %dma_wait3A_749 = arith.constant 0 : i32
      %dma_wait3A_750 = tpu.memref_slice %arg9[%dma_wait3A_747, %dma_wait3A_748, %dma_wait3A_749] : memref<32x26x64xf32, #tpu.memory_space<vmem>> -> memref<1x26x64xf32, #tpu.memory_space<vmem>>
      %dma_wait3A_751 = tpu.memref_squeeze %dma_wait3A_750 : memref<1x26x64xf32, #tpu.memory_space<vmem>> -> memref<26x64xf32, #tpu.memory_space<vmem>>
      %dma_wait3A_752 = arith.constant 0 : i32
      %dma_wait3A_753 = tpu.memref_slice %arg7[%dma_wait3A_746, %dma_wait3A_752] : memref<32x26xi32, #tpu.memory_space<vmem>> -> memref<1x26xi32, #tpu.memory_space<vmem>>
      %dma_wait3A_754 = tpu.memref_squeeze %dma_wait3A_753 : memref<1x26xi32, #tpu.memory_space<vmem>> -> memref<26xi32, #tpu.memory_space<vmem>>
      %dma_wait3A_755 = arith.constant 0 : i32
      %dma_wait3A_756 = arith.constant 0 : i32
      %dma_wait3A_757 = tpu.memref_slice %arg4[%dma_wait3A_755, %dma_wait3A_756] : memref<999936x64xf32, #tpu.memory_space<hbm>> -> memref<999936x64xf32, #tpu.memory_space<hbm>>
      tpu.wait_indirect_dma semaphore(%arg12 : memref<!tpu.dma_semaphore, #tpu.memory_space<semaphore_mem>>) src(%dma_wait3A_757 : memref<999936x64xf32, #tpu.memory_space<hbm>>) dst(%dma_wait3A_751 : memref<26x64xf32, #tpu.memory_space<vmem>>)
      %dma_wait3A_758 = arith.constant 28 : i32
      %dma_wait3A_759 = arith.constant 28 : i32
      %dma_wait3A_760 = arith.constant 0 : i32
      %dma_wait3A_761 = arith.constant 0 : i32
      %dma_wait3A_762 = tpu.memref_slice %arg9[%dma_wait3A_759, %dma_wait3A_760, %dma_wait3A_761] : memref<32x26x64xf32, #tpu.memory_space<vmem>> -> memref<1x26x64xf32, #tpu.memory_space<vmem>>
      %dma_wait3A_763 = tpu.memref_squeeze %dma_wait3A_762 : memref<1x26x64xf32, #tpu.memory_space<vmem>> -> memref<26x64xf32, #tpu.memory_space<vmem>>
      %dma_wait3A_764 = arith.constant 0 : i32
      %dma_wait3A_765 = tpu.memref_slice %arg7[%dma_wait3A_758, %dma_wait3A_764] : memref<32x26xi32, #tpu.memory_space<vmem>> -> memref<1x26xi32, #tpu.memory_space<vmem>>
      %dma_wait3A_766 = tpu.memref_squeeze %dma_wait3A_765 : memref<1x26xi32, #tpu.memory_space<vmem>> -> memref<26xi32, #tpu.memory_space<vmem>>
      %dma_wait3A_767 = arith.constant 0 : i32
      %dma_wait3A_768 = arith.constant 0 : i32
      %dma_wait3A_769 = tpu.memref_slice %arg4[%dma_wait3A_767, %dma_wait3A_768] : memref<999936x64xf32, #tpu.memory_space<hbm>> -> memref<999936x64xf32, #tpu.memory_space<hbm>>
      tpu.wait_indirect_dma semaphore(%arg12 : memref<!tpu.dma_semaphore, #tpu.memory_space<semaphore_mem>>) src(%dma_wait3A_769 : memref<999936x64xf32, #tpu.memory_space<hbm>>) dst(%dma_wait3A_763 : memref<26x64xf32, #tpu.memory_space<vmem>>)
      %dma_wait3A_770 = arith.constant 29 : i32
      %dma_wait3A_771 = arith.constant 29 : i32
      %dma_wait3A_772 = arith.constant 0 : i32
      %dma_wait3A_773 = arith.constant 0 : i32
      %dma_wait3A_774 = tpu.memref_slice %arg9[%dma_wait3A_771, %dma_wait3A_772, %dma_wait3A_773] : memref<32x26x64xf32, #tpu.memory_space<vmem>> -> memref<1x26x64xf32, #tpu.memory_space<vmem>>
      %dma_wait3A_775 = tpu.memref_squeeze %dma_wait3A_774 : memref<1x26x64xf32, #tpu.memory_space<vmem>> -> memref<26x64xf32, #tpu.memory_space<vmem>>
      %dma_wait3A_776 = arith.constant 0 : i32
      %dma_wait3A_777 = tpu.memref_slice %arg7[%dma_wait3A_770, %dma_wait3A_776] : memref<32x26xi32, #tpu.memory_space<vmem>> -> memref<1x26xi32, #tpu.memory_space<vmem>>
      %dma_wait3A_778 = tpu.memref_squeeze %dma_wait3A_777 : memref<1x26xi32, #tpu.memory_space<vmem>> -> memref<26xi32, #tpu.memory_space<vmem>>
      %dma_wait3A_779 = arith.constant 0 : i32
      %dma_wait3A_780 = arith.constant 0 : i32
      %dma_wait3A_781 = tpu.memref_slice %arg4[%dma_wait3A_779, %dma_wait3A_780] : memref<999936x64xf32, #tpu.memory_space<hbm>> -> memref<999936x64xf32, #tpu.memory_space<hbm>>
      tpu.wait_indirect_dma semaphore(%arg12 : memref<!tpu.dma_semaphore, #tpu.memory_space<semaphore_mem>>) src(%dma_wait3A_781 : memref<999936x64xf32, #tpu.memory_space<hbm>>) dst(%dma_wait3A_775 : memref<26x64xf32, #tpu.memory_space<vmem>>)
      %dma_wait3A_782 = arith.constant 30 : i32
      %dma_wait3A_783 = arith.constant 30 : i32
      %dma_wait3A_784 = arith.constant 0 : i32
      %dma_wait3A_785 = arith.constant 0 : i32
      %dma_wait3A_786 = tpu.memref_slice %arg9[%dma_wait3A_783, %dma_wait3A_784, %dma_wait3A_785] : memref<32x26x64xf32, #tpu.memory_space<vmem>> -> memref<1x26x64xf32, #tpu.memory_space<vmem>>
      %dma_wait3A_787 = tpu.memref_squeeze %dma_wait3A_786 : memref<1x26x64xf32, #tpu.memory_space<vmem>> -> memref<26x64xf32, #tpu.memory_space<vmem>>
      %dma_wait3A_788 = arith.constant 0 : i32
      %dma_wait3A_789 = tpu.memref_slice %arg7[%dma_wait3A_782, %dma_wait3A_788] : memref<32x26xi32, #tpu.memory_space<vmem>> -> memref<1x26xi32, #tpu.memory_space<vmem>>
      %dma_wait3A_790 = tpu.memref_squeeze %dma_wait3A_789 : memref<1x26xi32, #tpu.memory_space<vmem>> -> memref<26xi32, #tpu.memory_space<vmem>>
      %dma_wait3A_791 = arith.constant 0 : i32
      %dma_wait3A_792 = arith.constant 0 : i32
      %dma_wait3A_793 = tpu.memref_slice %arg4[%dma_wait3A_791, %dma_wait3A_792] : memref<999936x64xf32, #tpu.memory_space<hbm>> -> memref<999936x64xf32, #tpu.memory_space<hbm>>
      tpu.wait_indirect_dma semaphore(%arg12 : memref<!tpu.dma_semaphore, #tpu.memory_space<semaphore_mem>>) src(%dma_wait3A_793 : memref<999936x64xf32, #tpu.memory_space<hbm>>) dst(%dma_wait3A_787 : memref<26x64xf32, #tpu.memory_space<vmem>>)
      %dma_wait3A_794 = arith.constant 31 : i32
      %dma_wait3A_795 = arith.constant 31 : i32
      %dma_wait3A_796 = arith.constant 0 : i32
      %dma_wait3A_797 = arith.constant 0 : i32
      %dma_wait3A_798 = tpu.memref_slice %arg9[%dma_wait3A_795, %dma_wait3A_796, %dma_wait3A_797] : memref<32x26x64xf32, #tpu.memory_space<vmem>> -> memref<1x26x64xf32, #tpu.memory_space<vmem>>
      %dma_wait3A_799 = tpu.memref_squeeze %dma_wait3A_798 : memref<1x26x64xf32, #tpu.memory_space<vmem>> -> memref<26x64xf32, #tpu.memory_space<vmem>>
      %dma_wait3A_800 = arith.constant 0 : i32
      %dma_wait3A_801 = tpu.memref_slice %arg7[%dma_wait3A_794, %dma_wait3A_800] : memref<32x26xi32, #tpu.memory_space<vmem>> -> memref<1x26xi32, #tpu.memory_space<vmem>>
      %dma_wait3A_802 = tpu.memref_squeeze %dma_wait3A_801 : memref<1x26xi32, #tpu.memory_space<vmem>> -> memref<26xi32, #tpu.memory_space<vmem>>
      %dma_wait3A_803 = arith.constant 0 : i32
      %dma_wait3A_804 = arith.constant 0 : i32
      %dma_wait3A_805 = tpu.memref_slice %arg4[%dma_wait3A_803, %dma_wait3A_804] : memref<999936x64xf32, #tpu.memory_space<hbm>> -> memref<999936x64xf32, #tpu.memory_space<hbm>>
      tpu.wait_indirect_dma semaphore(%arg12 : memref<!tpu.dma_semaphore, #tpu.memory_space<semaphore_mem>>) src(%dma_wait3A_805 : memref<999936x64xf32, #tpu.memory_space<hbm>>) dst(%dma_wait3A_799 : memref<26x64xf32, #tpu.memory_space<vmem>>)
      %scan3A_806 = arith.constant 0 : i32
      %scan3A_807 = arith.constant 0 : i32
      %scan3A_808 = arith.constant 52 : i32
      %scan3A_809 = arith.addi %scan3A_807, %scan3A_808 : i32
      %scan3A_810 = arith.constant 1 : i32
      scf.for %scan3A_1618 = %scan3A_807 to %scan3A_809 step %scan3A_810  : i32 {
        %mul3A_1619 = arith.constant 16 : i32
        %mul3A_1620 = arith.muli %scan3A_1618, %mul3A_1619 : i32
        %iota3A = tpu.iota {dimensions = array<i32: 0>} : vector<16xi32>
        %add3A_1621 = vector.broadcast %mul3A_1620 : i32 to vector<16xi32>
        %add3A_1622 = arith.addi %add3A_1621, %iota3A : vector<16xi32>
        %jit3A = arith.constant 26 : i32
        %div3A = vector.broadcast %jit3A : i32 to vector<16xi32>
        %div3A_1623 = arith.divsi %add3A_1622, %div3A : vector<16xi32>
        %sign3A = arith.constant 0 : i32
        %sign3A_1624 = vector.broadcast %sign3A : i32 to vector<16xi32>
        %sign3A_1625 = arith.cmpi sgt, %add3A_1622, %sign3A_1624 : vector<16xi32>
        %sign3A_1626 = arith.extui %sign3A_1625 : vector<16xi1> to vector<16xi32>
        %sign3A_1627 = arith.constant 0 : i32
        %sign3A_1628 = vector.broadcast %sign3A_1627 : i32 to vector<16xi32>
        %sign3A_1629 = arith.cmpi slt, %add3A_1622, %sign3A_1628 : vector<16xi32>
        %sign3A_1630 = arith.extui %sign3A_1629 : vector<16xi1> to vector<16xi32>
        %sign3A_1631 = arith.subi %sign3A_1626, %sign3A_1630 : vector<16xi32>
        %sign3A_1632 = arith.constant 0 : i32
        %sign3A_1633 = arith.cmpi sgt, %jit3A, %sign3A_1632 : i32
        %sign3A_1634 = arith.extui %sign3A_1633 : i1 to i32
        %sign3A_1635 = arith.constant 0 : i32
        %sign3A_1636 = arith.cmpi slt, %jit3A, %sign3A_1635 : i32
        %sign3A_1637 = arith.extui %sign3A_1636 : i1 to i32
        %sign3A_1638 = arith.subi %sign3A_1634, %sign3A_1637 : i32
        %ne3A = vector.broadcast %sign3A_1638 : i32 to vector<16xi32>
        %ne3A_1639 = arith.cmpi ne, %sign3A_1631, %ne3A : vector<16xi32>
        %rem3A = vector.broadcast %jit3A : i32 to vector<16xi32>
        %rem3A_1640 = arith.remsi %add3A_1622, %rem3A : vector<16xi32>
        %ne3A_1641 = arith.constant 0 : i32
        %ne3A_1642 = vector.broadcast %ne3A_1641 : i32 to vector<16xi32>
        %ne3A_1643 = arith.cmpi ne, %rem3A_1640, %ne3A_1642 : vector<16xi32>
        %and3A = arith.andi %ne3A_1639, %ne3A_1643 : vector<16xi1>
        %sub3A = arith.constant 1 : i32
        %sub3A_1644 = vector.broadcast %sub3A : i32 to vector<16xi32>
        %sub3A_1645 = arith.subi %div3A_1623, %sub3A_1644 : vector<16xi32>
        %select_n3A = arith.select %and3A, %sub3A_1645, %div3A_1623 : vector<16xi1>, vector<16xi32>
        %jit3A_1646 = arith.constant 26 : i32
        %eq3A = arith.constant 0 : i32
        %eq3A_1647 = arith.cmpi eq, %jit3A_1646, %eq3A : i32
        %jit3A_1648 = arith.constant 1 : i32
        %select_n3A_1649 = arith.select %eq3A_1647, %jit3A_1648, %jit3A_1646 : i32
        %rem3A_1650 = vector.broadcast %select_n3A_1649 : i32 to vector<16xi32>
        %rem3A_1651 = arith.remsi %add3A_1622, %rem3A_1650 : vector<16xi32>
        %ne3A_1652 = arith.constant 0 : i32
        %ne3A_1653 = vector.broadcast %ne3A_1652 : i32 to vector<16xi32>
        %ne3A_1654 = arith.cmpi ne, %rem3A_1651, %ne3A_1653 : vector<16xi32>
        %lt3A = arith.constant 0 : i32
        %lt3A_1655 = vector.broadcast %lt3A : i32 to vector<16xi32>
        %lt3A_1656 = arith.cmpi slt, %rem3A_1651, %lt3A_1655 : vector<16xi32>
        %lt3A_1657 = arith.constant 0 : i32
        %lt3A_1658 = arith.cmpi slt, %select_n3A_1649, %lt3A_1657 : i32
        %ne3A_1659 = vector.broadcast %lt3A_1658 : i1 to vector<16xi1>
        %ne3A_1660 = vector.broadcast %ne3A_1659 : vector<16xi1> to vector<16xi1>
        %ne3A_1661 = arith.xori %lt3A_1656, %ne3A_1660 : vector<16xi1>
        %and3A_1662 = arith.andi %ne3A_1661, %ne3A_1654 : vector<16xi1>
        %add3A_1663 = vector.broadcast %select_n3A_1649 : i32 to vector<16xi32>
        %add3A_1664 = arith.addi %rem3A_1651, %add3A_1663 : vector<16xi32>
        %select_n3A_1665 = arith.select %and3A_1662, %add3A_1664, %rem3A_1651 : vector<16xi1>, vector<16xi32>
        %gather3A = tpu.vector_load_idx %arg6[%select_n3A, %select_n3A_1665] : memref<32x26xi32, #tpu.memory_space<vmem>>[vector<16xi32>, vector<16xi32>], vector<16xi32>,
        %lt3A_1666 = arith.constant 2 : i32
        %lt3A_1667 = vector.broadcast %lt3A_1666 : i32 to vector<16xi32>
        %lt3A_1668 = arith.cmpi slt, %gather3A, %lt3A_1667 : vector<16xi32>
        %ge3A_1669 = arith.constant 999938 : i32
        %ge3A_1670 = vector.broadcast %ge3A_1669 : i32 to vector<16xi32>
        %ge3A_1671 = arith.cmpi sge, %gather3A, %ge3A_1670 : vector<16xi32>
        %or3A = arith.ori %lt3A_1668, %ge3A_1671 : vector<16xi1>
        %all_reduce_population_count3A = tpu.all_reduce %or3A {dim = 0 : i64, kind = #tpu.reduction_kind<sum>} : vector<16xi1> -> vector<16xi32>
        %slice3A = vector.extract_strided_slice %all_reduce_population_count3A {offsets = [0], sizes = [1], strides = [1]} : vector<16xi32> to vector<1xi32>
        %squeeze3A = vector.extract %slice3A[0] : i32 from vector<1xi32>
        %gt3A = arith.constant 0 : i32
        %gt3A_1672 = arith.cmpi sgt, %squeeze3A, %gt3A : i32
        %convert_element_type3A_1673 = arith.extui %gt3A_1672 : i1 to i32
        %cond3A_1674 = arith.constant 0 : i32
        %cond3A_1675 = arith.cmpi ne, %convert_element_type3A_1673, %cond3A_1674 : i32
        scf.if %cond3A_1675 {
          %sub3A_1676 = arith.constant 999936 : i32
          %sub3A_1677 = vector.broadcast %sub3A_1676 : i32 to vector<16xi32>
          %sub3A_1678 = arith.subi %gather3A, %sub3A_1677 : vector<16xi32>
          %select_n3A_1679 = arith.select %lt3A_1668, %gather3A, %sub3A_1678 : vector<16xi1>, vector<16xi32>
          %jit3A_1680 = arith.constant 0 : i32
          %jit3A_1681 = arith.constant 63 : i32
          %max3A = vector.broadcast %jit3A_1680 : i32 to vector<16xi32>
          %max3A_1682 = arith.maxsi %max3A, %select_n3A_1679 : vector<16xi32>
          %min3A = vector.broadcast %jit3A_1681 : i32 to vector<16xi32>
          %min3A_1683 = arith.minsi %min3A, %max3A_1682 : vector<16xi32>
          %broadcast_in_dim3A = arith.constant 0 : i32
          %broadcast_in_dim3A_1684 = vector.broadcast %broadcast_in_dim3A : i32 to vector<16xi32>
          %gather3A_1685 = tpu.vector_load_idx %arg11[%min3A_1683, %broadcast_in_dim3A_1684] masked %or3A : memref<64x64xf32, #tpu.memory_space<vmem>>[vector<16xi32>, vector<16xi32>], vector<16xf32>, vector<16xi1>
          tpu.vector_store_idx %arg9[%select_n3A, %select_n3A_1665, %broadcast_in_dim3A_1684], %gather3A_1685 masked %or3A : memref<32x26x64xf32, #tpu.memory_space<vmem>>[vector<16xi32>, vector<16xi32>, vector<16xi32>], vector<16xf32>, vector<16xi1>
          %broadcast_in_dim3A_1686 = arith.constant 1 : i32
          %broadcast_in_dim3A_1687 = vector.broadcast %broadcast_in_dim3A_1686 : i32 to vector<16xi32>
          %gather3A_1688 = tpu.vector_load_idx %arg11[%min3A_1683, %broadcast_in_dim3A_1687] masked %or3A : memref<64x64xf32, #tpu.memory_space<vmem>>[vector<16xi32>, vector<16xi32>], vector<16xf32>, vector<16xi1>
          tpu.vector_store_idx %arg9[%select_n3A, %select_n3A_1665, %broadcast_in_dim3A_1687], %gather3A_1688 masked %or3A : memref<32x26x64xf32, #tpu.memory_space<vmem>>[vector<16xi32>, vector<16xi32>, vector<16xi32>], vector<16xf32>, vector<16xi1>
          %broadcast_in_dim3A_1689 = arith.constant 2 : i32
          %broadcast_in_dim3A_1690 = vector.broadcast %broadcast_in_dim3A_1689 : i32 to vector<16xi32>
          %gather3A_1691 = tpu.vector_load_idx %arg11[%min3A_1683, %broadcast_in_dim3A_1690] masked %or3A : memref<64x64xf32, #tpu.memory_space<vmem>>[vector<16xi32>, vector<16xi32>], vector<16xf32>, vector<16xi1>
          tpu.vector_store_idx %arg9[%select_n3A, %select_n3A_1665, %broadcast_in_dim3A_1690], %gather3A_1691 masked %or3A : memref<32x26x64xf32, #tpu.memory_space<vmem>>[vector<16xi32>, vector<16xi32>, vector<16xi32>], vector<16xf32>, vector<16xi1>
          %broadcast_in_dim3A_1692 = arith.constant 3 : i32
          %broadcast_in_dim3A_1693 = vector.broadcast %broadcast_in_dim3A_1692 : i32 to vector<16xi32>
          %gather3A_1694 = tpu.vector_load_idx %arg11[%min3A_1683, %broadcast_in_dim3A_1693] masked %or3A : memref<64x64xf32, #tpu.memory_space<vmem>>[vector<16xi32>, vector<16xi32>], vector<16xf32>, vector<16xi1>
          tpu.vector_store_idx %arg9[%select_n3A, %select_n3A_1665, %broadcast_in_dim3A_1693], %gather3A_1694 masked %or3A : memref<32x26x64xf32, #tpu.memory_space<vmem>>[vector<16xi32>, vector<16xi32>, vector<16xi32>], vector<16xf32>, vector<16xi1>
          %broadcast_in_dim3A_1695 = arith.constant 4 : i32
          %broadcast_in_dim3A_1696 = vector.broadcast %broadcast_in_dim3A_1695 : i32 to vector<16xi32>
          %gather3A_1697 = tpu.vector_load_idx %arg11[%min3A_1683, %broadcast_in_dim3A_1696] masked %or3A : memref<64x64xf32, #tpu.memory_space<vmem>>[vector<16xi32>, vector<16xi32>], vector<16xf32>, vector<16xi1>
          tpu.vector_store_idx %arg9[%select_n3A, %select_n3A_1665, %broadcast_in_dim3A_1696], %gather3A_1697 masked %or3A : memref<32x26x64xf32, #tpu.memory_space<vmem>>[vector<16xi32>, vector<16xi32>, vector<16xi32>], vector<16xf32>, vector<16xi1>
          %broadcast_in_dim3A_1698 = arith.constant 5 : i32
          %broadcast_in_dim3A_1699 = vector.broadcast %broadcast_in_dim3A_1698 : i32 to vector<16xi32>
          %gather3A_1700 = tpu.vector_load_idx %arg11[%min3A_1683, %broadcast_in_dim3A_1699] masked %or3A : memref<64x64xf32, #tpu.memory_space<vmem>>[vector<16xi32>, vector<16xi32>], vector<16xf32>, vector<16xi1>
          tpu.vector_store_idx %arg9[%select_n3A, %select_n3A_1665, %broadcast_in_dim3A_1699], %gather3A_1700 masked %or3A : memref<32x26x64xf32, #tpu.memory_space<vmem>>[vector<16xi32>, vector<16xi32>, vector<16xi32>], vector<16xf32>, vector<16xi1>
          %broadcast_in_dim3A_1701 = arith.constant 6 : i32
          %broadcast_in_dim3A_1702 = vector.broadcast %broadcast_in_dim3A_1701 : i32 to vector<16xi32>
          %gather3A_1703 = tpu.vector_load_idx %arg11[%min3A_1683, %broadcast_in_dim3A_1702] masked %or3A : memref<64x64xf32, #tpu.memory_space<vmem>>[vector<16xi32>, vector<16xi32>], vector<16xf32>, vector<16xi1>
          tpu.vector_store_idx %arg9[%select_n3A, %select_n3A_1665, %broadcast_in_dim3A_1702], %gather3A_1703 masked %or3A : memref<32x26x64xf32, #tpu.memory_space<vmem>>[vector<16xi32>, vector<16xi32>, vector<16xi32>], vector<16xf32>, vector<16xi1>
          %broadcast_in_dim3A_1704 = arith.constant 7 : i32
          %broadcast_in_dim3A_1705 = vector.broadcast %broadcast_in_dim3A_1704 : i32 to vector<16xi32>
          %gather3A_1706 = tpu.vector_load_idx %arg11[%min3A_1683, %broadcast_in_dim3A_1705] masked %or3A : memref<64x64xf32, #tpu.memory_space<vmem>>[vector<16xi32>, vector<16xi32>], vector<16xf32>, vector<16xi1>
          tpu.vector_store_idx %arg9[%select_n3A, %select_n3A_1665, %broadcast_in_dim3A_1705], %gather3A_1706 masked %or3A : memref<32x26x64xf32, #tpu.memory_space<vmem>>[vector<16xi32>, vector<16xi32>, vector<16xi32>], vector<16xf32>, vector<16xi1>
          %broadcast_in_dim3A_1707 = arith.constant 8 : i32
          %broadcast_in_dim3A_1708 = vector.broadcast %broadcast_in_dim3A_1707 : i32 to vector<16xi32>
          %gather3A_1709 = tpu.vector_load_idx %arg11[%min3A_1683, %broadcast_in_dim3A_1708] masked %or3A : memref<64x64xf32, #tpu.memory_space<vmem>>[vector<16xi32>, vector<16xi32>], vector<16xf32>, vector<16xi1>
          tpu.vector_store_idx %arg9[%select_n3A, %select_n3A_1665, %broadcast_in_dim3A_1708], %gather3A_1709 masked %or3A : memref<32x26x64xf32, #tpu.memory_space<vmem>>[vector<16xi32>, vector<16xi32>, vector<16xi32>], vector<16xf32>, vector<16xi1>
          %broadcast_in_dim3A_1710 = arith.constant 9 : i32
          %broadcast_in_dim3A_1711 = vector.broadcast %broadcast_in_dim3A_1710 : i32 to vector<16xi32>
          %gather3A_1712 = tpu.vector_load_idx %arg11[%min3A_1683, %broadcast_in_dim3A_1711] masked %or3A : memref<64x64xf32, #tpu.memory_space<vmem>>[vector<16xi32>, vector<16xi32>], vector<16xf32>, vector<16xi1>
          tpu.vector_store_idx %arg9[%select_n3A, %select_n3A_1665, %broadcast_in_dim3A_1711], %gather3A_1712 masked %or3A : memref<32x26x64xf32, #tpu.memory_space<vmem>>[vector<16xi32>, vector<16xi32>, vector<16xi32>], vector<16xf32>, vector<16xi1>
          %broadcast_in_dim3A_1713 = arith.constant 10 : i32
          %broadcast_in_dim3A_1714 = vector.broadcast %broadcast_in_dim3A_1713 : i32 to vector<16xi32>
          %gather3A_1715 = tpu.vector_load_idx %arg11[%min3A_1683, %broadcast_in_dim3A_1714] masked %or3A : memref<64x64xf32, #tpu.memory_space<vmem>>[vector<16xi32>, vector<16xi32>], vector<16xf32>, vector<16xi1>
          tpu.vector_store_idx %arg9[%select_n3A, %select_n3A_1665, %broadcast_in_dim3A_1714], %gather3A_1715 masked %or3A : memref<32x26x64xf32, #tpu.memory_space<vmem>>[vector<16xi32>, vector<16xi32>, vector<16xi32>], vector<16xf32>, vector<16xi1>
          %broadcast_in_dim3A_1716 = arith.constant 11 : i32
          %broadcast_in_dim3A_1717 = vector.broadcast %broadcast_in_dim3A_1716 : i32 to vector<16xi32>
          %gather3A_1718 = tpu.vector_load_idx %arg11[%min3A_1683, %broadcast_in_dim3A_1717] masked %or3A : memref<64x64xf32, #tpu.memory_space<vmem>>[vector<16xi32>, vector<16xi32>], vector<16xf32>, vector<16xi1>
          tpu.vector_store_idx %arg9[%select_n3A, %select_n3A_1665, %broadcast_in_dim3A_1717], %gather3A_1718 masked %or3A : memref<32x26x64xf32, #tpu.memory_space<vmem>>[vector<16xi32>, vector<16xi32>, vector<16xi32>], vector<16xf32>, vector<16xi1>
          %broadcast_in_dim3A_1719 = arith.constant 12 : i32
          %broadcast_in_dim3A_1720 = vector.broadcast %broadcast_in_dim3A_1719 : i32 to vector<16xi32>
          %gather3A_1721 = tpu.vector_load_idx %arg11[%min3A_1683, %broadcast_in_dim3A_1720] masked %or3A : memref<64x64xf32, #tpu.memory_space<vmem>>[vector<16xi32>, vector<16xi32>], vector<16xf32>, vector<16xi1>
          tpu.vector_store_idx %arg9[%select_n3A, %select_n3A_1665, %broadcast_in_dim3A_1720], %gather3A_1721 masked %or3A : memref<32x26x64xf32, #tpu.memory_space<vmem>>[vector<16xi32>, vector<16xi32>, vector<16xi32>], vector<16xf32>, vector<16xi1>
          %broadcast_in_dim3A_1722 = arith.constant 13 : i32
          %broadcast_in_dim3A_1723 = vector.broadcast %broadcast_in_dim3A_1722 : i32 to vector<16xi32>
          %gather3A_1724 = tpu.vector_load_idx %arg11[%min3A_1683, %broadcast_in_dim3A_1723] masked %or3A : memref<64x64xf32, #tpu.memory_space<vmem>>[vector<16xi32>, vector<16xi32>], vector<16xf32>, vector<16xi1>
          tpu.vector_store_idx %arg9[%select_n3A, %select_n3A_1665, %broadcast_in_dim3A_1723], %gather3A_1724 masked %or3A : memref<32x26x64xf32, #tpu.memory_space<vmem>>[vector<16xi32>, vector<16xi32>, vector<16xi32>], vector<16xf32>, vector<16xi1>
          %broadcast_in_dim3A_1725 = arith.constant 14 : i32
          %broadcast_in_dim3A_1726 = vector.broadcast %broadcast_in_dim3A_1725 : i32 to vector<16xi32>
          %gather3A_1727 = tpu.vector_load_idx %arg11[%min3A_1683, %broadcast_in_dim3A_1726] masked %or3A : memref<64x64xf32, #tpu.memory_space<vmem>>[vector<16xi32>, vector<16xi32>], vector<16xf32>, vector<16xi1>
          tpu.vector_store_idx %arg9[%select_n3A, %select_n3A_1665, %broadcast_in_dim3A_1726], %gather3A_1727 masked %or3A : memref<32x26x64xf32, #tpu.memory_space<vmem>>[vector<16xi32>, vector<16xi32>, vector<16xi32>], vector<16xf32>, vector<16xi1>
          %broadcast_in_dim3A_1728 = arith.constant 15 : i32
          %broadcast_in_dim3A_1729 = vector.broadcast %broadcast_in_dim3A_1728 : i32 to vector<16xi32>
          %gather3A_1730 = tpu.vector_load_idx %arg11[%min3A_1683, %broadcast_in_dim3A_1729] masked %or3A : memref<64x64xf32, #tpu.memory_space<vmem>>[vector<16xi32>, vector<16xi32>], vector<16xf32>, vector<16xi1>
          tpu.vector_store_idx %arg9[%select_n3A, %select_n3A_1665, %broadcast_in_dim3A_1729], %gather3A_1730 masked %or3A : memref<32x26x64xf32, #tpu.memory_space<vmem>>[vector<16xi32>, vector<16xi32>, vector<16xi32>], vector<16xf32>, vector<16xi1>
          %broadcast_in_dim3A_1731 = arith.constant 16 : i32
          %broadcast_in_dim3A_1732 = vector.broadcast %broadcast_in_dim3A_1731 : i32 to vector<16xi32>
          %gather3A_1733 = tpu.vector_load_idx %arg11[%min3A_1683, %broadcast_in_dim3A_1732] masked %or3A : memref<64x64xf32, #tpu.memory_space<vmem>>[vector<16xi32>, vector<16xi32>], vector<16xf32>, vector<16xi1>
          tpu.vector_store_idx %arg9[%select_n3A, %select_n3A_1665, %broadcast_in_dim3A_1732], %gather3A_1733 masked %or3A : memref<32x26x64xf32, #tpu.memory_space<vmem>>[vector<16xi32>, vector<16xi32>, vector<16xi32>], vector<16xf32>, vector<16xi1>
          %broadcast_in_dim3A_1734 = arith.constant 17 : i32
          %broadcast_in_dim3A_1735 = vector.broadcast %broadcast_in_dim3A_1734 : i32 to vector<16xi32>
          %gather3A_1736 = tpu.vector_load_idx %arg11[%min3A_1683, %broadcast_in_dim3A_1735] masked %or3A : memref<64x64xf32, #tpu.memory_space<vmem>>[vector<16xi32>, vector<16xi32>], vector<16xf32>, vector<16xi1>
          tpu.vector_store_idx %arg9[%select_n3A, %select_n3A_1665, %broadcast_in_dim3A_1735], %gather3A_1736 masked %or3A : memref<32x26x64xf32, #tpu.memory_space<vmem>>[vector<16xi32>, vector<16xi32>, vector<16xi32>], vector<16xf32>, vector<16xi1>
          %broadcast_in_dim3A_1737 = arith.constant 18 : i32
          %broadcast_in_dim3A_1738 = vector.broadcast %broadcast_in_dim3A_1737 : i32 to vector<16xi32>
          %gather3A_1739 = tpu.vector_load_idx %arg11[%min3A_1683, %broadcast_in_dim3A_1738] masked %or3A : memref<64x64xf32, #tpu.memory_space<vmem>>[vector<16xi32>, vector<16xi32>], vector<16xf32>, vector<16xi1>
          tpu.vector_store_idx %arg9[%select_n3A, %select_n3A_1665, %broadcast_in_dim3A_1738], %gather3A_1739 masked %or3A : memref<32x26x64xf32, #tpu.memory_space<vmem>>[vector<16xi32>, vector<16xi32>, vector<16xi32>], vector<16xf32>, vector<16xi1>
          %broadcast_in_dim3A_1740 = arith.constant 19 : i32
          %broadcast_in_dim3A_1741 = vector.broadcast %broadcast_in_dim3A_1740 : i32 to vector<16xi32>
          %gather3A_1742 = tpu.vector_load_idx %arg11[%min3A_1683, %broadcast_in_dim3A_1741] masked %or3A : memref<64x64xf32, #tpu.memory_space<vmem>>[vector<16xi32>, vector<16xi32>], vector<16xf32>, vector<16xi1>
          tpu.vector_store_idx %arg9[%select_n3A, %select_n3A_1665, %broadcast_in_dim3A_1741], %gather3A_1742 masked %or3A : memref<32x26x64xf32, #tpu.memory_space<vmem>>[vector<16xi32>, vector<16xi32>, vector<16xi32>], vector<16xf32>, vector<16xi1>
          %broadcast_in_dim3A_1743 = arith.constant 20 : i32
          %broadcast_in_dim3A_1744 = vector.broadcast %broadcast_in_dim3A_1743 : i32 to vector<16xi32>
          %gather3A_1745 = tpu.vector_load_idx %arg11[%min3A_1683, %broadcast_in_dim3A_1744] masked %or3A : memref<64x64xf32, #tpu.memory_space<vmem>>[vector<16xi32>, vector<16xi32>], vector<16xf32>, vector<16xi1>
          tpu.vector_store_idx %arg9[%select_n3A, %select_n3A_1665, %broadcast_in_dim3A_1744], %gather3A_1745 masked %or3A : memref<32x26x64xf32, #tpu.memory_space<vmem>>[vector<16xi32>, vector<16xi32>, vector<16xi32>], vector<16xf32>, vector<16xi1>
          %broadcast_in_dim3A_1746 = arith.constant 21 : i32
          %broadcast_in_dim3A_1747 = vector.broadcast %broadcast_in_dim3A_1746 : i32 to vector<16xi32>
          %gather3A_1748 = tpu.vector_load_idx %arg11[%min3A_1683, %broadcast_in_dim3A_1747] masked %or3A : memref<64x64xf32, #tpu.memory_space<vmem>>[vector<16xi32>, vector<16xi32>], vector<16xf32>, vector<16xi1>
          tpu.vector_store_idx %arg9[%select_n3A, %select_n3A_1665, %broadcast_in_dim3A_1747], %gather3A_1748 masked %or3A : memref<32x26x64xf32, #tpu.memory_space<vmem>>[vector<16xi32>, vector<16xi32>, vector<16xi32>], vector<16xf32>, vector<16xi1>
          %broadcast_in_dim3A_1749 = arith.constant 22 : i32
          %broadcast_in_dim3A_1750 = vector.broadcast %broadcast_in_dim3A_1749 : i32 to vector<16xi32>
          %gather3A_1751 = tpu.vector_load_idx %arg11[%min3A_1683, %broadcast_in_dim3A_1750] masked %or3A : memref<64x64xf32, #tpu.memory_space<vmem>>[vector<16xi32>, vector<16xi32>], vector<16xf32>, vector<16xi1>
          tpu.vector_store_idx %arg9[%select_n3A, %select_n3A_1665, %broadcast_in_dim3A_1750], %gather3A_1751 masked %or3A : memref<32x26x64xf32, #tpu.memory_space<vmem>>[vector<16xi32>, vector<16xi32>, vector<16xi32>], vector<16xf32>, vector<16xi1>
          %broadcast_in_dim3A_1752 = arith.constant 23 : i32
          %broadcast_in_dim3A_1753 = vector.broadcast %broadcast_in_dim3A_1752 : i32 to vector<16xi32>
          %gather3A_1754 = tpu.vector_load_idx %arg11[%min3A_1683, %broadcast_in_dim3A_1753] masked %or3A : memref<64x64xf32, #tpu.memory_space<vmem>>[vector<16xi32>, vector<16xi32>], vector<16xf32>, vector<16xi1>
          tpu.vector_store_idx %arg9[%select_n3A, %select_n3A_1665, %broadcast_in_dim3A_1753], %gather3A_1754 masked %or3A : memref<32x26x64xf32, #tpu.memory_space<vmem>>[vector<16xi32>, vector<16xi32>, vector<16xi32>], vector<16xf32>, vector<16xi1>
          %broadcast_in_dim3A_1755 = arith.constant 24 : i32
          %broadcast_in_dim3A_1756 = vector.broadcast %broadcast_in_dim3A_1755 : i32 to vector<16xi32>
          %gather3A_1757 = tpu.vector_load_idx %arg11[%min3A_1683, %broadcast_in_dim3A_1756] masked %or3A : memref<64x64xf32, #tpu.memory_space<vmem>>[vector<16xi32>, vector<16xi32>], vector<16xf32>, vector<16xi1>
          tpu.vector_store_idx %arg9[%select_n3A, %select_n3A_1665, %broadcast_in_dim3A_1756], %gather3A_1757 masked %or3A : memref<32x26x64xf32, #tpu.memory_space<vmem>>[vector<16xi32>, vector<16xi32>, vector<16xi32>], vector<16xf32>, vector<16xi1>
          %broadcast_in_dim3A_1758 = arith.constant 25 : i32
          %broadcast_in_dim3A_1759 = vector.broadcast %broadcast_in_dim3A_1758 : i32 to vector<16xi32>
          %gather3A_1760 = tpu.vector_load_idx %arg11[%min3A_1683, %broadcast_in_dim3A_1759] masked %or3A : memref<64x64xf32, #tpu.memory_space<vmem>>[vector<16xi32>, vector<16xi32>], vector<16xf32>, vector<16xi1>
          tpu.vector_store_idx %arg9[%select_n3A, %select_n3A_1665, %broadcast_in_dim3A_1759], %gather3A_1760 masked %or3A : memref<32x26x64xf32, #tpu.memory_space<vmem>>[vector<16xi32>, vector<16xi32>, vector<16xi32>], vector<16xf32>, vector<16xi1>
          %broadcast_in_dim3A_1761 = arith.constant 26 : i32
          %broadcast_in_dim3A_1762 = vector.broadcast %broadcast_in_dim3A_1761 : i32 to vector<16xi32>
          %gather3A_1763 = tpu.vector_load_idx %arg11[%min3A_1683, %broadcast_in_dim3A_1762] masked %or3A : memref<64x64xf32, #tpu.memory_space<vmem>>[vector<16xi32>, vector<16xi32>], vector<16xf32>, vector<16xi1>
          tpu.vector_store_idx %arg9[%select_n3A, %select_n3A_1665, %broadcast_in_dim3A_1762], %gather3A_1763 masked %or3A : memref<32x26x64xf32, #tpu.memory_space<vmem>>[vector<16xi32>, vector<16xi32>, vector<16xi32>], vector<16xf32>, vector<16xi1>
          %broadcast_in_dim3A_1764 = arith.constant 27 : i32
          %broadcast_in_dim3A_1765 = vector.broadcast %broadcast_in_dim3A_1764 : i32 to vector<16xi32>
          %gather3A_1766 = tpu.vector_load_idx %arg11[%min3A_1683, %broadcast_in_dim3A_1765] masked %or3A : memref<64x64xf32, #tpu.memory_space<vmem>>[vector<16xi32>, vector<16xi32>], vector<16xf32>, vector<16xi1>
          tpu.vector_store_idx %arg9[%select_n3A, %select_n3A_1665, %broadcast_in_dim3A_1765], %gather3A_1766 masked %or3A : memref<32x26x64xf32, #tpu.memory_space<vmem>>[vector<16xi32>, vector<16xi32>, vector<16xi32>], vector<16xf32>, vector<16xi1>
          %broadcast_in_dim3A_1767 = arith.constant 28 : i32
          %broadcast_in_dim3A_1768 = vector.broadcast %broadcast_in_dim3A_1767 : i32 to vector<16xi32>
          %gather3A_1769 = tpu.vector_load_idx %arg11[%min3A_1683, %broadcast_in_dim3A_1768] masked %or3A : memref<64x64xf32, #tpu.memory_space<vmem>>[vector<16xi32>, vector<16xi32>], vector<16xf32>, vector<16xi1>
          tpu.vector_store_idx %arg9[%select_n3A, %select_n3A_1665, %broadcast_in_dim3A_1768], %gather3A_1769 masked %or3A : memref<32x26x64xf32, #tpu.memory_space<vmem>>[vector<16xi32>, vector<16xi32>, vector<16xi32>], vector<16xf32>, vector<16xi1>
          %broadcast_in_dim3A_1770 = arith.constant 29 : i32
          %broadcast_in_dim3A_1771 = vector.broadcast %broadcast_in_dim3A_1770 : i32 to vector<16xi32>
          %gather3A_1772 = tpu.vector_load_idx %arg11[%min3A_1683, %broadcast_in_dim3A_1771] masked %or3A : memref<64x64xf32, #tpu.memory_space<vmem>>[vector<16xi32>, vector<16xi32>], vector<16xf32>, vector<16xi1>
          tpu.vector_store_idx %arg9[%select_n3A, %select_n3A_1665, %broadcast_in_dim3A_1771], %gather3A_1772 masked %or3A : memref<32x26x64xf32, #tpu.memory_space<vmem>>[vector<16xi32>, vector<16xi32>, vector<16xi32>], vector<16xf32>, vector<16xi1>
          %broadcast_in_dim3A_1773 = arith.constant 30 : i32
          %broadcast_in_dim3A_1774 = vector.broadcast %broadcast_in_dim3A_1773 : i32 to vector<16xi32>
          %gather3A_1775 = tpu.vector_load_idx %arg11[%min3A_1683, %broadcast_in_dim3A_1774] masked %or3A : memref<64x64xf32, #tpu.memory_space<vmem>>[vector<16xi32>, vector<16xi32>], vector<16xf32>, vector<16xi1>
          tpu.vector_store_idx %arg9[%select_n3A, %select_n3A_1665, %broadcast_in_dim3A_1774], %gather3A_1775 masked %or3A : memref<32x26x64xf32, #tpu.memory_space<vmem>>[vector<16xi32>, vector<16xi32>, vector<16xi32>], vector<16xf32>, vector<16xi1>
          %broadcast_in_dim3A_1776 = arith.constant 31 : i32
          %broadcast_in_dim3A_1777 = vector.broadcast %broadcast_in_dim3A_1776 : i32 to vector<16xi32>
          %gather3A_1778 = tpu.vector_load_idx %arg11[%min3A_1683, %broadcast_in_dim3A_1777] masked %or3A : memref<64x64xf32, #tpu.memory_space<vmem>>[vector<16xi32>, vector<16xi32>], vector<16xf32>, vector<16xi1>
          tpu.vector_store_idx %arg9[%select_n3A, %select_n3A_1665, %broadcast_in_dim3A_1777], %gather3A_1778 masked %or3A : memref<32x26x64xf32, #tpu.memory_space<vmem>>[vector<16xi32>, vector<16xi32>, vector<16xi32>], vector<16xf32>, vector<16xi1>
          %broadcast_in_dim3A_1779 = arith.constant 32 : i32
          %broadcast_in_dim3A_1780 = vector.broadcast %broadcast_in_dim3A_1779 : i32 to vector<16xi32>
          %gather3A_1781 = tpu.vector_load_idx %arg11[%min3A_1683, %broadcast_in_dim3A_1780] masked %or3A : memref<64x64xf32, #tpu.memory_space<vmem>>[vector<16xi32>, vector<16xi32>], vector<16xf32>, vector<16xi1>
          tpu.vector_store_idx %arg9[%select_n3A, %select_n3A_1665, %broadcast_in_dim3A_1780], %gather3A_1781 masked %or3A : memref<32x26x64xf32, #tpu.memory_space<vmem>>[vector<16xi32>, vector<16xi32>, vector<16xi32>], vector<16xf32>, vector<16xi1>
          %broadcast_in_dim3A_1782 = arith.constant 33 : i32
          %broadcast_in_dim3A_1783 = vector.broadcast %broadcast_in_dim3A_1782 : i32 to vector<16xi32>
          %gather3A_1784 = tpu.vector_load_idx %arg11[%min3A_1683, %broadcast_in_dim3A_1783] masked %or3A : memref<64x64xf32, #tpu.memory_space<vmem>>[vector<16xi32>, vector<16xi32>], vector<16xf32>, vector<16xi1>
          tpu.vector_store_idx %arg9[%select_n3A, %select_n3A_1665, %broadcast_in_dim3A_1783], %gather3A_1784 masked %or3A : memref<32x26x64xf32, #tpu.memory_space<vmem>>[vector<16xi32>, vector<16xi32>, vector<16xi32>], vector<16xf32>, vector<16xi1>
          %broadcast_in_dim3A_1785 = arith.constant 34 : i32
          %broadcast_in_dim3A_1786 = vector.broadcast %broadcast_in_dim3A_1785 : i32 to vector<16xi32>
          %gather3A_1787 = tpu.vector_load_idx %arg11[%min3A_1683, %broadcast_in_dim3A_1786] masked %or3A : memref<64x64xf32, #tpu.memory_space<vmem>>[vector<16xi32>, vector<16xi32>], vector<16xf32>, vector<16xi1>
          tpu.vector_store_idx %arg9[%select_n3A, %select_n3A_1665, %broadcast_in_dim3A_1786], %gather3A_1787 masked %or3A : memref<32x26x64xf32, #tpu.memory_space<vmem>>[vector<16xi32>, vector<16xi32>, vector<16xi32>], vector<16xf32>, vector<16xi1>
          %broadcast_in_dim3A_1788 = arith.constant 35 : i32
          %broadcast_in_dim3A_1789 = vector.broadcast %broadcast_in_dim3A_1788 : i32 to vector<16xi32>
          %gather3A_1790 = tpu.vector_load_idx %arg11[%min3A_1683, %broadcast_in_dim3A_1789] masked %or3A : memref<64x64xf32, #tpu.memory_space<vmem>>[vector<16xi32>, vector<16xi32>], vector<16xf32>, vector<16xi1>
          tpu.vector_store_idx %arg9[%select_n3A, %select_n3A_1665, %broadcast_in_dim3A_1789], %gather3A_1790 masked %or3A : memref<32x26x64xf32, #tpu.memory_space<vmem>>[vector<16xi32>, vector<16xi32>, vector<16xi32>], vector<16xf32>, vector<16xi1>
          %broadcast_in_dim3A_1791 = arith.constant 36 : i32
          %broadcast_in_dim3A_1792 = vector.broadcast %broadcast_in_dim3A_1791 : i32 to vector<16xi32>
          %gather3A_1793 = tpu.vector_load_idx %arg11[%min3A_1683, %broadcast_in_dim3A_1792] masked %or3A : memref<64x64xf32, #tpu.memory_space<vmem>>[vector<16xi32>, vector<16xi32>], vector<16xf32>, vector<16xi1>
          tpu.vector_store_idx %arg9[%select_n3A, %select_n3A_1665, %broadcast_in_dim3A_1792], %gather3A_1793 masked %or3A : memref<32x26x64xf32, #tpu.memory_space<vmem>>[vector<16xi32>, vector<16xi32>, vector<16xi32>], vector<16xf32>, vector<16xi1>
          %broadcast_in_dim3A_1794 = arith.constant 37 : i32
          %broadcast_in_dim3A_1795 = vector.broadcast %broadcast_in_dim3A_1794 : i32 to vector<16xi32>
          %gather3A_1796 = tpu.vector_load_idx %arg11[%min3A_1683, %broadcast_in_dim3A_1795] masked %or3A : memref<64x64xf32, #tpu.memory_space<vmem>>[vector<16xi32>, vector<16xi32>], vector<16xf32>, vector<16xi1>
          tpu.vector_store_idx %arg9[%select_n3A, %select_n3A_1665, %broadcast_in_dim3A_1795], %gather3A_1796 masked %or3A : memref<32x26x64xf32, #tpu.memory_space<vmem>>[vector<16xi32>, vector<16xi32>, vector<16xi32>], vector<16xf32>, vector<16xi1>
          %broadcast_in_dim3A_1797 = arith.constant 38 : i32
          %broadcast_in_dim3A_1798 = vector.broadcast %broadcast_in_dim3A_1797 : i32 to vector<16xi32>
          %gather3A_1799 = tpu.vector_load_idx %arg11[%min3A_1683, %broadcast_in_dim3A_1798] masked %or3A : memref<64x64xf32, #tpu.memory_space<vmem>>[vector<16xi32>, vector<16xi32>], vector<16xf32>, vector<16xi1>
          tpu.vector_store_idx %arg9[%select_n3A, %select_n3A_1665, %broadcast_in_dim3A_1798], %gather3A_1799 masked %or3A : memref<32x26x64xf32, #tpu.memory_space<vmem>>[vector<16xi32>, vector<16xi32>, vector<16xi32>], vector<16xf32>, vector<16xi1>
          %broadcast_in_dim3A_1800 = arith.constant 39 : i32
          %broadcast_in_dim3A_1801 = vector.broadcast %broadcast_in_dim3A_1800 : i32 to vector<16xi32>
          %gather3A_1802 = tpu.vector_load_idx %arg11[%min3A_1683, %broadcast_in_dim3A_1801] masked %or3A : memref<64x64xf32, #tpu.memory_space<vmem>>[vector<16xi32>, vector<16xi32>], vector<16xf32>, vector<16xi1>
          tpu.vector_store_idx %arg9[%select_n3A, %select_n3A_1665, %broadcast_in_dim3A_1801], %gather3A_1802 masked %or3A : memref<32x26x64xf32, #tpu.memory_space<vmem>>[vector<16xi32>, vector<16xi32>, vector<16xi32>], vector<16xf32>, vector<16xi1>
          %broadcast_in_dim3A_1803 = arith.constant 40 : i32
          %broadcast_in_dim3A_1804 = vector.broadcast %broadcast_in_dim3A_1803 : i32 to vector<16xi32>
          %gather3A_1805 = tpu.vector_load_idx %arg11[%min3A_1683, %broadcast_in_dim3A_1804] masked %or3A : memref<64x64xf32, #tpu.memory_space<vmem>>[vector<16xi32>, vector<16xi32>], vector<16xf32>, vector<16xi1>
          tpu.vector_store_idx %arg9[%select_n3A, %select_n3A_1665, %broadcast_in_dim3A_1804], %gather3A_1805 masked %or3A : memref<32x26x64xf32, #tpu.memory_space<vmem>>[vector<16xi32>, vector<16xi32>, vector<16xi32>], vector<16xf32>, vector<16xi1>
          %broadcast_in_dim3A_1806 = arith.constant 41 : i32
          %broadcast_in_dim3A_1807 = vector.broadcast %broadcast_in_dim3A_1806 : i32 to vector<16xi32>
          %gather3A_1808 = tpu.vector_load_idx %arg11[%min3A_1683, %broadcast_in_dim3A_1807] masked %or3A : memref<64x64xf32, #tpu.memory_space<vmem>>[vector<16xi32>, vector<16xi32>], vector<16xf32>, vector<16xi1>
          tpu.vector_store_idx %arg9[%select_n3A, %select_n3A_1665, %broadcast_in_dim3A_1807], %gather3A_1808 masked %or3A : memref<32x26x64xf32, #tpu.memory_space<vmem>>[vector<16xi32>, vector<16xi32>, vector<16xi32>], vector<16xf32>, vector<16xi1>
          %broadcast_in_dim3A_1809 = arith.constant 42 : i32
          %broadcast_in_dim3A_1810 = vector.broadcast %broadcast_in_dim3A_1809 : i32 to vector<16xi32>
          %gather3A_1811 = tpu.vector_load_idx %arg11[%min3A_1683, %broadcast_in_dim3A_1810] masked %or3A : memref<64x64xf32, #tpu.memory_space<vmem>>[vector<16xi32>, vector<16xi32>], vector<16xf32>, vector<16xi1>
          tpu.vector_store_idx %arg9[%select_n3A, %select_n3A_1665, %broadcast_in_dim3A_1810], %gather3A_1811 masked %or3A : memref<32x26x64xf32, #tpu.memory_space<vmem>>[vector<16xi32>, vector<16xi32>, vector<16xi32>], vector<16xf32>, vector<16xi1>
          %broadcast_in_dim3A_1812 = arith.constant 43 : i32
          %broadcast_in_dim3A_1813 = vector.broadcast %broadcast_in_dim3A_1812 : i32 to vector<16xi32>
          %gather3A_1814 = tpu.vector_load_idx %arg11[%min3A_1683, %broadcast_in_dim3A_1813] masked %or3A : memref<64x64xf32, #tpu.memory_space<vmem>>[vector<16xi32>, vector<16xi32>], vector<16xf32>, vector<16xi1>
          tpu.vector_store_idx %arg9[%select_n3A, %select_n3A_1665, %broadcast_in_dim3A_1813], %gather3A_1814 masked %or3A : memref<32x26x64xf32, #tpu.memory_space<vmem>>[vector<16xi32>, vector<16xi32>, vector<16xi32>], vector<16xf32>, vector<16xi1>
          %broadcast_in_dim3A_1815 = arith.constant 44 : i32
          %broadcast_in_dim3A_1816 = vector.broadcast %broadcast_in_dim3A_1815 : i32 to vector<16xi32>
          %gather3A_1817 = tpu.vector_load_idx %arg11[%min3A_1683, %broadcast_in_dim3A_1816] masked %or3A : memref<64x64xf32, #tpu.memory_space<vmem>>[vector<16xi32>, vector<16xi32>], vector<16xf32>, vector<16xi1>
          tpu.vector_store_idx %arg9[%select_n3A, %select_n3A_1665, %broadcast_in_dim3A_1816], %gather3A_1817 masked %or3A : memref<32x26x64xf32, #tpu.memory_space<vmem>>[vector<16xi32>, vector<16xi32>, vector<16xi32>], vector<16xf32>, vector<16xi1>
          %broadcast_in_dim3A_1818 = arith.constant 45 : i32
          %broadcast_in_dim3A_1819 = vector.broadcast %broadcast_in_dim3A_1818 : i32 to vector<16xi32>
          %gather3A_1820 = tpu.vector_load_idx %arg11[%min3A_1683, %broadcast_in_dim3A_1819] masked %or3A : memref<64x64xf32, #tpu.memory_space<vmem>>[vector<16xi32>, vector<16xi32>], vector<16xf32>, vector<16xi1>
          tpu.vector_store_idx %arg9[%select_n3A, %select_n3A_1665, %broadcast_in_dim3A_1819], %gather3A_1820 masked %or3A : memref<32x26x64xf32, #tpu.memory_space<vmem>>[vector<16xi32>, vector<16xi32>, vector<16xi32>], vector<16xf32>, vector<16xi1>
          %broadcast_in_dim3A_1821 = arith.constant 46 : i32
          %broadcast_in_dim3A_1822 = vector.broadcast %broadcast_in_dim3A_1821 : i32 to vector<16xi32>
          %gather3A_1823 = tpu.vector_load_idx %arg11[%min3A_1683, %broadcast_in_dim3A_1822] masked %or3A : memref<64x64xf32, #tpu.memory_space<vmem>>[vector<16xi32>, vector<16xi32>], vector<16xf32>, vector<16xi1>
          tpu.vector_store_idx %arg9[%select_n3A, %select_n3A_1665, %broadcast_in_dim3A_1822], %gather3A_1823 masked %or3A : memref<32x26x64xf32, #tpu.memory_space<vmem>>[vector<16xi32>, vector<16xi32>, vector<16xi32>], vector<16xf32>, vector<16xi1>
          %broadcast_in_dim3A_1824 = arith.constant 47 : i32
          %broadcast_in_dim3A_1825 = vector.broadcast %broadcast_in_dim3A_1824 : i32 to vector<16xi32>
          %gather3A_1826 = tpu.vector_load_idx %arg11[%min3A_1683, %broadcast_in_dim3A_1825] masked %or3A : memref<64x64xf32, #tpu.memory_space<vmem>>[vector<16xi32>, vector<16xi32>], vector<16xf32>, vector<16xi1>
          tpu.vector_store_idx %arg9[%select_n3A, %select_n3A_1665, %broadcast_in_dim3A_1825], %gather3A_1826 masked %or3A : memref<32x26x64xf32, #tpu.memory_space<vmem>>[vector<16xi32>, vector<16xi32>, vector<16xi32>], vector<16xf32>, vector<16xi1>
          %broadcast_in_dim3A_1827 = arith.constant 48 : i32
          %broadcast_in_dim3A_1828 = vector.broadcast %broadcast_in_dim3A_1827 : i32 to vector<16xi32>
          %gather3A_1829 = tpu.vector_load_idx %arg11[%min3A_1683, %broadcast_in_dim3A_1828] masked %or3A : memref<64x64xf32, #tpu.memory_space<vmem>>[vector<16xi32>, vector<16xi32>], vector<16xf32>, vector<16xi1>
          tpu.vector_store_idx %arg9[%select_n3A, %select_n3A_1665, %broadcast_in_dim3A_1828], %gather3A_1829 masked %or3A : memref<32x26x64xf32, #tpu.memory_space<vmem>>[vector<16xi32>, vector<16xi32>, vector<16xi32>], vector<16xf32>, vector<16xi1>
          %broadcast_in_dim3A_1830 = arith.constant 49 : i32
          %broadcast_in_dim3A_1831 = vector.broadcast %broadcast_in_dim3A_1830 : i32 to vector<16xi32>
          %gather3A_1832 = tpu.vector_load_idx %arg11[%min3A_1683, %broadcast_in_dim3A_1831] masked %or3A : memref<64x64xf32, #tpu.memory_space<vmem>>[vector<16xi32>, vector<16xi32>], vector<16xf32>, vector<16xi1>
          tpu.vector_store_idx %arg9[%select_n3A, %select_n3A_1665, %broadcast_in_dim3A_1831], %gather3A_1832 masked %or3A : memref<32x26x64xf32, #tpu.memory_space<vmem>>[vector<16xi32>, vector<16xi32>, vector<16xi32>], vector<16xf32>, vector<16xi1>
          %broadcast_in_dim3A_1833 = arith.constant 50 : i32
          %broadcast_in_dim3A_1834 = vector.broadcast %broadcast_in_dim3A_1833 : i32 to vector<16xi32>
          %gather3A_1835 = tpu.vector_load_idx %arg11[%min3A_1683, %broadcast_in_dim3A_1834] masked %or3A : memref<64x64xf32, #tpu.memory_space<vmem>>[vector<16xi32>, vector<16xi32>], vector<16xf32>, vector<16xi1>
          tpu.vector_store_idx %arg9[%select_n3A, %select_n3A_1665, %broadcast_in_dim3A_1834], %gather3A_1835 masked %or3A : memref<32x26x64xf32, #tpu.memory_space<vmem>>[vector<16xi32>, vector<16xi32>, vector<16xi32>], vector<16xf32>, vector<16xi1>
          %broadcast_in_dim3A_1836 = arith.constant 51 : i32
          %broadcast_in_dim3A_1837 = vector.broadcast %broadcast_in_dim3A_1836 : i32 to vector<16xi32>
          %gather3A_1838 = tpu.vector_load_idx %arg11[%min3A_1683, %broadcast_in_dim3A_1837] masked %or3A : memref<64x64xf32, #tpu.memory_space<vmem>>[vector<16xi32>, vector<16xi32>], vector<16xf32>, vector<16xi1>
          tpu.vector_store_idx %arg9[%select_n3A, %select_n3A_1665, %broadcast_in_dim3A_1837], %gather3A_1838 masked %or3A : memref<32x26x64xf32, #tpu.memory_space<vmem>>[vector<16xi32>, vector<16xi32>, vector<16xi32>], vector<16xf32>, vector<16xi1>
          %broadcast_in_dim3A_1839 = arith.constant 52 : i32
          %broadcast_in_dim3A_1840 = vector.broadcast %broadcast_in_dim3A_1839 : i32 to vector<16xi32>
          %gather3A_1841 = tpu.vector_load_idx %arg11[%min3A_1683, %broadcast_in_dim3A_1840] masked %or3A : memref<64x64xf32, #tpu.memory_space<vmem>>[vector<16xi32>, vector<16xi32>], vector<16xf32>, vector<16xi1>
          tpu.vector_store_idx %arg9[%select_n3A, %select_n3A_1665, %broadcast_in_dim3A_1840], %gather3A_1841 masked %or3A : memref<32x26x64xf32, #tpu.memory_space<vmem>>[vector<16xi32>, vector<16xi32>, vector<16xi32>], vector<16xf32>, vector<16xi1>
          %broadcast_in_dim3A_1842 = arith.constant 53 : i32
          %broadcast_in_dim3A_1843 = vector.broadcast %broadcast_in_dim3A_1842 : i32 to vector<16xi32>
          %gather3A_1844 = tpu.vector_load_idx %arg11[%min3A_1683, %broadcast_in_dim3A_1843] masked %or3A : memref<64x64xf32, #tpu.memory_space<vmem>>[vector<16xi32>, vector<16xi32>], vector<16xf32>, vector<16xi1>
          tpu.vector_store_idx %arg9[%select_n3A, %select_n3A_1665, %broadcast_in_dim3A_1843], %gather3A_1844 masked %or3A : memref<32x26x64xf32, #tpu.memory_space<vmem>>[vector<16xi32>, vector<16xi32>, vector<16xi32>], vector<16xf32>, vector<16xi1>
          %broadcast_in_dim3A_1845 = arith.constant 54 : i32
          %broadcast_in_dim3A_1846 = vector.broadcast %broadcast_in_dim3A_1845 : i32 to vector<16xi32>
          %gather3A_1847 = tpu.vector_load_idx %arg11[%min3A_1683, %broadcast_in_dim3A_1846] masked %or3A : memref<64x64xf32, #tpu.memory_space<vmem>>[vector<16xi32>, vector<16xi32>], vector<16xf32>, vector<16xi1>
          tpu.vector_store_idx %arg9[%select_n3A, %select_n3A_1665, %broadcast_in_dim3A_1846], %gather3A_1847 masked %or3A : memref<32x26x64xf32, #tpu.memory_space<vmem>>[vector<16xi32>, vector<16xi32>, vector<16xi32>], vector<16xf32>, vector<16xi1>
          %broadcast_in_dim3A_1848 = arith.constant 55 : i32
          %broadcast_in_dim3A_1849 = vector.broadcast %broadcast_in_dim3A_1848 : i32 to vector<16xi32>
          %gather3A_1850 = tpu.vector_load_idx %arg11[%min3A_1683, %broadcast_in_dim3A_1849] masked %or3A : memref<64x64xf32, #tpu.memory_space<vmem>>[vector<16xi32>, vector<16xi32>], vector<16xf32>, vector<16xi1>
          tpu.vector_store_idx %arg9[%select_n3A, %select_n3A_1665, %broadcast_in_dim3A_1849], %gather3A_1850 masked %or3A : memref<32x26x64xf32, #tpu.memory_space<vmem>>[vector<16xi32>, vector<16xi32>, vector<16xi32>], vector<16xf32>, vector<16xi1>
          %broadcast_in_dim3A_1851 = arith.constant 56 : i32
          %broadcast_in_dim3A_1852 = vector.broadcast %broadcast_in_dim3A_1851 : i32 to vector<16xi32>
          %gather3A_1853 = tpu.vector_load_idx %arg11[%min3A_1683, %broadcast_in_dim3A_1852] masked %or3A : memref<64x64xf32, #tpu.memory_space<vmem>>[vector<16xi32>, vector<16xi32>], vector<16xf32>, vector<16xi1>
          tpu.vector_store_idx %arg9[%select_n3A, %select_n3A_1665, %broadcast_in_dim3A_1852], %gather3A_1853 masked %or3A : memref<32x26x64xf32, #tpu.memory_space<vmem>>[vector<16xi32>, vector<16xi32>, vector<16xi32>], vector<16xf32>, vector<16xi1>
          %broadcast_in_dim3A_1854 = arith.constant 57 : i32
          %broadcast_in_dim3A_1855 = vector.broadcast %broadcast_in_dim3A_1854 : i32 to vector<16xi32>
          %gather3A_1856 = tpu.vector_load_idx %arg11[%min3A_1683, %broadcast_in_dim3A_1855] masked %or3A : memref<64x64xf32, #tpu.memory_space<vmem>>[vector<16xi32>, vector<16xi32>], vector<16xf32>, vector<16xi1>
          tpu.vector_store_idx %arg9[%select_n3A, %select_n3A_1665, %broadcast_in_dim3A_1855], %gather3A_1856 masked %or3A : memref<32x26x64xf32, #tpu.memory_space<vmem>>[vector<16xi32>, vector<16xi32>, vector<16xi32>], vector<16xf32>, vector<16xi1>
          %broadcast_in_dim3A_1857 = arith.constant 58 : i32
          %broadcast_in_dim3A_1858 = vector.broadcast %broadcast_in_dim3A_1857 : i32 to vector<16xi32>
          %gather3A_1859 = tpu.vector_load_idx %arg11[%min3A_1683, %broadcast_in_dim3A_1858] masked %or3A : memref<64x64xf32, #tpu.memory_space<vmem>>[vector<16xi32>, vector<16xi32>], vector<16xf32>, vector<16xi1>
          tpu.vector_store_idx %arg9[%select_n3A, %select_n3A_1665, %broadcast_in_dim3A_1858], %gather3A_1859 masked %or3A : memref<32x26x64xf32, #tpu.memory_space<vmem>>[vector<16xi32>, vector<16xi32>, vector<16xi32>], vector<16xf32>, vector<16xi1>
          %broadcast_in_dim3A_1860 = arith.constant 59 : i32
          %broadcast_in_dim3A_1861 = vector.broadcast %broadcast_in_dim3A_1860 : i32 to vector<16xi32>
          %gather3A_1862 = tpu.vector_load_idx %arg11[%min3A_1683, %broadcast_in_dim3A_1861] masked %or3A : memref<64x64xf32, #tpu.memory_space<vmem>>[vector<16xi32>, vector<16xi32>], vector<16xf32>, vector<16xi1>
          tpu.vector_store_idx %arg9[%select_n3A, %select_n3A_1665, %broadcast_in_dim3A_1861], %gather3A_1862 masked %or3A : memref<32x26x64xf32, #tpu.memory_space<vmem>>[vector<16xi32>, vector<16xi32>, vector<16xi32>], vector<16xf32>, vector<16xi1>
          %broadcast_in_dim3A_1863 = arith.constant 60 : i32
          %broadcast_in_dim3A_1864 = vector.broadcast %broadcast_in_dim3A_1863 : i32 to vector<16xi32>
          %gather3A_1865 = tpu.vector_load_idx %arg11[%min3A_1683, %broadcast_in_dim3A_1864] masked %or3A : memref<64x64xf32, #tpu.memory_space<vmem>>[vector<16xi32>, vector<16xi32>], vector<16xf32>, vector<16xi1>
          tpu.vector_store_idx %arg9[%select_n3A, %select_n3A_1665, %broadcast_in_dim3A_1864], %gather3A_1865 masked %or3A : memref<32x26x64xf32, #tpu.memory_space<vmem>>[vector<16xi32>, vector<16xi32>, vector<16xi32>], vector<16xf32>, vector<16xi1>
          %broadcast_in_dim3A_1866 = arith.constant 61 : i32
          %broadcast_in_dim3A_1867 = vector.broadcast %broadcast_in_dim3A_1866 : i32 to vector<16xi32>
          %gather3A_1868 = tpu.vector_load_idx %arg11[%min3A_1683, %broadcast_in_dim3A_1867] masked %or3A : memref<64x64xf32, #tpu.memory_space<vmem>>[vector<16xi32>, vector<16xi32>], vector<16xf32>, vector<16xi1>
          tpu.vector_store_idx %arg9[%select_n3A, %select_n3A_1665, %broadcast_in_dim3A_1867], %gather3A_1868 masked %or3A : memref<32x26x64xf32, #tpu.memory_space<vmem>>[vector<16xi32>, vector<16xi32>, vector<16xi32>], vector<16xf32>, vector<16xi1>
          %broadcast_in_dim3A_1869 = arith.constant 62 : i32
          %broadcast_in_dim3A_1870 = vector.broadcast %broadcast_in_dim3A_1869 : i32 to vector<16xi32>
          %gather3A_1871 = tpu.vector_load_idx %arg11[%min3A_1683, %broadcast_in_dim3A_1870] masked %or3A : memref<64x64xf32, #tpu.memory_space<vmem>>[vector<16xi32>, vector<16xi32>], vector<16xf32>, vector<16xi1>
          tpu.vector_store_idx %arg9[%select_n3A, %select_n3A_1665, %broadcast_in_dim3A_1870], %gather3A_1871 masked %or3A : memref<32x26x64xf32, #tpu.memory_space<vmem>>[vector<16xi32>, vector<16xi32>, vector<16xi32>], vector<16xf32>, vector<16xi1>
          %broadcast_in_dim3A_1872 = arith.constant 63 : i32
          %broadcast_in_dim3A_1873 = vector.broadcast %broadcast_in_dim3A_1872 : i32 to vector<16xi32>
          %gather3A_1874 = tpu.vector_load_idx %arg11[%min3A_1683, %broadcast_in_dim3A_1873] masked %or3A : memref<64x64xf32, #tpu.memory_space<vmem>>[vector<16xi32>, vector<16xi32>], vector<16xf32>, vector<16xi1>
          tpu.vector_store_idx %arg9[%select_n3A, %select_n3A_1665, %broadcast_in_dim3A_1873], %gather3A_1874 masked %or3A : memref<32x26x64xf32, #tpu.memory_space<vmem>>[vector<16xi32>, vector<16xi32>, vector<16xi32>], vector<16xf32>, vector<16xi1>
        } else {
        }
      }
      %scan3A_811 = arith.constant 52 : i32
      %dma_start3A_812 = arith.constant 0 : i32
      %dma_start3A_813 = arith.constant 0 : i32
      %dma_start3A_814 = tpu.memref_slice %arg5[%add3A_30, %dma_start3A_812, %dma_start3A_813] : memref<16384x26x64xf32, #tpu.memory_space<hbm>> -> memref<32x26x64xf32, #tpu.memory_space<hbm>>
      %dma_start3A_815 = arith.constant 0 : i32
      %dma_start3A_816 = arith.constant 0 : i32
      %dma_start3A_817 = tpu.memref_slice %arg5[%add3A_30, %dma_start3A_815, %dma_start3A_816] : memref<16384x26x64xf32, #tpu.memory_space<hbm>> -> memref<32x26x64xf32, #tpu.memory_space<hbm>>
      tpu.enqueue_dma source(%arg9 : memref<32x26x64xf32, #tpu.memory_space<vmem>>) target(%dma_start3A_817 : memref<32x26x64xf32, #tpu.memory_space<hbm>>) target_semaphore(%arg13 : memref<!tpu.dma_semaphore, #tpu.memory_space<semaphore_mem>>)
      %mul3A_818 = arith.constant 2 : i32
      %mul3A_819 = arith.muli %scan3A_21, %mul3A_818 : i32
      %add3A_820 = arith.constant 1 : i32
      %add3A_821 = arith.addi %mul3A_819, %add3A_820 : i32
      %mul3A_822 = arith.constant 512 : i32
      %mul3A_823 = arith.muli %add3A, %mul3A_822 : i32
      %mul3A_824 = arith.constant 32 : i32
      %mul3A_825 = arith.muli %add3A_821, %mul3A_824 : i32
      %add3A_826 = arith.addi %mul3A_823, %mul3A_825 : i32
      %ge3A_827 = arith.constant 2 : i32
      %ge3A_828 = arith.cmpi sge, %add3A_821, %ge3A_827 : i32
      %convert_element_type3A_829 = arith.extui %ge3A_828 : i1 to i32
      %cond3A_830 = arith.constant 0 : i32
      %cond3A_831 = arith.cmpi ne, %convert_element_type3A_829, %cond3A_830 : i32
      scf.if %cond3A_831 {
        %dma_wait3A_1618 = arith.constant 0 : i32
        %dma_wait3A_1619 = arith.constant 0 : i32
        %dma_wait3A_1620 = arith.constant 0 : i32
        %dma_wait3A_1621 = tpu.memref_slice %arg5[%dma_wait3A_1618, %dma_wait3A_1619, %dma_wait3A_1620] : memref<16384x26x64xf32, #tpu.memory_space<hbm>> -> memref<32x26x64xf32, #tpu.memory_space<hbm>>
        %dma_wait3A_1622 = arith.constant 0 : i32
        %dma_wait3A_1623 = arith.constant 0 : i32
        %dma_wait3A_1624 = arith.constant 0 : i32
        %dma_wait3A_1625 = tpu.memref_slice %arg5[%dma_wait3A_1622, %dma_wait3A_1623, %dma_wait3A_1624] : memref<16384x26x64xf32, #tpu.memory_space<hbm>> -> memref<32x26x64xf32, #tpu.memory_space<hbm>>
        tpu.wait_dma2 semaphore(%arg14 : memref<!tpu.dma_semaphore, #tpu.memory_space<semaphore_mem>>) src(%arg10 : memref<32x26x64xf32, #tpu.memory_space<vmem>>) dst(%dma_wait3A_1625 : memref<32x26x64xf32, #tpu.memory_space<hbm>>)
      } else {
      }
      "tpu.region"() ({
        %run_scoped3A = tpu.sem_alloc : memref<!tpu.dma_semaphore, #tpu.memory_space<semaphore_mem>>
        %dma_start3A_1618 = arith.constant 0 : i32
        %dma_start3A_1619 = tpu.memref_slice %arg2[%add3A_826, %dma_start3A_1618] : memref<16384x26xi32, #tpu.memory_space<hbm>> -> memref<32x26xi32, #tpu.memory_space<hbm>>
        %dma_start3A_1620 = arith.constant 0 : i32
        %dma_start3A_1621 = tpu.memref_slice %arg2[%add3A_826, %dma_start3A_1620] : memref<16384x26xi32, #tpu.memory_space<hbm>> -> memref<32x26xi32, #tpu.memory_space<hbm>>
        tpu.enqueue_dma source(%dma_start3A_1621 : memref<32x26xi32, #tpu.memory_space<hbm>>) target(%arg6 : memref<32x26xi32, #tpu.memory_space<vmem>>) target_semaphore(%run_scoped3A : memref<!tpu.dma_semaphore, #tpu.memory_space<semaphore_mem>>)
        %dma_wait3A_1622 = arith.constant 0 : i32
        %dma_wait3A_1623 = tpu.memref_slice %arg2[%add3A_826, %dma_wait3A_1622] : memref<16384x26xi32, #tpu.memory_space<hbm>> -> memref<32x26xi32, #tpu.memory_space<hbm>>
        %dma_wait3A_1624 = arith.constant 0 : i32
        %dma_wait3A_1625 = tpu.memref_slice %arg2[%add3A_826, %dma_wait3A_1624] : memref<16384x26xi32, #tpu.memory_space<hbm>> -> memref<32x26xi32, #tpu.memory_space<hbm>>
        tpu.wait_dma2 semaphore(%run_scoped3A : memref<!tpu.dma_semaphore, #tpu.memory_space<semaphore_mem>>) src(%dma_wait3A_1625 : memref<32x26xi32, #tpu.memory_space<hbm>>) dst(%arg6 : memref<32x26xi32, #tpu.memory_space<vmem>>)
        tpu.yield
      }) : () -> ()
      %scan3A_832 = arith.constant 0 : i32
      %scan3A_833 = arith.constant 0 : i32
      %scan3A_834 = arith.constant 52 : i32
      %scan3A_835 = arith.addi %scan3A_833, %scan3A_834 : i32
      %scan3A_836 = arith.constant 1 : i32
      scf.for %scan3A_1618 = %scan3A_833 to %scan3A_835 step %scan3A_836  : i32 {
        %mul3A_1619 = arith.constant 16 : i32
        %mul3A_1620 = arith.muli %scan3A_1618, %mul3A_1619 : i32
        %iota3A = tpu.iota {dimensions = array<i32: 0>} : vector<16xi32>
        %add3A_1621 = vector.broadcast %mul3A_1620 : i32 to vector<16xi32>
        %add3A_1622 = arith.addi %add3A_1621, %iota3A : vector<16xi32>
        %jit3A = arith.constant 26 : i32
        %div3A = vector.broadcast %jit3A : i32 to vector<16xi32>
        %div3A_1623 = arith.divsi %add3A_1622, %div3A : vector<16xi32>
        %sign3A = arith.constant 0 : i32
        %sign3A_1624 = vector.broadcast %sign3A : i32 to vector<16xi32>
        %sign3A_1625 = arith.cmpi sgt, %add3A_1622, %sign3A_1624 : vector<16xi32>
        %sign3A_1626 = arith.extui %sign3A_1625 : vector<16xi1> to vector<16xi32>
        %sign3A_1627 = arith.constant 0 : i32
        %sign3A_1628 = vector.broadcast %sign3A_1627 : i32 to vector<16xi32>
        %sign3A_1629 = arith.cmpi slt, %add3A_1622, %sign3A_1628 : vector<16xi32>
        %sign3A_1630 = arith.extui %sign3A_1629 : vector<16xi1> to vector<16xi32>
        %sign3A_1631 = arith.subi %sign3A_1626, %sign3A_1630 : vector<16xi32>
        %sign3A_1632 = arith.constant 0 : i32
        %sign3A_1633 = arith.cmpi sgt, %jit3A, %sign3A_1632 : i32
        %sign3A_1634 = arith.extui %sign3A_1633 : i1 to i32
        %sign3A_1635 = arith.constant 0 : i32
        %sign3A_1636 = arith.cmpi slt, %jit3A, %sign3A_1635 : i32
        %sign3A_1637 = arith.extui %sign3A_1636 : i1 to i32
        %sign3A_1638 = arith.subi %sign3A_1634, %sign3A_1637 : i32
        %ne3A = vector.broadcast %sign3A_1638 : i32 to vector<16xi32>
        %ne3A_1639 = arith.cmpi ne, %sign3A_1631, %ne3A : vector<16xi32>
        %rem3A = vector.broadcast %jit3A : i32 to vector<16xi32>
        %rem3A_1640 = arith.remsi %add3A_1622, %rem3A : vector<16xi32>
        %ne3A_1641 = arith.constant 0 : i32
        %ne3A_1642 = vector.broadcast %ne3A_1641 : i32 to vector<16xi32>
        %ne3A_1643 = arith.cmpi ne, %rem3A_1640, %ne3A_1642 : vector<16xi32>
        %and3A = arith.andi %ne3A_1639, %ne3A_1643 : vector<16xi1>
        %sub3A = arith.constant 1 : i32
        %sub3A_1644 = vector.broadcast %sub3A : i32 to vector<16xi32>
        %sub3A_1645 = arith.subi %div3A_1623, %sub3A_1644 : vector<16xi32>
        %select_n3A = arith.select %and3A, %sub3A_1645, %div3A_1623 : vector<16xi1>, vector<16xi32>
        %jit3A_1646 = arith.constant 26 : i32
        %eq3A = arith.constant 0 : i32
        %eq3A_1647 = arith.cmpi eq, %jit3A_1646, %eq3A : i32
        %jit3A_1648 = arith.constant 1 : i32
        %select_n3A_1649 = arith.select %eq3A_1647, %jit3A_1648, %jit3A_1646 : i32
        %rem3A_1650 = vector.broadcast %select_n3A_1649 : i32 to vector<16xi32>
        %rem3A_1651 = arith.remsi %add3A_1622, %rem3A_1650 : vector<16xi32>
        %ne3A_1652 = arith.constant 0 : i32
        %ne3A_1653 = vector.broadcast %ne3A_1652 : i32 to vector<16xi32>
        %ne3A_1654 = arith.cmpi ne, %rem3A_1651, %ne3A_1653 : vector<16xi32>
        %lt3A = arith.constant 0 : i32
        %lt3A_1655 = vector.broadcast %lt3A : i32 to vector<16xi32>
        %lt3A_1656 = arith.cmpi slt, %rem3A_1651, %lt3A_1655 : vector<16xi32>
        %lt3A_1657 = arith.constant 0 : i32
        %lt3A_1658 = arith.cmpi slt, %select_n3A_1649, %lt3A_1657 : i32
        %ne3A_1659 = vector.broadcast %lt3A_1658 : i1 to vector<16xi1>
        %ne3A_1660 = vector.broadcast %ne3A_1659 : vector<16xi1> to vector<16xi1>
        %ne3A_1661 = arith.xori %lt3A_1656, %ne3A_1660 : vector<16xi1>
        %and3A_1662 = arith.andi %ne3A_1661, %ne3A_1654 : vector<16xi1>
        %add3A_1663 = vector.broadcast %select_n3A_1649 : i32 to vector<16xi32>
        %add3A_1664 = arith.addi %rem3A_1651, %add3A_1663 : vector<16xi32>
        %select_n3A_1665 = arith.select %and3A_1662, %add3A_1664, %rem3A_1651 : vector<16xi1>, vector<16xi32>
        %gather3A = tpu.vector_load_idx %arg6[%select_n3A, %select_n3A_1665] : memref<32x26xi32, #tpu.memory_space<vmem>>[vector<16xi32>, vector<16xi32>], vector<16xi32>,
        %sub3A_1666 = arith.constant 2 : i32
        %sub3A_1667 = vector.broadcast %sub3A_1666 : i32 to vector<16xi32>
        %sub3A_1668 = arith.subi %gather3A, %sub3A_1667 : vector<16xi32>
        %jit3A_1669 = arith.constant 0 : i32
        %jit3A_1670 = arith.constant 999935 : i32
        %max3A = vector.broadcast %jit3A_1669 : i32 to vector<16xi32>
        %max3A_1671 = arith.maxsi %max3A, %sub3A_1668 : vector<16xi32>
        %min3A = vector.broadcast %jit3A_1670 : i32 to vector<16xi32>
        %min3A_1672 = arith.minsi %min3A, %max3A_1671 : vector<16xi32>
        %ge3A_1673 = arith.constant 499968 : i32
        %ge3A_1674 = vector.broadcast %ge3A_1673 : i32 to vector<16xi32>
        %ge3A_1675 = arith.cmpi sge, %min3A_1672, %ge3A_1674 : vector<16xi32>
        %sub3A_1676 = arith.constant 499968 : i32
        %sub3A_1677 = vector.broadcast %sub3A_1676 : i32 to vector<16xi32>
        %sub3A_1678 = arith.subi %min3A_1672, %sub3A_1677 : vector<16xi32>
        %mul3A_1679 = arith.constant 2 : i32
        %mul3A_1680 = vector.broadcast %mul3A_1679 : i32 to vector<16xi32>
        %mul3A_1681 = arith.muli %mul3A_1680, %sub3A_1678 : vector<16xi32>
        %add3A_1682 = arith.constant 1 : i32
        %add3A_1683 = vector.broadcast %add3A_1682 : i32 to vector<16xi32>
        %add3A_1684 = arith.addi %mul3A_1681, %add3A_1683 : vector<16xi32>
        %mul3A_1685 = arith.constant 2 : i32
        %mul3A_1686 = vector.broadcast %mul3A_1685 : i32 to vector<16xi32>
        %mul3A_1687 = arith.muli %mul3A_1686, %min3A_1672 : vector<16xi32>
        %select_n3A_1688 = arith.select %ge3A_1675, %add3A_1684, %mul3A_1687 : vector<16xi1>, vector<16xi32>
        tpu.vector_store_idx %arg8[%select_n3A, %select_n3A_1665], %select_n3A_1688 : memref<32x26xi32, #tpu.memory_space<vmem>>[vector<16xi32>, vector<16xi32>], vector<16xi32>,
      }
      %scan3A_837 = arith.constant 52 : i32
      %dma_start3A_838 = arith.constant 0 : i32
      %dma_start3A_839 = arith.constant 0 : i32
      %dma_start3A_840 = arith.constant 0 : i32
      %dma_start3A_841 = arith.constant 0 : i32
      %dma_start3A_842 = tpu.memref_slice %arg10[%dma_start3A_839, %dma_start3A_840, %dma_start3A_841] : memref<32x26x64xf32, #tpu.memory_space<vmem>> -> memref<1x26x64xf32, #tpu.memory_space<vmem>>
      %dma_start3A_843 = tpu.memref_squeeze %dma_start3A_842 : memref<1x26x64xf32, #tpu.memory_space<vmem>> -> memref<26x64xf32, #tpu.memory_space<vmem>>
      %dma_start3A_844 = arith.constant 0 : i32
      %dma_start3A_845 = tpu.memref_slice %arg8[%dma_start3A_838, %dma_start3A_844] : memref<32x26xi32, #tpu.memory_space<vmem>> -> memref<1x26xi32, #tpu.memory_space<vmem>>
      %dma_start3A_846 = tpu.memref_squeeze %dma_start3A_845 : memref<1x26xi32, #tpu.memory_space<vmem>> -> memref<26xi32, #tpu.memory_space<vmem>>
      %dma_start3A_847 = arith.constant 0 : i32
      %dma_start3A_848 = arith.constant 0 : i32
      %dma_start3A_849 = tpu.memref_slice %arg4[%dma_start3A_847, %dma_start3A_848] : memref<999936x64xf32, #tpu.memory_space<hbm>> -> memref<999936x64xf32, #tpu.memory_space<hbm>>
      tpu.enqueue_indirect_dma source(%dma_start3A_849 : memref<999936x64xf32, #tpu.memory_space<hbm>>) target(%dma_start3A_843 : memref<26x64xf32, #tpu.memory_space<vmem>>) offsets(%dma_start3A_846 : memref<26xi32, #tpu.memory_space<vmem>>) semaphore(%arg12 : memref<!tpu.dma_semaphore, #tpu.memory_space<semaphore_mem>>)
      %dma_start3A_850 = arith.constant 1 : i32
      %dma_start3A_851 = arith.constant 1 : i32
      %dma_start3A_852 = arith.constant 0 : i32
      %dma_start3A_853 = arith.constant 0 : i32
      %dma_start3A_854 = tpu.memref_slice %arg10[%dma_start3A_851, %dma_start3A_852, %dma_start3A_853] : memref<32x26x64xf32, #tpu.memory_space<vmem>> -> memref<1x26x64xf32, #tpu.memory_space<vmem>>
      %dma_start3A_855 = tpu.memref_squeeze %dma_start3A_854 : memref<1x26x64xf32, #tpu.memory_space<vmem>> -> memref<26x64xf32, #tpu.memory_space<vmem>>
      %dma_start3A_856 = arith.constant 0 : i32
      %dma_start3A_857 = tpu.memref_slice %arg8[%dma_start3A_850, %dma_start3A_856] : memref<32x26xi32, #tpu.memory_space<vmem>> -> memref<1x26xi32, #tpu.memory_space<vmem>>
      %dma_start3A_858 = tpu.memref_squeeze %dma_start3A_857 : memref<1x26xi32, #tpu.memory_space<vmem>> -> memref<26xi32, #tpu.memory_space<vmem>>
      %dma_start3A_859 = arith.constant 0 : i32
      %dma_start3A_860 = arith.constant 0 : i32
      %dma_start3A_861 = tpu.memref_slice %arg4[%dma_start3A_859, %dma_start3A_860] : memref<999936x64xf32, #tpu.memory_space<hbm>> -> memref<999936x64xf32, #tpu.memory_space<hbm>>
      tpu.enqueue_indirect_dma source(%dma_start3A_861 : memref<999936x64xf32, #tpu.memory_space<hbm>>) target(%dma_start3A_855 : memref<26x64xf32, #tpu.memory_space<vmem>>) offsets(%dma_start3A_858 : memref<26xi32, #tpu.memory_space<vmem>>) semaphore(%arg12 : memref<!tpu.dma_semaphore, #tpu.memory_space<semaphore_mem>>)
      %dma_start3A_862 = arith.constant 2 : i32
      %dma_start3A_863 = arith.constant 2 : i32
      %dma_start3A_864 = arith.constant 0 : i32
      %dma_start3A_865 = arith.constant 0 : i32
      %dma_start3A_866 = tpu.memref_slice %arg10[%dma_start3A_863, %dma_start3A_864, %dma_start3A_865] : memref<32x26x64xf32, #tpu.memory_space<vmem>> -> memref<1x26x64xf32, #tpu.memory_space<vmem>>
      %dma_start3A_867 = tpu.memref_squeeze %dma_start3A_866 : memref<1x26x64xf32, #tpu.memory_space<vmem>> -> memref<26x64xf32, #tpu.memory_space<vmem>>
      %dma_start3A_868 = arith.constant 0 : i32
      %dma_start3A_869 = tpu.memref_slice %arg8[%dma_start3A_862, %dma_start3A_868] : memref<32x26xi32, #tpu.memory_space<vmem>> -> memref<1x26xi32, #tpu.memory_space<vmem>>
      %dma_start3A_870 = tpu.memref_squeeze %dma_start3A_869 : memref<1x26xi32, #tpu.memory_space<vmem>> -> memref<26xi32, #tpu.memory_space<vmem>>
      %dma_start3A_871 = arith.constant 0 : i32
      %dma_start3A_872 = arith.constant 0 : i32
      %dma_start3A_873 = tpu.memref_slice %arg4[%dma_start3A_871, %dma_start3A_872] : memref<999936x64xf32, #tpu.memory_space<hbm>> -> memref<999936x64xf32, #tpu.memory_space<hbm>>
      tpu.enqueue_indirect_dma source(%dma_start3A_873 : memref<999936x64xf32, #tpu.memory_space<hbm>>) target(%dma_start3A_867 : memref<26x64xf32, #tpu.memory_space<vmem>>) offsets(%dma_start3A_870 : memref<26xi32, #tpu.memory_space<vmem>>) semaphore(%arg12 : memref<!tpu.dma_semaphore, #tpu.memory_space<semaphore_mem>>)
      %dma_start3A_874 = arith.constant 3 : i32
      %dma_start3A_875 = arith.constant 3 : i32
      %dma_start3A_876 = arith.constant 0 : i32
      %dma_start3A_877 = arith.constant 0 : i32
      %dma_start3A_878 = tpu.memref_slice %arg10[%dma_start3A_875, %dma_start3A_876, %dma_start3A_877] : memref<32x26x64xf32, #tpu.memory_space<vmem>> -> memref<1x26x64xf32, #tpu.memory_space<vmem>>
      %dma_start3A_879 = tpu.memref_squeeze %dma_start3A_878 : memref<1x26x64xf32, #tpu.memory_space<vmem>> -> memref<26x64xf32, #tpu.memory_space<vmem>>
      %dma_start3A_880 = arith.constant 0 : i32
      %dma_start3A_881 = tpu.memref_slice %arg8[%dma_start3A_874, %dma_start3A_880] : memref<32x26xi32, #tpu.memory_space<vmem>> -> memref<1x26xi32, #tpu.memory_space<vmem>>
      %dma_start3A_882 = tpu.memref_squeeze %dma_start3A_881 : memref<1x26xi32, #tpu.memory_space<vmem>> -> memref<26xi32, #tpu.memory_space<vmem>>
      %dma_start3A_883 = arith.constant 0 : i32
      %dma_start3A_884 = arith.constant 0 : i32
      %dma_start3A_885 = tpu.memref_slice %arg4[%dma_start3A_883, %dma_start3A_884] : memref<999936x64xf32, #tpu.memory_space<hbm>> -> memref<999936x64xf32, #tpu.memory_space<hbm>>
      tpu.enqueue_indirect_dma source(%dma_start3A_885 : memref<999936x64xf32, #tpu.memory_space<hbm>>) target(%dma_start3A_879 : memref<26x64xf32, #tpu.memory_space<vmem>>) offsets(%dma_start3A_882 : memref<26xi32, #tpu.memory_space<vmem>>) semaphore(%arg12 : memref<!tpu.dma_semaphore, #tpu.memory_space<semaphore_mem>>)
      %dma_start3A_886 = arith.constant 4 : i32
      %dma_start3A_887 = arith.constant 4 : i32
      %dma_start3A_888 = arith.constant 0 : i32
      %dma_start3A_889 = arith.constant 0 : i32
      %dma_start3A_890 = tpu.memref_slice %arg10[%dma_start3A_887, %dma_start3A_888, %dma_start3A_889] : memref<32x26x64xf32, #tpu.memory_space<vmem>> -> memref<1x26x64xf32, #tpu.memory_space<vmem>>
      %dma_start3A_891 = tpu.memref_squeeze %dma_start3A_890 : memref<1x26x64xf32, #tpu.memory_space<vmem>> -> memref<26x64xf32, #tpu.memory_space<vmem>>
      %dma_start3A_892 = arith.constant 0 : i32
      %dma_start3A_893 = tpu.memref_slice %arg8[%dma_start3A_886, %dma_start3A_892] : memref<32x26xi32, #tpu.memory_space<vmem>> -> memref<1x26xi32, #tpu.memory_space<vmem>>
      %dma_start3A_894 = tpu.memref_squeeze %dma_start3A_893 : memref<1x26xi32, #tpu.memory_space<vmem>> -> memref<26xi32, #tpu.memory_space<vmem>>
      %dma_start3A_895 = arith.constant 0 : i32
      %dma_start3A_896 = arith.constant 0 : i32
      %dma_start3A_897 = tpu.memref_slice %arg4[%dma_start3A_895, %dma_start3A_896] : memref<999936x64xf32, #tpu.memory_space<hbm>> -> memref<999936x64xf32, #tpu.memory_space<hbm>>
      tpu.enqueue_indirect_dma source(%dma_start3A_897 : memref<999936x64xf32, #tpu.memory_space<hbm>>) target(%dma_start3A_891 : memref<26x64xf32, #tpu.memory_space<vmem>>) offsets(%dma_start3A_894 : memref<26xi32, #tpu.memory_space<vmem>>) semaphore(%arg12 : memref<!tpu.dma_semaphore, #tpu.memory_space<semaphore_mem>>)
      %dma_start3A_898 = arith.constant 5 : i32
      %dma_start3A_899 = arith.constant 5 : i32
      %dma_start3A_900 = arith.constant 0 : i32
      %dma_start3A_901 = arith.constant 0 : i32
      %dma_start3A_902 = tpu.memref_slice %arg10[%dma_start3A_899, %dma_start3A_900, %dma_start3A_901] : memref<32x26x64xf32, #tpu.memory_space<vmem>> -> memref<1x26x64xf32, #tpu.memory_space<vmem>>
      %dma_start3A_903 = tpu.memref_squeeze %dma_start3A_902 : memref<1x26x64xf32, #tpu.memory_space<vmem>> -> memref<26x64xf32, #tpu.memory_space<vmem>>
      %dma_start3A_904 = arith.constant 0 : i32
      %dma_start3A_905 = tpu.memref_slice %arg8[%dma_start3A_898, %dma_start3A_904] : memref<32x26xi32, #tpu.memory_space<vmem>> -> memref<1x26xi32, #tpu.memory_space<vmem>>
      %dma_start3A_906 = tpu.memref_squeeze %dma_start3A_905 : memref<1x26xi32, #tpu.memory_space<vmem>> -> memref<26xi32, #tpu.memory_space<vmem>>
      %dma_start3A_907 = arith.constant 0 : i32
      %dma_start3A_908 = arith.constant 0 : i32
      %dma_start3A_909 = tpu.memref_slice %arg4[%dma_start3A_907, %dma_start3A_908] : memref<999936x64xf32, #tpu.memory_space<hbm>> -> memref<999936x64xf32, #tpu.memory_space<hbm>>
      tpu.enqueue_indirect_dma source(%dma_start3A_909 : memref<999936x64xf32, #tpu.memory_space<hbm>>) target(%dma_start3A_903 : memref<26x64xf32, #tpu.memory_space<vmem>>) offsets(%dma_start3A_906 : memref<26xi32, #tpu.memory_space<vmem>>) semaphore(%arg12 : memref<!tpu.dma_semaphore, #tpu.memory_space<semaphore_mem>>)
      %dma_start3A_910 = arith.constant 6 : i32
      %dma_start3A_911 = arith.constant 6 : i32
      %dma_start3A_912 = arith.constant 0 : i32
      %dma_start3A_913 = arith.constant 0 : i32
      %dma_start3A_914 = tpu.memref_slice %arg10[%dma_start3A_911, %dma_start3A_912, %dma_start3A_913] : memref<32x26x64xf32, #tpu.memory_space<vmem>> -> memref<1x26x64xf32, #tpu.memory_space<vmem>>
      %dma_start3A_915 = tpu.memref_squeeze %dma_start3A_914 : memref<1x26x64xf32, #tpu.memory_space<vmem>> -> memref<26x64xf32, #tpu.memory_space<vmem>>
      %dma_start3A_916 = arith.constant 0 : i32
      %dma_start3A_917 = tpu.memref_slice %arg8[%dma_start3A_910, %dma_start3A_916] : memref<32x26xi32, #tpu.memory_space<vmem>> -> memref<1x26xi32, #tpu.memory_space<vmem>>
      %dma_start3A_918 = tpu.memref_squeeze %dma_start3A_917 : memref<1x26xi32, #tpu.memory_space<vmem>> -> memref<26xi32, #tpu.memory_space<vmem>>
      %dma_start3A_919 = arith.constant 0 : i32
      %dma_start3A_920 = arith.constant 0 : i32
      %dma_start3A_921 = tpu.memref_slice %arg4[%dma_start3A_919, %dma_start3A_920] : memref<999936x64xf32, #tpu.memory_space<hbm>> -> memref<999936x64xf32, #tpu.memory_space<hbm>>
      tpu.enqueue_indirect_dma source(%dma_start3A_921 : memref<999936x64xf32, #tpu.memory_space<hbm>>) target(%dma_start3A_915 : memref<26x64xf32, #tpu.memory_space<vmem>>) offsets(%dma_start3A_918 : memref<26xi32, #tpu.memory_space<vmem>>) semaphore(%arg12 : memref<!tpu.dma_semaphore, #tpu.memory_space<semaphore_mem>>)
      %dma_start3A_922 = arith.constant 7 : i32
      %dma_start3A_923 = arith.constant 7 : i32
      %dma_start3A_924 = arith.constant 0 : i32
      %dma_start3A_925 = arith.constant 0 : i32
      %dma_start3A_926 = tpu.memref_slice %arg10[%dma_start3A_923, %dma_start3A_924, %dma_start3A_925] : memref<32x26x64xf32, #tpu.memory_space<vmem>> -> memref<1x26x64xf32, #tpu.memory_space<vmem>>
      %dma_start3A_927 = tpu.memref_squeeze %dma_start3A_926 : memref<1x26x64xf32, #tpu.memory_space<vmem>> -> memref<26x64xf32, #tpu.memory_space<vmem>>
      %dma_start3A_928 = arith.constant 0 : i32
      %dma_start3A_929 = tpu.memref_slice %arg8[%dma_start3A_922, %dma_start3A_928] : memref<32x26xi32, #tpu.memory_space<vmem>> -> memref<1x26xi32, #tpu.memory_space<vmem>>
      %dma_start3A_930 = tpu.memref_squeeze %dma_start3A_929 : memref<1x26xi32, #tpu.memory_space<vmem>> -> memref<26xi32, #tpu.memory_space<vmem>>
      %dma_start3A_931 = arith.constant 0 : i32
      %dma_start3A_932 = arith.constant 0 : i32
      %dma_start3A_933 = tpu.memref_slice %arg4[%dma_start3A_931, %dma_start3A_932] : memref<999936x64xf32, #tpu.memory_space<hbm>> -> memref<999936x64xf32, #tpu.memory_space<hbm>>
      tpu.enqueue_indirect_dma source(%dma_start3A_933 : memref<999936x64xf32, #tpu.memory_space<hbm>>) target(%dma_start3A_927 : memref<26x64xf32, #tpu.memory_space<vmem>>) offsets(%dma_start3A_930 : memref<26xi32, #tpu.memory_space<vmem>>) semaphore(%arg12 : memref<!tpu.dma_semaphore, #tpu.memory_space<semaphore_mem>>)
      %dma_start3A_934 = arith.constant 8 : i32
      %dma_start3A_935 = arith.constant 8 : i32
      %dma_start3A_936 = arith.constant 0 : i32
      %dma_start3A_937 = arith.constant 0 : i32
      %dma_start3A_938 = tpu.memref_slice %arg10[%dma_start3A_935, %dma_start3A_936, %dma_start3A_937] : memref<32x26x64xf32, #tpu.memory_space<vmem>> -> memref<1x26x64xf32, #tpu.memory_space<vmem>>
      %dma_start3A_939 = tpu.memref_squeeze %dma_start3A_938 : memref<1x26x64xf32, #tpu.memory_space<vmem>> -> memref<26x64xf32, #tpu.memory_space<vmem>>
      %dma_start3A_940 = arith.constant 0 : i32
      %dma_start3A_941 = tpu.memref_slice %arg8[%dma_start3A_934, %dma_start3A_940] : memref<32x26xi32, #tpu.memory_space<vmem>> -> memref<1x26xi32, #tpu.memory_space<vmem>>
      %dma_start3A_942 = tpu.memref_squeeze %dma_start3A_941 : memref<1x26xi32, #tpu.memory_space<vmem>> -> memref<26xi32, #tpu.memory_space<vmem>>
      %dma_start3A_943 = arith.constant 0 : i32
      %dma_start3A_944 = arith.constant 0 : i32
      %dma_start3A_945 = tpu.memref_slice %arg4[%dma_start3A_943, %dma_start3A_944] : memref<999936x64xf32, #tpu.memory_space<hbm>> -> memref<999936x64xf32, #tpu.memory_space<hbm>>
      tpu.enqueue_indirect_dma source(%dma_start3A_945 : memref<999936x64xf32, #tpu.memory_space<hbm>>) target(%dma_start3A_939 : memref<26x64xf32, #tpu.memory_space<vmem>>) offsets(%dma_start3A_942 : memref<26xi32, #tpu.memory_space<vmem>>) semaphore(%arg12 : memref<!tpu.dma_semaphore, #tpu.memory_space<semaphore_mem>>)
      %dma_start3A_946 = arith.constant 9 : i32
      %dma_start3A_947 = arith.constant 9 : i32
      %dma_start3A_948 = arith.constant 0 : i32
      %dma_start3A_949 = arith.constant 0 : i32
      %dma_start3A_950 = tpu.memref_slice %arg10[%dma_start3A_947, %dma_start3A_948, %dma_start3A_949] : memref<32x26x64xf32, #tpu.memory_space<vmem>> -> memref<1x26x64xf32, #tpu.memory_space<vmem>>
      %dma_start3A_951 = tpu.memref_squeeze %dma_start3A_950 : memref<1x26x64xf32, #tpu.memory_space<vmem>> -> memref<26x64xf32, #tpu.memory_space<vmem>>
      %dma_start3A_952 = arith.constant 0 : i32
      %dma_start3A_953 = tpu.memref_slice %arg8[%dma_start3A_946, %dma_start3A_952] : memref<32x26xi32, #tpu.memory_space<vmem>> -> memref<1x26xi32, #tpu.memory_space<vmem>>
      %dma_start3A_954 = tpu.memref_squeeze %dma_start3A_953 : memref<1x26xi32, #tpu.memory_space<vmem>> -> memref<26xi32, #tpu.memory_space<vmem>>
      %dma_start3A_955 = arith.constant 0 : i32
      %dma_start3A_956 = arith.constant 0 : i32
      %dma_start3A_957 = tpu.memref_slice %arg4[%dma_start3A_955, %dma_start3A_956] : memref<999936x64xf32, #tpu.memory_space<hbm>> -> memref<999936x64xf32, #tpu.memory_space<hbm>>
      tpu.enqueue_indirect_dma source(%dma_start3A_957 : memref<999936x64xf32, #tpu.memory_space<hbm>>) target(%dma_start3A_951 : memref<26x64xf32, #tpu.memory_space<vmem>>) offsets(%dma_start3A_954 : memref<26xi32, #tpu.memory_space<vmem>>) semaphore(%arg12 : memref<!tpu.dma_semaphore, #tpu.memory_space<semaphore_mem>>)
      %dma_start3A_958 = arith.constant 10 : i32
      %dma_start3A_959 = arith.constant 10 : i32
      %dma_start3A_960 = arith.constant 0 : i32
      %dma_start3A_961 = arith.constant 0 : i32
      %dma_start3A_962 = tpu.memref_slice %arg10[%dma_start3A_959, %dma_start3A_960, %dma_start3A_961] : memref<32x26x64xf32, #tpu.memory_space<vmem>> -> memref<1x26x64xf32, #tpu.memory_space<vmem>>
      %dma_start3A_963 = tpu.memref_squeeze %dma_start3A_962 : memref<1x26x64xf32, #tpu.memory_space<vmem>> -> memref<26x64xf32, #tpu.memory_space<vmem>>
      %dma_start3A_964 = arith.constant 0 : i32
      %dma_start3A_965 = tpu.memref_slice %arg8[%dma_start3A_958, %dma_start3A_964] : memref<32x26xi32, #tpu.memory_space<vmem>> -> memref<1x26xi32, #tpu.memory_space<vmem>>
      %dma_start3A_966 = tpu.memref_squeeze %dma_start3A_965 : memref<1x26xi32, #tpu.memory_space<vmem>> -> memref<26xi32, #tpu.memory_space<vmem>>
      %dma_start3A_967 = arith.constant 0 : i32
      %dma_start3A_968 = arith.constant 0 : i32
      %dma_start3A_969 = tpu.memref_slice %arg4[%dma_start3A_967, %dma_start3A_968] : memref<999936x64xf32, #tpu.memory_space<hbm>> -> memref<999936x64xf32, #tpu.memory_space<hbm>>
      tpu.enqueue_indirect_dma source(%dma_start3A_969 : memref<999936x64xf32, #tpu.memory_space<hbm>>) target(%dma_start3A_963 : memref<26x64xf32, #tpu.memory_space<vmem>>) offsets(%dma_start3A_966 : memref<26xi32, #tpu.memory_space<vmem>>) semaphore(%arg12 : memref<!tpu.dma_semaphore, #tpu.memory_space<semaphore_mem>>)
      %dma_start3A_970 = arith.constant 11 : i32
      %dma_start3A_971 = arith.constant 11 : i32
      %dma_start3A_972 = arith.constant 0 : i32
      %dma_start3A_973 = arith.constant 0 : i32
      %dma_start3A_974 = tpu.memref_slice %arg10[%dma_start3A_971, %dma_start3A_972, %dma_start3A_973] : memref<32x26x64xf32, #tpu.memory_space<vmem>> -> memref<1x26x64xf32, #tpu.memory_space<vmem>>
      %dma_start3A_975 = tpu.memref_squeeze %dma_start3A_974 : memref<1x26x64xf32, #tpu.memory_space<vmem>> -> memref<26x64xf32, #tpu.memory_space<vmem>>
      %dma_start3A_976 = arith.constant 0 : i32
      %dma_start3A_977 = tpu.memref_slice %arg8[%dma_start3A_970, %dma_start3A_976] : memref<32x26xi32, #tpu.memory_space<vmem>> -> memref<1x26xi32, #tpu.memory_space<vmem>>
      %dma_start3A_978 = tpu.memref_squeeze %dma_start3A_977 : memref<1x26xi32, #tpu.memory_space<vmem>> -> memref<26xi32, #tpu.memory_space<vmem>>
      %dma_start3A_979 = arith.constant 0 : i32
      %dma_start3A_980 = arith.constant 0 : i32
      %dma_start3A_981 = tpu.memref_slice %arg4[%dma_start3A_979, %dma_start3A_980] : memref<999936x64xf32, #tpu.memory_space<hbm>> -> memref<999936x64xf32, #tpu.memory_space<hbm>>
      tpu.enqueue_indirect_dma source(%dma_start3A_981 : memref<999936x64xf32, #tpu.memory_space<hbm>>) target(%dma_start3A_975 : memref<26x64xf32, #tpu.memory_space<vmem>>) offsets(%dma_start3A_978 : memref<26xi32, #tpu.memory_space<vmem>>) semaphore(%arg12 : memref<!tpu.dma_semaphore, #tpu.memory_space<semaphore_mem>>)
      %dma_start3A_982 = arith.constant 12 : i32
      %dma_start3A_983 = arith.constant 12 : i32
      %dma_start3A_984 = arith.constant 0 : i32
      %dma_start3A_985 = arith.constant 0 : i32
      %dma_start3A_986 = tpu.memref_slice %arg10[%dma_start3A_983, %dma_start3A_984, %dma_start3A_985] : memref<32x26x64xf32, #tpu.memory_space<vmem>> -> memref<1x26x64xf32, #tpu.memory_space<vmem>>
      %dma_start3A_987 = tpu.memref_squeeze %dma_start3A_986 : memref<1x26x64xf32, #tpu.memory_space<vmem>> -> memref<26x64xf32, #tpu.memory_space<vmem>>
      %dma_start3A_988 = arith.constant 0 : i32
      %dma_start3A_989 = tpu.memref_slice %arg8[%dma_start3A_982, %dma_start3A_988] : memref<32x26xi32, #tpu.memory_space<vmem>> -> memref<1x26xi32, #tpu.memory_space<vmem>>
      %dma_start3A_990 = tpu.memref_squeeze %dma_start3A_989 : memref<1x26xi32, #tpu.memory_space<vmem>> -> memref<26xi32, #tpu.memory_space<vmem>>
      %dma_start3A_991 = arith.constant 0 : i32
      %dma_start3A_992 = arith.constant 0 : i32
      %dma_start3A_993 = tpu.memref_slice %arg4[%dma_start3A_991, %dma_start3A_992] : memref<999936x64xf32, #tpu.memory_space<hbm>> -> memref<999936x64xf32, #tpu.memory_space<hbm>>
      tpu.enqueue_indirect_dma source(%dma_start3A_993 : memref<999936x64xf32, #tpu.memory_space<hbm>>) target(%dma_start3A_987 : memref<26x64xf32, #tpu.memory_space<vmem>>) offsets(%dma_start3A_990 : memref<26xi32, #tpu.memory_space<vmem>>) semaphore(%arg12 : memref<!tpu.dma_semaphore, #tpu.memory_space<semaphore_mem>>)
      %dma_start3A_994 = arith.constant 13 : i32
      %dma_start3A_995 = arith.constant 13 : i32
      %dma_start3A_996 = arith.constant 0 : i32
      %dma_start3A_997 = arith.constant 0 : i32
      %dma_start3A_998 = tpu.memref_slice %arg10[%dma_start3A_995, %dma_start3A_996, %dma_start3A_997] : memref<32x26x64xf32, #tpu.memory_space<vmem>> -> memref<1x26x64xf32, #tpu.memory_space<vmem>>
      %dma_start3A_999 = tpu.memref_squeeze %dma_start3A_998 : memref<1x26x64xf32, #tpu.memory_space<vmem>> -> memref<26x64xf32, #tpu.memory_space<vmem>>
      %dma_start3A_1000 = arith.constant 0 : i32
      %dma_start3A_1001 = tpu.memref_slice %arg8[%dma_start3A_994, %dma_start3A_1000] : memref<32x26xi32, #tpu.memory_space<vmem>> -> memref<1x26xi32, #tpu.memory_space<vmem>>
      %dma_start3A_1002 = tpu.memref_squeeze %dma_start3A_1001 : memref<1x26xi32, #tpu.memory_space<vmem>> -> memref<26xi32, #tpu.memory_space<vmem>>
      %dma_start3A_1003 = arith.constant 0 : i32
      %dma_start3A_1004 = arith.constant 0 : i32
      %dma_start3A_1005 = tpu.memref_slice %arg4[%dma_start3A_1003, %dma_start3A_1004] : memref<999936x64xf32, #tpu.memory_space<hbm>> -> memref<999936x64xf32, #tpu.memory_space<hbm>>
      tpu.enqueue_indirect_dma source(%dma_start3A_1005 : memref<999936x64xf32, #tpu.memory_space<hbm>>) target(%dma_start3A_999 : memref<26x64xf32, #tpu.memory_space<vmem>>) offsets(%dma_start3A_1002 : memref<26xi32, #tpu.memory_space<vmem>>) semaphore(%arg12 : memref<!tpu.dma_semaphore, #tpu.memory_space<semaphore_mem>>)
      %dma_start3A_1006 = arith.constant 14 : i32
      %dma_start3A_1007 = arith.constant 14 : i32
      %dma_start3A_1008 = arith.constant 0 : i32
      %dma_start3A_1009 = arith.constant 0 : i32
      %dma_start3A_1010 = tpu.memref_slice %arg10[%dma_start3A_1007, %dma_start3A_1008, %dma_start3A_1009] : memref<32x26x64xf32, #tpu.memory_space<vmem>> -> memref<1x26x64xf32, #tpu.memory_space<vmem>>
      %dma_start3A_1011 = tpu.memref_squeeze %dma_start3A_1010 : memref<1x26x64xf32, #tpu.memory_space<vmem>> -> memref<26x64xf32, #tpu.memory_space<vmem>>
      %dma_start3A_1012 = arith.constant 0 : i32
      %dma_start3A_1013 = tpu.memref_slice %arg8[%dma_start3A_1006, %dma_start3A_1012] : memref<32x26xi32, #tpu.memory_space<vmem>> -> memref<1x26xi32, #tpu.memory_space<vmem>>
      %dma_start3A_1014 = tpu.memref_squeeze %dma_start3A_1013 : memref<1x26xi32, #tpu.memory_space<vmem>> -> memref<26xi32, #tpu.memory_space<vmem>>
      %dma_start3A_1015 = arith.constant 0 : i32
      %dma_start3A_1016 = arith.constant 0 : i32
      %dma_start3A_1017 = tpu.memref_slice %arg4[%dma_start3A_1015, %dma_start3A_1016] : memref<999936x64xf32, #tpu.memory_space<hbm>> -> memref<999936x64xf32, #tpu.memory_space<hbm>>
      tpu.enqueue_indirect_dma source(%dma_start3A_1017 : memref<999936x64xf32, #tpu.memory_space<hbm>>) target(%dma_start3A_1011 : memref<26x64xf32, #tpu.memory_space<vmem>>) offsets(%dma_start3A_1014 : memref<26xi32, #tpu.memory_space<vmem>>) semaphore(%arg12 : memref<!tpu.dma_semaphore, #tpu.memory_space<semaphore_mem>>)
      %dma_start3A_1018 = arith.constant 15 : i32
      %dma_start3A_1019 = arith.constant 15 : i32
      %dma_start3A_1020 = arith.constant 0 : i32
      %dma_start3A_1021 = arith.constant 0 : i32
      %dma_start3A_1022 = tpu.memref_slice %arg10[%dma_start3A_1019, %dma_start3A_1020, %dma_start3A_1021] : memref<32x26x64xf32, #tpu.memory_space<vmem>> -> memref<1x26x64xf32, #tpu.memory_space<vmem>>
      %dma_start3A_1023 = tpu.memref_squeeze %dma_start3A_1022 : memref<1x26x64xf32, #tpu.memory_space<vmem>> -> memref<26x64xf32, #tpu.memory_space<vmem>>
      %dma_start3A_1024 = arith.constant 0 : i32
      %dma_start3A_1025 = tpu.memref_slice %arg8[%dma_start3A_1018, %dma_start3A_1024] : memref<32x26xi32, #tpu.memory_space<vmem>> -> memref<1x26xi32, #tpu.memory_space<vmem>>
      %dma_start3A_1026 = tpu.memref_squeeze %dma_start3A_1025 : memref<1x26xi32, #tpu.memory_space<vmem>> -> memref<26xi32, #tpu.memory_space<vmem>>
      %dma_start3A_1027 = arith.constant 0 : i32
      %dma_start3A_1028 = arith.constant 0 : i32
      %dma_start3A_1029 = tpu.memref_slice %arg4[%dma_start3A_1027, %dma_start3A_1028] : memref<999936x64xf32, #tpu.memory_space<hbm>> -> memref<999936x64xf32, #tpu.memory_space<hbm>>
      tpu.enqueue_indirect_dma source(%dma_start3A_1029 : memref<999936x64xf32, #tpu.memory_space<hbm>>) target(%dma_start3A_1023 : memref<26x64xf32, #tpu.memory_space<vmem>>) offsets(%dma_start3A_1026 : memref<26xi32, #tpu.memory_space<vmem>>) semaphore(%arg12 : memref<!tpu.dma_semaphore, #tpu.memory_space<semaphore_mem>>)
      %dma_start3A_1030 = arith.constant 16 : i32
      %dma_start3A_1031 = arith.constant 16 : i32
      %dma_start3A_1032 = arith.constant 0 : i32
      %dma_start3A_1033 = arith.constant 0 : i32
      %dma_start3A_1034 = tpu.memref_slice %arg10[%dma_start3A_1031, %dma_start3A_1032, %dma_start3A_1033] : memref<32x26x64xf32, #tpu.memory_space<vmem>> -> memref<1x26x64xf32, #tpu.memory_space<vmem>>
      %dma_start3A_1035 = tpu.memref_squeeze %dma_start3A_1034 : memref<1x26x64xf32, #tpu.memory_space<vmem>> -> memref<26x64xf32, #tpu.memory_space<vmem>>
      %dma_start3A_1036 = arith.constant 0 : i32
      %dma_start3A_1037 = tpu.memref_slice %arg8[%dma_start3A_1030, %dma_start3A_1036] : memref<32x26xi32, #tpu.memory_space<vmem>> -> memref<1x26xi32, #tpu.memory_space<vmem>>
      %dma_start3A_1038 = tpu.memref_squeeze %dma_start3A_1037 : memref<1x26xi32, #tpu.memory_space<vmem>> -> memref<26xi32, #tpu.memory_space<vmem>>
      %dma_start3A_1039 = arith.constant 0 : i32
      %dma_start3A_1040 = arith.constant 0 : i32
      %dma_start3A_1041 = tpu.memref_slice %arg4[%dma_start3A_1039, %dma_start3A_1040] : memref<999936x64xf32, #tpu.memory_space<hbm>> -> memref<999936x64xf32, #tpu.memory_space<hbm>>
      tpu.enqueue_indirect_dma source(%dma_start3A_1041 : memref<999936x64xf32, #tpu.memory_space<hbm>>) target(%dma_start3A_1035 : memref<26x64xf32, #tpu.memory_space<vmem>>) offsets(%dma_start3A_1038 : memref<26xi32, #tpu.memory_space<vmem>>) semaphore(%arg12 : memref<!tpu.dma_semaphore, #tpu.memory_space<semaphore_mem>>)
      %dma_start3A_1042 = arith.constant 17 : i32
      %dma_start3A_1043 = arith.constant 17 : i32
      %dma_start3A_1044 = arith.constant 0 : i32
      %dma_start3A_1045 = arith.constant 0 : i32
      %dma_start3A_1046 = tpu.memref_slice %arg10[%dma_start3A_1043, %dma_start3A_1044, %dma_start3A_1045] : memref<32x26x64xf32, #tpu.memory_space<vmem>> -> memref<1x26x64xf32, #tpu.memory_space<vmem>>
      %dma_start3A_1047 = tpu.memref_squeeze %dma_start3A_1046 : memref<1x26x64xf32, #tpu.memory_space<vmem>> -> memref<26x64xf32, #tpu.memory_space<vmem>>
      %dma_start3A_1048 = arith.constant 0 : i32
      %dma_start3A_1049 = tpu.memref_slice %arg8[%dma_start3A_1042, %dma_start3A_1048] : memref<32x26xi32, #tpu.memory_space<vmem>> -> memref<1x26xi32, #tpu.memory_space<vmem>>
      %dma_start3A_1050 = tpu.memref_squeeze %dma_start3A_1049 : memref<1x26xi32, #tpu.memory_space<vmem>> -> memref<26xi32, #tpu.memory_space<vmem>>
      %dma_start3A_1051 = arith.constant 0 : i32
      %dma_start3A_1052 = arith.constant 0 : i32
      %dma_start3A_1053 = tpu.memref_slice %arg4[%dma_start3A_1051, %dma_start3A_1052] : memref<999936x64xf32, #tpu.memory_space<hbm>> -> memref<999936x64xf32, #tpu.memory_space<hbm>>
      tpu.enqueue_indirect_dma source(%dma_start3A_1053 : memref<999936x64xf32, #tpu.memory_space<hbm>>) target(%dma_start3A_1047 : memref<26x64xf32, #tpu.memory_space<vmem>>) offsets(%dma_start3A_1050 : memref<26xi32, #tpu.memory_space<vmem>>) semaphore(%arg12 : memref<!tpu.dma_semaphore, #tpu.memory_space<semaphore_mem>>)
      %dma_start3A_1054 = arith.constant 18 : i32
      %dma_start3A_1055 = arith.constant 18 : i32
      %dma_start3A_1056 = arith.constant 0 : i32
      %dma_start3A_1057 = arith.constant 0 : i32
      %dma_start3A_1058 = tpu.memref_slice %arg10[%dma_start3A_1055, %dma_start3A_1056, %dma_start3A_1057] : memref<32x26x64xf32, #tpu.memory_space<vmem>> -> memref<1x26x64xf32, #tpu.memory_space<vmem>>
      %dma_start3A_1059 = tpu.memref_squeeze %dma_start3A_1058 : memref<1x26x64xf32, #tpu.memory_space<vmem>> -> memref<26x64xf32, #tpu.memory_space<vmem>>
      %dma_start3A_1060 = arith.constant 0 : i32
      %dma_start3A_1061 = tpu.memref_slice %arg8[%dma_start3A_1054, %dma_start3A_1060] : memref<32x26xi32, #tpu.memory_space<vmem>> -> memref<1x26xi32, #tpu.memory_space<vmem>>
      %dma_start3A_1062 = tpu.memref_squeeze %dma_start3A_1061 : memref<1x26xi32, #tpu.memory_space<vmem>> -> memref<26xi32, #tpu.memory_space<vmem>>
      %dma_start3A_1063 = arith.constant 0 : i32
      %dma_start3A_1064 = arith.constant 0 : i32
      %dma_start3A_1065 = tpu.memref_slice %arg4[%dma_start3A_1063, %dma_start3A_1064] : memref<999936x64xf32, #tpu.memory_space<hbm>> -> memref<999936x64xf32, #tpu.memory_space<hbm>>
      tpu.enqueue_indirect_dma source(%dma_start3A_1065 : memref<999936x64xf32, #tpu.memory_space<hbm>>) target(%dma_start3A_1059 : memref<26x64xf32, #tpu.memory_space<vmem>>) offsets(%dma_start3A_1062 : memref<26xi32, #tpu.memory_space<vmem>>) semaphore(%arg12 : memref<!tpu.dma_semaphore, #tpu.memory_space<semaphore_mem>>)
      %dma_start3A_1066 = arith.constant 19 : i32
      %dma_start3A_1067 = arith.constant 19 : i32
      %dma_start3A_1068 = arith.constant 0 : i32
      %dma_start3A_1069 = arith.constant 0 : i32
      %dma_start3A_1070 = tpu.memref_slice %arg10[%dma_start3A_1067, %dma_start3A_1068, %dma_start3A_1069] : memref<32x26x64xf32, #tpu.memory_space<vmem>> -> memref<1x26x64xf32, #tpu.memory_space<vmem>>
      %dma_start3A_1071 = tpu.memref_squeeze %dma_start3A_1070 : memref<1x26x64xf32, #tpu.memory_space<vmem>> -> memref<26x64xf32, #tpu.memory_space<vmem>>
      %dma_start3A_1072 = arith.constant 0 : i32
      %dma_start3A_1073 = tpu.memref_slice %arg8[%dma_start3A_1066, %dma_start3A_1072] : memref<32x26xi32, #tpu.memory_space<vmem>> -> memref<1x26xi32, #tpu.memory_space<vmem>>
      %dma_start3A_1074 = tpu.memref_squeeze %dma_start3A_1073 : memref<1x26xi32, #tpu.memory_space<vmem>> -> memref<26xi32, #tpu.memory_space<vmem>>
      %dma_start3A_1075 = arith.constant 0 : i32
      %dma_start3A_1076 = arith.constant 0 : i32
      %dma_start3A_1077 = tpu.memref_slice %arg4[%dma_start3A_1075, %dma_start3A_1076] : memref<999936x64xf32, #tpu.memory_space<hbm>> -> memref<999936x64xf32, #tpu.memory_space<hbm>>
      tpu.enqueue_indirect_dma source(%dma_start3A_1077 : memref<999936x64xf32, #tpu.memory_space<hbm>>) target(%dma_start3A_1071 : memref<26x64xf32, #tpu.memory_space<vmem>>) offsets(%dma_start3A_1074 : memref<26xi32, #tpu.memory_space<vmem>>) semaphore(%arg12 : memref<!tpu.dma_semaphore, #tpu.memory_space<semaphore_mem>>)
      %dma_start3A_1078 = arith.constant 20 : i32
      %dma_start3A_1079 = arith.constant 20 : i32
      %dma_start3A_1080 = arith.constant 0 : i32
      %dma_start3A_1081 = arith.constant 0 : i32
      %dma_start3A_1082 = tpu.memref_slice %arg10[%dma_start3A_1079, %dma_start3A_1080, %dma_start3A_1081] : memref<32x26x64xf32, #tpu.memory_space<vmem>> -> memref<1x26x64xf32, #tpu.memory_space<vmem>>
      %dma_start3A_1083 = tpu.memref_squeeze %dma_start3A_1082 : memref<1x26x64xf32, #tpu.memory_space<vmem>> -> memref<26x64xf32, #tpu.memory_space<vmem>>
      %dma_start3A_1084 = arith.constant 0 : i32
      %dma_start3A_1085 = tpu.memref_slice %arg8[%dma_start3A_1078, %dma_start3A_1084] : memref<32x26xi32, #tpu.memory_space<vmem>> -> memref<1x26xi32, #tpu.memory_space<vmem>>
      %dma_start3A_1086 = tpu.memref_squeeze %dma_start3A_1085 : memref<1x26xi32, #tpu.memory_space<vmem>> -> memref<26xi32, #tpu.memory_space<vmem>>
      %dma_start3A_1087 = arith.constant 0 : i32
      %dma_start3A_1088 = arith.constant 0 : i32
      %dma_start3A_1089 = tpu.memref_slice %arg4[%dma_start3A_1087, %dma_start3A_1088] : memref<999936x64xf32, #tpu.memory_space<hbm>> -> memref<999936x64xf32, #tpu.memory_space<hbm>>
      tpu.enqueue_indirect_dma source(%dma_start3A_1089 : memref<999936x64xf32, #tpu.memory_space<hbm>>) target(%dma_start3A_1083 : memref<26x64xf32, #tpu.memory_space<vmem>>) offsets(%dma_start3A_1086 : memref<26xi32, #tpu.memory_space<vmem>>) semaphore(%arg12 : memref<!tpu.dma_semaphore, #tpu.memory_space<semaphore_mem>>)
      %dma_start3A_1090 = arith.constant 21 : i32
      %dma_start3A_1091 = arith.constant 21 : i32
      %dma_start3A_1092 = arith.constant 0 : i32
      %dma_start3A_1093 = arith.constant 0 : i32
      %dma_start3A_1094 = tpu.memref_slice %arg10[%dma_start3A_1091, %dma_start3A_1092, %dma_start3A_1093] : memref<32x26x64xf32, #tpu.memory_space<vmem>> -> memref<1x26x64xf32, #tpu.memory_space<vmem>>
      %dma_start3A_1095 = tpu.memref_squeeze %dma_start3A_1094 : memref<1x26x64xf32, #tpu.memory_space<vmem>> -> memref<26x64xf32, #tpu.memory_space<vmem>>
      %dma_start3A_1096 = arith.constant 0 : i32
      %dma_start3A_1097 = tpu.memref_slice %arg8[%dma_start3A_1090, %dma_start3A_1096] : memref<32x26xi32, #tpu.memory_space<vmem>> -> memref<1x26xi32, #tpu.memory_space<vmem>>
      %dma_start3A_1098 = tpu.memref_squeeze %dma_start3A_1097 : memref<1x26xi32, #tpu.memory_space<vmem>> -> memref<26xi32, #tpu.memory_space<vmem>>
      %dma_start3A_1099 = arith.constant 0 : i32
      %dma_start3A_1100 = arith.constant 0 : i32
      %dma_start3A_1101 = tpu.memref_slice %arg4[%dma_start3A_1099, %dma_start3A_1100] : memref<999936x64xf32, #tpu.memory_space<hbm>> -> memref<999936x64xf32, #tpu.memory_space<hbm>>
      tpu.enqueue_indirect_dma source(%dma_start3A_1101 : memref<999936x64xf32, #tpu.memory_space<hbm>>) target(%dma_start3A_1095 : memref<26x64xf32, #tpu.memory_space<vmem>>) offsets(%dma_start3A_1098 : memref<26xi32, #tpu.memory_space<vmem>>) semaphore(%arg12 : memref<!tpu.dma_semaphore, #tpu.memory_space<semaphore_mem>>)
      %dma_start3A_1102 = arith.constant 22 : i32
      %dma_start3A_1103 = arith.constant 22 : i32
      %dma_start3A_1104 = arith.constant 0 : i32
      %dma_start3A_1105 = arith.constant 0 : i32
      %dma_start3A_1106 = tpu.memref_slice %arg10[%dma_start3A_1103, %dma_start3A_1104, %dma_start3A_1105] : memref<32x26x64xf32, #tpu.memory_space<vmem>> -> memref<1x26x64xf32, #tpu.memory_space<vmem>>
      %dma_start3A_1107 = tpu.memref_squeeze %dma_start3A_1106 : memref<1x26x64xf32, #tpu.memory_space<vmem>> -> memref<26x64xf32, #tpu.memory_space<vmem>>
      %dma_start3A_1108 = arith.constant 0 : i32
      %dma_start3A_1109 = tpu.memref_slice %arg8[%dma_start3A_1102, %dma_start3A_1108] : memref<32x26xi32, #tpu.memory_space<vmem>> -> memref<1x26xi32, #tpu.memory_space<vmem>>
      %dma_start3A_1110 = tpu.memref_squeeze %dma_start3A_1109 : memref<1x26xi32, #tpu.memory_space<vmem>> -> memref<26xi32, #tpu.memory_space<vmem>>
      %dma_start3A_1111 = arith.constant 0 : i32
      %dma_start3A_1112 = arith.constant 0 : i32
      %dma_start3A_1113 = tpu.memref_slice %arg4[%dma_start3A_1111, %dma_start3A_1112] : memref<999936x64xf32, #tpu.memory_space<hbm>> -> memref<999936x64xf32, #tpu.memory_space<hbm>>
      tpu.enqueue_indirect_dma source(%dma_start3A_1113 : memref<999936x64xf32, #tpu.memory_space<hbm>>) target(%dma_start3A_1107 : memref<26x64xf32, #tpu.memory_space<vmem>>) offsets(%dma_start3A_1110 : memref<26xi32, #tpu.memory_space<vmem>>) semaphore(%arg12 : memref<!tpu.dma_semaphore, #tpu.memory_space<semaphore_mem>>)
      %dma_start3A_1114 = arith.constant 23 : i32
      %dma_start3A_1115 = arith.constant 23 : i32
      %dma_start3A_1116 = arith.constant 0 : i32
      %dma_start3A_1117 = arith.constant 0 : i32
      %dma_start3A_1118 = tpu.memref_slice %arg10[%dma_start3A_1115, %dma_start3A_1116, %dma_start3A_1117] : memref<32x26x64xf32, #tpu.memory_space<vmem>> -> memref<1x26x64xf32, #tpu.memory_space<vmem>>
      %dma_start3A_1119 = tpu.memref_squeeze %dma_start3A_1118 : memref<1x26x64xf32, #tpu.memory_space<vmem>> -> memref<26x64xf32, #tpu.memory_space<vmem>>
      %dma_start3A_1120 = arith.constant 0 : i32
      %dma_start3A_1121 = tpu.memref_slice %arg8[%dma_start3A_1114, %dma_start3A_1120] : memref<32x26xi32, #tpu.memory_space<vmem>> -> memref<1x26xi32, #tpu.memory_space<vmem>>
      %dma_start3A_1122 = tpu.memref_squeeze %dma_start3A_1121 : memref<1x26xi32, #tpu.memory_space<vmem>> -> memref<26xi32, #tpu.memory_space<vmem>>
      %dma_start3A_1123 = arith.constant 0 : i32
      %dma_start3A_1124 = arith.constant 0 : i32
      %dma_start3A_1125 = tpu.memref_slice %arg4[%dma_start3A_1123, %dma_start3A_1124] : memref<999936x64xf32, #tpu.memory_space<hbm>> -> memref<999936x64xf32, #tpu.memory_space<hbm>>
      tpu.enqueue_indirect_dma source(%dma_start3A_1125 : memref<999936x64xf32, #tpu.memory_space<hbm>>) target(%dma_start3A_1119 : memref<26x64xf32, #tpu.memory_space<vmem>>) offsets(%dma_start3A_1122 : memref<26xi32, #tpu.memory_space<vmem>>) semaphore(%arg12 : memref<!tpu.dma_semaphore, #tpu.memory_space<semaphore_mem>>)
      %dma_start3A_1126 = arith.constant 24 : i32
      %dma_start3A_1127 = arith.constant 24 : i32
      %dma_start3A_1128 = arith.constant 0 : i32
      %dma_start3A_1129 = arith.constant 0 : i32
      %dma_start3A_1130 = tpu.memref_slice %arg10[%dma_start3A_1127, %dma_start3A_1128, %dma_start3A_1129] : memref<32x26x64xf32, #tpu.memory_space<vmem>> -> memref<1x26x64xf32, #tpu.memory_space<vmem>>
      %dma_start3A_1131 = tpu.memref_squeeze %dma_start3A_1130 : memref<1x26x64xf32, #tpu.memory_space<vmem>> -> memref<26x64xf32, #tpu.memory_space<vmem>>
      %dma_start3A_1132 = arith.constant 0 : i32
      %dma_start3A_1133 = tpu.memref_slice %arg8[%dma_start3A_1126, %dma_start3A_1132] : memref<32x26xi32, #tpu.memory_space<vmem>> -> memref<1x26xi32, #tpu.memory_space<vmem>>
      %dma_start3A_1134 = tpu.memref_squeeze %dma_start3A_1133 : memref<1x26xi32, #tpu.memory_space<vmem>> -> memref<26xi32, #tpu.memory_space<vmem>>
      %dma_start3A_1135 = arith.constant 0 : i32
      %dma_start3A_1136 = arith.constant 0 : i32
      %dma_start3A_1137 = tpu.memref_slice %arg4[%dma_start3A_1135, %dma_start3A_1136] : memref<999936x64xf32, #tpu.memory_space<hbm>> -> memref<999936x64xf32, #tpu.memory_space<hbm>>
      tpu.enqueue_indirect_dma source(%dma_start3A_1137 : memref<999936x64xf32, #tpu.memory_space<hbm>>) target(%dma_start3A_1131 : memref<26x64xf32, #tpu.memory_space<vmem>>) offsets(%dma_start3A_1134 : memref<26xi32, #tpu.memory_space<vmem>>) semaphore(%arg12 : memref<!tpu.dma_semaphore, #tpu.memory_space<semaphore_mem>>)
      %dma_start3A_1138 = arith.constant 25 : i32
      %dma_start3A_1139 = arith.constant 25 : i32
      %dma_start3A_1140 = arith.constant 0 : i32
      %dma_start3A_1141 = arith.constant 0 : i32
      %dma_start3A_1142 = tpu.memref_slice %arg10[%dma_start3A_1139, %dma_start3A_1140, %dma_start3A_1141] : memref<32x26x64xf32, #tpu.memory_space<vmem>> -> memref<1x26x64xf32, #tpu.memory_space<vmem>>
      %dma_start3A_1143 = tpu.memref_squeeze %dma_start3A_1142 : memref<1x26x64xf32, #tpu.memory_space<vmem>> -> memref<26x64xf32, #tpu.memory_space<vmem>>
      %dma_start3A_1144 = arith.constant 0 : i32
      %dma_start3A_1145 = tpu.memref_slice %arg8[%dma_start3A_1138, %dma_start3A_1144] : memref<32x26xi32, #tpu.memory_space<vmem>> -> memref<1x26xi32, #tpu.memory_space<vmem>>
      %dma_start3A_1146 = tpu.memref_squeeze %dma_start3A_1145 : memref<1x26xi32, #tpu.memory_space<vmem>> -> memref<26xi32, #tpu.memory_space<vmem>>
      %dma_start3A_1147 = arith.constant 0 : i32
      %dma_start3A_1148 = arith.constant 0 : i32
      %dma_start3A_1149 = tpu.memref_slice %arg4[%dma_start3A_1147, %dma_start3A_1148] : memref<999936x64xf32, #tpu.memory_space<hbm>> -> memref<999936x64xf32, #tpu.memory_space<hbm>>
      tpu.enqueue_indirect_dma source(%dma_start3A_1149 : memref<999936x64xf32, #tpu.memory_space<hbm>>) target(%dma_start3A_1143 : memref<26x64xf32, #tpu.memory_space<vmem>>) offsets(%dma_start3A_1146 : memref<26xi32, #tpu.memory_space<vmem>>) semaphore(%arg12 : memref<!tpu.dma_semaphore, #tpu.memory_space<semaphore_mem>>)
      %dma_start3A_1150 = arith.constant 26 : i32
      %dma_start3A_1151 = arith.constant 26 : i32
      %dma_start3A_1152 = arith.constant 0 : i32
      %dma_start3A_1153 = arith.constant 0 : i32
      %dma_start3A_1154 = tpu.memref_slice %arg10[%dma_start3A_1151, %dma_start3A_1152, %dma_start3A_1153] : memref<32x26x64xf32, #tpu.memory_space<vmem>> -> memref<1x26x64xf32, #tpu.memory_space<vmem>>
      %dma_start3A_1155 = tpu.memref_squeeze %dma_start3A_1154 : memref<1x26x64xf32, #tpu.memory_space<vmem>> -> memref<26x64xf32, #tpu.memory_space<vmem>>
      %dma_start3A_1156 = arith.constant 0 : i32
      %dma_start3A_1157 = tpu.memref_slice %arg8[%dma_start3A_1150, %dma_start3A_1156] : memref<32x26xi32, #tpu.memory_space<vmem>> -> memref<1x26xi32, #tpu.memory_space<vmem>>
      %dma_start3A_1158 = tpu.memref_squeeze %dma_start3A_1157 : memref<1x26xi32, #tpu.memory_space<vmem>> -> memref<26xi32, #tpu.memory_space<vmem>>
      %dma_start3A_1159 = arith.constant 0 : i32
      %dma_start3A_1160 = arith.constant 0 : i32
      %dma_start3A_1161 = tpu.memref_slice %arg4[%dma_start3A_1159, %dma_start3A_1160] : memref<999936x64xf32, #tpu.memory_space<hbm>> -> memref<999936x64xf32, #tpu.memory_space<hbm>>
      tpu.enqueue_indirect_dma source(%dma_start3A_1161 : memref<999936x64xf32, #tpu.memory_space<hbm>>) target(%dma_start3A_1155 : memref<26x64xf32, #tpu.memory_space<vmem>>) offsets(%dma_start3A_1158 : memref<26xi32, #tpu.memory_space<vmem>>) semaphore(%arg12 : memref<!tpu.dma_semaphore, #tpu.memory_space<semaphore_mem>>)
      %dma_start3A_1162 = arith.constant 27 : i32
      %dma_start3A_1163 = arith.constant 27 : i32
      %dma_start3A_1164 = arith.constant 0 : i32
      %dma_start3A_1165 = arith.constant 0 : i32
      %dma_start3A_1166 = tpu.memref_slice %arg10[%dma_start3A_1163, %dma_start3A_1164, %dma_start3A_1165] : memref<32x26x64xf32, #tpu.memory_space<vmem>> -> memref<1x26x64xf32, #tpu.memory_space<vmem>>
      %dma_start3A_1167 = tpu.memref_squeeze %dma_start3A_1166 : memref<1x26x64xf32, #tpu.memory_space<vmem>> -> memref<26x64xf32, #tpu.memory_space<vmem>>
      %dma_start3A_1168 = arith.constant 0 : i32
      %dma_start3A_1169 = tpu.memref_slice %arg8[%dma_start3A_1162, %dma_start3A_1168] : memref<32x26xi32, #tpu.memory_space<vmem>> -> memref<1x26xi32, #tpu.memory_space<vmem>>
      %dma_start3A_1170 = tpu.memref_squeeze %dma_start3A_1169 : memref<1x26xi32, #tpu.memory_space<vmem>> -> memref<26xi32, #tpu.memory_space<vmem>>
      %dma_start3A_1171 = arith.constant 0 : i32
      %dma_start3A_1172 = arith.constant 0 : i32
      %dma_start3A_1173 = tpu.memref_slice %arg4[%dma_start3A_1171, %dma_start3A_1172] : memref<999936x64xf32, #tpu.memory_space<hbm>> -> memref<999936x64xf32, #tpu.memory_space<hbm>>
      tpu.enqueue_indirect_dma source(%dma_start3A_1173 : memref<999936x64xf32, #tpu.memory_space<hbm>>) target(%dma_start3A_1167 : memref<26x64xf32, #tpu.memory_space<vmem>>) offsets(%dma_start3A_1170 : memref<26xi32, #tpu.memory_space<vmem>>) semaphore(%arg12 : memref<!tpu.dma_semaphore, #tpu.memory_space<semaphore_mem>>)
      %dma_start3A_1174 = arith.constant 28 : i32
      %dma_start3A_1175 = arith.constant 28 : i32
      %dma_start3A_1176 = arith.constant 0 : i32
      %dma_start3A_1177 = arith.constant 0 : i32
      %dma_start3A_1178 = tpu.memref_slice %arg10[%dma_start3A_1175, %dma_start3A_1176, %dma_start3A_1177] : memref<32x26x64xf32, #tpu.memory_space<vmem>> -> memref<1x26x64xf32, #tpu.memory_space<vmem>>
      %dma_start3A_1179 = tpu.memref_squeeze %dma_start3A_1178 : memref<1x26x64xf32, #tpu.memory_space<vmem>> -> memref<26x64xf32, #tpu.memory_space<vmem>>
      %dma_start3A_1180 = arith.constant 0 : i32
      %dma_start3A_1181 = tpu.memref_slice %arg8[%dma_start3A_1174, %dma_start3A_1180] : memref<32x26xi32, #tpu.memory_space<vmem>> -> memref<1x26xi32, #tpu.memory_space<vmem>>
      %dma_start3A_1182 = tpu.memref_squeeze %dma_start3A_1181 : memref<1x26xi32, #tpu.memory_space<vmem>> -> memref<26xi32, #tpu.memory_space<vmem>>
      %dma_start3A_1183 = arith.constant 0 : i32
      %dma_start3A_1184 = arith.constant 0 : i32
      %dma_start3A_1185 = tpu.memref_slice %arg4[%dma_start3A_1183, %dma_start3A_1184] : memref<999936x64xf32, #tpu.memory_space<hbm>> -> memref<999936x64xf32, #tpu.memory_space<hbm>>
      tpu.enqueue_indirect_dma source(%dma_start3A_1185 : memref<999936x64xf32, #tpu.memory_space<hbm>>) target(%dma_start3A_1179 : memref<26x64xf32, #tpu.memory_space<vmem>>) offsets(%dma_start3A_1182 : memref<26xi32, #tpu.memory_space<vmem>>) semaphore(%arg12 : memref<!tpu.dma_semaphore, #tpu.memory_space<semaphore_mem>>)
      %dma_start3A_1186 = arith.constant 29 : i32
      %dma_start3A_1187 = arith.constant 29 : i32
      %dma_start3A_1188 = arith.constant 0 : i32
      %dma_start3A_1189 = arith.constant 0 : i32
      %dma_start3A_1190 = tpu.memref_slice %arg10[%dma_start3A_1187, %dma_start3A_1188, %dma_start3A_1189] : memref<32x26x64xf32, #tpu.memory_space<vmem>> -> memref<1x26x64xf32, #tpu.memory_space<vmem>>
      %dma_start3A_1191 = tpu.memref_squeeze %dma_start3A_1190 : memref<1x26x64xf32, #tpu.memory_space<vmem>> -> memref<26x64xf32, #tpu.memory_space<vmem>>
      %dma_start3A_1192 = arith.constant 0 : i32
      %dma_start3A_1193 = tpu.memref_slice %arg8[%dma_start3A_1186, %dma_start3A_1192] : memref<32x26xi32, #tpu.memory_space<vmem>> -> memref<1x26xi32, #tpu.memory_space<vmem>>
      %dma_start3A_1194 = tpu.memref_squeeze %dma_start3A_1193 : memref<1x26xi32, #tpu.memory_space<vmem>> -> memref<26xi32, #tpu.memory_space<vmem>>
      %dma_start3A_1195 = arith.constant 0 : i32
      %dma_start3A_1196 = arith.constant 0 : i32
      %dma_start3A_1197 = tpu.memref_slice %arg4[%dma_start3A_1195, %dma_start3A_1196] : memref<999936x64xf32, #tpu.memory_space<hbm>> -> memref<999936x64xf32, #tpu.memory_space<hbm>>
      tpu.enqueue_indirect_dma source(%dma_start3A_1197 : memref<999936x64xf32, #tpu.memory_space<hbm>>) target(%dma_start3A_1191 : memref<26x64xf32, #tpu.memory_space<vmem>>) offsets(%dma_start3A_1194 : memref<26xi32, #tpu.memory_space<vmem>>) semaphore(%arg12 : memref<!tpu.dma_semaphore, #tpu.memory_space<semaphore_mem>>)
      %dma_start3A_1198 = arith.constant 30 : i32
      %dma_start3A_1199 = arith.constant 30 : i32
      %dma_start3A_1200 = arith.constant 0 : i32
      %dma_start3A_1201 = arith.constant 0 : i32
      %dma_start3A_1202 = tpu.memref_slice %arg10[%dma_start3A_1199, %dma_start3A_1200, %dma_start3A_1201] : memref<32x26x64xf32, #tpu.memory_space<vmem>> -> memref<1x26x64xf32, #tpu.memory_space<vmem>>
      %dma_start3A_1203 = tpu.memref_squeeze %dma_start3A_1202 : memref<1x26x64xf32, #tpu.memory_space<vmem>> -> memref<26x64xf32, #tpu.memory_space<vmem>>
      %dma_start3A_1204 = arith.constant 0 : i32
      %dma_start3A_1205 = tpu.memref_slice %arg8[%dma_start3A_1198, %dma_start3A_1204] : memref<32x26xi32, #tpu.memory_space<vmem>> -> memref<1x26xi32, #tpu.memory_space<vmem>>
      %dma_start3A_1206 = tpu.memref_squeeze %dma_start3A_1205 : memref<1x26xi32, #tpu.memory_space<vmem>> -> memref<26xi32, #tpu.memory_space<vmem>>
      %dma_start3A_1207 = arith.constant 0 : i32
      %dma_start3A_1208 = arith.constant 0 : i32
      %dma_start3A_1209 = tpu.memref_slice %arg4[%dma_start3A_1207, %dma_start3A_1208] : memref<999936x64xf32, #tpu.memory_space<hbm>> -> memref<999936x64xf32, #tpu.memory_space<hbm>>
      tpu.enqueue_indirect_dma source(%dma_start3A_1209 : memref<999936x64xf32, #tpu.memory_space<hbm>>) target(%dma_start3A_1203 : memref<26x64xf32, #tpu.memory_space<vmem>>) offsets(%dma_start3A_1206 : memref<26xi32, #tpu.memory_space<vmem>>) semaphore(%arg12 : memref<!tpu.dma_semaphore, #tpu.memory_space<semaphore_mem>>)
      %dma_start3A_1210 = arith.constant 31 : i32
      %dma_start3A_1211 = arith.constant 31 : i32
      %dma_start3A_1212 = arith.constant 0 : i32
      %dma_start3A_1213 = arith.constant 0 : i32
      %dma_start3A_1214 = tpu.memref_slice %arg10[%dma_start3A_1211, %dma_start3A_1212, %dma_start3A_1213] : memref<32x26x64xf32, #tpu.memory_space<vmem>> -> memref<1x26x64xf32, #tpu.memory_space<vmem>>
      %dma_start3A_1215 = tpu.memref_squeeze %dma_start3A_1214 : memref<1x26x64xf32, #tpu.memory_space<vmem>> -> memref<26x64xf32, #tpu.memory_space<vmem>>
      %dma_start3A_1216 = arith.constant 0 : i32
      %dma_start3A_1217 = tpu.memref_slice %arg8[%dma_start3A_1210, %dma_start3A_1216] : memref<32x26xi32, #tpu.memory_space<vmem>> -> memref<1x26xi32, #tpu.memory_space<vmem>>
      %dma_start3A_1218 = tpu.memref_squeeze %dma_start3A_1217 : memref<1x26xi32, #tpu.memory_space<vmem>> -> memref<26xi32, #tpu.memory_space<vmem>>
      %dma_start3A_1219 = arith.constant 0 : i32
      %dma_start3A_1220 = arith.constant 0 : i32
      %dma_start3A_1221 = tpu.memref_slice %arg4[%dma_start3A_1219, %dma_start3A_1220] : memref<999936x64xf32, #tpu.memory_space<hbm>> -> memref<999936x64xf32, #tpu.memory_space<hbm>>
      tpu.enqueue_indirect_dma source(%dma_start3A_1221 : memref<999936x64xf32, #tpu.memory_space<hbm>>) target(%dma_start3A_1215 : memref<26x64xf32, #tpu.memory_space<vmem>>) offsets(%dma_start3A_1218 : memref<26xi32, #tpu.memory_space<vmem>>) semaphore(%arg12 : memref<!tpu.dma_semaphore, #tpu.memory_space<semaphore_mem>>)
      %dma_wait3A_1222 = arith.constant 0 : i32
      %dma_wait3A_1223 = arith.constant 0 : i32
      %dma_wait3A_1224 = arith.constant 0 : i32
      %dma_wait3A_1225 = arith.constant 0 : i32
      %dma_wait3A_1226 = tpu.memref_slice %arg10[%dma_wait3A_1223, %dma_wait3A_1224, %dma_wait3A_1225] : memref<32x26x64xf32, #tpu.memory_space<vmem>> -> memref<1x26x64xf32, #tpu.memory_space<vmem>>
      %dma_wait3A_1227 = tpu.memref_squeeze %dma_wait3A_1226 : memref<1x26x64xf32, #tpu.memory_space<vmem>> -> memref<26x64xf32, #tpu.memory_space<vmem>>
      %dma_wait3A_1228 = arith.constant 0 : i32
      %dma_wait3A_1229 = tpu.memref_slice %arg8[%dma_wait3A_1222, %dma_wait3A_1228] : memref<32x26xi32, #tpu.memory_space<vmem>> -> memref<1x26xi32, #tpu.memory_space<vmem>>
      %dma_wait3A_1230 = tpu.memref_squeeze %dma_wait3A_1229 : memref<1x26xi32, #tpu.memory_space<vmem>> -> memref<26xi32, #tpu.memory_space<vmem>>
      %dma_wait3A_1231 = arith.constant 0 : i32
      %dma_wait3A_1232 = arith.constant 0 : i32
      %dma_wait3A_1233 = tpu.memref_slice %arg4[%dma_wait3A_1231, %dma_wait3A_1232] : memref<999936x64xf32, #tpu.memory_space<hbm>> -> memref<999936x64xf32, #tpu.memory_space<hbm>>
      tpu.wait_indirect_dma semaphore(%arg12 : memref<!tpu.dma_semaphore, #tpu.memory_space<semaphore_mem>>) src(%dma_wait3A_1233 : memref<999936x64xf32, #tpu.memory_space<hbm>>) dst(%dma_wait3A_1227 : memref<26x64xf32, #tpu.memory_space<vmem>>)
      %dma_wait3A_1234 = arith.constant 1 : i32
      %dma_wait3A_1235 = arith.constant 1 : i32
      %dma_wait3A_1236 = arith.constant 0 : i32
      %dma_wait3A_1237 = arith.constant 0 : i32
      %dma_wait3A_1238 = tpu.memref_slice %arg10[%dma_wait3A_1235, %dma_wait3A_1236, %dma_wait3A_1237] : memref<32x26x64xf32, #tpu.memory_space<vmem>> -> memref<1x26x64xf32, #tpu.memory_space<vmem>>
      %dma_wait3A_1239 = tpu.memref_squeeze %dma_wait3A_1238 : memref<1x26x64xf32, #tpu.memory_space<vmem>> -> memref<26x64xf32, #tpu.memory_space<vmem>>
      %dma_wait3A_1240 = arith.constant 0 : i32
      %dma_wait3A_1241 = tpu.memref_slice %arg8[%dma_wait3A_1234, %dma_wait3A_1240] : memref<32x26xi32, #tpu.memory_space<vmem>> -> memref<1x26xi32, #tpu.memory_space<vmem>>
      %dma_wait3A_1242 = tpu.memref_squeeze %dma_wait3A_1241 : memref<1x26xi32, #tpu.memory_space<vmem>> -> memref<26xi32, #tpu.memory_space<vmem>>
      %dma_wait3A_1243 = arith.constant 0 : i32
      %dma_wait3A_1244 = arith.constant 0 : i32
      %dma_wait3A_1245 = tpu.memref_slice %arg4[%dma_wait3A_1243, %dma_wait3A_1244] : memref<999936x64xf32, #tpu.memory_space<hbm>> -> memref<999936x64xf32, #tpu.memory_space<hbm>>
      tpu.wait_indirect_dma semaphore(%arg12 : memref<!tpu.dma_semaphore, #tpu.memory_space<semaphore_mem>>) src(%dma_wait3A_1245 : memref<999936x64xf32, #tpu.memory_space<hbm>>) dst(%dma_wait3A_1239 : memref<26x64xf32, #tpu.memory_space<vmem>>)
      %dma_wait3A_1246 = arith.constant 2 : i32
      %dma_wait3A_1247 = arith.constant 2 : i32
      %dma_wait3A_1248 = arith.constant 0 : i32
      %dma_wait3A_1249 = arith.constant 0 : i32
      %dma_wait3A_1250 = tpu.memref_slice %arg10[%dma_wait3A_1247, %dma_wait3A_1248, %dma_wait3A_1249] : memref<32x26x64xf32, #tpu.memory_space<vmem>> -> memref<1x26x64xf32, #tpu.memory_space<vmem>>
      %dma_wait3A_1251 = tpu.memref_squeeze %dma_wait3A_1250 : memref<1x26x64xf32, #tpu.memory_space<vmem>> -> memref<26x64xf32, #tpu.memory_space<vmem>>
      %dma_wait3A_1252 = arith.constant 0 : i32
      %dma_wait3A_1253 = tpu.memref_slice %arg8[%dma_wait3A_1246, %dma_wait3A_1252] : memref<32x26xi32, #tpu.memory_space<vmem>> -> memref<1x26xi32, #tpu.memory_space<vmem>>
      %dma_wait3A_1254 = tpu.memref_squeeze %dma_wait3A_1253 : memref<1x26xi32, #tpu.memory_space<vmem>> -> memref<26xi32, #tpu.memory_space<vmem>>
      %dma_wait3A_1255 = arith.constant 0 : i32
      %dma_wait3A_1256 = arith.constant 0 : i32
      %dma_wait3A_1257 = tpu.memref_slice %arg4[%dma_wait3A_1255, %dma_wait3A_1256] : memref<999936x64xf32, #tpu.memory_space<hbm>> -> memref<999936x64xf32, #tpu.memory_space<hbm>>
      tpu.wait_indirect_dma semaphore(%arg12 : memref<!tpu.dma_semaphore, #tpu.memory_space<semaphore_mem>>) src(%dma_wait3A_1257 : memref<999936x64xf32, #tpu.memory_space<hbm>>) dst(%dma_wait3A_1251 : memref<26x64xf32, #tpu.memory_space<vmem>>)
      %dma_wait3A_1258 = arith.constant 3 : i32
      %dma_wait3A_1259 = arith.constant 3 : i32
      %dma_wait3A_1260 = arith.constant 0 : i32
      %dma_wait3A_1261 = arith.constant 0 : i32
      %dma_wait3A_1262 = tpu.memref_slice %arg10[%dma_wait3A_1259, %dma_wait3A_1260, %dma_wait3A_1261] : memref<32x26x64xf32, #tpu.memory_space<vmem>> -> memref<1x26x64xf32, #tpu.memory_space<vmem>>
      %dma_wait3A_1263 = tpu.memref_squeeze %dma_wait3A_1262 : memref<1x26x64xf32, #tpu.memory_space<vmem>> -> memref<26x64xf32, #tpu.memory_space<vmem>>
      %dma_wait3A_1264 = arith.constant 0 : i32
      %dma_wait3A_1265 = tpu.memref_slice %arg8[%dma_wait3A_1258, %dma_wait3A_1264] : memref<32x26xi32, #tpu.memory_space<vmem>> -> memref<1x26xi32, #tpu.memory_space<vmem>>
      %dma_wait3A_1266 = tpu.memref_squeeze %dma_wait3A_1265 : memref<1x26xi32, #tpu.memory_space<vmem>> -> memref<26xi32, #tpu.memory_space<vmem>>
      %dma_wait3A_1267 = arith.constant 0 : i32
      %dma_wait3A_1268 = arith.constant 0 : i32
      %dma_wait3A_1269 = tpu.memref_slice %arg4[%dma_wait3A_1267, %dma_wait3A_1268] : memref<999936x64xf32, #tpu.memory_space<hbm>> -> memref<999936x64xf32, #tpu.memory_space<hbm>>
      tpu.wait_indirect_dma semaphore(%arg12 : memref<!tpu.dma_semaphore, #tpu.memory_space<semaphore_mem>>) src(%dma_wait3A_1269 : memref<999936x64xf32, #tpu.memory_space<hbm>>) dst(%dma_wait3A_1263 : memref<26x64xf32, #tpu.memory_space<vmem>>)
      %dma_wait3A_1270 = arith.constant 4 : i32
      %dma_wait3A_1271 = arith.constant 4 : i32
      %dma_wait3A_1272 = arith.constant 0 : i32
      %dma_wait3A_1273 = arith.constant 0 : i32
      %dma_wait3A_1274 = tpu.memref_slice %arg10[%dma_wait3A_1271, %dma_wait3A_1272, %dma_wait3A_1273] : memref<32x26x64xf32, #tpu.memory_space<vmem>> -> memref<1x26x64xf32, #tpu.memory_space<vmem>>
      %dma_wait3A_1275 = tpu.memref_squeeze %dma_wait3A_1274 : memref<1x26x64xf32, #tpu.memory_space<vmem>> -> memref<26x64xf32, #tpu.memory_space<vmem>>
      %dma_wait3A_1276 = arith.constant 0 : i32
      %dma_wait3A_1277 = tpu.memref_slice %arg8[%dma_wait3A_1270, %dma_wait3A_1276] : memref<32x26xi32, #tpu.memory_space<vmem>> -> memref<1x26xi32, #tpu.memory_space<vmem>>
      %dma_wait3A_1278 = tpu.memref_squeeze %dma_wait3A_1277 : memref<1x26xi32, #tpu.memory_space<vmem>> -> memref<26xi32, #tpu.memory_space<vmem>>
      %dma_wait3A_1279 = arith.constant 0 : i32
      %dma_wait3A_1280 = arith.constant 0 : i32
      %dma_wait3A_1281 = tpu.memref_slice %arg4[%dma_wait3A_1279, %dma_wait3A_1280] : memref<999936x64xf32, #tpu.memory_space<hbm>> -> memref<999936x64xf32, #tpu.memory_space<hbm>>
      tpu.wait_indirect_dma semaphore(%arg12 : memref<!tpu.dma_semaphore, #tpu.memory_space<semaphore_mem>>) src(%dma_wait3A_1281 : memref<999936x64xf32, #tpu.memory_space<hbm>>) dst(%dma_wait3A_1275 : memref<26x64xf32, #tpu.memory_space<vmem>>)
      %dma_wait3A_1282 = arith.constant 5 : i32
      %dma_wait3A_1283 = arith.constant 5 : i32
      %dma_wait3A_1284 = arith.constant 0 : i32
      %dma_wait3A_1285 = arith.constant 0 : i32
      %dma_wait3A_1286 = tpu.memref_slice %arg10[%dma_wait3A_1283, %dma_wait3A_1284, %dma_wait3A_1285] : memref<32x26x64xf32, #tpu.memory_space<vmem>> -> memref<1x26x64xf32, #tpu.memory_space<vmem>>
      %dma_wait3A_1287 = tpu.memref_squeeze %dma_wait3A_1286 : memref<1x26x64xf32, #tpu.memory_space<vmem>> -> memref<26x64xf32, #tpu.memory_space<vmem>>
      %dma_wait3A_1288 = arith.constant 0 : i32
      %dma_wait3A_1289 = tpu.memref_slice %arg8[%dma_wait3A_1282, %dma_wait3A_1288] : memref<32x26xi32, #tpu.memory_space<vmem>> -> memref<1x26xi32, #tpu.memory_space<vmem>>
      %dma_wait3A_1290 = tpu.memref_squeeze %dma_wait3A_1289 : memref<1x26xi32, #tpu.memory_space<vmem>> -> memref<26xi32, #tpu.memory_space<vmem>>
      %dma_wait3A_1291 = arith.constant 0 : i32
      %dma_wait3A_1292 = arith.constant 0 : i32
      %dma_wait3A_1293 = tpu.memref_slice %arg4[%dma_wait3A_1291, %dma_wait3A_1292] : memref<999936x64xf32, #tpu.memory_space<hbm>> -> memref<999936x64xf32, #tpu.memory_space<hbm>>
      tpu.wait_indirect_dma semaphore(%arg12 : memref<!tpu.dma_semaphore, #tpu.memory_space<semaphore_mem>>) src(%dma_wait3A_1293 : memref<999936x64xf32, #tpu.memory_space<hbm>>) dst(%dma_wait3A_1287 : memref<26x64xf32, #tpu.memory_space<vmem>>)
      %dma_wait3A_1294 = arith.constant 6 : i32
      %dma_wait3A_1295 = arith.constant 6 : i32
      %dma_wait3A_1296 = arith.constant 0 : i32
      %dma_wait3A_1297 = arith.constant 0 : i32
      %dma_wait3A_1298 = tpu.memref_slice %arg10[%dma_wait3A_1295, %dma_wait3A_1296, %dma_wait3A_1297] : memref<32x26x64xf32, #tpu.memory_space<vmem>> -> memref<1x26x64xf32, #tpu.memory_space<vmem>>
      %dma_wait3A_1299 = tpu.memref_squeeze %dma_wait3A_1298 : memref<1x26x64xf32, #tpu.memory_space<vmem>> -> memref<26x64xf32, #tpu.memory_space<vmem>>
      %dma_wait3A_1300 = arith.constant 0 : i32
      %dma_wait3A_1301 = tpu.memref_slice %arg8[%dma_wait3A_1294, %dma_wait3A_1300] : memref<32x26xi32, #tpu.memory_space<vmem>> -> memref<1x26xi32, #tpu.memory_space<vmem>>
      %dma_wait3A_1302 = tpu.memref_squeeze %dma_wait3A_1301 : memref<1x26xi32, #tpu.memory_space<vmem>> -> memref<26xi32, #tpu.memory_space<vmem>>
      %dma_wait3A_1303 = arith.constant 0 : i32
      %dma_wait3A_1304 = arith.constant 0 : i32
      %dma_wait3A_1305 = tpu.memref_slice %arg4[%dma_wait3A_1303, %dma_wait3A_1304] : memref<999936x64xf32, #tpu.memory_space<hbm>> -> memref<999936x64xf32, #tpu.memory_space<hbm>>
      tpu.wait_indirect_dma semaphore(%arg12 : memref<!tpu.dma_semaphore, #tpu.memory_space<semaphore_mem>>) src(%dma_wait3A_1305 : memref<999936x64xf32, #tpu.memory_space<hbm>>) dst(%dma_wait3A_1299 : memref<26x64xf32, #tpu.memory_space<vmem>>)
      %dma_wait3A_1306 = arith.constant 7 : i32
      %dma_wait3A_1307 = arith.constant 7 : i32
      %dma_wait3A_1308 = arith.constant 0 : i32
      %dma_wait3A_1309 = arith.constant 0 : i32
      %dma_wait3A_1310 = tpu.memref_slice %arg10[%dma_wait3A_1307, %dma_wait3A_1308, %dma_wait3A_1309] : memref<32x26x64xf32, #tpu.memory_space<vmem>> -> memref<1x26x64xf32, #tpu.memory_space<vmem>>
      %dma_wait3A_1311 = tpu.memref_squeeze %dma_wait3A_1310 : memref<1x26x64xf32, #tpu.memory_space<vmem>> -> memref<26x64xf32, #tpu.memory_space<vmem>>
      %dma_wait3A_1312 = arith.constant 0 : i32
      %dma_wait3A_1313 = tpu.memref_slice %arg8[%dma_wait3A_1306, %dma_wait3A_1312] : memref<32x26xi32, #tpu.memory_space<vmem>> -> memref<1x26xi32, #tpu.memory_space<vmem>>
      %dma_wait3A_1314 = tpu.memref_squeeze %dma_wait3A_1313 : memref<1x26xi32, #tpu.memory_space<vmem>> -> memref<26xi32, #tpu.memory_space<vmem>>
      %dma_wait3A_1315 = arith.constant 0 : i32
      %dma_wait3A_1316 = arith.constant 0 : i32
      %dma_wait3A_1317 = tpu.memref_slice %arg4[%dma_wait3A_1315, %dma_wait3A_1316] : memref<999936x64xf32, #tpu.memory_space<hbm>> -> memref<999936x64xf32, #tpu.memory_space<hbm>>
      tpu.wait_indirect_dma semaphore(%arg12 : memref<!tpu.dma_semaphore, #tpu.memory_space<semaphore_mem>>) src(%dma_wait3A_1317 : memref<999936x64xf32, #tpu.memory_space<hbm>>) dst(%dma_wait3A_1311 : memref<26x64xf32, #tpu.memory_space<vmem>>)
      %dma_wait3A_1318 = arith.constant 8 : i32
      %dma_wait3A_1319 = arith.constant 8 : i32
      %dma_wait3A_1320 = arith.constant 0 : i32
      %dma_wait3A_1321 = arith.constant 0 : i32
      %dma_wait3A_1322 = tpu.memref_slice %arg10[%dma_wait3A_1319, %dma_wait3A_1320, %dma_wait3A_1321] : memref<32x26x64xf32, #tpu.memory_space<vmem>> -> memref<1x26x64xf32, #tpu.memory_space<vmem>>
      %dma_wait3A_1323 = tpu.memref_squeeze %dma_wait3A_1322 : memref<1x26x64xf32, #tpu.memory_space<vmem>> -> memref<26x64xf32, #tpu.memory_space<vmem>>
      %dma_wait3A_1324 = arith.constant 0 : i32
      %dma_wait3A_1325 = tpu.memref_slice %arg8[%dma_wait3A_1318, %dma_wait3A_1324] : memref<32x26xi32, #tpu.memory_space<vmem>> -> memref<1x26xi32, #tpu.memory_space<vmem>>
      %dma_wait3A_1326 = tpu.memref_squeeze %dma_wait3A_1325 : memref<1x26xi32, #tpu.memory_space<vmem>> -> memref<26xi32, #tpu.memory_space<vmem>>
      %dma_wait3A_1327 = arith.constant 0 : i32
      %dma_wait3A_1328 = arith.constant 0 : i32
      %dma_wait3A_1329 = tpu.memref_slice %arg4[%dma_wait3A_1327, %dma_wait3A_1328] : memref<999936x64xf32, #tpu.memory_space<hbm>> -> memref<999936x64xf32, #tpu.memory_space<hbm>>
      tpu.wait_indirect_dma semaphore(%arg12 : memref<!tpu.dma_semaphore, #tpu.memory_space<semaphore_mem>>) src(%dma_wait3A_1329 : memref<999936x64xf32, #tpu.memory_space<hbm>>) dst(%dma_wait3A_1323 : memref<26x64xf32, #tpu.memory_space<vmem>>)
      %dma_wait3A_1330 = arith.constant 9 : i32
      %dma_wait3A_1331 = arith.constant 9 : i32
      %dma_wait3A_1332 = arith.constant 0 : i32
      %dma_wait3A_1333 = arith.constant 0 : i32
      %dma_wait3A_1334 = tpu.memref_slice %arg10[%dma_wait3A_1331, %dma_wait3A_1332, %dma_wait3A_1333] : memref<32x26x64xf32, #tpu.memory_space<vmem>> -> memref<1x26x64xf32, #tpu.memory_space<vmem>>
      %dma_wait3A_1335 = tpu.memref_squeeze %dma_wait3A_1334 : memref<1x26x64xf32, #tpu.memory_space<vmem>> -> memref<26x64xf32, #tpu.memory_space<vmem>>
      %dma_wait3A_1336 = arith.constant 0 : i32
      %dma_wait3A_1337 = tpu.memref_slice %arg8[%dma_wait3A_1330, %dma_wait3A_1336] : memref<32x26xi32, #tpu.memory_space<vmem>> -> memref<1x26xi32, #tpu.memory_space<vmem>>
      %dma_wait3A_1338 = tpu.memref_squeeze %dma_wait3A_1337 : memref<1x26xi32, #tpu.memory_space<vmem>> -> memref<26xi32, #tpu.memory_space<vmem>>
      %dma_wait3A_1339 = arith.constant 0 : i32
      %dma_wait3A_1340 = arith.constant 0 : i32
      %dma_wait3A_1341 = tpu.memref_slice %arg4[%dma_wait3A_1339, %dma_wait3A_1340] : memref<999936x64xf32, #tpu.memory_space<hbm>> -> memref<999936x64xf32, #tpu.memory_space<hbm>>
      tpu.wait_indirect_dma semaphore(%arg12 : memref<!tpu.dma_semaphore, #tpu.memory_space<semaphore_mem>>) src(%dma_wait3A_1341 : memref<999936x64xf32, #tpu.memory_space<hbm>>) dst(%dma_wait3A_1335 : memref<26x64xf32, #tpu.memory_space<vmem>>)
      %dma_wait3A_1342 = arith.constant 10 : i32
      %dma_wait3A_1343 = arith.constant 10 : i32
      %dma_wait3A_1344 = arith.constant 0 : i32
      %dma_wait3A_1345 = arith.constant 0 : i32
      %dma_wait3A_1346 = tpu.memref_slice %arg10[%dma_wait3A_1343, %dma_wait3A_1344, %dma_wait3A_1345] : memref<32x26x64xf32, #tpu.memory_space<vmem>> -> memref<1x26x64xf32, #tpu.memory_space<vmem>>
      %dma_wait3A_1347 = tpu.memref_squeeze %dma_wait3A_1346 : memref<1x26x64xf32, #tpu.memory_space<vmem>> -> memref<26x64xf32, #tpu.memory_space<vmem>>
      %dma_wait3A_1348 = arith.constant 0 : i32
      %dma_wait3A_1349 = tpu.memref_slice %arg8[%dma_wait3A_1342, %dma_wait3A_1348] : memref<32x26xi32, #tpu.memory_space<vmem>> -> memref<1x26xi32, #tpu.memory_space<vmem>>
      %dma_wait3A_1350 = tpu.memref_squeeze %dma_wait3A_1349 : memref<1x26xi32, #tpu.memory_space<vmem>> -> memref<26xi32, #tpu.memory_space<vmem>>
      %dma_wait3A_1351 = arith.constant 0 : i32
      %dma_wait3A_1352 = arith.constant 0 : i32
      %dma_wait3A_1353 = tpu.memref_slice %arg4[%dma_wait3A_1351, %dma_wait3A_1352] : memref<999936x64xf32, #tpu.memory_space<hbm>> -> memref<999936x64xf32, #tpu.memory_space<hbm>>
      tpu.wait_indirect_dma semaphore(%arg12 : memref<!tpu.dma_semaphore, #tpu.memory_space<semaphore_mem>>) src(%dma_wait3A_1353 : memref<999936x64xf32, #tpu.memory_space<hbm>>) dst(%dma_wait3A_1347 : memref<26x64xf32, #tpu.memory_space<vmem>>)
      %dma_wait3A_1354 = arith.constant 11 : i32
      %dma_wait3A_1355 = arith.constant 11 : i32
      %dma_wait3A_1356 = arith.constant 0 : i32
      %dma_wait3A_1357 = arith.constant 0 : i32
      %dma_wait3A_1358 = tpu.memref_slice %arg10[%dma_wait3A_1355, %dma_wait3A_1356, %dma_wait3A_1357] : memref<32x26x64xf32, #tpu.memory_space<vmem>> -> memref<1x26x64xf32, #tpu.memory_space<vmem>>
      %dma_wait3A_1359 = tpu.memref_squeeze %dma_wait3A_1358 : memref<1x26x64xf32, #tpu.memory_space<vmem>> -> memref<26x64xf32, #tpu.memory_space<vmem>>
      %dma_wait3A_1360 = arith.constant 0 : i32
      %dma_wait3A_1361 = tpu.memref_slice %arg8[%dma_wait3A_1354, %dma_wait3A_1360] : memref<32x26xi32, #tpu.memory_space<vmem>> -> memref<1x26xi32, #tpu.memory_space<vmem>>
      %dma_wait3A_1362 = tpu.memref_squeeze %dma_wait3A_1361 : memref<1x26xi32, #tpu.memory_space<vmem>> -> memref<26xi32, #tpu.memory_space<vmem>>
      %dma_wait3A_1363 = arith.constant 0 : i32
      %dma_wait3A_1364 = arith.constant 0 : i32
      %dma_wait3A_1365 = tpu.memref_slice %arg4[%dma_wait3A_1363, %dma_wait3A_1364] : memref<999936x64xf32, #tpu.memory_space<hbm>> -> memref<999936x64xf32, #tpu.memory_space<hbm>>
      tpu.wait_indirect_dma semaphore(%arg12 : memref<!tpu.dma_semaphore, #tpu.memory_space<semaphore_mem>>) src(%dma_wait3A_1365 : memref<999936x64xf32, #tpu.memory_space<hbm>>) dst(%dma_wait3A_1359 : memref<26x64xf32, #tpu.memory_space<vmem>>)
      %dma_wait3A_1366 = arith.constant 12 : i32
      %dma_wait3A_1367 = arith.constant 12 : i32
      %dma_wait3A_1368 = arith.constant 0 : i32
      %dma_wait3A_1369 = arith.constant 0 : i32
      %dma_wait3A_1370 = tpu.memref_slice %arg10[%dma_wait3A_1367, %dma_wait3A_1368, %dma_wait3A_1369] : memref<32x26x64xf32, #tpu.memory_space<vmem>> -> memref<1x26x64xf32, #tpu.memory_space<vmem>>
      %dma_wait3A_1371 = tpu.memref_squeeze %dma_wait3A_1370 : memref<1x26x64xf32, #tpu.memory_space<vmem>> -> memref<26x64xf32, #tpu.memory_space<vmem>>
      %dma_wait3A_1372 = arith.constant 0 : i32
      %dma_wait3A_1373 = tpu.memref_slice %arg8[%dma_wait3A_1366, %dma_wait3A_1372] : memref<32x26xi32, #tpu.memory_space<vmem>> -> memref<1x26xi32, #tpu.memory_space<vmem>>
      %dma_wait3A_1374 = tpu.memref_squeeze %dma_wait3A_1373 : memref<1x26xi32, #tpu.memory_space<vmem>> -> memref<26xi32, #tpu.memory_space<vmem>>
      %dma_wait3A_1375 = arith.constant 0 : i32
      %dma_wait3A_1376 = arith.constant 0 : i32
      %dma_wait3A_1377 = tpu.memref_slice %arg4[%dma_wait3A_1375, %dma_wait3A_1376] : memref<999936x64xf32, #tpu.memory_space<hbm>> -> memref<999936x64xf32, #tpu.memory_space<hbm>>
      tpu.wait_indirect_dma semaphore(%arg12 : memref<!tpu.dma_semaphore, #tpu.memory_space<semaphore_mem>>) src(%dma_wait3A_1377 : memref<999936x64xf32, #tpu.memory_space<hbm>>) dst(%dma_wait3A_1371 : memref<26x64xf32, #tpu.memory_space<vmem>>)
      %dma_wait3A_1378 = arith.constant 13 : i32
      %dma_wait3A_1379 = arith.constant 13 : i32
      %dma_wait3A_1380 = arith.constant 0 : i32
      %dma_wait3A_1381 = arith.constant 0 : i32
      %dma_wait3A_1382 = tpu.memref_slice %arg10[%dma_wait3A_1379, %dma_wait3A_1380, %dma_wait3A_1381] : memref<32x26x64xf32, #tpu.memory_space<vmem>> -> memref<1x26x64xf32, #tpu.memory_space<vmem>>
      %dma_wait3A_1383 = tpu.memref_squeeze %dma_wait3A_1382 : memref<1x26x64xf32, #tpu.memory_space<vmem>> -> memref<26x64xf32, #tpu.memory_space<vmem>>
      %dma_wait3A_1384 = arith.constant 0 : i32
      %dma_wait3A_1385 = tpu.memref_slice %arg8[%dma_wait3A_1378, %dma_wait3A_1384] : memref<32x26xi32, #tpu.memory_space<vmem>> -> memref<1x26xi32, #tpu.memory_space<vmem>>
      %dma_wait3A_1386 = tpu.memref_squeeze %dma_wait3A_1385 : memref<1x26xi32, #tpu.memory_space<vmem>> -> memref<26xi32, #tpu.memory_space<vmem>>
      %dma_wait3A_1387 = arith.constant 0 : i32
      %dma_wait3A_1388 = arith.constant 0 : i32
      %dma_wait3A_1389 = tpu.memref_slice %arg4[%dma_wait3A_1387, %dma_wait3A_1388] : memref<999936x64xf32, #tpu.memory_space<hbm>> -> memref<999936x64xf32, #tpu.memory_space<hbm>>
      tpu.wait_indirect_dma semaphore(%arg12 : memref<!tpu.dma_semaphore, #tpu.memory_space<semaphore_mem>>) src(%dma_wait3A_1389 : memref<999936x64xf32, #tpu.memory_space<hbm>>) dst(%dma_wait3A_1383 : memref<26x64xf32, #tpu.memory_space<vmem>>)
      %dma_wait3A_1390 = arith.constant 14 : i32
      %dma_wait3A_1391 = arith.constant 14 : i32
      %dma_wait3A_1392 = arith.constant 0 : i32
      %dma_wait3A_1393 = arith.constant 0 : i32
      %dma_wait3A_1394 = tpu.memref_slice %arg10[%dma_wait3A_1391, %dma_wait3A_1392, %dma_wait3A_1393] : memref<32x26x64xf32, #tpu.memory_space<vmem>> -> memref<1x26x64xf32, #tpu.memory_space<vmem>>
      %dma_wait3A_1395 = tpu.memref_squeeze %dma_wait3A_1394 : memref<1x26x64xf32, #tpu.memory_space<vmem>> -> memref<26x64xf32, #tpu.memory_space<vmem>>
      %dma_wait3A_1396 = arith.constant 0 : i32
      %dma_wait3A_1397 = tpu.memref_slice %arg8[%dma_wait3A_1390, %dma_wait3A_1396] : memref<32x26xi32, #tpu.memory_space<vmem>> -> memref<1x26xi32, #tpu.memory_space<vmem>>
      %dma_wait3A_1398 = tpu.memref_squeeze %dma_wait3A_1397 : memref<1x26xi32, #tpu.memory_space<vmem>> -> memref<26xi32, #tpu.memory_space<vmem>>
      %dma_wait3A_1399 = arith.constant 0 : i32
      %dma_wait3A_1400 = arith.constant 0 : i32
      %dma_wait3A_1401 = tpu.memref_slice %arg4[%dma_wait3A_1399, %dma_wait3A_1400] : memref<999936x64xf32, #tpu.memory_space<hbm>> -> memref<999936x64xf32, #tpu.memory_space<hbm>>
      tpu.wait_indirect_dma semaphore(%arg12 : memref<!tpu.dma_semaphore, #tpu.memory_space<semaphore_mem>>) src(%dma_wait3A_1401 : memref<999936x64xf32, #tpu.memory_space<hbm>>) dst(%dma_wait3A_1395 : memref<26x64xf32, #tpu.memory_space<vmem>>)
      %dma_wait3A_1402 = arith.constant 15 : i32
      %dma_wait3A_1403 = arith.constant 15 : i32
      %dma_wait3A_1404 = arith.constant 0 : i32
      %dma_wait3A_1405 = arith.constant 0 : i32
      %dma_wait3A_1406 = tpu.memref_slice %arg10[%dma_wait3A_1403, %dma_wait3A_1404, %dma_wait3A_1405] : memref<32x26x64xf32, #tpu.memory_space<vmem>> -> memref<1x26x64xf32, #tpu.memory_space<vmem>>
      %dma_wait3A_1407 = tpu.memref_squeeze %dma_wait3A_1406 : memref<1x26x64xf32, #tpu.memory_space<vmem>> -> memref<26x64xf32, #tpu.memory_space<vmem>>
      %dma_wait3A_1408 = arith.constant 0 : i32
      %dma_wait3A_1409 = tpu.memref_slice %arg8[%dma_wait3A_1402, %dma_wait3A_1408] : memref<32x26xi32, #tpu.memory_space<vmem>> -> memref<1x26xi32, #tpu.memory_space<vmem>>
      %dma_wait3A_1410 = tpu.memref_squeeze %dma_wait3A_1409 : memref<1x26xi32, #tpu.memory_space<vmem>> -> memref<26xi32, #tpu.memory_space<vmem>>
      %dma_wait3A_1411 = arith.constant 0 : i32
      %dma_wait3A_1412 = arith.constant 0 : i32
      %dma_wait3A_1413 = tpu.memref_slice %arg4[%dma_wait3A_1411, %dma_wait3A_1412] : memref<999936x64xf32, #tpu.memory_space<hbm>> -> memref<999936x64xf32, #tpu.memory_space<hbm>>
      tpu.wait_indirect_dma semaphore(%arg12 : memref<!tpu.dma_semaphore, #tpu.memory_space<semaphore_mem>>) src(%dma_wait3A_1413 : memref<999936x64xf32, #tpu.memory_space<hbm>>) dst(%dma_wait3A_1407 : memref<26x64xf32, #tpu.memory_space<vmem>>)
      %dma_wait3A_1414 = arith.constant 16 : i32
      %dma_wait3A_1415 = arith.constant 16 : i32
      %dma_wait3A_1416 = arith.constant 0 : i32
      %dma_wait3A_1417 = arith.constant 0 : i32
      %dma_wait3A_1418 = tpu.memref_slice %arg10[%dma_wait3A_1415, %dma_wait3A_1416, %dma_wait3A_1417] : memref<32x26x64xf32, #tpu.memory_space<vmem>> -> memref<1x26x64xf32, #tpu.memory_space<vmem>>
      %dma_wait3A_1419 = tpu.memref_squeeze %dma_wait3A_1418 : memref<1x26x64xf32, #tpu.memory_space<vmem>> -> memref<26x64xf32, #tpu.memory_space<vmem>>
      %dma_wait3A_1420 = arith.constant 0 : i32
      %dma_wait3A_1421 = tpu.memref_slice %arg8[%dma_wait3A_1414, %dma_wait3A_1420] : memref<32x26xi32, #tpu.memory_space<vmem>> -> memref<1x26xi32, #tpu.memory_space<vmem>>
      %dma_wait3A_1422 = tpu.memref_squeeze %dma_wait3A_1421 : memref<1x26xi32, #tpu.memory_space<vmem>> -> memref<26xi32, #tpu.memory_space<vmem>>
      %dma_wait3A_1423 = arith.constant 0 : i32
      %dma_wait3A_1424 = arith.constant 0 : i32
      %dma_wait3A_1425 = tpu.memref_slice %arg4[%dma_wait3A_1423, %dma_wait3A_1424] : memref<999936x64xf32, #tpu.memory_space<hbm>> -> memref<999936x64xf32, #tpu.memory_space<hbm>>
      tpu.wait_indirect_dma semaphore(%arg12 : memref<!tpu.dma_semaphore, #tpu.memory_space<semaphore_mem>>) src(%dma_wait3A_1425 : memref<999936x64xf32, #tpu.memory_space<hbm>>) dst(%dma_wait3A_1419 : memref<26x64xf32, #tpu.memory_space<vmem>>)
      %dma_wait3A_1426 = arith.constant 17 : i32
      %dma_wait3A_1427 = arith.constant 17 : i32
      %dma_wait3A_1428 = arith.constant 0 : i32
      %dma_wait3A_1429 = arith.constant 0 : i32
      %dma_wait3A_1430 = tpu.memref_slice %arg10[%dma_wait3A_1427, %dma_wait3A_1428, %dma_wait3A_1429] : memref<32x26x64xf32, #tpu.memory_space<vmem>> -> memref<1x26x64xf32, #tpu.memory_space<vmem>>
      %dma_wait3A_1431 = tpu.memref_squeeze %dma_wait3A_1430 : memref<1x26x64xf32, #tpu.memory_space<vmem>> -> memref<26x64xf32, #tpu.memory_space<vmem>>
      %dma_wait3A_1432 = arith.constant 0 : i32
      %dma_wait3A_1433 = tpu.memref_slice %arg8[%dma_wait3A_1426, %dma_wait3A_1432] : memref<32x26xi32, #tpu.memory_space<vmem>> -> memref<1x26xi32, #tpu.memory_space<vmem>>
      %dma_wait3A_1434 = tpu.memref_squeeze %dma_wait3A_1433 : memref<1x26xi32, #tpu.memory_space<vmem>> -> memref<26xi32, #tpu.memory_space<vmem>>
      %dma_wait3A_1435 = arith.constant 0 : i32
      %dma_wait3A_1436 = arith.constant 0 : i32
      %dma_wait3A_1437 = tpu.memref_slice %arg4[%dma_wait3A_1435, %dma_wait3A_1436] : memref<999936x64xf32, #tpu.memory_space<hbm>> -> memref<999936x64xf32, #tpu.memory_space<hbm>>
      tpu.wait_indirect_dma semaphore(%arg12 : memref<!tpu.dma_semaphore, #tpu.memory_space<semaphore_mem>>) src(%dma_wait3A_1437 : memref<999936x64xf32, #tpu.memory_space<hbm>>) dst(%dma_wait3A_1431 : memref<26x64xf32, #tpu.memory_space<vmem>>)
      %dma_wait3A_1438 = arith.constant 18 : i32
      %dma_wait3A_1439 = arith.constant 18 : i32
      %dma_wait3A_1440 = arith.constant 0 : i32
      %dma_wait3A_1441 = arith.constant 0 : i32
      %dma_wait3A_1442 = tpu.memref_slice %arg10[%dma_wait3A_1439, %dma_wait3A_1440, %dma_wait3A_1441] : memref<32x26x64xf32, #tpu.memory_space<vmem>> -> memref<1x26x64xf32, #tpu.memory_space<vmem>>
      %dma_wait3A_1443 = tpu.memref_squeeze %dma_wait3A_1442 : memref<1x26x64xf32, #tpu.memory_space<vmem>> -> memref<26x64xf32, #tpu.memory_space<vmem>>
      %dma_wait3A_1444 = arith.constant 0 : i32
      %dma_wait3A_1445 = tpu.memref_slice %arg8[%dma_wait3A_1438, %dma_wait3A_1444] : memref<32x26xi32, #tpu.memory_space<vmem>> -> memref<1x26xi32, #tpu.memory_space<vmem>>
      %dma_wait3A_1446 = tpu.memref_squeeze %dma_wait3A_1445 : memref<1x26xi32, #tpu.memory_space<vmem>> -> memref<26xi32, #tpu.memory_space<vmem>>
      %dma_wait3A_1447 = arith.constant 0 : i32
      %dma_wait3A_1448 = arith.constant 0 : i32
      %dma_wait3A_1449 = tpu.memref_slice %arg4[%dma_wait3A_1447, %dma_wait3A_1448] : memref<999936x64xf32, #tpu.memory_space<hbm>> -> memref<999936x64xf32, #tpu.memory_space<hbm>>
      tpu.wait_indirect_dma semaphore(%arg12 : memref<!tpu.dma_semaphore, #tpu.memory_space<semaphore_mem>>) src(%dma_wait3A_1449 : memref<999936x64xf32, #tpu.memory_space<hbm>>) dst(%dma_wait3A_1443 : memref<26x64xf32, #tpu.memory_space<vmem>>)
      %dma_wait3A_1450 = arith.constant 19 : i32
      %dma_wait3A_1451 = arith.constant 19 : i32
      %dma_wait3A_1452 = arith.constant 0 : i32
      %dma_wait3A_1453 = arith.constant 0 : i32
      %dma_wait3A_1454 = tpu.memref_slice %arg10[%dma_wait3A_1451, %dma_wait3A_1452, %dma_wait3A_1453] : memref<32x26x64xf32, #tpu.memory_space<vmem>> -> memref<1x26x64xf32, #tpu.memory_space<vmem>>
      %dma_wait3A_1455 = tpu.memref_squeeze %dma_wait3A_1454 : memref<1x26x64xf32, #tpu.memory_space<vmem>> -> memref<26x64xf32, #tpu.memory_space<vmem>>
      %dma_wait3A_1456 = arith.constant 0 : i32
      %dma_wait3A_1457 = tpu.memref_slice %arg8[%dma_wait3A_1450, %dma_wait3A_1456] : memref<32x26xi32, #tpu.memory_space<vmem>> -> memref<1x26xi32, #tpu.memory_space<vmem>>
      %dma_wait3A_1458 = tpu.memref_squeeze %dma_wait3A_1457 : memref<1x26xi32, #tpu.memory_space<vmem>> -> memref<26xi32, #tpu.memory_space<vmem>>
      %dma_wait3A_1459 = arith.constant 0 : i32
      %dma_wait3A_1460 = arith.constant 0 : i32
      %dma_wait3A_1461 = tpu.memref_slice %arg4[%dma_wait3A_1459, %dma_wait3A_1460] : memref<999936x64xf32, #tpu.memory_space<hbm>> -> memref<999936x64xf32, #tpu.memory_space<hbm>>
      tpu.wait_indirect_dma semaphore(%arg12 : memref<!tpu.dma_semaphore, #tpu.memory_space<semaphore_mem>>) src(%dma_wait3A_1461 : memref<999936x64xf32, #tpu.memory_space<hbm>>) dst(%dma_wait3A_1455 : memref<26x64xf32, #tpu.memory_space<vmem>>)
      %dma_wait3A_1462 = arith.constant 20 : i32
      %dma_wait3A_1463 = arith.constant 20 : i32
      %dma_wait3A_1464 = arith.constant 0 : i32
      %dma_wait3A_1465 = arith.constant 0 : i32
      %dma_wait3A_1466 = tpu.memref_slice %arg10[%dma_wait3A_1463, %dma_wait3A_1464, %dma_wait3A_1465] : memref<32x26x64xf32, #tpu.memory_space<vmem>> -> memref<1x26x64xf32, #tpu.memory_space<vmem>>
      %dma_wait3A_1467 = tpu.memref_squeeze %dma_wait3A_1466 : memref<1x26x64xf32, #tpu.memory_space<vmem>> -> memref<26x64xf32, #tpu.memory_space<vmem>>
      %dma_wait3A_1468 = arith.constant 0 : i32
      %dma_wait3A_1469 = tpu.memref_slice %arg8[%dma_wait3A_1462, %dma_wait3A_1468] : memref<32x26xi32, #tpu.memory_space<vmem>> -> memref<1x26xi32, #tpu.memory_space<vmem>>
      %dma_wait3A_1470 = tpu.memref_squeeze %dma_wait3A_1469 : memref<1x26xi32, #tpu.memory_space<vmem>> -> memref<26xi32, #tpu.memory_space<vmem>>
      %dma_wait3A_1471 = arith.constant 0 : i32
      %dma_wait3A_1472 = arith.constant 0 : i32
      %dma_wait3A_1473 = tpu.memref_slice %arg4[%dma_wait3A_1471, %dma_wait3A_1472] : memref<999936x64xf32, #tpu.memory_space<hbm>> -> memref<999936x64xf32, #tpu.memory_space<hbm>>
      tpu.wait_indirect_dma semaphore(%arg12 : memref<!tpu.dma_semaphore, #tpu.memory_space<semaphore_mem>>) src(%dma_wait3A_1473 : memref<999936x64xf32, #tpu.memory_space<hbm>>) dst(%dma_wait3A_1467 : memref<26x64xf32, #tpu.memory_space<vmem>>)
      %dma_wait3A_1474 = arith.constant 21 : i32
      %dma_wait3A_1475 = arith.constant 21 : i32
      %dma_wait3A_1476 = arith.constant 0 : i32
      %dma_wait3A_1477 = arith.constant 0 : i32
      %dma_wait3A_1478 = tpu.memref_slice %arg10[%dma_wait3A_1475, %dma_wait3A_1476, %dma_wait3A_1477] : memref<32x26x64xf32, #tpu.memory_space<vmem>> -> memref<1x26x64xf32, #tpu.memory_space<vmem>>
      %dma_wait3A_1479 = tpu.memref_squeeze %dma_wait3A_1478 : memref<1x26x64xf32, #tpu.memory_space<vmem>> -> memref<26x64xf32, #tpu.memory_space<vmem>>
      %dma_wait3A_1480 = arith.constant 0 : i32
      %dma_wait3A_1481 = tpu.memref_slice %arg8[%dma_wait3A_1474, %dma_wait3A_1480] : memref<32x26xi32, #tpu.memory_space<vmem>> -> memref<1x26xi32, #tpu.memory_space<vmem>>
      %dma_wait3A_1482 = tpu.memref_squeeze %dma_wait3A_1481 : memref<1x26xi32, #tpu.memory_space<vmem>> -> memref<26xi32, #tpu.memory_space<vmem>>
      %dma_wait3A_1483 = arith.constant 0 : i32
      %dma_wait3A_1484 = arith.constant 0 : i32
      %dma_wait3A_1485 = tpu.memref_slice %arg4[%dma_wait3A_1483, %dma_wait3A_1484] : memref<999936x64xf32, #tpu.memory_space<hbm>> -> memref<999936x64xf32, #tpu.memory_space<hbm>>
      tpu.wait_indirect_dma semaphore(%arg12 : memref<!tpu.dma_semaphore, #tpu.memory_space<semaphore_mem>>) src(%dma_wait3A_1485 : memref<999936x64xf32, #tpu.memory_space<hbm>>) dst(%dma_wait3A_1479 : memref<26x64xf32, #tpu.memory_space<vmem>>)
      %dma_wait3A_1486 = arith.constant 22 : i32
      %dma_wait3A_1487 = arith.constant 22 : i32
      %dma_wait3A_1488 = arith.constant 0 : i32
      %dma_wait3A_1489 = arith.constant 0 : i32
      %dma_wait3A_1490 = tpu.memref_slice %arg10[%dma_wait3A_1487, %dma_wait3A_1488, %dma_wait3A_1489] : memref<32x26x64xf32, #tpu.memory_space<vmem>> -> memref<1x26x64xf32, #tpu.memory_space<vmem>>
      %dma_wait3A_1491 = tpu.memref_squeeze %dma_wait3A_1490 : memref<1x26x64xf32, #tpu.memory_space<vmem>> -> memref<26x64xf32, #tpu.memory_space<vmem>>
      %dma_wait3A_1492 = arith.constant 0 : i32
      %dma_wait3A_1493 = tpu.memref_slice %arg8[%dma_wait3A_1486, %dma_wait3A_1492] : memref<32x26xi32, #tpu.memory_space<vmem>> -> memref<1x26xi32, #tpu.memory_space<vmem>>
      %dma_wait3A_1494 = tpu.memref_squeeze %dma_wait3A_1493 : memref<1x26xi32, #tpu.memory_space<vmem>> -> memref<26xi32, #tpu.memory_space<vmem>>
      %dma_wait3A_1495 = arith.constant 0 : i32
      %dma_wait3A_1496 = arith.constant 0 : i32
      %dma_wait3A_1497 = tpu.memref_slice %arg4[%dma_wait3A_1495, %dma_wait3A_1496] : memref<999936x64xf32, #tpu.memory_space<hbm>> -> memref<999936x64xf32, #tpu.memory_space<hbm>>
      tpu.wait_indirect_dma semaphore(%arg12 : memref<!tpu.dma_semaphore, #tpu.memory_space<semaphore_mem>>) src(%dma_wait3A_1497 : memref<999936x64xf32, #tpu.memory_space<hbm>>) dst(%dma_wait3A_1491 : memref<26x64xf32, #tpu.memory_space<vmem>>)
      %dma_wait3A_1498 = arith.constant 23 : i32
      %dma_wait3A_1499 = arith.constant 23 : i32
      %dma_wait3A_1500 = arith.constant 0 : i32
      %dma_wait3A_1501 = arith.constant 0 : i32
      %dma_wait3A_1502 = tpu.memref_slice %arg10[%dma_wait3A_1499, %dma_wait3A_1500, %dma_wait3A_1501] : memref<32x26x64xf32, #tpu.memory_space<vmem>> -> memref<1x26x64xf32, #tpu.memory_space<vmem>>
      %dma_wait3A_1503 = tpu.memref_squeeze %dma_wait3A_1502 : memref<1x26x64xf32, #tpu.memory_space<vmem>> -> memref<26x64xf32, #tpu.memory_space<vmem>>
      %dma_wait3A_1504 = arith.constant 0 : i32
      %dma_wait3A_1505 = tpu.memref_slice %arg8[%dma_wait3A_1498, %dma_wait3A_1504] : memref<32x26xi32, #tpu.memory_space<vmem>> -> memref<1x26xi32, #tpu.memory_space<vmem>>
      %dma_wait3A_1506 = tpu.memref_squeeze %dma_wait3A_1505 : memref<1x26xi32, #tpu.memory_space<vmem>> -> memref<26xi32, #tpu.memory_space<vmem>>
      %dma_wait3A_1507 = arith.constant 0 : i32
      %dma_wait3A_1508 = arith.constant 0 : i32
      %dma_wait3A_1509 = tpu.memref_slice %arg4[%dma_wait3A_1507, %dma_wait3A_1508] : memref<999936x64xf32, #tpu.memory_space<hbm>> -> memref<999936x64xf32, #tpu.memory_space<hbm>>
      tpu.wait_indirect_dma semaphore(%arg12 : memref<!tpu.dma_semaphore, #tpu.memory_space<semaphore_mem>>) src(%dma_wait3A_1509 : memref<999936x64xf32, #tpu.memory_space<hbm>>) dst(%dma_wait3A_1503 : memref<26x64xf32, #tpu.memory_space<vmem>>)
      %dma_wait3A_1510 = arith.constant 24 : i32
      %dma_wait3A_1511 = arith.constant 24 : i32
      %dma_wait3A_1512 = arith.constant 0 : i32
      %dma_wait3A_1513 = arith.constant 0 : i32
      %dma_wait3A_1514 = tpu.memref_slice %arg10[%dma_wait3A_1511, %dma_wait3A_1512, %dma_wait3A_1513] : memref<32x26x64xf32, #tpu.memory_space<vmem>> -> memref<1x26x64xf32, #tpu.memory_space<vmem>>
      %dma_wait3A_1515 = tpu.memref_squeeze %dma_wait3A_1514 : memref<1x26x64xf32, #tpu.memory_space<vmem>> -> memref<26x64xf32, #tpu.memory_space<vmem>>
      %dma_wait3A_1516 = arith.constant 0 : i32
      %dma_wait3A_1517 = tpu.memref_slice %arg8[%dma_wait3A_1510, %dma_wait3A_1516] : memref<32x26xi32, #tpu.memory_space<vmem>> -> memref<1x26xi32, #tpu.memory_space<vmem>>
      %dma_wait3A_1518 = tpu.memref_squeeze %dma_wait3A_1517 : memref<1x26xi32, #tpu.memory_space<vmem>> -> memref<26xi32, #tpu.memory_space<vmem>>
      %dma_wait3A_1519 = arith.constant 0 : i32
      %dma_wait3A_1520 = arith.constant 0 : i32
      %dma_wait3A_1521 = tpu.memref_slice %arg4[%dma_wait3A_1519, %dma_wait3A_1520] : memref<999936x64xf32, #tpu.memory_space<hbm>> -> memref<999936x64xf32, #tpu.memory_space<hbm>>
      tpu.wait_indirect_dma semaphore(%arg12 : memref<!tpu.dma_semaphore, #tpu.memory_space<semaphore_mem>>) src(%dma_wait3A_1521 : memref<999936x64xf32, #tpu.memory_space<hbm>>) dst(%dma_wait3A_1515 : memref<26x64xf32, #tpu.memory_space<vmem>>)
      %dma_wait3A_1522 = arith.constant 25 : i32
      %dma_wait3A_1523 = arith.constant 25 : i32
      %dma_wait3A_1524 = arith.constant 0 : i32
      %dma_wait3A_1525 = arith.constant 0 : i32
      %dma_wait3A_1526 = tpu.memref_slice %arg10[%dma_wait3A_1523, %dma_wait3A_1524, %dma_wait3A_1525] : memref<32x26x64xf32, #tpu.memory_space<vmem>> -> memref<1x26x64xf32, #tpu.memory_space<vmem>>
      %dma_wait3A_1527 = tpu.memref_squeeze %dma_wait3A_1526 : memref<1x26x64xf32, #tpu.memory_space<vmem>> -> memref<26x64xf32, #tpu.memory_space<vmem>>
      %dma_wait3A_1528 = arith.constant 0 : i32
      %dma_wait3A_1529 = tpu.memref_slice %arg8[%dma_wait3A_1522, %dma_wait3A_1528] : memref<32x26xi32, #tpu.memory_space<vmem>> -> memref<1x26xi32, #tpu.memory_space<vmem>>
      %dma_wait3A_1530 = tpu.memref_squeeze %dma_wait3A_1529 : memref<1x26xi32, #tpu.memory_space<vmem>> -> memref<26xi32, #tpu.memory_space<vmem>>
      %dma_wait3A_1531 = arith.constant 0 : i32
      %dma_wait3A_1532 = arith.constant 0 : i32
      %dma_wait3A_1533 = tpu.memref_slice %arg4[%dma_wait3A_1531, %dma_wait3A_1532] : memref<999936x64xf32, #tpu.memory_space<hbm>> -> memref<999936x64xf32, #tpu.memory_space<hbm>>
      tpu.wait_indirect_dma semaphore(%arg12 : memref<!tpu.dma_semaphore, #tpu.memory_space<semaphore_mem>>) src(%dma_wait3A_1533 : memref<999936x64xf32, #tpu.memory_space<hbm>>) dst(%dma_wait3A_1527 : memref<26x64xf32, #tpu.memory_space<vmem>>)
      %dma_wait3A_1534 = arith.constant 26 : i32
      %dma_wait3A_1535 = arith.constant 26 : i32
      %dma_wait3A_1536 = arith.constant 0 : i32
      %dma_wait3A_1537 = arith.constant 0 : i32
      %dma_wait3A_1538 = tpu.memref_slice %arg10[%dma_wait3A_1535, %dma_wait3A_1536, %dma_wait3A_1537] : memref<32x26x64xf32, #tpu.memory_space<vmem>> -> memref<1x26x64xf32, #tpu.memory_space<vmem>>
      %dma_wait3A_1539 = tpu.memref_squeeze %dma_wait3A_1538 : memref<1x26x64xf32, #tpu.memory_space<vmem>> -> memref<26x64xf32, #tpu.memory_space<vmem>>
      %dma_wait3A_1540 = arith.constant 0 : i32
      %dma_wait3A_1541 = tpu.memref_slice %arg8[%dma_wait3A_1534, %dma_wait3A_1540] : memref<32x26xi32, #tpu.memory_space<vmem>> -> memref<1x26xi32, #tpu.memory_space<vmem>>
      %dma_wait3A_1542 = tpu.memref_squeeze %dma_wait3A_1541 : memref<1x26xi32, #tpu.memory_space<vmem>> -> memref<26xi32, #tpu.memory_space<vmem>>
      %dma_wait3A_1543 = arith.constant 0 : i32
      %dma_wait3A_1544 = arith.constant 0 : i32
      %dma_wait3A_1545 = tpu.memref_slice %arg4[%dma_wait3A_1543, %dma_wait3A_1544] : memref<999936x64xf32, #tpu.memory_space<hbm>> -> memref<999936x64xf32, #tpu.memory_space<hbm>>
      tpu.wait_indirect_dma semaphore(%arg12 : memref<!tpu.dma_semaphore, #tpu.memory_space<semaphore_mem>>) src(%dma_wait3A_1545 : memref<999936x64xf32, #tpu.memory_space<hbm>>) dst(%dma_wait3A_1539 : memref<26x64xf32, #tpu.memory_space<vmem>>)
      %dma_wait3A_1546 = arith.constant 27 : i32
      %dma_wait3A_1547 = arith.constant 27 : i32
      %dma_wait3A_1548 = arith.constant 0 : i32
      %dma_wait3A_1549 = arith.constant 0 : i32
      %dma_wait3A_1550 = tpu.memref_slice %arg10[%dma_wait3A_1547, %dma_wait3A_1548, %dma_wait3A_1549] : memref<32x26x64xf32, #tpu.memory_space<vmem>> -> memref<1x26x64xf32, #tpu.memory_space<vmem>>
      %dma_wait3A_1551 = tpu.memref_squeeze %dma_wait3A_1550 : memref<1x26x64xf32, #tpu.memory_space<vmem>> -> memref<26x64xf32, #tpu.memory_space<vmem>>
      %dma_wait3A_1552 = arith.constant 0 : i32
      %dma_wait3A_1553 = tpu.memref_slice %arg8[%dma_wait3A_1546, %dma_wait3A_1552] : memref<32x26xi32, #tpu.memory_space<vmem>> -> memref<1x26xi32, #tpu.memory_space<vmem>>
      %dma_wait3A_1554 = tpu.memref_squeeze %dma_wait3A_1553 : memref<1x26xi32, #tpu.memory_space<vmem>> -> memref<26xi32, #tpu.memory_space<vmem>>
      %dma_wait3A_1555 = arith.constant 0 : i32
      %dma_wait3A_1556 = arith.constant 0 : i32
      %dma_wait3A_1557 = tpu.memref_slice %arg4[%dma_wait3A_1555, %dma_wait3A_1556] : memref<999936x64xf32, #tpu.memory_space<hbm>> -> memref<999936x64xf32, #tpu.memory_space<hbm>>
      tpu.wait_indirect_dma semaphore(%arg12 : memref<!tpu.dma_semaphore, #tpu.memory_space<semaphore_mem>>) src(%dma_wait3A_1557 : memref<999936x64xf32, #tpu.memory_space<hbm>>) dst(%dma_wait3A_1551 : memref<26x64xf32, #tpu.memory_space<vmem>>)
      %dma_wait3A_1558 = arith.constant 28 : i32
      %dma_wait3A_1559 = arith.constant 28 : i32
      %dma_wait3A_1560 = arith.constant 0 : i32
      %dma_wait3A_1561 = arith.constant 0 : i32
      %dma_wait3A_1562 = tpu.memref_slice %arg10[%dma_wait3A_1559, %dma_wait3A_1560, %dma_wait3A_1561] : memref<32x26x64xf32, #tpu.memory_space<vmem>> -> memref<1x26x64xf32, #tpu.memory_space<vmem>>
      %dma_wait3A_1563 = tpu.memref_squeeze %dma_wait3A_1562 : memref<1x26x64xf32, #tpu.memory_space<vmem>> -> memref<26x64xf32, #tpu.memory_space<vmem>>
      %dma_wait3A_1564 = arith.constant 0 : i32
      %dma_wait3A_1565 = tpu.memref_slice %arg8[%dma_wait3A_1558, %dma_wait3A_1564] : memref<32x26xi32, #tpu.memory_space<vmem>> -> memref<1x26xi32, #tpu.memory_space<vmem>>
      %dma_wait3A_1566 = tpu.memref_squeeze %dma_wait3A_1565 : memref<1x26xi32, #tpu.memory_space<vmem>> -> memref<26xi32, #tpu.memory_space<vmem>>
      %dma_wait3A_1567 = arith.constant 0 : i32
      %dma_wait3A_1568 = arith.constant 0 : i32
      %dma_wait3A_1569 = tpu.memref_slice %arg4[%dma_wait3A_1567, %dma_wait3A_1568] : memref<999936x64xf32, #tpu.memory_space<hbm>> -> memref<999936x64xf32, #tpu.memory_space<hbm>>
      tpu.wait_indirect_dma semaphore(%arg12 : memref<!tpu.dma_semaphore, #tpu.memory_space<semaphore_mem>>) src(%dma_wait3A_1569 : memref<999936x64xf32, #tpu.memory_space<hbm>>) dst(%dma_wait3A_1563 : memref<26x64xf32, #tpu.memory_space<vmem>>)
      %dma_wait3A_1570 = arith.constant 29 : i32
      %dma_wait3A_1571 = arith.constant 29 : i32
      %dma_wait3A_1572 = arith.constant 0 : i32
      %dma_wait3A_1573 = arith.constant 0 : i32
      %dma_wait3A_1574 = tpu.memref_slice %arg10[%dma_wait3A_1571, %dma_wait3A_1572, %dma_wait3A_1573] : memref<32x26x64xf32, #tpu.memory_space<vmem>> -> memref<1x26x64xf32, #tpu.memory_space<vmem>>
      %dma_wait3A_1575 = tpu.memref_squeeze %dma_wait3A_1574 : memref<1x26x64xf32, #tpu.memory_space<vmem>> -> memref<26x64xf32, #tpu.memory_space<vmem>>
      %dma_wait3A_1576 = arith.constant 0 : i32
      %dma_wait3A_1577 = tpu.memref_slice %arg8[%dma_wait3A_1570, %dma_wait3A_1576] : memref<32x26xi32, #tpu.memory_space<vmem>> -> memref<1x26xi32, #tpu.memory_space<vmem>>
      %dma_wait3A_1578 = tpu.memref_squeeze %dma_wait3A_1577 : memref<1x26xi32, #tpu.memory_space<vmem>> -> memref<26xi32, #tpu.memory_space<vmem>>
      %dma_wait3A_1579 = arith.constant 0 : i32
      %dma_wait3A_1580 = arith.constant 0 : i32
      %dma_wait3A_1581 = tpu.memref_slice %arg4[%dma_wait3A_1579, %dma_wait3A_1580] : memref<999936x64xf32, #tpu.memory_space<hbm>> -> memref<999936x64xf32, #tpu.memory_space<hbm>>
      tpu.wait_indirect_dma semaphore(%arg12 : memref<!tpu.dma_semaphore, #tpu.memory_space<semaphore_mem>>) src(%dma_wait3A_1581 : memref<999936x64xf32, #tpu.memory_space<hbm>>) dst(%dma_wait3A_1575 : memref<26x64xf32, #tpu.memory_space<vmem>>)
      %dma_wait3A_1582 = arith.constant 30 : i32
      %dma_wait3A_1583 = arith.constant 30 : i32
      %dma_wait3A_1584 = arith.constant 0 : i32
      %dma_wait3A_1585 = arith.constant 0 : i32
      %dma_wait3A_1586 = tpu.memref_slice %arg10[%dma_wait3A_1583, %dma_wait3A_1584, %dma_wait3A_1585] : memref<32x26x64xf32, #tpu.memory_space<vmem>> -> memref<1x26x64xf32, #tpu.memory_space<vmem>>
      %dma_wait3A_1587 = tpu.memref_squeeze %dma_wait3A_1586 : memref<1x26x64xf32, #tpu.memory_space<vmem>> -> memref<26x64xf32, #tpu.memory_space<vmem>>
      %dma_wait3A_1588 = arith.constant 0 : i32
      %dma_wait3A_1589 = tpu.memref_slice %arg8[%dma_wait3A_1582, %dma_wait3A_1588] : memref<32x26xi32, #tpu.memory_space<vmem>> -> memref<1x26xi32, #tpu.memory_space<vmem>>
      %dma_wait3A_1590 = tpu.memref_squeeze %dma_wait3A_1589 : memref<1x26xi32, #tpu.memory_space<vmem>> -> memref<26xi32, #tpu.memory_space<vmem>>
      %dma_wait3A_1591 = arith.constant 0 : i32
      %dma_wait3A_1592 = arith.constant 0 : i32
      %dma_wait3A_1593 = tpu.memref_slice %arg4[%dma_wait3A_1591, %dma_wait3A_1592] : memref<999936x64xf32, #tpu.memory_space<hbm>> -> memref<999936x64xf32, #tpu.memory_space<hbm>>
      tpu.wait_indirect_dma semaphore(%arg12 : memref<!tpu.dma_semaphore, #tpu.memory_space<semaphore_mem>>) src(%dma_wait3A_1593 : memref<999936x64xf32, #tpu.memory_space<hbm>>) dst(%dma_wait3A_1587 : memref<26x64xf32, #tpu.memory_space<vmem>>)
      %dma_wait3A_1594 = arith.constant 31 : i32
      %dma_wait3A_1595 = arith.constant 31 : i32
      %dma_wait3A_1596 = arith.constant 0 : i32
      %dma_wait3A_1597 = arith.constant 0 : i32
      %dma_wait3A_1598 = tpu.memref_slice %arg10[%dma_wait3A_1595, %dma_wait3A_1596, %dma_wait3A_1597] : memref<32x26x64xf32, #tpu.memory_space<vmem>> -> memref<1x26x64xf32, #tpu.memory_space<vmem>>
      %dma_wait3A_1599 = tpu.memref_squeeze %dma_wait3A_1598 : memref<1x26x64xf32, #tpu.memory_space<vmem>> -> memref<26x64xf32, #tpu.memory_space<vmem>>
      %dma_wait3A_1600 = arith.constant 0 : i32
      %dma_wait3A_1601 = tpu.memref_slice %arg8[%dma_wait3A_1594, %dma_wait3A_1600] : memref<32x26xi32, #tpu.memory_space<vmem>> -> memref<1x26xi32, #tpu.memory_space<vmem>>
      %dma_wait3A_1602 = tpu.memref_squeeze %dma_wait3A_1601 : memref<1x26xi32, #tpu.memory_space<vmem>> -> memref<26xi32, #tpu.memory_space<vmem>>
      %dma_wait3A_1603 = arith.constant 0 : i32
      %dma_wait3A_1604 = arith.constant 0 : i32
      %dma_wait3A_1605 = tpu.memref_slice %arg4[%dma_wait3A_1603, %dma_wait3A_1604] : memref<999936x64xf32, #tpu.memory_space<hbm>> -> memref<999936x64xf32, #tpu.memory_space<hbm>>
      tpu.wait_indirect_dma semaphore(%arg12 : memref<!tpu.dma_semaphore, #tpu.memory_space<semaphore_mem>>) src(%dma_wait3A_1605 : memref<999936x64xf32, #tpu.memory_space<hbm>>) dst(%dma_wait3A_1599 : memref<26x64xf32, #tpu.memory_space<vmem>>)
      %scan3A_1606 = arith.constant 0 : i32
      %scan3A_1607 = arith.constant 0 : i32
      %scan3A_1608 = arith.constant 52 : i32
      %scan3A_1609 = arith.addi %scan3A_1607, %scan3A_1608 : i32
      %scan3A_1610 = arith.constant 1 : i32
      scf.for %scan3A_1618 = %scan3A_1607 to %scan3A_1609 step %scan3A_1610  : i32 {
        %mul3A_1619 = arith.constant 16 : i32
        %mul3A_1620 = arith.muli %scan3A_1618, %mul3A_1619 : i32
        %iota3A = tpu.iota {dimensions = array<i32: 0>} : vector<16xi32>
        %add3A_1621 = vector.broadcast %mul3A_1620 : i32 to vector<16xi32>
        %add3A_1622 = arith.addi %add3A_1621, %iota3A : vector<16xi32>
        %jit3A = arith.constant 26 : i32
        %div3A = vector.broadcast %jit3A : i32 to vector<16xi32>
        %div3A_1623 = arith.divsi %add3A_1622, %div3A : vector<16xi32>
        %sign3A = arith.constant 0 : i32
        %sign3A_1624 = vector.broadcast %sign3A : i32 to vector<16xi32>
        %sign3A_1625 = arith.cmpi sgt, %add3A_1622, %sign3A_1624 : vector<16xi32>
        %sign3A_1626 = arith.extui %sign3A_1625 : vector<16xi1> to vector<16xi32>
        %sign3A_1627 = arith.constant 0 : i32
        %sign3A_1628 = vector.broadcast %sign3A_1627 : i32 to vector<16xi32>
        %sign3A_1629 = arith.cmpi slt, %add3A_1622, %sign3A_1628 : vector<16xi32>
        %sign3A_1630 = arith.extui %sign3A_1629 : vector<16xi1> to vector<16xi32>
        %sign3A_1631 = arith.subi %sign3A_1626, %sign3A_1630 : vector<16xi32>
        %sign3A_1632 = arith.constant 0 : i32
        %sign3A_1633 = arith.cmpi sgt, %jit3A, %sign3A_1632 : i32
        %sign3A_1634 = arith.extui %sign3A_1633 : i1 to i32
        %sign3A_1635 = arith.constant 0 : i32
        %sign3A_1636 = arith.cmpi slt, %jit3A, %sign3A_1635 : i32
        %sign3A_1637 = arith.extui %sign3A_1636 : i1 to i32
        %sign3A_1638 = arith.subi %sign3A_1634, %sign3A_1637 : i32
        %ne3A = vector.broadcast %sign3A_1638 : i32 to vector<16xi32>
        %ne3A_1639 = arith.cmpi ne, %sign3A_1631, %ne3A : vector<16xi32>
        %rem3A = vector.broadcast %jit3A : i32 to vector<16xi32>
        %rem3A_1640 = arith.remsi %add3A_1622, %rem3A : vector<16xi32>
        %ne3A_1641 = arith.constant 0 : i32
        %ne3A_1642 = vector.broadcast %ne3A_1641 : i32 to vector<16xi32>
        %ne3A_1643 = arith.cmpi ne, %rem3A_1640, %ne3A_1642 : vector<16xi32>
        %and3A = arith.andi %ne3A_1639, %ne3A_1643 : vector<16xi1>
        %sub3A = arith.constant 1 : i32
        %sub3A_1644 = vector.broadcast %sub3A : i32 to vector<16xi32>
        %sub3A_1645 = arith.subi %div3A_1623, %sub3A_1644 : vector<16xi32>
        %select_n3A = arith.select %and3A, %sub3A_1645, %div3A_1623 : vector<16xi1>, vector<16xi32>
        %jit3A_1646 = arith.constant 26 : i32
        %eq3A = arith.constant 0 : i32
        %eq3A_1647 = arith.cmpi eq, %jit3A_1646, %eq3A : i32
        %jit3A_1648 = arith.constant 1 : i32
        %select_n3A_1649 = arith.select %eq3A_1647, %jit3A_1648, %jit3A_1646 : i32
        %rem3A_1650 = vector.broadcast %select_n3A_1649 : i32 to vector<16xi32>
        %rem3A_1651 = arith.remsi %add3A_1622, %rem3A_1650 : vector<16xi32>
        %ne3A_1652 = arith.constant 0 : i32
        %ne3A_1653 = vector.broadcast %ne3A_1652 : i32 to vector<16xi32>
        %ne3A_1654 = arith.cmpi ne, %rem3A_1651, %ne3A_1653 : vector<16xi32>
        %lt3A = arith.constant 0 : i32
        %lt3A_1655 = vector.broadcast %lt3A : i32 to vector<16xi32>
        %lt3A_1656 = arith.cmpi slt, %rem3A_1651, %lt3A_1655 : vector<16xi32>
        %lt3A_1657 = arith.constant 0 : i32
        %lt3A_1658 = arith.cmpi slt, %select_n3A_1649, %lt3A_1657 : i32
        %ne3A_1659 = vector.broadcast %lt3A_1658 : i1 to vector<16xi1>
        %ne3A_1660 = vector.broadcast %ne3A_1659 : vector<16xi1> to vector<16xi1>
        %ne3A_1661 = arith.xori %lt3A_1656, %ne3A_1660 : vector<16xi1>
        %and3A_1662 = arith.andi %ne3A_1661, %ne3A_1654 : vector<16xi1>
        %add3A_1663 = vector.broadcast %select_n3A_1649 : i32 to vector<16xi32>
        %add3A_1664 = arith.addi %rem3A_1651, %add3A_1663 : vector<16xi32>
        %select_n3A_1665 = arith.select %and3A_1662, %add3A_1664, %rem3A_1651 : vector<16xi1>, vector<16xi32>
        %gather3A = tpu.vector_load_idx %arg6[%select_n3A, %select_n3A_1665] : memref<32x26xi32, #tpu.memory_space<vmem>>[vector<16xi32>, vector<16xi32>], vector<16xi32>,
        %lt3A_1666 = arith.constant 2 : i32
        %lt3A_1667 = vector.broadcast %lt3A_1666 : i32 to vector<16xi32>
        %lt3A_1668 = arith.cmpi slt, %gather3A, %lt3A_1667 : vector<16xi32>
        %ge3A_1669 = arith.constant 999938 : i32
        %ge3A_1670 = vector.broadcast %ge3A_1669 : i32 to vector<16xi32>
        %ge3A_1671 = arith.cmpi sge, %gather3A, %ge3A_1670 : vector<16xi32>
        %or3A = arith.ori %lt3A_1668, %ge3A_1671 : vector<16xi1>
        %all_reduce_population_count3A = tpu.all_reduce %or3A {dim = 0 : i64, kind = #tpu.reduction_kind<sum>} : vector<16xi1> -> vector<16xi32>
        %slice3A = vector.extract_strided_slice %all_reduce_population_count3A {offsets = [0], sizes = [1], strides = [1]} : vector<16xi32> to vector<1xi32>
        %squeeze3A = vector.extract %slice3A[0] : i32 from vector<1xi32>
        %gt3A = arith.constant 0 : i32
        %gt3A_1672 = arith.cmpi sgt, %squeeze3A, %gt3A : i32
        %convert_element_type3A_1673 = arith.extui %gt3A_1672 : i1 to i32
        %cond3A_1674 = arith.constant 0 : i32
        %cond3A_1675 = arith.cmpi ne, %convert_element_type3A_1673, %cond3A_1674 : i32
        scf.if %cond3A_1675 {
          %sub3A_1676 = arith.constant 999936 : i32
          %sub3A_1677 = vector.broadcast %sub3A_1676 : i32 to vector<16xi32>
          %sub3A_1678 = arith.subi %gather3A, %sub3A_1677 : vector<16xi32>
          %select_n3A_1679 = arith.select %lt3A_1668, %gather3A, %sub3A_1678 : vector<16xi1>, vector<16xi32>
          %jit3A_1680 = arith.constant 0 : i32
          %jit3A_1681 = arith.constant 63 : i32
          %max3A = vector.broadcast %jit3A_1680 : i32 to vector<16xi32>
          %max3A_1682 = arith.maxsi %max3A, %select_n3A_1679 : vector<16xi32>
          %min3A = vector.broadcast %jit3A_1681 : i32 to vector<16xi32>
          %min3A_1683 = arith.minsi %min3A, %max3A_1682 : vector<16xi32>
          %broadcast_in_dim3A = arith.constant 0 : i32
          %broadcast_in_dim3A_1684 = vector.broadcast %broadcast_in_dim3A : i32 to vector<16xi32>
          %gather3A_1685 = tpu.vector_load_idx %arg11[%min3A_1683, %broadcast_in_dim3A_1684] masked %or3A : memref<64x64xf32, #tpu.memory_space<vmem>>[vector<16xi32>, vector<16xi32>], vector<16xf32>, vector<16xi1>
          tpu.vector_store_idx %arg10[%select_n3A, %select_n3A_1665, %broadcast_in_dim3A_1684], %gather3A_1685 masked %or3A : memref<32x26x64xf32, #tpu.memory_space<vmem>>[vector<16xi32>, vector<16xi32>, vector<16xi32>], vector<16xf32>, vector<16xi1>
          %broadcast_in_dim3A_1686 = arith.constant 1 : i32
          %broadcast_in_dim3A_1687 = vector.broadcast %broadcast_in_dim3A_1686 : i32 to vector<16xi32>
          %gather3A_1688 = tpu.vector_load_idx %arg11[%min3A_1683, %broadcast_in_dim3A_1687] masked %or3A : memref<64x64xf32, #tpu.memory_space<vmem>>[vector<16xi32>, vector<16xi32>], vector<16xf32>, vector<16xi1>
          tpu.vector_store_idx %arg10[%select_n3A, %select_n3A_1665, %broadcast_in_dim3A_1687], %gather3A_1688 masked %or3A : memref<32x26x64xf32, #tpu.memory_space<vmem>>[vector<16xi32>, vector<16xi32>, vector<16xi32>], vector<16xf32>, vector<16xi1>
          %broadcast_in_dim3A_1689 = arith.constant 2 : i32
          %broadcast_in_dim3A_1690 = vector.broadcast %broadcast_in_dim3A_1689 : i32 to vector<16xi32>
          %gather3A_1691 = tpu.vector_load_idx %arg11[%min3A_1683, %broadcast_in_dim3A_1690] masked %or3A : memref<64x64xf32, #tpu.memory_space<vmem>>[vector<16xi32>, vector<16xi32>], vector<16xf32>, vector<16xi1>
          tpu.vector_store_idx %arg10[%select_n3A, %select_n3A_1665, %broadcast_in_dim3A_1690], %gather3A_1691 masked %or3A : memref<32x26x64xf32, #tpu.memory_space<vmem>>[vector<16xi32>, vector<16xi32>, vector<16xi32>], vector<16xf32>, vector<16xi1>
          %broadcast_in_dim3A_1692 = arith.constant 3 : i32
          %broadcast_in_dim3A_1693 = vector.broadcast %broadcast_in_dim3A_1692 : i32 to vector<16xi32>
          %gather3A_1694 = tpu.vector_load_idx %arg11[%min3A_1683, %broadcast_in_dim3A_1693] masked %or3A : memref<64x64xf32, #tpu.memory_space<vmem>>[vector<16xi32>, vector<16xi32>], vector<16xf32>, vector<16xi1>
          tpu.vector_store_idx %arg10[%select_n3A, %select_n3A_1665, %broadcast_in_dim3A_1693], %gather3A_1694 masked %or3A : memref<32x26x64xf32, #tpu.memory_space<vmem>>[vector<16xi32>, vector<16xi32>, vector<16xi32>], vector<16xf32>, vector<16xi1>
          %broadcast_in_dim3A_1695 = arith.constant 4 : i32
          %broadcast_in_dim3A_1696 = vector.broadcast %broadcast_in_dim3A_1695 : i32 to vector<16xi32>
          %gather3A_1697 = tpu.vector_load_idx %arg11[%min3A_1683, %broadcast_in_dim3A_1696] masked %or3A : memref<64x64xf32, #tpu.memory_space<vmem>>[vector<16xi32>, vector<16xi32>], vector<16xf32>, vector<16xi1>
          tpu.vector_store_idx %arg10[%select_n3A, %select_n3A_1665, %broadcast_in_dim3A_1696], %gather3A_1697 masked %or3A : memref<32x26x64xf32, #tpu.memory_space<vmem>>[vector<16xi32>, vector<16xi32>, vector<16xi32>], vector<16xf32>, vector<16xi1>
          %broadcast_in_dim3A_1698 = arith.constant 5 : i32
          %broadcast_in_dim3A_1699 = vector.broadcast %broadcast_in_dim3A_1698 : i32 to vector<16xi32>
          %gather3A_1700 = tpu.vector_load_idx %arg11[%min3A_1683, %broadcast_in_dim3A_1699] masked %or3A : memref<64x64xf32, #tpu.memory_space<vmem>>[vector<16xi32>, vector<16xi32>], vector<16xf32>, vector<16xi1>
          tpu.vector_store_idx %arg10[%select_n3A, %select_n3A_1665, %broadcast_in_dim3A_1699], %gather3A_1700 masked %or3A : memref<32x26x64xf32, #tpu.memory_space<vmem>>[vector<16xi32>, vector<16xi32>, vector<16xi32>], vector<16xf32>, vector<16xi1>
          %broadcast_in_dim3A_1701 = arith.constant 6 : i32
          %broadcast_in_dim3A_1702 = vector.broadcast %broadcast_in_dim3A_1701 : i32 to vector<16xi32>
          %gather3A_1703 = tpu.vector_load_idx %arg11[%min3A_1683, %broadcast_in_dim3A_1702] masked %or3A : memref<64x64xf32, #tpu.memory_space<vmem>>[vector<16xi32>, vector<16xi32>], vector<16xf32>, vector<16xi1>
          tpu.vector_store_idx %arg10[%select_n3A, %select_n3A_1665, %broadcast_in_dim3A_1702], %gather3A_1703 masked %or3A : memref<32x26x64xf32, #tpu.memory_space<vmem>>[vector<16xi32>, vector<16xi32>, vector<16xi32>], vector<16xf32>, vector<16xi1>
          %broadcast_in_dim3A_1704 = arith.constant 7 : i32
          %broadcast_in_dim3A_1705 = vector.broadcast %broadcast_in_dim3A_1704 : i32 to vector<16xi32>
          %gather3A_1706 = tpu.vector_load_idx %arg11[%min3A_1683, %broadcast_in_dim3A_1705] masked %or3A : memref<64x64xf32, #tpu.memory_space<vmem>>[vector<16xi32>, vector<16xi32>], vector<16xf32>, vector<16xi1>
          tpu.vector_store_idx %arg10[%select_n3A, %select_n3A_1665, %broadcast_in_dim3A_1705], %gather3A_1706 masked %or3A : memref<32x26x64xf32, #tpu.memory_space<vmem>>[vector<16xi32>, vector<16xi32>, vector<16xi32>], vector<16xf32>, vector<16xi1>
          %broadcast_in_dim3A_1707 = arith.constant 8 : i32
          %broadcast_in_dim3A_1708 = vector.broadcast %broadcast_in_dim3A_1707 : i32 to vector<16xi32>
          %gather3A_1709 = tpu.vector_load_idx %arg11[%min3A_1683, %broadcast_in_dim3A_1708] masked %or3A : memref<64x64xf32, #tpu.memory_space<vmem>>[vector<16xi32>, vector<16xi32>], vector<16xf32>, vector<16xi1>
          tpu.vector_store_idx %arg10[%select_n3A, %select_n3A_1665, %broadcast_in_dim3A_1708], %gather3A_1709 masked %or3A : memref<32x26x64xf32, #tpu.memory_space<vmem>>[vector<16xi32>, vector<16xi32>, vector<16xi32>], vector<16xf32>, vector<16xi1>
          %broadcast_in_dim3A_1710 = arith.constant 9 : i32
          %broadcast_in_dim3A_1711 = vector.broadcast %broadcast_in_dim3A_1710 : i32 to vector<16xi32>
          %gather3A_1712 = tpu.vector_load_idx %arg11[%min3A_1683, %broadcast_in_dim3A_1711] masked %or3A : memref<64x64xf32, #tpu.memory_space<vmem>>[vector<16xi32>, vector<16xi32>], vector<16xf32>, vector<16xi1>
          tpu.vector_store_idx %arg10[%select_n3A, %select_n3A_1665, %broadcast_in_dim3A_1711], %gather3A_1712 masked %or3A : memref<32x26x64xf32, #tpu.memory_space<vmem>>[vector<16xi32>, vector<16xi32>, vector<16xi32>], vector<16xf32>, vector<16xi1>
          %broadcast_in_dim3A_1713 = arith.constant 10 : i32
          %broadcast_in_dim3A_1714 = vector.broadcast %broadcast_in_dim3A_1713 : i32 to vector<16xi32>
          %gather3A_1715 = tpu.vector_load_idx %arg11[%min3A_1683, %broadcast_in_dim3A_1714] masked %or3A : memref<64x64xf32, #tpu.memory_space<vmem>>[vector<16xi32>, vector<16xi32>], vector<16xf32>, vector<16xi1>
          tpu.vector_store_idx %arg10[%select_n3A, %select_n3A_1665, %broadcast_in_dim3A_1714], %gather3A_1715 masked %or3A : memref<32x26x64xf32, #tpu.memory_space<vmem>>[vector<16xi32>, vector<16xi32>, vector<16xi32>], vector<16xf32>, vector<16xi1>
          %broadcast_in_dim3A_1716 = arith.constant 11 : i32
          %broadcast_in_dim3A_1717 = vector.broadcast %broadcast_in_dim3A_1716 : i32 to vector<16xi32>
          %gather3A_1718 = tpu.vector_load_idx %arg11[%min3A_1683, %broadcast_in_dim3A_1717] masked %or3A : memref<64x64xf32, #tpu.memory_space<vmem>>[vector<16xi32>, vector<16xi32>], vector<16xf32>, vector<16xi1>
          tpu.vector_store_idx %arg10[%select_n3A, %select_n3A_1665, %broadcast_in_dim3A_1717], %gather3A_1718 masked %or3A : memref<32x26x64xf32, #tpu.memory_space<vmem>>[vector<16xi32>, vector<16xi32>, vector<16xi32>], vector<16xf32>, vector<16xi1>
          %broadcast_in_dim3A_1719 = arith.constant 12 : i32
          %broadcast_in_dim3A_1720 = vector.broadcast %broadcast_in_dim3A_1719 : i32 to vector<16xi32>
          %gather3A_1721 = tpu.vector_load_idx %arg11[%min3A_1683, %broadcast_in_dim3A_1720] masked %or3A : memref<64x64xf32, #tpu.memory_space<vmem>>[vector<16xi32>, vector<16xi32>], vector<16xf32>, vector<16xi1>
          tpu.vector_store_idx %arg10[%select_n3A, %select_n3A_1665, %broadcast_in_dim3A_1720], %gather3A_1721 masked %or3A : memref<32x26x64xf32, #tpu.memory_space<vmem>>[vector<16xi32>, vector<16xi32>, vector<16xi32>], vector<16xf32>, vector<16xi1>
          %broadcast_in_dim3A_1722 = arith.constant 13 : i32
          %broadcast_in_dim3A_1723 = vector.broadcast %broadcast_in_dim3A_1722 : i32 to vector<16xi32>
          %gather3A_1724 = tpu.vector_load_idx %arg11[%min3A_1683, %broadcast_in_dim3A_1723] masked %or3A : memref<64x64xf32, #tpu.memory_space<vmem>>[vector<16xi32>, vector<16xi32>], vector<16xf32>, vector<16xi1>
          tpu.vector_store_idx %arg10[%select_n3A, %select_n3A_1665, %broadcast_in_dim3A_1723], %gather3A_1724 masked %or3A : memref<32x26x64xf32, #tpu.memory_space<vmem>>[vector<16xi32>, vector<16xi32>, vector<16xi32>], vector<16xf32>, vector<16xi1>
          %broadcast_in_dim3A_1725 = arith.constant 14 : i32
          %broadcast_in_dim3A_1726 = vector.broadcast %broadcast_in_dim3A_1725 : i32 to vector<16xi32>
          %gather3A_1727 = tpu.vector_load_idx %arg11[%min3A_1683, %broadcast_in_dim3A_1726] masked %or3A : memref<64x64xf32, #tpu.memory_space<vmem>>[vector<16xi32>, vector<16xi32>], vector<16xf32>, vector<16xi1>
          tpu.vector_store_idx %arg10[%select_n3A, %select_n3A_1665, %broadcast_in_dim3A_1726], %gather3A_1727 masked %or3A : memref<32x26x64xf32, #tpu.memory_space<vmem>>[vector<16xi32>, vector<16xi32>, vector<16xi32>], vector<16xf32>, vector<16xi1>
          %broadcast_in_dim3A_1728 = arith.constant 15 : i32
          %broadcast_in_dim3A_1729 = vector.broadcast %broadcast_in_dim3A_1728 : i32 to vector<16xi32>
          %gather3A_1730 = tpu.vector_load_idx %arg11[%min3A_1683, %broadcast_in_dim3A_1729] masked %or3A : memref<64x64xf32, #tpu.memory_space<vmem>>[vector<16xi32>, vector<16xi32>], vector<16xf32>, vector<16xi1>
          tpu.vector_store_idx %arg10[%select_n3A, %select_n3A_1665, %broadcast_in_dim3A_1729], %gather3A_1730 masked %or3A : memref<32x26x64xf32, #tpu.memory_space<vmem>>[vector<16xi32>, vector<16xi32>, vector<16xi32>], vector<16xf32>, vector<16xi1>
          %broadcast_in_dim3A_1731 = arith.constant 16 : i32
          %broadcast_in_dim3A_1732 = vector.broadcast %broadcast_in_dim3A_1731 : i32 to vector<16xi32>
          %gather3A_1733 = tpu.vector_load_idx %arg11[%min3A_1683, %broadcast_in_dim3A_1732] masked %or3A : memref<64x64xf32, #tpu.memory_space<vmem>>[vector<16xi32>, vector<16xi32>], vector<16xf32>, vector<16xi1>
          tpu.vector_store_idx %arg10[%select_n3A, %select_n3A_1665, %broadcast_in_dim3A_1732], %gather3A_1733 masked %or3A : memref<32x26x64xf32, #tpu.memory_space<vmem>>[vector<16xi32>, vector<16xi32>, vector<16xi32>], vector<16xf32>, vector<16xi1>
          %broadcast_in_dim3A_1734 = arith.constant 17 : i32
          %broadcast_in_dim3A_1735 = vector.broadcast %broadcast_in_dim3A_1734 : i32 to vector<16xi32>
          %gather3A_1736 = tpu.vector_load_idx %arg11[%min3A_1683, %broadcast_in_dim3A_1735] masked %or3A : memref<64x64xf32, #tpu.memory_space<vmem>>[vector<16xi32>, vector<16xi32>], vector<16xf32>, vector<16xi1>
          tpu.vector_store_idx %arg10[%select_n3A, %select_n3A_1665, %broadcast_in_dim3A_1735], %gather3A_1736 masked %or3A : memref<32x26x64xf32, #tpu.memory_space<vmem>>[vector<16xi32>, vector<16xi32>, vector<16xi32>], vector<16xf32>, vector<16xi1>
          %broadcast_in_dim3A_1737 = arith.constant 18 : i32
          %broadcast_in_dim3A_1738 = vector.broadcast %broadcast_in_dim3A_1737 : i32 to vector<16xi32>
          %gather3A_1739 = tpu.vector_load_idx %arg11[%min3A_1683, %broadcast_in_dim3A_1738] masked %or3A : memref<64x64xf32, #tpu.memory_space<vmem>>[vector<16xi32>, vector<16xi32>], vector<16xf32>, vector<16xi1>
          tpu.vector_store_idx %arg10[%select_n3A, %select_n3A_1665, %broadcast_in_dim3A_1738], %gather3A_1739 masked %or3A : memref<32x26x64xf32, #tpu.memory_space<vmem>>[vector<16xi32>, vector<16xi32>, vector<16xi32>], vector<16xf32>, vector<16xi1>
          %broadcast_in_dim3A_1740 = arith.constant 19 : i32
          %broadcast_in_dim3A_1741 = vector.broadcast %broadcast_in_dim3A_1740 : i32 to vector<16xi32>
          %gather3A_1742 = tpu.vector_load_idx %arg11[%min3A_1683, %broadcast_in_dim3A_1741] masked %or3A : memref<64x64xf32, #tpu.memory_space<vmem>>[vector<16xi32>, vector<16xi32>], vector<16xf32>, vector<16xi1>
          tpu.vector_store_idx %arg10[%select_n3A, %select_n3A_1665, %broadcast_in_dim3A_1741], %gather3A_1742 masked %or3A : memref<32x26x64xf32, #tpu.memory_space<vmem>>[vector<16xi32>, vector<16xi32>, vector<16xi32>], vector<16xf32>, vector<16xi1>
          %broadcast_in_dim3A_1743 = arith.constant 20 : i32
          %broadcast_in_dim3A_1744 = vector.broadcast %broadcast_in_dim3A_1743 : i32 to vector<16xi32>
          %gather3A_1745 = tpu.vector_load_idx %arg11[%min3A_1683, %broadcast_in_dim3A_1744] masked %or3A : memref<64x64xf32, #tpu.memory_space<vmem>>[vector<16xi32>, vector<16xi32>], vector<16xf32>, vector<16xi1>
          tpu.vector_store_idx %arg10[%select_n3A, %select_n3A_1665, %broadcast_in_dim3A_1744], %gather3A_1745 masked %or3A : memref<32x26x64xf32, #tpu.memory_space<vmem>>[vector<16xi32>, vector<16xi32>, vector<16xi32>], vector<16xf32>, vector<16xi1>
          %broadcast_in_dim3A_1746 = arith.constant 21 : i32
          %broadcast_in_dim3A_1747 = vector.broadcast %broadcast_in_dim3A_1746 : i32 to vector<16xi32>
          %gather3A_1748 = tpu.vector_load_idx %arg11[%min3A_1683, %broadcast_in_dim3A_1747] masked %or3A : memref<64x64xf32, #tpu.memory_space<vmem>>[vector<16xi32>, vector<16xi32>], vector<16xf32>, vector<16xi1>
          tpu.vector_store_idx %arg10[%select_n3A, %select_n3A_1665, %broadcast_in_dim3A_1747], %gather3A_1748 masked %or3A : memref<32x26x64xf32, #tpu.memory_space<vmem>>[vector<16xi32>, vector<16xi32>, vector<16xi32>], vector<16xf32>, vector<16xi1>
          %broadcast_in_dim3A_1749 = arith.constant 22 : i32
          %broadcast_in_dim3A_1750 = vector.broadcast %broadcast_in_dim3A_1749 : i32 to vector<16xi32>
          %gather3A_1751 = tpu.vector_load_idx %arg11[%min3A_1683, %broadcast_in_dim3A_1750] masked %or3A : memref<64x64xf32, #tpu.memory_space<vmem>>[vector<16xi32>, vector<16xi32>], vector<16xf32>, vector<16xi1>
          tpu.vector_store_idx %arg10[%select_n3A, %select_n3A_1665, %broadcast_in_dim3A_1750], %gather3A_1751 masked %or3A : memref<32x26x64xf32, #tpu.memory_space<vmem>>[vector<16xi32>, vector<16xi32>, vector<16xi32>], vector<16xf32>, vector<16xi1>
          %broadcast_in_dim3A_1752 = arith.constant 23 : i32
          %broadcast_in_dim3A_1753 = vector.broadcast %broadcast_in_dim3A_1752 : i32 to vector<16xi32>
          %gather3A_1754 = tpu.vector_load_idx %arg11[%min3A_1683, %broadcast_in_dim3A_1753] masked %or3A : memref<64x64xf32, #tpu.memory_space<vmem>>[vector<16xi32>, vector<16xi32>], vector<16xf32>, vector<16xi1>
          tpu.vector_store_idx %arg10[%select_n3A, %select_n3A_1665, %broadcast_in_dim3A_1753], %gather3A_1754 masked %or3A : memref<32x26x64xf32, #tpu.memory_space<vmem>>[vector<16xi32>, vector<16xi32>, vector<16xi32>], vector<16xf32>, vector<16xi1>
          %broadcast_in_dim3A_1755 = arith.constant 24 : i32
          %broadcast_in_dim3A_1756 = vector.broadcast %broadcast_in_dim3A_1755 : i32 to vector<16xi32>
          %gather3A_1757 = tpu.vector_load_idx %arg11[%min3A_1683, %broadcast_in_dim3A_1756] masked %or3A : memref<64x64xf32, #tpu.memory_space<vmem>>[vector<16xi32>, vector<16xi32>], vector<16xf32>, vector<16xi1>
          tpu.vector_store_idx %arg10[%select_n3A, %select_n3A_1665, %broadcast_in_dim3A_1756], %gather3A_1757 masked %or3A : memref<32x26x64xf32, #tpu.memory_space<vmem>>[vector<16xi32>, vector<16xi32>, vector<16xi32>], vector<16xf32>, vector<16xi1>
          %broadcast_in_dim3A_1758 = arith.constant 25 : i32
          %broadcast_in_dim3A_1759 = vector.broadcast %broadcast_in_dim3A_1758 : i32 to vector<16xi32>
          %gather3A_1760 = tpu.vector_load_idx %arg11[%min3A_1683, %broadcast_in_dim3A_1759] masked %or3A : memref<64x64xf32, #tpu.memory_space<vmem>>[vector<16xi32>, vector<16xi32>], vector<16xf32>, vector<16xi1>
          tpu.vector_store_idx %arg10[%select_n3A, %select_n3A_1665, %broadcast_in_dim3A_1759], %gather3A_1760 masked %or3A : memref<32x26x64xf32, #tpu.memory_space<vmem>>[vector<16xi32>, vector<16xi32>, vector<16xi32>], vector<16xf32>, vector<16xi1>
          %broadcast_in_dim3A_1761 = arith.constant 26 : i32
          %broadcast_in_dim3A_1762 = vector.broadcast %broadcast_in_dim3A_1761 : i32 to vector<16xi32>
          %gather3A_1763 = tpu.vector_load_idx %arg11[%min3A_1683, %broadcast_in_dim3A_1762] masked %or3A : memref<64x64xf32, #tpu.memory_space<vmem>>[vector<16xi32>, vector<16xi32>], vector<16xf32>, vector<16xi1>
          tpu.vector_store_idx %arg10[%select_n3A, %select_n3A_1665, %broadcast_in_dim3A_1762], %gather3A_1763 masked %or3A : memref<32x26x64xf32, #tpu.memory_space<vmem>>[vector<16xi32>, vector<16xi32>, vector<16xi32>], vector<16xf32>, vector<16xi1>
          %broadcast_in_dim3A_1764 = arith.constant 27 : i32
          %broadcast_in_dim3A_1765 = vector.broadcast %broadcast_in_dim3A_1764 : i32 to vector<16xi32>
          %gather3A_1766 = tpu.vector_load_idx %arg11[%min3A_1683, %broadcast_in_dim3A_1765] masked %or3A : memref<64x64xf32, #tpu.memory_space<vmem>>[vector<16xi32>, vector<16xi32>], vector<16xf32>, vector<16xi1>
          tpu.vector_store_idx %arg10[%select_n3A, %select_n3A_1665, %broadcast_in_dim3A_1765], %gather3A_1766 masked %or3A : memref<32x26x64xf32, #tpu.memory_space<vmem>>[vector<16xi32>, vector<16xi32>, vector<16xi32>], vector<16xf32>, vector<16xi1>
          %broadcast_in_dim3A_1767 = arith.constant 28 : i32
          %broadcast_in_dim3A_1768 = vector.broadcast %broadcast_in_dim3A_1767 : i32 to vector<16xi32>
          %gather3A_1769 = tpu.vector_load_idx %arg11[%min3A_1683, %broadcast_in_dim3A_1768] masked %or3A : memref<64x64xf32, #tpu.memory_space<vmem>>[vector<16xi32>, vector<16xi32>], vector<16xf32>, vector<16xi1>
          tpu.vector_store_idx %arg10[%select_n3A, %select_n3A_1665, %broadcast_in_dim3A_1768], %gather3A_1769 masked %or3A : memref<32x26x64xf32, #tpu.memory_space<vmem>>[vector<16xi32>, vector<16xi32>, vector<16xi32>], vector<16xf32>, vector<16xi1>
          %broadcast_in_dim3A_1770 = arith.constant 29 : i32
          %broadcast_in_dim3A_1771 = vector.broadcast %broadcast_in_dim3A_1770 : i32 to vector<16xi32>
          %gather3A_1772 = tpu.vector_load_idx %arg11[%min3A_1683, %broadcast_in_dim3A_1771] masked %or3A : memref<64x64xf32, #tpu.memory_space<vmem>>[vector<16xi32>, vector<16xi32>], vector<16xf32>, vector<16xi1>
          tpu.vector_store_idx %arg10[%select_n3A, %select_n3A_1665, %broadcast_in_dim3A_1771], %gather3A_1772 masked %or3A : memref<32x26x64xf32, #tpu.memory_space<vmem>>[vector<16xi32>, vector<16xi32>, vector<16xi32>], vector<16xf32>, vector<16xi1>
          %broadcast_in_dim3A_1773 = arith.constant 30 : i32
          %broadcast_in_dim3A_1774 = vector.broadcast %broadcast_in_dim3A_1773 : i32 to vector<16xi32>
          %gather3A_1775 = tpu.vector_load_idx %arg11[%min3A_1683, %broadcast_in_dim3A_1774] masked %or3A : memref<64x64xf32, #tpu.memory_space<vmem>>[vector<16xi32>, vector<16xi32>], vector<16xf32>, vector<16xi1>
          tpu.vector_store_idx %arg10[%select_n3A, %select_n3A_1665, %broadcast_in_dim3A_1774], %gather3A_1775 masked %or3A : memref<32x26x64xf32, #tpu.memory_space<vmem>>[vector<16xi32>, vector<16xi32>, vector<16xi32>], vector<16xf32>, vector<16xi1>
          %broadcast_in_dim3A_1776 = arith.constant 31 : i32
          %broadcast_in_dim3A_1777 = vector.broadcast %broadcast_in_dim3A_1776 : i32 to vector<16xi32>
          %gather3A_1778 = tpu.vector_load_idx %arg11[%min3A_1683, %broadcast_in_dim3A_1777] masked %or3A : memref<64x64xf32, #tpu.memory_space<vmem>>[vector<16xi32>, vector<16xi32>], vector<16xf32>, vector<16xi1>
          tpu.vector_store_idx %arg10[%select_n3A, %select_n3A_1665, %broadcast_in_dim3A_1777], %gather3A_1778 masked %or3A : memref<32x26x64xf32, #tpu.memory_space<vmem>>[vector<16xi32>, vector<16xi32>, vector<16xi32>], vector<16xf32>, vector<16xi1>
          %broadcast_in_dim3A_1779 = arith.constant 32 : i32
          %broadcast_in_dim3A_1780 = vector.broadcast %broadcast_in_dim3A_1779 : i32 to vector<16xi32>
          %gather3A_1781 = tpu.vector_load_idx %arg11[%min3A_1683, %broadcast_in_dim3A_1780] masked %or3A : memref<64x64xf32, #tpu.memory_space<vmem>>[vector<16xi32>, vector<16xi32>], vector<16xf32>, vector<16xi1>
          tpu.vector_store_idx %arg10[%select_n3A, %select_n3A_1665, %broadcast_in_dim3A_1780], %gather3A_1781 masked %or3A : memref<32x26x64xf32, #tpu.memory_space<vmem>>[vector<16xi32>, vector<16xi32>, vector<16xi32>], vector<16xf32>, vector<16xi1>
          %broadcast_in_dim3A_1782 = arith.constant 33 : i32
          %broadcast_in_dim3A_1783 = vector.broadcast %broadcast_in_dim3A_1782 : i32 to vector<16xi32>
          %gather3A_1784 = tpu.vector_load_idx %arg11[%min3A_1683, %broadcast_in_dim3A_1783] masked %or3A : memref<64x64xf32, #tpu.memory_space<vmem>>[vector<16xi32>, vector<16xi32>], vector<16xf32>, vector<16xi1>
          tpu.vector_store_idx %arg10[%select_n3A, %select_n3A_1665, %broadcast_in_dim3A_1783], %gather3A_1784 masked %or3A : memref<32x26x64xf32, #tpu.memory_space<vmem>>[vector<16xi32>, vector<16xi32>, vector<16xi32>], vector<16xf32>, vector<16xi1>
          %broadcast_in_dim3A_1785 = arith.constant 34 : i32
          %broadcast_in_dim3A_1786 = vector.broadcast %broadcast_in_dim3A_1785 : i32 to vector<16xi32>
          %gather3A_1787 = tpu.vector_load_idx %arg11[%min3A_1683, %broadcast_in_dim3A_1786] masked %or3A : memref<64x64xf32, #tpu.memory_space<vmem>>[vector<16xi32>, vector<16xi32>], vector<16xf32>, vector<16xi1>
          tpu.vector_store_idx %arg10[%select_n3A, %select_n3A_1665, %broadcast_in_dim3A_1786], %gather3A_1787 masked %or3A : memref<32x26x64xf32, #tpu.memory_space<vmem>>[vector<16xi32>, vector<16xi32>, vector<16xi32>], vector<16xf32>, vector<16xi1>
          %broadcast_in_dim3A_1788 = arith.constant 35 : i32
          %broadcast_in_dim3A_1789 = vector.broadcast %broadcast_in_dim3A_1788 : i32 to vector<16xi32>
          %gather3A_1790 = tpu.vector_load_idx %arg11[%min3A_1683, %broadcast_in_dim3A_1789] masked %or3A : memref<64x64xf32, #tpu.memory_space<vmem>>[vector<16xi32>, vector<16xi32>], vector<16xf32>, vector<16xi1>
          tpu.vector_store_idx %arg10[%select_n3A, %select_n3A_1665, %broadcast_in_dim3A_1789], %gather3A_1790 masked %or3A : memref<32x26x64xf32, #tpu.memory_space<vmem>>[vector<16xi32>, vector<16xi32>, vector<16xi32>], vector<16xf32>, vector<16xi1>
          %broadcast_in_dim3A_1791 = arith.constant 36 : i32
          %broadcast_in_dim3A_1792 = vector.broadcast %broadcast_in_dim3A_1791 : i32 to vector<16xi32>
          %gather3A_1793 = tpu.vector_load_idx %arg11[%min3A_1683, %broadcast_in_dim3A_1792] masked %or3A : memref<64x64xf32, #tpu.memory_space<vmem>>[vector<16xi32>, vector<16xi32>], vector<16xf32>, vector<16xi1>
          tpu.vector_store_idx %arg10[%select_n3A, %select_n3A_1665, %broadcast_in_dim3A_1792], %gather3A_1793 masked %or3A : memref<32x26x64xf32, #tpu.memory_space<vmem>>[vector<16xi32>, vector<16xi32>, vector<16xi32>], vector<16xf32>, vector<16xi1>
          %broadcast_in_dim3A_1794 = arith.constant 37 : i32
          %broadcast_in_dim3A_1795 = vector.broadcast %broadcast_in_dim3A_1794 : i32 to vector<16xi32>
          %gather3A_1796 = tpu.vector_load_idx %arg11[%min3A_1683, %broadcast_in_dim3A_1795] masked %or3A : memref<64x64xf32, #tpu.memory_space<vmem>>[vector<16xi32>, vector<16xi32>], vector<16xf32>, vector<16xi1>
          tpu.vector_store_idx %arg10[%select_n3A, %select_n3A_1665, %broadcast_in_dim3A_1795], %gather3A_1796 masked %or3A : memref<32x26x64xf32, #tpu.memory_space<vmem>>[vector<16xi32>, vector<16xi32>, vector<16xi32>], vector<16xf32>, vector<16xi1>
          %broadcast_in_dim3A_1797 = arith.constant 38 : i32
          %broadcast_in_dim3A_1798 = vector.broadcast %broadcast_in_dim3A_1797 : i32 to vector<16xi32>
          %gather3A_1799 = tpu.vector_load_idx %arg11[%min3A_1683, %broadcast_in_dim3A_1798] masked %or3A : memref<64x64xf32, #tpu.memory_space<vmem>>[vector<16xi32>, vector<16xi32>], vector<16xf32>, vector<16xi1>
          tpu.vector_store_idx %arg10[%select_n3A, %select_n3A_1665, %broadcast_in_dim3A_1798], %gather3A_1799 masked %or3A : memref<32x26x64xf32, #tpu.memory_space<vmem>>[vector<16xi32>, vector<16xi32>, vector<16xi32>], vector<16xf32>, vector<16xi1>
          %broadcast_in_dim3A_1800 = arith.constant 39 : i32
          %broadcast_in_dim3A_1801 = vector.broadcast %broadcast_in_dim3A_1800 : i32 to vector<16xi32>
          %gather3A_1802 = tpu.vector_load_idx %arg11[%min3A_1683, %broadcast_in_dim3A_1801] masked %or3A : memref<64x64xf32, #tpu.memory_space<vmem>>[vector<16xi32>, vector<16xi32>], vector<16xf32>, vector<16xi1>
          tpu.vector_store_idx %arg10[%select_n3A, %select_n3A_1665, %broadcast_in_dim3A_1801], %gather3A_1802 masked %or3A : memref<32x26x64xf32, #tpu.memory_space<vmem>>[vector<16xi32>, vector<16xi32>, vector<16xi32>], vector<16xf32>, vector<16xi1>
          %broadcast_in_dim3A_1803 = arith.constant 40 : i32
          %broadcast_in_dim3A_1804 = vector.broadcast %broadcast_in_dim3A_1803 : i32 to vector<16xi32>
          %gather3A_1805 = tpu.vector_load_idx %arg11[%min3A_1683, %broadcast_in_dim3A_1804] masked %or3A : memref<64x64xf32, #tpu.memory_space<vmem>>[vector<16xi32>, vector<16xi32>], vector<16xf32>, vector<16xi1>
          tpu.vector_store_idx %arg10[%select_n3A, %select_n3A_1665, %broadcast_in_dim3A_1804], %gather3A_1805 masked %or3A : memref<32x26x64xf32, #tpu.memory_space<vmem>>[vector<16xi32>, vector<16xi32>, vector<16xi32>], vector<16xf32>, vector<16xi1>
          %broadcast_in_dim3A_1806 = arith.constant 41 : i32
          %broadcast_in_dim3A_1807 = vector.broadcast %broadcast_in_dim3A_1806 : i32 to vector<16xi32>
          %gather3A_1808 = tpu.vector_load_idx %arg11[%min3A_1683, %broadcast_in_dim3A_1807] masked %or3A : memref<64x64xf32, #tpu.memory_space<vmem>>[vector<16xi32>, vector<16xi32>], vector<16xf32>, vector<16xi1>
          tpu.vector_store_idx %arg10[%select_n3A, %select_n3A_1665, %broadcast_in_dim3A_1807], %gather3A_1808 masked %or3A : memref<32x26x64xf32, #tpu.memory_space<vmem>>[vector<16xi32>, vector<16xi32>, vector<16xi32>], vector<16xf32>, vector<16xi1>
          %broadcast_in_dim3A_1809 = arith.constant 42 : i32
          %broadcast_in_dim3A_1810 = vector.broadcast %broadcast_in_dim3A_1809 : i32 to vector<16xi32>
          %gather3A_1811 = tpu.vector_load_idx %arg11[%min3A_1683, %broadcast_in_dim3A_1810] masked %or3A : memref<64x64xf32, #tpu.memory_space<vmem>>[vector<16xi32>, vector<16xi32>], vector<16xf32>, vector<16xi1>
          tpu.vector_store_idx %arg10[%select_n3A, %select_n3A_1665, %broadcast_in_dim3A_1810], %gather3A_1811 masked %or3A : memref<32x26x64xf32, #tpu.memory_space<vmem>>[vector<16xi32>, vector<16xi32>, vector<16xi32>], vector<16xf32>, vector<16xi1>
          %broadcast_in_dim3A_1812 = arith.constant 43 : i32
          %broadcast_in_dim3A_1813 = vector.broadcast %broadcast_in_dim3A_1812 : i32 to vector<16xi32>
          %gather3A_1814 = tpu.vector_load_idx %arg11[%min3A_1683, %broadcast_in_dim3A_1813] masked %or3A : memref<64x64xf32, #tpu.memory_space<vmem>>[vector<16xi32>, vector<16xi32>], vector<16xf32>, vector<16xi1>
          tpu.vector_store_idx %arg10[%select_n3A, %select_n3A_1665, %broadcast_in_dim3A_1813], %gather3A_1814 masked %or3A : memref<32x26x64xf32, #tpu.memory_space<vmem>>[vector<16xi32>, vector<16xi32>, vector<16xi32>], vector<16xf32>, vector<16xi1>
          %broadcast_in_dim3A_1815 = arith.constant 44 : i32
          %broadcast_in_dim3A_1816 = vector.broadcast %broadcast_in_dim3A_1815 : i32 to vector<16xi32>
          %gather3A_1817 = tpu.vector_load_idx %arg11[%min3A_1683, %broadcast_in_dim3A_1816] masked %or3A : memref<64x64xf32, #tpu.memory_space<vmem>>[vector<16xi32>, vector<16xi32>], vector<16xf32>, vector<16xi1>
          tpu.vector_store_idx %arg10[%select_n3A, %select_n3A_1665, %broadcast_in_dim3A_1816], %gather3A_1817 masked %or3A : memref<32x26x64xf32, #tpu.memory_space<vmem>>[vector<16xi32>, vector<16xi32>, vector<16xi32>], vector<16xf32>, vector<16xi1>
          %broadcast_in_dim3A_1818 = arith.constant 45 : i32
          %broadcast_in_dim3A_1819 = vector.broadcast %broadcast_in_dim3A_1818 : i32 to vector<16xi32>
          %gather3A_1820 = tpu.vector_load_idx %arg11[%min3A_1683, %broadcast_in_dim3A_1819] masked %or3A : memref<64x64xf32, #tpu.memory_space<vmem>>[vector<16xi32>, vector<16xi32>], vector<16xf32>, vector<16xi1>
          tpu.vector_store_idx %arg10[%select_n3A, %select_n3A_1665, %broadcast_in_dim3A_1819], %gather3A_1820 masked %or3A : memref<32x26x64xf32, #tpu.memory_space<vmem>>[vector<16xi32>, vector<16xi32>, vector<16xi32>], vector<16xf32>, vector<16xi1>
          %broadcast_in_dim3A_1821 = arith.constant 46 : i32
          %broadcast_in_dim3A_1822 = vector.broadcast %broadcast_in_dim3A_1821 : i32 to vector<16xi32>
          %gather3A_1823 = tpu.vector_load_idx %arg11[%min3A_1683, %broadcast_in_dim3A_1822] masked %or3A : memref<64x64xf32, #tpu.memory_space<vmem>>[vector<16xi32>, vector<16xi32>], vector<16xf32>, vector<16xi1>
          tpu.vector_store_idx %arg10[%select_n3A, %select_n3A_1665, %broadcast_in_dim3A_1822], %gather3A_1823 masked %or3A : memref<32x26x64xf32, #tpu.memory_space<vmem>>[vector<16xi32>, vector<16xi32>, vector<16xi32>], vector<16xf32>, vector<16xi1>
          %broadcast_in_dim3A_1824 = arith.constant 47 : i32
          %broadcast_in_dim3A_1825 = vector.broadcast %broadcast_in_dim3A_1824 : i32 to vector<16xi32>
          %gather3A_1826 = tpu.vector_load_idx %arg11[%min3A_1683, %broadcast_in_dim3A_1825] masked %or3A : memref<64x64xf32, #tpu.memory_space<vmem>>[vector<16xi32>, vector<16xi32>], vector<16xf32>, vector<16xi1>
          tpu.vector_store_idx %arg10[%select_n3A, %select_n3A_1665, %broadcast_in_dim3A_1825], %gather3A_1826 masked %or3A : memref<32x26x64xf32, #tpu.memory_space<vmem>>[vector<16xi32>, vector<16xi32>, vector<16xi32>], vector<16xf32>, vector<16xi1>
          %broadcast_in_dim3A_1827 = arith.constant 48 : i32
          %broadcast_in_dim3A_1828 = vector.broadcast %broadcast_in_dim3A_1827 : i32 to vector<16xi32>
          %gather3A_1829 = tpu.vector_load_idx %arg11[%min3A_1683, %broadcast_in_dim3A_1828] masked %or3A : memref<64x64xf32, #tpu.memory_space<vmem>>[vector<16xi32>, vector<16xi32>], vector<16xf32>, vector<16xi1>
          tpu.vector_store_idx %arg10[%select_n3A, %select_n3A_1665, %broadcast_in_dim3A_1828], %gather3A_1829 masked %or3A : memref<32x26x64xf32, #tpu.memory_space<vmem>>[vector<16xi32>, vector<16xi32>, vector<16xi32>], vector<16xf32>, vector<16xi1>
          %broadcast_in_dim3A_1830 = arith.constant 49 : i32
          %broadcast_in_dim3A_1831 = vector.broadcast %broadcast_in_dim3A_1830 : i32 to vector<16xi32>
          %gather3A_1832 = tpu.vector_load_idx %arg11[%min3A_1683, %broadcast_in_dim3A_1831] masked %or3A : memref<64x64xf32, #tpu.memory_space<vmem>>[vector<16xi32>, vector<16xi32>], vector<16xf32>, vector<16xi1>
          tpu.vector_store_idx %arg10[%select_n3A, %select_n3A_1665, %broadcast_in_dim3A_1831], %gather3A_1832 masked %or3A : memref<32x26x64xf32, #tpu.memory_space<vmem>>[vector<16xi32>, vector<16xi32>, vector<16xi32>], vector<16xf32>, vector<16xi1>
          %broadcast_in_dim3A_1833 = arith.constant 50 : i32
          %broadcast_in_dim3A_1834 = vector.broadcast %broadcast_in_dim3A_1833 : i32 to vector<16xi32>
          %gather3A_1835 = tpu.vector_load_idx %arg11[%min3A_1683, %broadcast_in_dim3A_1834] masked %or3A : memref<64x64xf32, #tpu.memory_space<vmem>>[vector<16xi32>, vector<16xi32>], vector<16xf32>, vector<16xi1>
          tpu.vector_store_idx %arg10[%select_n3A, %select_n3A_1665, %broadcast_in_dim3A_1834], %gather3A_1835 masked %or3A : memref<32x26x64xf32, #tpu.memory_space<vmem>>[vector<16xi32>, vector<16xi32>, vector<16xi32>], vector<16xf32>, vector<16xi1>
          %broadcast_in_dim3A_1836 = arith.constant 51 : i32
          %broadcast_in_dim3A_1837 = vector.broadcast %broadcast_in_dim3A_1836 : i32 to vector<16xi32>
          %gather3A_1838 = tpu.vector_load_idx %arg11[%min3A_1683, %broadcast_in_dim3A_1837] masked %or3A : memref<64x64xf32, #tpu.memory_space<vmem>>[vector<16xi32>, vector<16xi32>], vector<16xf32>, vector<16xi1>
          tpu.vector_store_idx %arg10[%select_n3A, %select_n3A_1665, %broadcast_in_dim3A_1837], %gather3A_1838 masked %or3A : memref<32x26x64xf32, #tpu.memory_space<vmem>>[vector<16xi32>, vector<16xi32>, vector<16xi32>], vector<16xf32>, vector<16xi1>
          %broadcast_in_dim3A_1839 = arith.constant 52 : i32
          %broadcast_in_dim3A_1840 = vector.broadcast %broadcast_in_dim3A_1839 : i32 to vector<16xi32>
          %gather3A_1841 = tpu.vector_load_idx %arg11[%min3A_1683, %broadcast_in_dim3A_1840] masked %or3A : memref<64x64xf32, #tpu.memory_space<vmem>>[vector<16xi32>, vector<16xi32>], vector<16xf32>, vector<16xi1>
          tpu.vector_store_idx %arg10[%select_n3A, %select_n3A_1665, %broadcast_in_dim3A_1840], %gather3A_1841 masked %or3A : memref<32x26x64xf32, #tpu.memory_space<vmem>>[vector<16xi32>, vector<16xi32>, vector<16xi32>], vector<16xf32>, vector<16xi1>
          %broadcast_in_dim3A_1842 = arith.constant 53 : i32
          %broadcast_in_dim3A_1843 = vector.broadcast %broadcast_in_dim3A_1842 : i32 to vector<16xi32>
          %gather3A_1844 = tpu.vector_load_idx %arg11[%min3A_1683, %broadcast_in_dim3A_1843] masked %or3A : memref<64x64xf32, #tpu.memory_space<vmem>>[vector<16xi32>, vector<16xi32>], vector<16xf32>, vector<16xi1>
          tpu.vector_store_idx %arg10[%select_n3A, %select_n3A_1665, %broadcast_in_dim3A_1843], %gather3A_1844 masked %or3A : memref<32x26x64xf32, #tpu.memory_space<vmem>>[vector<16xi32>, vector<16xi32>, vector<16xi32>], vector<16xf32>, vector<16xi1>
          %broadcast_in_dim3A_1845 = arith.constant 54 : i32
          %broadcast_in_dim3A_1846 = vector.broadcast %broadcast_in_dim3A_1845 : i32 to vector<16xi32>
          %gather3A_1847 = tpu.vector_load_idx %arg11[%min3A_1683, %broadcast_in_dim3A_1846] masked %or3A : memref<64x64xf32, #tpu.memory_space<vmem>>[vector<16xi32>, vector<16xi32>], vector<16xf32>, vector<16xi1>
          tpu.vector_store_idx %arg10[%select_n3A, %select_n3A_1665, %broadcast_in_dim3A_1846], %gather3A_1847 masked %or3A : memref<32x26x64xf32, #tpu.memory_space<vmem>>[vector<16xi32>, vector<16xi32>, vector<16xi32>], vector<16xf32>, vector<16xi1>
          %broadcast_in_dim3A_1848 = arith.constant 55 : i32
          %broadcast_in_dim3A_1849 = vector.broadcast %broadcast_in_dim3A_1848 : i32 to vector<16xi32>
          %gather3A_1850 = tpu.vector_load_idx %arg11[%min3A_1683, %broadcast_in_dim3A_1849] masked %or3A : memref<64x64xf32, #tpu.memory_space<vmem>>[vector<16xi32>, vector<16xi32>], vector<16xf32>, vector<16xi1>
          tpu.vector_store_idx %arg10[%select_n3A, %select_n3A_1665, %broadcast_in_dim3A_1849], %gather3A_1850 masked %or3A : memref<32x26x64xf32, #tpu.memory_space<vmem>>[vector<16xi32>, vector<16xi32>, vector<16xi32>], vector<16xf32>, vector<16xi1>
          %broadcast_in_dim3A_1851 = arith.constant 56 : i32
          %broadcast_in_dim3A_1852 = vector.broadcast %broadcast_in_dim3A_1851 : i32 to vector<16xi32>
          %gather3A_1853 = tpu.vector_load_idx %arg11[%min3A_1683, %broadcast_in_dim3A_1852] masked %or3A : memref<64x64xf32, #tpu.memory_space<vmem>>[vector<16xi32>, vector<16xi32>], vector<16xf32>, vector<16xi1>
          tpu.vector_store_idx %arg10[%select_n3A, %select_n3A_1665, %broadcast_in_dim3A_1852], %gather3A_1853 masked %or3A : memref<32x26x64xf32, #tpu.memory_space<vmem>>[vector<16xi32>, vector<16xi32>, vector<16xi32>], vector<16xf32>, vector<16xi1>
          %broadcast_in_dim3A_1854 = arith.constant 57 : i32
          %broadcast_in_dim3A_1855 = vector.broadcast %broadcast_in_dim3A_1854 : i32 to vector<16xi32>
          %gather3A_1856 = tpu.vector_load_idx %arg11[%min3A_1683, %broadcast_in_dim3A_1855] masked %or3A : memref<64x64xf32, #tpu.memory_space<vmem>>[vector<16xi32>, vector<16xi32>], vector<16xf32>, vector<16xi1>
          tpu.vector_store_idx %arg10[%select_n3A, %select_n3A_1665, %broadcast_in_dim3A_1855], %gather3A_1856 masked %or3A : memref<32x26x64xf32, #tpu.memory_space<vmem>>[vector<16xi32>, vector<16xi32>, vector<16xi32>], vector<16xf32>, vector<16xi1>
          %broadcast_in_dim3A_1857 = arith.constant 58 : i32
          %broadcast_in_dim3A_1858 = vector.broadcast %broadcast_in_dim3A_1857 : i32 to vector<16xi32>
          %gather3A_1859 = tpu.vector_load_idx %arg11[%min3A_1683, %broadcast_in_dim3A_1858] masked %or3A : memref<64x64xf32, #tpu.memory_space<vmem>>[vector<16xi32>, vector<16xi32>], vector<16xf32>, vector<16xi1>
          tpu.vector_store_idx %arg10[%select_n3A, %select_n3A_1665, %broadcast_in_dim3A_1858], %gather3A_1859 masked %or3A : memref<32x26x64xf32, #tpu.memory_space<vmem>>[vector<16xi32>, vector<16xi32>, vector<16xi32>], vector<16xf32>, vector<16xi1>
          %broadcast_in_dim3A_1860 = arith.constant 59 : i32
          %broadcast_in_dim3A_1861 = vector.broadcast %broadcast_in_dim3A_1860 : i32 to vector<16xi32>
          %gather3A_1862 = tpu.vector_load_idx %arg11[%min3A_1683, %broadcast_in_dim3A_1861] masked %or3A : memref<64x64xf32, #tpu.memory_space<vmem>>[vector<16xi32>, vector<16xi32>], vector<16xf32>, vector<16xi1>
          tpu.vector_store_idx %arg10[%select_n3A, %select_n3A_1665, %broadcast_in_dim3A_1861], %gather3A_1862 masked %or3A : memref<32x26x64xf32, #tpu.memory_space<vmem>>[vector<16xi32>, vector<16xi32>, vector<16xi32>], vector<16xf32>, vector<16xi1>
          %broadcast_in_dim3A_1863 = arith.constant 60 : i32
          %broadcast_in_dim3A_1864 = vector.broadcast %broadcast_in_dim3A_1863 : i32 to vector<16xi32>
          %gather3A_1865 = tpu.vector_load_idx %arg11[%min3A_1683, %broadcast_in_dim3A_1864] masked %or3A : memref<64x64xf32, #tpu.memory_space<vmem>>[vector<16xi32>, vector<16xi32>], vector<16xf32>, vector<16xi1>
          tpu.vector_store_idx %arg10[%select_n3A, %select_n3A_1665, %broadcast_in_dim3A_1864], %gather3A_1865 masked %or3A : memref<32x26x64xf32, #tpu.memory_space<vmem>>[vector<16xi32>, vector<16xi32>, vector<16xi32>], vector<16xf32>, vector<16xi1>
          %broadcast_in_dim3A_1866 = arith.constant 61 : i32
          %broadcast_in_dim3A_1867 = vector.broadcast %broadcast_in_dim3A_1866 : i32 to vector<16xi32>
          %gather3A_1868 = tpu.vector_load_idx %arg11[%min3A_1683, %broadcast_in_dim3A_1867] masked %or3A : memref<64x64xf32, #tpu.memory_space<vmem>>[vector<16xi32>, vector<16xi32>], vector<16xf32>, vector<16xi1>
          tpu.vector_store_idx %arg10[%select_n3A, %select_n3A_1665, %broadcast_in_dim3A_1867], %gather3A_1868 masked %or3A : memref<32x26x64xf32, #tpu.memory_space<vmem>>[vector<16xi32>, vector<16xi32>, vector<16xi32>], vector<16xf32>, vector<16xi1>
          %broadcast_in_dim3A_1869 = arith.constant 62 : i32
          %broadcast_in_dim3A_1870 = vector.broadcast %broadcast_in_dim3A_1869 : i32 to vector<16xi32>
          %gather3A_1871 = tpu.vector_load_idx %arg11[%min3A_1683, %broadcast_in_dim3A_1870] masked %or3A : memref<64x64xf32, #tpu.memory_space<vmem>>[vector<16xi32>, vector<16xi32>], vector<16xf32>, vector<16xi1>
          tpu.vector_store_idx %arg10[%select_n3A, %select_n3A_1665, %broadcast_in_dim3A_1870], %gather3A_1871 masked %or3A : memref<32x26x64xf32, #tpu.memory_space<vmem>>[vector<16xi32>, vector<16xi32>, vector<16xi32>], vector<16xf32>, vector<16xi1>
          %broadcast_in_dim3A_1872 = arith.constant 63 : i32
          %broadcast_in_dim3A_1873 = vector.broadcast %broadcast_in_dim3A_1872 : i32 to vector<16xi32>
          %gather3A_1874 = tpu.vector_load_idx %arg11[%min3A_1683, %broadcast_in_dim3A_1873] masked %or3A : memref<64x64xf32, #tpu.memory_space<vmem>>[vector<16xi32>, vector<16xi32>], vector<16xf32>, vector<16xi1>
          tpu.vector_store_idx %arg10[%select_n3A, %select_n3A_1665, %broadcast_in_dim3A_1873], %gather3A_1874 masked %or3A : memref<32x26x64xf32, #tpu.memory_space<vmem>>[vector<16xi32>, vector<16xi32>, vector<16xi32>], vector<16xf32>, vector<16xi1>
        } else {
        }
      }
      %scan3A_1611 = arith.constant 52 : i32
      %dma_start3A_1612 = arith.constant 0 : i32
      %dma_start3A_1613 = arith.constant 0 : i32
      %dma_start3A_1614 = tpu.memref_slice %arg5[%add3A_826, %dma_start3A_1612, %dma_start3A_1613] : memref<16384x26x64xf32, #tpu.memory_space<hbm>> -> memref<32x26x64xf32, #tpu.memory_space<hbm>>
      %dma_start3A_1615 = arith.constant 0 : i32
      %dma_start3A_1616 = arith.constant 0 : i32
      %dma_start3A_1617 = tpu.memref_slice %arg5[%add3A_826, %dma_start3A_1615, %dma_start3A_1616] : memref<16384x26x64xf32, #tpu.memory_space<hbm>> -> memref<32x26x64xf32, #tpu.memory_space<hbm>>
      tpu.enqueue_dma source(%arg10 : memref<32x26x64xf32, #tpu.memory_space<vmem>>) target(%dma_start3A_1617 : memref<32x26x64xf32, #tpu.memory_space<hbm>>) target_semaphore(%arg14 : memref<!tpu.dma_semaphore, #tpu.memory_space<semaphore_mem>>)
    }
    %scan3A_5 = arith.constant 8 : i32
    %dma_wait3A = arith.constant 0 : i32
    %dma_wait3A_6 = arith.constant 0 : i32
    %dma_wait3A_7 = arith.constant 0 : i32
    %dma_wait3A_8 = tpu.memref_slice %arg5[%dma_wait3A, %dma_wait3A_6, %dma_wait3A_7] : memref<16384x26x64xf32, #tpu.memory_space<hbm>> -> memref<32x26x64xf32, #tpu.memory_space<hbm>>
    %dma_wait3A_9 = arith.constant 0 : i32
    %dma_wait3A_10 = arith.constant 0 : i32
    %dma_wait3A_11 = arith.constant 0 : i32
    %dma_wait3A_12 = tpu.memref_slice %arg5[%dma_wait3A_9, %dma_wait3A_10, %dma_wait3A_11] : memref<16384x26x64xf32, #tpu.memory_space<hbm>> -> memref<32x26x64xf32, #tpu.memory_space<hbm>>
    tpu.wait_dma2 semaphore(%arg13 : memref<!tpu.dma_semaphore, #tpu.memory_space<semaphore_mem>>) src(%arg9 : memref<32x26x64xf32, #tpu.memory_space<vmem>>) dst(%dma_wait3A_12 : memref<32x26x64xf32, #tpu.memory_space<hbm>>)
    %dma_wait3A_13 = arith.constant 0 : i32
    %dma_wait3A_14 = arith.constant 0 : i32
    %dma_wait3A_15 = arith.constant 0 : i32
    %dma_wait3A_16 = tpu.memref_slice %arg5[%dma_wait3A_13, %dma_wait3A_14, %dma_wait3A_15] : memref<16384x26x64xf32, #tpu.memory_space<hbm>> -> memref<32x26x64xf32, #tpu.memory_space<hbm>>
    %dma_wait3A_17 = arith.constant 0 : i32
    %dma_wait3A_18 = arith.constant 0 : i32
    %dma_wait3A_19 = arith.constant 0 : i32
    %dma_wait3A_20 = tpu.memref_slice %arg5[%dma_wait3A_17, %dma_wait3A_18, %dma_wait3A_19] : memref<16384x26x64xf32, #tpu.memory_space<hbm>> -> memref<32x26x64xf32, #tpu.memory_space<hbm>>
    tpu.wait_dma2 semaphore(%arg14 : memref<!tpu.dma_semaphore, #tpu.memory_space<semaphore_mem>>) src(%arg10 : memref<32x26x64xf32, #tpu.memory_space<vmem>>) dst(%dma_wait3A_20 : memref<32x26x64xf32, #tpu.memory_space<hbm>>)
    return
  }
}

module attributes {stable_mosaic.version = 14 : i64} {
  func.func @_tr_body(%arg0: i32, %arg1: memref<64x11904xf32, #tpu.memory_space<vmem>>, %arg2: memref<64x11904xf32, #tpu.memory_space<vmem>>, %arg3: memref<11904x128xf32, #tpu.memory_space<vmem>>) attributes {dimension_semantics = [#tpu.dimension_semantics<arbitrary>], iteration_bounds = array<i64: 42>, scalar_prefetch = 0 : i64, scratch_operands = 0 : i64, tpu.core_type = #tpu.core_type<tc>, window_params = [{transform_indices = @transform_0, window_bounds = array<i64: 64, 11904>}, {transform_indices = @transform_1, window_bounds = array<i64: 64, 11904>}, {transform_indices = @transform_2, window_bounds = array<i64: 11904, 128>}]} {
    %get3A = arith.constant 0 : index
    %get3A_0 = arith.constant 0 : index
    %get3A_1 = vector.load %arg1[%get3A, %get3A_0] : memref<64x11904xf32, #tpu.memory_space<vmem>>, vector<64x11904xf32>
    %transpose3A = tpu.transpose %get3A_1, [1, 0] : vector<64x11904xf32> -> vector<11904x64xf32>
    %swap3A = arith.constant 0 : index
    %swap3A_2 = arith.constant 0 : index
    %swap3A_3 = vector.load %arg3[%swap3A, %swap3A_2] : memref<11904x128xf32, #tpu.memory_space<vmem>>, vector<11904x64xf32>
    tpu.vector_store %arg3[%swap3A, %swap3A_2], %transpose3A {strides = array<i32>} : memref<11904x128xf32, #tpu.memory_space<vmem>>, vector<11904x64xf32>,
    %get3A_4 = arith.constant 0 : index
    %get3A_5 = arith.constant 0 : index
    %get3A_6 = vector.load %arg2[%get3A_4, %get3A_5] : memref<64x11904xf32, #tpu.memory_space<vmem>>, vector<64x11904xf32>
    %transpose3A_7 = tpu.transpose %get3A_6, [1, 0] : vector<64x11904xf32> -> vector<11904x64xf32>
    %swap3A_8 = arith.constant 0 : index
    %swap3A_9 = arith.constant 64 : index
    %swap3A_10 = vector.load %arg3[%swap3A_8, %swap3A_9] : memref<11904x128xf32, #tpu.memory_space<vmem>>, vector<11904x64xf32>
    tpu.vector_store %arg3[%swap3A_8, %swap3A_9], %transpose3A_7 {strides = array<i32>} : memref<11904x128xf32, #tpu.memory_space<vmem>>, vector<11904x64xf32>,
    return
  }
  func.func @transform_0(%arg0: i32) -> (i32, i32) {
    %c0_i32 = arith.constant 0 : i32
    %c0_i32_0 = arith.constant 0 : i32
    return %c0_i32, %arg0 : i32, i32
  }
  func.func @transform_1(%arg0: i32) -> (i32, i32) {
    %add3A = arith.constant 42 : i32
    %add3A_0 = arith.addi %arg0, %add3A : i32
    %c0_i32 = arith.constant 0 : i32
    %c0_i32_1 = arith.constant 0 : i32
    return %c0_i32, %add3A_0 : i32, i32
  }
  func.func @transform_2(%arg0: i32) -> (i32, i32) {
    %c0_i32 = arith.constant 0 : i32
    %c0_i32_0 = arith.constant 0 : i32
    return %arg0, %c0_i32 : i32, i32
  }
}

</mosaic_0001>

<sc_bundles>
// kernel: _run_impl.4.cloned.1.call-start
scs
__scs_entry_jumppad:
0x0: {  	(pc) =	sbr.rel $0x88, $3  }
0x1: {  	(tag) =	ssettag $0x0;
	lr =	simm.s32 $0x1  }
0x2: {  	[smem:$0x3F9E] =	sst lr;
	_ =	strace $0xD0000000  }
0x3: {  	_ = 	snop  }
0x4: {  	_ = 	snop  }
0x5: {  	_ = 	snop  }
0x6: {  	_ = 	snop  }
0x7: {  	_ = 	snop  }
__scs_overlays_trampoline_lowered:
0x8: {  	[smem:$0x3FAD] =	sst s0  }
0x9: {  	[smem:$0x3FAE] =	sst s1  }
0xa: {  	[smem:$0x3FAF] =	sst s2  }
0xb: {  	[smem:$0x3FB0] =	sst s3  }
0xc: {  	[smem:$0x3FB1] =	sst s4  }
0xd: {  	[smem:$0x3FB2] =	sst s5  }
0xe: {  	[smem:$0x3FB3] =	sst s6  }
0xf: {  	[smem:$0x3FB4] =	sst s7  }
0x10: {  	[smem:$0x3FB5] =	sst s8  }
0x11: {  	[smem:$0x3FB6] =	sst s9;
	s0 =	simm.s32 @!p0 $0x0  }
0x12: {  	s1 =	sld [smem:$0x3F9C];
	s0 =	simm.s32 @p0 $0x1  }
0x13: {  	[smem:$0x3FB7] =	sst s0;
	s0 =	simm.s32 @!p1 $0x0  }
0x14: {  	s2 =	sld [smem:$0x3F9B];
	s0 =	simm.s32 @p1 $0x1  }
0x15: {  	[smem:$0x3FB8] =	sst s0;
	s0 =	simm.s32 @!p2 $0x0  }
0x16: {  	s3 =	sld [smem:$0x3FDB];
	s0 =	simm.s32 @p2 $0x1  }
0x17: {  	s4 =	simm.s32 $0x1BF5;
	[smem:$0x3FBA] =	sst s0  }
0x18: {  	s0 =	sld [smem:$0x3F9D];
	_ =	swait.ge [sflag:s4], $0x0  }
0x19: {  	s7 =	sld [smem:$0x3F9E]  }
0x1a: {  	s8 =	sadd.s32 $0xFFFFE003, lr  }
0x1b: {  	s9 =	sadd.s32 $0xFFFFFEF7, lr;
	s5 =	simm.s32 $0xFFFFFFFF;
	p2 =	slt.u32 s8, $0xFFFFF086  }
0x1c: {  	p1 =	slt.u32 s9, $0xF7A;
	s5 =	simm.s32 @!p2 $0x0  }
0x1d: {  	s5 =	simm.s32 @p1 $0x1;
	p0 =	seq.s32 s7, s2  }
0x1e: {  	s7 =	smul.u32 @!p0 $0xF7A, s2;
	p2 =	seq.s32 @!p0 s5, $0x0  }
0x1f: {  	s9 =	smul.u32 $0xF7A, s1;
	s8 =	simm.s32 @!p0 $0x1BF5;
	p2 =	por !p2, p0  }
0x20: {  	[sflag:s8] =	ssyncset.s32 @!p0 $0xFFFFF086;
	s6 =	sadd.s32 @!p0 s3, s7;
	s7 =	simm.s32 @!p0 $0x108  }
0x21: {  	s3 =	sadd.s32 s3, s9;
	s6 =	sadd.s32 @!p0 $0x88, s6;
	s7 =	simm.s32 @p2 $0x1082  }
0x22: {  	[simem:s7], [sflag:s8] =	dma.local @!p0 [hbm:s6], $0xF7A  }
0x23: {  	s9 =	sor.u32 $0xD0000000, s2;
	s6 =	simm.s32 $0x108;
	_ =	swait.ge @!p0 [sflag:s8], $0x0  }
0x24: {  	s3 =	sadd.s32 $0x88, s3;
	s6 =	simm.s32 @!p1 $0x1082;
	[sflag:s4] =	ssyncset.s32 $0xFFFFF086  }
0x25: {  	[simem:s6], [sflag:s4] =	dma.local [hbm:s3], $0xF7A  }
0x26: {  	[smem:$0x3F9E] =	sst s1;
	(tag) =	ssettag s2;
	_ =	strace s9  }
0x27: {  	s1 =	sld [smem:$0x3FAE]  }
0x28: {  	s2 =	sld [smem:$0x3FAF]  }
0x29: {  	s4 =	sld [smem:$0x3FB1]  }
0x2a: {  	p0 =	seq.s32 s5, $0x0;
	s5 =	sld [smem:$0x3FB2]  }
0x2b: {  	s6 =	sld [smem:$0x3FB3]  }
0x2c: {  	s7 =	sld [smem:$0x3FB4]  }
0x2d: {  	s3 =	simm.s32 $0x108;
	s8 =	sld [smem:$0x3FB5]  }
0x2e: {  	s3 =	simm.s32 @!p0 $0x1082;
	s9 =	sld [smem:$0x3FB6]  }
0x2f: {  	lr =	sadd.s32 s0, s3;
	s0 =	sld [smem:$0x3FAD]  }
0x30: {  	s3 =	sld [smem:$0x3FB0]  }
0x31: {  	[smem:$0x3FB9] =	sst s10  }
0x32: {  	s10 =	sld [smem:$0x3FB7];
	_ =	sdelay $0x3  }
0x33: {  	p0 =	seq.s32 s10, $0x1;
	s10 =	sld [smem:$0x3FB9];
	_ =	sdelay $0x3  }
0x34: {  	[smem:$0x3FB9] =	sst s10  }
0x35: {  	s10 =	sld [smem:$0x3FB8];
	_ =	sdelay $0x3  }
0x36: {  	p1 =	seq.s32 s10, $0x1;
	s10 =	sld [smem:$0x3FB9];
	_ =	sdelay $0x3  }
0x37: {  	[smem:$0x3FB9] =	sst s10  }
0x38: {  	s10 =	sld [smem:$0x3FBA]  }
0x39: {  	_ = 	snop;
	(pc) =	sbr.ind lr, $3  }
0x3a: {  	_ = 	snop  }
0x3b: {  	_ = 	snop  }
0x3c: {  	p2 =	seq.s32 s10, $0x1;
	s10 =	sld [smem:$0x3FB9]  }
0x3d: {  	_ =	shalt  }
0x3e: {  	_ =	shalt  }
0x3f: {  	_ =	shalt  }
0x40: {  	_ =	shalt  }
0x41: {  	_ =	shalt  }
0x42: {  	_ =	shalt  }
0x43: {  	_ =	shalt  }
0x44: {  	_ =	shalt  }
0x45: {  	_ =	shalt  }
0x46: {  	_ =	shalt  }
0x47: {  	_ =	shalt  }
0x48: {  	_ =	shalt  }
0x49: {  	_ =	shalt  }
0x4a: {  	_ =	shalt  }
0x4b: {  	_ =	shalt  }
0x4c: {  	_ =	shalt  }
0x4d: {  	_ =	shalt  }
0x4e: {  	_ =	shalt  }
0x4f: {  	_ =	shalt  }
0x50: {  	_ =	shalt  }
0x51: {  	_ =	shalt  }
0x52: {  	_ =	shalt  }
0x53: {  	_ =	shalt  }
0x54: {  	_ =	shalt  }
0x55: {  	_ =	shalt  }
0x56: {  	_ =	shalt  }
0x57: {  	_ =	shalt  }
0x58: {  	_ =	shalt  }
0x59: {  	_ =	shalt  }
0x5a: {  	_ =	shalt  }
0x5b: {  	_ =	shalt  }
0x5c: {  	_ =	shalt  }
0x5d: {  	_ =	shalt  }
0x5e: {  	_ =	shalt  }
0x5f: {  	_ =	shalt  }
0x60: {  	_ =	shalt  }
0x61: {  	_ =	shalt  }
0x62: {  	_ =	shalt  }
0x63: {  	_ =	shalt  }
0x64: {  	_ =	shalt  }
0x65: {  	_ =	shalt  }
0x66: {  	_ =	shalt  }
0x67: {  	_ =	shalt  }
0x68: {  	_ =	shalt  }
0x69: {  	_ =	shalt  }
0x6a: {  	_ =	shalt  }
0x6b: {  	_ =	shalt  }
0x6c: {  	_ =	shalt  }
0x6d: {  	_ =	shalt  }
0x6e: {  	_ =	shalt  }
0x6f: {  	_ =	shalt  }
0x70: {  	_ =	shalt  }
0x71: {  	_ =	shalt  }
0x72: {  	_ =	shalt  }
0x73: {  	_ =	shalt  }
0x74: {  	_ =	shalt  }
0x75: {  	_ =	shalt  }
0x76: {  	_ =	shalt  }
0x77: {  	_ =	shalt  }
0x78: {  	_ =	shalt  }
0x79: {  	_ =	shalt  }
0x7a: {  	_ =	shalt  }
0x7b: {  	_ =	shalt  }
0x7c: {  	_ =	shalt  }
0x7d: {  	_ =	shalt  }
0x7e: {  	_ =	shalt  }
0x7f: {  	_ =	shalt  }
0x80: {  	_ =	shalt  }
0x81: {  	_ =	shalt  }
0x82: {  	_ =	shalt  }
0x83: {  	_ =	shalt  }
0x84: {  	_ =	shalt  }
0x85: {  	_ =	shalt  }
0x86: {  	_ =	shalt  }
0x87: {  	_ =	shalt  }
.Lfunc_end0:
.L_simem_size_0:
called_computation.1_lowered:
.L_overlay_start_0:
0x88: {  	s2 =	sld [smem:$0x3FD9]  }
0x89: {  	s3 =	sld [smem:$0x3FFE];
	_ =	sdelay $0x1  }
0x8a: {  	s1 =	srdreg.scid  }
0x8b: {  	s0 =	sand.u32 $0x1, s1  }
0x8c: {  	s17 =	sshll.u32 s0, $0xA;
	s2 =	sadd.s32 s3, s2  }
0x8d: {  	s2 =	sadd.s32 s2, s17  }
0x8e: {  	[smem:$0x3FC5] =	sst s2  }
0x8f: {  	_ = 	snop  }
0x90: {  	s2 =	sld [smem:$0x3FD0];
	(tm) =	ssettm $0x1  }
0x91: {  	s18 =	sld [smem:$0x3FFB];
	_ =	sdelay $0x3  }
0x92: {  	_ =	strace s18  }
0x93: {  	s3 =	sld [smem:$0x3FFC];
	_ =	sdelay $0x3  }
0x94: {  	_ =	strace s3  }
0x95: {  	s3 =	sld [smem:$0x3FFD];
	_ =	sdelay $0x3  }
0x96: {  	_ =	strace s3  }
0x97: {  	_ =	strace $0x8FFFFFFF  }
0x98: {  	s19 =	sld [smem:$0x3FDB];
	_ =	sdelay $0x1  }
0x99: {  	s4 =	simm.s32 $_scs_section_size  }
0x9a: {  	s5 =	simm.s32 $_size__tile_overlayer_lowered;
	s6 =	simm.s32 $_tile_overlayer_lowered  }
0x9b: {  	s22 =	simm.s32 $0x1BFF;
	s21 =	sshll.u32 s6, $0x1;
	s3 =	sadd.s32 s4, s19  }
0x9c: {  	s7 =	simm.s32 $0x0;
	s20 =	sshll.u32 s5, $0x1;
	s5 =	sadd.s32 s21, s3  }
0x9d: {  	[timem:s7], [sflag:s22] =	dma.local [hbm:s5], s20  }
0x9e: {  	_ =	swait.ge [sflag:s22], s20  }
0x9f: {  	s4 =	ssub.s32 $0x0, s20;
	[sflag:s22] =	ssyncset.done $0x0  }
0xa0: {  	[sflag:s22] =	ssyncadd.s32 s4;
	_ =	sdelay $0x1  }
0xa1: {  	s23 =	simm.s32 $0x1B8B  }
0xa2: {  	_ =	swait.ge [sflag:s23], $0x1  }
0xa3: {  	[sflag:s23] =	ssyncset.done $0x0  }
0xa4: {  	s25 =	simm.s32 $0x1B8E;
	s24 =	sld [smem:$0x3FFE];
	[sflag:s23] =	ssyncadd.s32 $0xFFFFFFFF  }
0xa5: {  	s26 =	simm.s32 $execute0_lowered;
	[smem:$0x3FD2] =	sst s25  }
0xa6: {  	s5 =	sshll.u32 s26, $0x1;
	_ =	strace $0x80000046;
	[dreg:$0x1] =	wrdreg $0xFFFFFFFF  }
0xa7: {  	s28 =	simm.s32 $_size_execute0_lowered;
	s3 =	sadd.s32 s3, s5;
	[dreg:$0x0] =	wrdreg $0x0  }
0xa8: {  	s5 =	sshll.u32 s28, $0x1;
	[dreg:$0x2] =	wrdreg s3  }
0xa9: {  	[dreg:$0x3] =	wrdreg s5  }
0xaa: {  	[dreg:$0x4] =	wrdreg $0xC0  }
0xab: {  	_ =	task [dreg:s7], $0x5FFFF  }
0xac: {  	[dreg:$0x1] =	wrdreg $0xFFFFFFFF  }
0xad: {  	[dreg:$0x0] =	wrdreg $0x60  }
0xae: {  	[dreg:$0x2] =	wrdreg s24  }
0xaf: {  	[dreg:$0x3] =	wrdreg s2  }
0xb0: {  	[dreg:$0x4] =	wrdreg $0x9  }
0xb1: {  	_ =	task.clear_ibuf [dreg:s7], $0x5FFFF;
	_ =	strace $0x90000046  }
0xb2: {  	s29 =	simm.s32 $0x9;
	_ =	strace $0x80000048  }
0xb3: {  	_ =	swait.ge [sflag:s29], $0x1  }
0xb4: {  	[sflag:s29] =	ssyncadd.s32 $0xFFFFFFFF  }
0xb5: {  	_ =	strace $0x90000048  }
0xb6: {  	_ =	sfence  }
0xb7: {  	s30 =	sld [smem:$0x0];
	_ =	sdelay $0x2  }
0xb8: {  	s31 =	sshll.u32 s1, $0xD;
	s1 =	sshrl.u32 s1, $0x2  }
0xb9: {  	s3 =	sand.u32 $0x4000, s31;
	s1 =	sadd.s32 s1, s30  }
0xba: {  	s0 =	sor.u32 s3, s0;
	s1 =	sshll.u32 s1, $0x11  }
0xbb: {  	s0 =	sor.u32 s1, s0  }
0xbc: {  	s0 =	sadd.s32 $0x8F2B, s0  }
0xbd: {  	[sflag:s0] =	ssyncadd.remote.s32 $0x1  }
0xbe: {  	_ =	sfence.sel $0xFFFF  }
0xbf: {  	[dreg:$0x0] =	wrdreg $0xFFFFFFFF;
	(pc) =	sbr.abs _section_cstart, $3  }
0xc0: {  	[dreg:$0x1] =	wrdreg $0xFFFFFFFF  }
0xc1: {  	_ =	task.clear_ibuf [dreg:s7], $0x2FFFF;
	_ =	strace $0x9FFFFFFF  }
0xc2: {  	(tm) =	ssettm $0x7FFFFFFF  }
0xc3: {  	_ =	shalt  }
tec
execute0_lowered:
.L_overlay_start_1:
0x0: {  	(tag) =	ssettag $0x1  }
0x1: {  	s0 =	rddreg [dreg:$0x0]  }
0x2: {  	s1 =	rddreg [dreg:$0x1];
	s2 =	simm.s32 $0x0;
	s3 =	srdreg.scid  }
0x3: {  	s7 =	stileid.u32;
	s9 =	simm.s32 $0x1AC00;
	s10 =	simm.s32 $0x4  }
0x4: {  	s11 =	simm.s32 $0x400;
	s12 =	simm.s32 $0x1A;
	s13 =	simm.s32 $0xC00  }
0x5: {  	s8 =	simm.s32 $0x1;
	s14 =	simm.s32 $0x800;
	s15 =	simm.s32 $0xDC00  }
0x6: {  	s30 =	simm.s32 $0x17E80;
	s31 =	simm.s32 $0xB40;
	s16 =	simm.s32 $0xB80  }
0x7: {  	s17 =	simm.s32 $0x19200;
	s18 =	simm.s32 $0xBA0;
	s19 =	simm.s32 $0x19880  }
0x8: {  	s20 =	simm.s32 $0xBC0;
	s21 =	simm.s32 $0x19F00;
	s22 =	simm.s32 $0xBE0  }
0x9: {  	s23 =	simm.s32 $0x1A580;
	s26 =	simm.s32 $0x0;
	[smem:$0x7FF] =	sst s2  }
0xa: {  	s3 =	sand.u32 $0x1, s3;
	s4 =	sadd.s32 $0xA00, s0;
	s6 =	sadd.s32 $0x800, s0  }
.Ltmp0:
0xb: {  	s7 =	sshll.u32 s7, $0xA;
	s5 =	ssub.s32 $0x2, s3;
	(pc) =	sbr.rel .LBB2_1-.Ltmp0, $4  }
0xc: {  	_ =	strace $0x80000047;
	[dreg:$0x3] =	wrdreg s6;
	s28 =	sshrl.u32 s5, $0x1  }
0xd: {  	s3 =	sshll.u32 s3, $0x9;
	s6 =	sadd.s32 $0x10A00, s0;
	s5 =	ssub.s32 s5, s28  }
0xe: {  	s0 =	simm.s32 $0x18500;
	s7 =	sor.u32 s3, s7;
	s29 =	smax.u32 s5, $0x1  }
0xf: {  	v0 =	vlaneseq.u32;
	v1 =	vimm.s32 $0x0;
	s3 =	simm.s32 $0xB60;
	s5 =	simm.s32 $0x18B80;
	[dreg:$0x4] =	wrdreg s29  }
.LBB2_15:
0x10: {  	s24 =	simm.s32 $0x2  }
0x11: {  	_ =	swait.ge [sflag:s24], $0xD000  }
0x12: {  	[sflag:s24] =	ssyncset.done $0x0  }
0x13: {  	s25 =	simm.s32 $0x3;
	[sflag:s24] =	ssyncadd.s32 $0xFFFF3000  }
0x14: {  	_ =	swait.ge [sflag:s25], $0xD000  }
0x15: {  	s26 =	rddreg [dreg:$0x5]  }
0x16: {  	s29 =	rddreg [dreg:$0x4];
	s26 =	sadd.s32 $0x1, s26  }
0x17: {  	p0 =	sne.s32 s26, s29  }
.Ltmp1:
0x18: {  	_ = 	snop;
	(pc) =	sbr.rel @!p0 .LBB2_16-.Ltmp1, $3  }
0x19: {  	_ =	sdelay $0x1  }
0x1a: {  	[sflag:s25] =	ssyncset.done $0x0  }
0x1b: {  	[sflag:s25] =	ssyncadd.s32 $0xFFFF3000  }
.LBB2_1:
0x1c: {  	[dreg:$0x5] =	wrdreg s26  }
.Ltmp2:
0x1d: {  	s24 =	rddreg [dreg:$0x3];
	(pc) =	sbr.rel .LBB2_2-.Ltmp2, $4  }
0x1e: {  	[tilespmem:s9], [sflag:$0x4] =	stream.linear.gather [hbm4b:s24+s2], $0x1000, $0x38;
	[tilespmem:$0x1BC00] =	vst v63  }
0x1f: {  	_ =	swait.ge [sflag:s10], $0x1000  }
0x20: {  	[sflag:s10] =	ssyncset.done $0x0  }
0x21: {  	s24 =	simm.s32 $0x0;
	[sflag:s10] =	ssyncadd.s32 $0xFFFFF000  }
.LBB2_14:
0x22: {  	s24 =	sadd.s32 $0x1, s24  }
0x23: {  	p0 =	sne.s32 s24, $0x8  }
.Ltmp3:
0x24: {  	_ = 	snop;
	(pc) =	sbr.rel @!p0 .LBB2_15-.Ltmp3, $3  }
0x25: {  	s25 =	smul.u32 $0xD0, s25;
	_ =	sdelay $0x1  }
0x26: {  	s25 =	sadd.s32 s1, s25  }
0x27: {  	[hbm4b:s25+s2] =	stream.linear.scatter [tilespmem:s15], [sflag:$0x3], $0xD000, $0x38;
	[tilespmem:$0x1BC00] =	vst v63  }
.LBB2_2:
0x28: {  	s26 =	simm.s32 $0x0  }
0x29: {  	v2 =	vor.u32 s26, v0  }
0x2a: {  	v3 =	vmulhi.u32 $0x4EC4EC4F, v2;
	_ =	sdelay $0x1  }
0x2b: {  	v3 =	vshrl.u32 v3, $0x3  }
0x2c: {  	v4 =	vmul.u32 $0xFFFFFFE6, v3;
	_ =	sdelay $0x1  }
0x2d: {  	v5 =	vmov s26;
	v2 =	vadd.s32 v2, v4  }
0x2e: {  	vm0 =	veq.s32 v5, v0;
	vm1 =	vne.s32 v2, $0x0  }
0x2f: {  	p0 =	seq.s32 s24, $0x0;
	vm0 =	vmand vm0, vm1  }
0x30: {  	s25 =	sshll.u32 s24, $0x6;
	s28 =	simm.s32 @!p0 $0x2;
	v4 =	vsel vm0, $0xFFFFFFFF, v1  }
0x31: {  	s25 =	sor.u32 s7, s25;
	_ =	swait.ge @!p0 [sflag:s28], $0xD000;
	v3 =	vadd.s32 v4, v3  }
0x32: {  	s29 =	sshll.u32 s25, $0x2;
	[sflag:s28] =	ssyncset.done @!p0 $0x0;
	v3 =	vshll.u32 v3, $0x5  }
0x33: {  	[sflag:s28] =	ssyncadd.s32 @!p0 $0xFFFF3000;
	s28 =	sadd.s32 s4, s29;
	s29 =	simm.s32 $0x10;
	v2 =	vor.u32 v2, v3  }
0x34: {  	[tilespmem:s26], [sflag:$0x4] =	stream.linear.gather [hbm4b:s28+s26], $0x400, $0x38;
	[tilespmem:$0x1BC00] =	vst v63  }
0x35: {  	_ =	swait.ge [sflag:s10], $0x400;
	v3 =	vor.u32 s29, v0  }
0x36: {  	[sflag:s10] =	ssyncset.done $0x0;
	v4 =	vmulhi.u32 $0x4EC4EC4F, v3  }
0x37: {  	[sflag:s10] =	ssyncadd.s32 $0xFFFFFC00  }
0x38: {  	v4 =	vshrl.u32 v4, $0x3;
	v5 =	vld.idx.msk [tilespmem:v2+s2+$0x0], $0xffff  }
0x39: {  	v6 =	vmul.u32 $0xFFFFFFE6, v4;
	_ =	sdelay $0x1  }
0x3a: {  	v7 =	vmov s29;
	v3 =	vadd.s32 v3, v6  }
0x3b: {  	vm0 =	veq.s32 v7, v0;
	vm1 =	vne.s32 v3, $0x0  }
0x3c: {  	vm0 =	vmand vm0, vm1;
	v6 =	vadd.s32 $0xFFFFFFFE, v5  }
0x3d: {  	v5 =	vsel vm0, $0xFFFFFFFF, v1;
	vm0 =	vgt.s32 v6, $0x0  }
0x3e: {  	v4 =	vadd.s32 v5, v4;
	v5 =	vnsel vm0, $0x0, v6  }
0x3f: {  	v5 =	vmin.u32 v5, $0xF41FF  }
0x40: {  	s26 =	simm.s32 $0x20;
	v4 =	vshll.u32 v4, $0x5;
	vm0 =	vgt.s32 v6, $0x7A0FF;
	v5 =	vshll.u32 v5, $0x1  }
0x41: {  	s28 =	simm.s32 $0x30;
	v3 =	vor.u32 v3, v4;
	v4 =	vor.u32 s26, v0;
	v6 =	vadd.s32 $0xFFF0BE01, v5  }
.LBB2_3:
0x42: {  	p1 =	sne.s32 s28, $0x330;
	v7 =	vmulhi.u32 $0x4EC4EC4F, v4;
	v5 =	vsel vm0, v6, v5  }
0x43: {  	[tilespmem:v2+s11+$0x0] =	vst.idx.msk $0xffff, v5;
	v2 =	vmov v3  }
0x44: {  	v5 =	vshrl.u32 v7, $0x3;
	v3 =	vld.idx.msk [tilespmem:v3+s2+$0x0], $0xffff  }
0x45: {  	v6 =	vmul.u32 $0xFFFFFFE6, v5;
	_ =	sdelay $0x1  }
0x46: {  	v7 =	vmov s26;
	s26 =	smov.u32 s28;
	v4 =	vadd.s32 v4, v6  }
0x47: {  	vm0 =	veq.s32 v7, v0;
	vm1 =	vne.s32 v4, $0x0  }
0x48: {  	vm0 =	vmand vm0, vm1  }
0x49: {  	v7 =	vadd.s32 $0xFFFFFFFE, v3;
	v6 =	vsel vm0, $0xFFFFFFFF, v1  }
.Ltmp4:
0x4a: {  	vm0 =	vgt.s32 v7, $0x0;
	v3 =	vadd.s32 v6, v5;
	(pc) =	sbr.rel @p1 .LBB2_3-.Ltmp4, $4  }
0x4b: {  	v5 =	vnsel vm0, $0x0, v7;
	v3 =	vshll.u32 v3, $0x5  }
0x4c: {  	v3 =	vor.u32 v4, v3;
	v4 =	vmin.u32 v5, $0xF41FF  }
0x4d: {  	v5 =	vshll.u32 v4, $0x1  }
0x4e: {  	s28 =	sadd.s32 $0x10, s28;
	vm0 =	vgt.s32 v7, $0x7A0FF;
	v4 =	vor.u32 s26, v0;
	v6 =	vadd.s32 $0xFFF0BE01, v5  }
0x4f: {  	_ =	sdelay $0x1  }
0x50: {  	v7 =	vmulhi.u32 $0x4EC4EC4F, v4  }
0x51: {  	v5 =	vsel vm0, v6, v5  }
0x52: {  	[tilespmem:v2+s11+$0x0] =	vst.idx.msk $0xffff, v5;
	v2 =	vshrl.u32 v7, $0x3  }
0x53: {  	v5 =	vld.idx.msk [tilespmem:v3+s2+$0x0], $0xffff;
	v56 =	vmul.u32 $0xFFFFFFE6, v2;
	_ =	sdelay $0x1  }
0x54: {  	v57 =	vmov s26;
	v58 =	vadd.s32 v4, v56  }
0x55: {  	vm11 =	veq.s32 v57, v0;
	vm1 =	vne.s32 v58, $0x0  }
0x56: {  	vm0 =	vmand vm11, vm1  }
0x57: {  	v5 =	vadd.s32 $0xFFFFFFFE, v5;
	v59 =	vsel vm0, $0xFFFFFFFF, v1  }
0x58: {  	vm12 =	vgt.s32 v5, $0x0;
	v2 =	vadd.s32 v59, v2  }
0x59: {  	v60 =	vnsel vm12, $0x0, v5;
	v2 =	vshll.u32 v2, $0x5  }
0x5a: {  	v61 =	vmin.u32 v60, $0xF41FF;
	v2 =	vor.u32 v58, v2  }
0x5b: {  	v4 =	vshll.u32 v61, $0x1  }
0x5c: {  	vm13 =	vgt.s32 v5, $0x7A0FF;
	v62 =	vadd.s32 $0xFFF0BE01, v4  }
0x5d: {  	v4 =	vsel vm13, v62, v4  }
0x5e: {  	[tilespmem:v3+s11+$0x0] =	vst.idx.msk $0xffff, v4  }
0x5f: {  	v3 =	vld.idx.msk [tilespmem:v2+s2+$0x0], $0xffff;
	_ =	sdelay $0x4  }
0x60: {  	v3 =	vadd.s32 $0xFFFFFFFE, v3  }
0x61: {  	vm14 =	vgt.s32 v3, $0x0  }
0x62: {  	v63 =	vnsel vm14, $0x0, v3  }
0x63: {  	v4 =	vmin.u32 v63, $0xF41FF  }
0x64: {  	v4 =	vshll.u32 v4, $0x1  }
0x65: {  	vm15 =	vgt.s32 v3, $0x7A0FF;
	v3 =	vadd.s32 $0xFFF0BE01, v4  }
0x66: {  	v3 =	vsel vm15, v3, v4  }
0x67: {  	[tilespmem:v2+s11+$0x0] =	vst.idx.msk $0xffff, v3  }
0x68: {  	[tilespmem:s13], [sflag:$0x1] =	stream.indirect.gather [hbm4b:s6+s12], $0x40, s11, s12, $0xb8;
	[tilespmem:$0x1BC00] =	vst v63  }
0x69: {  	s29 =	simm.s32 $0x420;
	s28 =	simm.s32 $0x1280  }
0x6a: {  	[tilespmem:s28], [sflag:$0x1] =	stream.indirect.gather [hbm4b:s6+s12], $0x40, s29, s12, $0xb8;
	[tilespmem:$0x1BC00] =	vst v63  }
0x6b: {  	s26 =	simm.s32 $0x440;
	s29 =	simm.s32 $0x1900  }
0x6c: {  	[tilespmem:s29], [sflag:$0x1] =	stream.indirect.gather [hbm4b:s6+s12], $0x40, s26, s12, $0xb8;
	[tilespmem:$0x1BC00] =	vst v63  }
0x6d: {  	s26 =	simm.s32 $0x460;
	s29 =	simm.s32 $0x1F80  }
0x6e: {  	[tilespmem:s29], [sflag:$0x1] =	stream.indirect.gather [hbm4b:s6+s12], $0x40, s26, s12, $0xb8;
	[tilespmem:$0x1BC00] =	vst v63  }
0x6f: {  	s26 =	simm.s32 $0x480;
	s29 =	simm.s32 $0x2600  }
0x70: {  	[tilespmem:s29], [sflag:$0x1] =	stream.indirect.gather [hbm4b:s6+s12], $0x40, s26, s12, $0xb8;
	[tilespmem:$0x1BC00] =	vst v63  }
0x71: {  	s26 =	simm.s32 $0x4A0;
	s29 =	simm.s32 $0x2C80  }
0x72: {  	[tilespmem:s29], [sflag:$0x1] =	stream.indirect.gather [hbm4b:s6+s12], $0x40, s26, s12, $0xb8;
	[tilespmem:$0x1BC00] =	vst v63  }
0x73: {  	s26 =	simm.s32 $0x4C0;
	s29 =	simm.s32 $0x3300  }
0x74: {  	[tilespmem:s29], [sflag:$0x1] =	stream.indirect.gather [hbm4b:s6+s12], $0x40, s26, s12, $0xb8;
	[tilespmem:$0x1BC00] =	vst v63  }
0x75: {  	s26 =	simm.s32 $0x4E0;
	s29 =	simm.s32 $0x3980  }
0x76: {  	[tilespmem:s29], [sflag:$0x1] =	stream.indirect.gather [hbm4b:s6+s12], $0x40, s26, s12, $0xb8;
	[tilespmem:$0x1BC00] =	vst v63  }
0x77: {  	s26 =	simm.s32 $0x500;
	s29 =	simm.s32 $0x4000  }
0x78: {  	[tilespmem:s29], [sflag:$0x1] =	stream.indirect.gather [hbm4b:s6+s12], $0x40, s26, s12, $0xb8;
	[tilespmem:$0x1BC00] =	vst v63  }
0x79: {  	s26 =	simm.s32 $0x520;
	s29 =	simm.s32 $0x4680  }
0x7a: {  	[tilespmem:s29], [sflag:$0x1] =	stream.indirect.gather [hbm4b:s6+s12], $0x40, s26, s12, $0xb8;
	[tilespmem:$0x1BC00] =	vst v63  }
0x7b: {  	s26 =	simm.s32 $0x540;
	s29 =	simm.s32 $0x4D00  }
0x7c: {  	[tilespmem:s29], [sflag:$0x1] =	stream.indirect.gather [hbm4b:s6+s12], $0x40, s26, s12, $0xb8;
	[tilespmem:$0x1BC00] =	vst v63  }
0x7d: {  	s26 =	simm.s32 $0x560;
	s29 =	simm.s32 $0x5380  }
0x7e: {  	[tilespmem:s29], [sflag:$0x1] =	stream.indirect.gather [hbm4b:s6+s12], $0x40, s26, s12, $0xb8;
	[tilespmem:$0x1BC00] =	vst v63  }
0x7f: {  	s26 =	simm.s32 $0x580;
	s29 =	simm.s32 $0x5A00  }
0x80: {  	[tilespmem:s29], [sflag:$0x1] =	stream.indirect.gather [hbm4b:s6+s12], $0x40, s26, s12, $0xb8;
	[tilespmem:$0x1BC00] =	vst v63  }
0x81: {  	s26 =	simm.s32 $0x5A0;
	s29 =	simm.s32 $0x6080  }
0x82: {  	[tilespmem:s29], [sflag:$0x1] =	stream.indirect.gather [hbm4b:s6+s12], $0x40, s26, s12, $0xb8;
	[tilespmem:$0x1BC00] =	vst v63  }
0x83: {  	s26 =	simm.s32 $0x5C0;
	s29 =	simm.s32 $0x6700  }
0x84: {  	[tilespmem:s29], [sflag:$0x1] =	stream.indirect.gather [hbm4b:s6+s12], $0x40, s26, s12, $0xb8;
	[tilespmem:$0x1BC00] =	vst v63  }
0x85: {  	s26 =	simm.s32 $0x5E0;
	s29 =	simm.s32 $0x6D80  }
0x86: {  	[tilespmem:s29], [sflag:$0x1] =	stream.indirect.gather [hbm4b:s6+s12], $0x40, s26, s12, $0xb8;
	[tilespmem:$0x1BC00] =	vst v63  }
0x87: {  	s26 =	simm.s32 $0x600;
	s29 =	simm.s32 $0x7400  }
0x88: {  	[tilespmem:s29], [sflag:$0x1] =	stream.indirect.gather [hbm4b:s6+s12], $0x40, s26, s12, $0xb8;
	[tilespmem:$0x1BC00] =	vst v63  }
0x89: {  	s26 =	simm.s32 $0x620;
	s29 =	simm.s32 $0x7A80  }
0x8a: {  	[tilespmem:s29], [sflag:$0x1] =	stream.indirect.gather [hbm4b:s6+s12], $0x40, s26, s12, $0xb8;
	[tilespmem:$0x1BC00] =	vst v63  }
0x8b: {  	s26 =	simm.s32 $0x640;
	s29 =	simm.s32 $0x8100  }
0x8c: {  	[tilespmem:s29], [sflag:$0x1] =	stream.indirect.gather [hbm4b:s6+s12], $0x40, s26, s12, $0xb8;
	[tilespmem:$0x1BC00] =	vst v63  }
0x8d: {  	s26 =	simm.s32 $0x660;
	s29 =	simm.s32 $0x8780  }
0x8e: {  	[tilespmem:s29], [sflag:$0x1] =	stream.indirect.gather [hbm4b:s6+s12], $0x40, s26, s12, $0xb8;
	[tilespmem:$0x1BC00] =	vst v63  }
0x8f: {  	s26 =	simm.s32 $0x680;
	s29 =	simm.s32 $0x8E00  }
0x90: {  	[tilespmem:s29], [sflag:$0x1] =	stream.indirect.gather [hbm4b:s6+s12], $0x40, s26, s12, $0xb8;
	[tilespmem:$0x1BC00] =	vst v63  }
0x91: {  	s26 =	simm.s32 $0x6A0;
	s29 =	simm.s32 $0x9480  }
0x92: {  	[tilespmem:s29], [sflag:$0x1] =	stream.indirect.gather [hbm4b:s6+s12], $0x40, s26, s12, $0xb8;
	[tilespmem:$0x1BC00] =	vst v63  }
0x93: {  	s26 =	simm.s32 $0x6C0;
	s29 =	simm.s32 $0x9B00  }
0x94: {  	[tilespmem:s29], [sflag:$0x1] =	stream.indirect.gather [hbm4b:s6+s12], $0x40, s26, s12, $0xb8;
	[tilespmem:$0x1BC00] =	vst v63  }
0x95: {  	s26 =	simm.s32 $0x6E0;
	s29 =	simm.s32 $0xA180  }
0x96: {  	[tilespmem:s29], [sflag:$0x1] =	stream.indirect.gather [hbm4b:s6+s12], $0x40, s26, s12, $0xb8;
	[tilespmem:$0x1BC00] =	vst v63  }
0x97: {  	s26 =	simm.s32 $0x700;
	s29 =	simm.s32 $0xA800  }
0x98: {  	[tilespmem:s29], [sflag:$0x1] =	stream.indirect.gather [hbm4b:s6+s12], $0x40, s26, s12, $0xb8;
	[tilespmem:$0x1BC00] =	vst v63  }
0x99: {  	s26 =	simm.s32 $0x720;
	s29 =	simm.s32 $0xAE80  }
0x9a: {  	[tilespmem:s29], [sflag:$0x1] =	stream.indirect.gather [hbm4b:s6+s12], $0x40, s26, s12, $0xb8;
	[tilespmem:$0x1BC00] =	vst v63  }
0x9b: {  	s26 =	simm.s32 $0x740;
	s29 =	simm.s32 $0xB500  }
0x9c: {  	[tilespmem:s29], [sflag:$0x1] =	stream.indirect.gather [hbm4b:s6+s12], $0x40, s26, s12, $0xb8;
	[tilespmem:$0x1BC00] =	vst v63  }
0x9d: {  	s26 =	simm.s32 $0x760;
	s29 =	simm.s32 $0xBB80  }
0x9e: {  	[tilespmem:s29], [sflag:$0x1] =	stream.indirect.gather [hbm4b:s6+s12], $0x40, s26, s12, $0xb8;
	[tilespmem:$0x1BC00] =	vst v63  }
0x9f: {  	s26 =	simm.s32 $0x780;
	s29 =	simm.s32 $0xC200  }
0xa0: {  	[tilespmem:s29], [sflag:$0x1] =	stream.indirect.gather [hbm4b:s6+s12], $0x40, s26, s12, $0xb8;
	[tilespmem:$0x1BC00] =	vst v63  }
0xa1: {  	s26 =	simm.s32 $0x7A0;
	s29 =	simm.s32 $0xC880  }
0xa2: {  	[tilespmem:s29], [sflag:$0x1] =	stream.indirect.gather [hbm4b:s6+s12], $0x40, s26, s12, $0xb8;
	[tilespmem:$0x1BC00] =	vst v63  }
0xa3: {  	s26 =	simm.s32 $0x7C0;
	s29 =	simm.s32 $0xCF00  }
0xa4: {  	[tilespmem:s29], [sflag:$0x1] =	stream.indirect.gather [hbm4b:s6+s12], $0x40, s26, s12, $0xb8;
	[tilespmem:$0x1BC00] =	vst v63  }
0xa5: {  	s26 =	simm.s32 $0x7E0;
	s29 =	simm.s32 $0xD580  }
0xa6: {  	[tilespmem:s29], [sflag:$0x1] =	stream.indirect.gather [hbm4b:s6+s12], $0x40, s26, s12, $0xb8;
	[tilespmem:$0x1BC00] =	vst v63  }
0xa7: {  	_ =	swait.ge [sflag:s8], $0x680  }
0xa8: {  	[sflag:s8] =	ssyncset.done $0x0  }
0xa9: {  	[sflag:s8] =	ssyncadd.s32 $0xFFFFF980  }
0xaa: {  	_ =	swait.ge [sflag:s8], $0x680  }
0xab: {  	[sflag:s8] =	ssyncset.done $0x0  }
0xac: {  	[sflag:s8] =	ssyncadd.s32 $0xFFFFF980  }
0xad: {  	_ =	swait.ge [sflag:s8], $0x680  }
0xae: {  	[sflag:s8] =	ssyncset.done $0x0  }
0xaf: {  	[sflag:s8] =	ssyncadd.s32 $0xFFFFF980  }
0xb0: {  	_ =	swait.ge [sflag:s8], $0x680  }
0xb1: {  	[sflag:s8] =	ssyncset.done $0x0  }
0xb2: {  	[sflag:s8] =	ssyncadd.s32 $0xFFFFF980  }
0xb3: {  	_ =	swait.ge [sflag:s8], $0x680  }
0xb4: {  	[sflag:s8] =	ssyncset.done $0x0  }
0xb5: {  	[sflag:s8] =	ssyncadd.s32 $0xFFFFF980  }
0xb6: {  	_ =	swait.ge [sflag:s8], $0x680  }
0xb7: {  	[sflag:s8] =	ssyncset.done $0x0  }
0xb8: {  	[sflag:s8] =	ssyncadd.s32 $0xFFFFF980  }
0xb9: {  	_ =	swait.ge [sflag:s8], $0x680  }
0xba: {  	[sflag:s8] =	ssyncset.done $0x0  }
0xbb: {  	[sflag:s8] =	ssyncadd.s32 $0xFFFFF980  }
0xbc: {  	_ =	swait.ge [sflag:s8], $0x680  }
0xbd: {  	[sflag:s8] =	ssyncset.done $0x0  }
0xbe: {  	[sflag:s8] =	ssyncadd.s32 $0xFFFFF980  }
0xbf: {  	_ =	swait.ge [sflag:s8], $0x680  }
0xc0: {  	[sflag:s8] =	ssyncset.done $0x0  }
0xc1: {  	[sflag:s8] =	ssyncadd.s32 $0xFFFFF980  }
0xc2: {  	_ =	swait.ge [sflag:s8], $0x680  }
0xc3: {  	[sflag:s8] =	ssyncset.done $0x0  }
0xc4: {  	[sflag:s8] =	ssyncadd.s32 $0xFFFFF980  }
0xc5: {  	_ =	swait.ge [sflag:s8], $0x680  }
0xc6: {  	[sflag:s8] =	ssyncset.done $0x0  }
0xc7: {  	[sflag:s8] =	ssyncadd.s32 $0xFFFFF980  }
0xc8: {  	_ =	swait.ge [sflag:s8], $0x680  }
0xc9: {  	[sflag:s8] =	ssyncset.done $0x0  }
0xca: {  	[sflag:s8] =	ssyncadd.s32 $0xFFFFF980  }
0xcb: {  	_ =	swait.ge [sflag:s8], $0x680  }
0xcc: {  	[sflag:s8] =	ssyncset.done $0x0  }
0xcd: {  	[sflag:s8] =	ssyncadd.s32 $0xFFFFF980  }
0xce: {  	_ =	swait.ge [sflag:s8], $0x680  }
0xcf: {  	[sflag:s8] =	ssyncset.done $0x0  }
0xd0: {  	[sflag:s8] =	ssyncadd.s32 $0xFFFFF980  }
0xd1: {  	_ =	swait.ge [sflag:s8], $0x680  }
0xd2: {  	[sflag:s8] =	ssyncset.done $0x0  }
0xd3: {  	[sflag:s8] =	ssyncadd.s32 $0xFFFFF980  }
0xd4: {  	_ =	swait.ge [sflag:s8], $0x680  }
0xd5: {  	[sflag:s8] =	ssyncset.done $0x0  }
0xd6: {  	[sflag:s8] =	ssyncadd.s32 $0xFFFFF980  }
0xd7: {  	_ =	swait.ge [sflag:s8], $0x680  }
0xd8: {  	[sflag:s8] =	ssyncset.done $0x0  }
0xd9: {  	[sflag:s8] =	ssyncadd.s32 $0xFFFFF980  }
0xda: {  	_ =	swait.ge [sflag:s8], $0x680  }
0xdb: {  	[sflag:s8] =	ssyncset.done $0x0  }
0xdc: {  	[sflag:s8] =	ssyncadd.s32 $0xFFFFF980  }
0xdd: {  	_ =	swait.ge [sflag:s8], $0x680  }
0xde: {  	[sflag:s8] =	ssyncset.done $0x0  }
0xdf: {  	[sflag:s8] =	ssyncadd.s32 $0xFFFFF980  }
0xe0: {  	_ =	swait.ge [sflag:s8], $0x680  }
0xe1: {  	[sflag:s8] =	ssyncset.done $0x0  }
0xe2: {  	[sflag:s8] =	ssyncadd.s32 $0xFFFFF980  }
0xe3: {  	_ =	swait.ge [sflag:s8], $0x680  }
0xe4: {  	[sflag:s8] =	ssyncset.done $0x0  }
0xe5: {  	[sflag:s8] =	ssyncadd.s32 $0xFFFFF980  }
0xe6: {  	_ =	swait.ge [sflag:s8], $0x680  }
0xe7: {  	[sflag:s8] =	ssyncset.done $0x0  }
0xe8: {  	[sflag:s8] =	ssyncadd.s32 $0xFFFFF980  }
0xe9: {  	_ =	swait.ge [sflag:s8], $0x680  }
0xea: {  	[sflag:s8] =	ssyncset.done $0x0  }
0xeb: {  	[sflag:s8] =	ssyncadd.s32 $0xFFFFF980  }
0xec: {  	_ =	swait.ge [sflag:s8], $0x680  }
0xed: {  	[sflag:s8] =	ssyncset.done $0x0  }
0xee: {  	[sflag:s8] =	ssyncadd.s32 $0xFFFFF980  }
0xef: {  	_ =	swait.ge [sflag:s8], $0x680  }
0xf0: {  	[sflag:s8] =	ssyncset.done $0x0  }
0xf1: {  	[sflag:s8] =	ssyncadd.s32 $0xFFFFF980  }
0xf2: {  	_ =	swait.ge [sflag:s8], $0x680  }
0xf3: {  	[sflag:s8] =	ssyncset.done $0x0  }
0xf4: {  	[sflag:s8] =	ssyncadd.s32 $0xFFFFF980  }
0xf5: {  	_ =	swait.ge [sflag:s8], $0x680  }
0xf6: {  	[sflag:s8] =	ssyncset.done $0x0  }
0xf7: {  	[sflag:s8] =	ssyncadd.s32 $0xFFFFF980  }
0xf8: {  	_ =	swait.ge [sflag:s8], $0x680  }
0xf9: {  	[sflag:s8] =	ssyncset.done $0x0  }
0xfa: {  	[sflag:s8] =	ssyncadd.s32 $0xFFFFF980  }
0xfb: {  	_ =	swait.ge [sflag:s8], $0x680  }
0xfc: {  	[sflag:s8] =	ssyncset.done $0x0  }
0xfd: {  	[sflag:s8] =	ssyncadd.s32 $0xFFFFF980  }
0xfe: {  	_ =	swait.ge [sflag:s8], $0x680  }
0xff: {  	[sflag:s8] =	ssyncset.done $0x0  }
0x100: {  	[sflag:s8] =	ssyncadd.s32 $0xFFFFF980  }
0x101: {  	_ =	swait.ge [sflag:s8], $0x680  }
.Ltmp5:
0x102: {  	[sflag:s8] =	ssyncset.done $0x0;
	(pc) =	sbr.rel .LBB2_5-.Ltmp5, $4  }
0x103: {  	[sflag:s8] =	ssyncadd.s32 $0xFFFFF980  }
0x104: {  	_ =	swait.ge [sflag:s8], $0x680  }
0x105: {  	[sflag:s8] =	ssyncset.done $0x0  }
0x106: {  	s26 =	simm.s32 $0x0;
	[sflag:s8] =	ssyncadd.s32 $0xFFFFF980  }
.LBB2_7:
0x107: {  	s26 =	sadd.s32 $0x10, s26  }
0x108: {  	p1 =	sne.s32 s26, $0x340  }
.Ltmp6:
0x109: {  	_ = 	snop;
	(pc) =	sbr.rel @!p1 .LBB2_8-.Ltmp6, $1  }
0x10a: {  	_ =	sdelay $0x3  }
.LBB2_5:
0x10b: {  	v2 =	vor.u32 s26, v0  }
0x10c: {  	v3 =	vmulhi.u32 $0x4EC4EC4F, v2;
	_ =	sdelay $0x1  }
0x10d: {  	v4 =	vshrl.u32 v3, $0x3  }
0x10e: {  	v3 =	vmul.u32 $0xFFFFFFE6, v4;
	_ =	sdelay $0x1  }
0x10f: {  	v5 =	vmov s26;
	v3 =	vadd.s32 v2, v3  }
0x110: {  	vm0 =	veq.s32 v5, v0;
	vm1 =	vne.s32 v3, $0x0  }
0x111: {  	vm0 =	vmand vm0, vm1  }
0x112: {  	v2 =	vsel vm0, $0xFFFFFFFF, v1  }
0x113: {  	v4 =	vadd.s32 v2, v4  }
0x114: {  	v2 =	vshll.u32 v4, $0x5  }
0x115: {  	v2 =	vor.u32 v3, v2;
	_ =	sdelay $0x4  }
0x116: {  	v2 =	vld.idx.msk [tilespmem:v2+s2+$0x0], $0xffff;
	_ =	sdelay $0x4  }
0x117: {  	v5 =	vadd.s32 $0xFFF0BDFE, v2  }
0x118: {  	vm0 =	vlt.u32 v5, $0xFFF0BE00  }
0x119: {  	v5 =	vmpcnt.ones.xlane vm0;
	_ =	sdelay $0x1  }
0x11a: {  	(v2sf) =	vpush v5, $0x0;
	_ =	sdelay $0xe  }
0x11b: {  	s28 =	spop (v2sf)  }
0x11c: {  	p1 =	slt.s32 s28, $0x1  }
.Ltmp7:
0x11d: {  	_ = 	snop;
	(pc) =	sbr.rel @p1 .LBB2_7-.Ltmp7, $1  }
0x11e: {  	_ =	sdelay $0x3  }
0x11f: {  	vm1 =	vlt.s32 v2, $0x2;
	v5 =	vadd.s32 $0xFFF0BE00, v2  }
0x120: {  	v2 =	vsel vm1, v2, v5  }
0x121: {  	vm1 =	vgt.s32 v2, $0x0  }
0x122: {  	v2 =	vnsel vm1, $0x0, v2  }
0x123: {  	v2 =	vmin.u32 v2, $0x3F  }
0x124: {  	v2 =	vshll.u32 v2, $0x6;
	_ =	sdelay $0x2  }
0x125: {  	v4 =	vmul.u32 $0x680, v4  }
0x126: {  	v3 =	vshll.u32 v3, $0x6  }
0x127: {  	v3 =	vadd.s32 v3, v4;
	v50 =	vld.idx.msk [tilespmem:v2+s9+$0x0], vm0  }
0x128: {  	v51 =	vor.u32 $0x1, v2;
	_ =	sdelay $0x3  }
0x129: {  	[tilespmem:v3+s13+$0x0] =	vst.idx.msk vm0, v50  }
0x12a: {  	v52 =	vor.u32 $0x1, v3;
	v4 =	vld.idx.msk [tilespmem:v51+s9+$0x0], vm0  }
0x12b: {  	v6 =	vor.u32 $0x2, v2;
	_ =	sdelay $0x3  }
0x12c: {  	[tilespmem:v52+s13+$0x0] =	vst.idx.msk vm0, v4  }
0x12d: {  	v53 =	vor.u32 $0x2, v3;
	v4 =	vld.idx.msk [tilespmem:v6+s9+$0x0], vm0  }
0x12e: {  	v54 =	vor.u32 $0x3, v2;
	_ =	sdelay $0x3  }
0x12f: {  	[tilespmem:v53+s13+$0x0] =	vst.idx.msk vm0, v4  }
0x130: {  	v55 =	vor.u32 $0x3, v3;
	v4 =	vld.idx.msk [tilespmem:v54+s9+$0x0], vm0  }
0x131: {  	v56 =	vor.u32 $0x4, v2;
	_ =	sdelay $0x3  }
0x132: {  	[tilespmem:v55+s13+$0x0] =	vst.idx.msk vm0, v4  }
0x133: {  	v57 =	vor.u32 $0x4, v3;
	v4 =	vld.idx.msk [tilespmem:v56+s9+$0x0], vm0  }
0x134: {  	v58 =	vor.u32 $0x5, v2;
	_ =	sdelay $0x3  }
0x135: {  	[tilespmem:v57+s13+$0x0] =	vst.idx.msk vm0, v4  }
0x136: {  	v59 =	vor.u32 $0x5, v3;
	v4 =	vld.idx.msk [tilespmem:v58+s9+$0x0], vm0  }
0x137: {  	v60 =	vor.u32 $0x6, v2;
	_ =	sdelay $0x3  }
0x138: {  	[tilespmem:v59+s13+$0x0] =	vst.idx.msk vm0, v4  }
0x139: {  	v61 =	vor.u32 $0x6, v3;
	v4 =	vld.idx.msk [tilespmem:v60+s9+$0x0], vm0  }
0x13a: {  	v62 =	vor.u32 $0x7, v2;
	_ =	sdelay $0x3  }
0x13b: {  	[tilespmem:v61+s13+$0x0] =	vst.idx.msk vm0, v4  }
0x13c: {  	v63 =	vor.u32 $0x7, v3;
	v4 =	vld.idx.msk [tilespmem:v62+s9+$0x0], vm0  }
0x13d: {  	v9 =	vor.u32 $0x8, v2;
	_ =	sdelay $0x3  }
0x13e: {  	[tilespmem:v63+s13+$0x0] =	vst.idx.msk vm0, v4  }
0x13f: {  	v10 =	vor.u32 $0x8, v3;
	v4 =	vld.idx.msk [tilespmem:v9+s9+$0x0], vm0  }
0x140: {  	v11 =	vor.u32 $0x9, v2;
	_ =	sdelay $0x3  }
0x141: {  	[tilespmem:v10+s13+$0x0] =	vst.idx.msk vm0, v4  }
0x142: {  	v12 =	vor.u32 $0x9, v3;
	v4 =	vld.idx.msk [tilespmem:v11+s9+$0x0], vm0  }
0x143: {  	v13 =	vor.u32 $0xA, v2;
	_ =	sdelay $0x3  }
0x144: {  	[tilespmem:v12+s13+$0x0] =	vst.idx.msk vm0, v4  }
0x145: {  	v14 =	vor.u32 $0xA, v3;
	v4 =	vld.idx.msk [tilespmem:v13+s9+$0x0], vm0  }
0x146: {  	v15 =	vor.u32 $0xB, v2;
	_ =	sdelay $0x3  }
0x147: {  	[tilespmem:v14+s13+$0x0] =	vst.idx.msk vm0, v4  }
0x148: {  	v16 =	vor.u32 $0xB, v3;
	v4 =	vld.idx.msk [tilespmem:v15+s9+$0x0], vm0  }
0x149: {  	v17 =	vor.u32 $0xC, v2;
	_ =	sdelay $0x3  }
0x14a: {  	[tilespmem:v16+s13+$0x0] =	vst.idx.msk vm0, v4  }
0x14b: {  	v18 =	vor.u32 $0xC, v3;
	v4 =	vld.idx.msk [tilespmem:v17+s9+$0x0], vm0  }
0x14c: {  	v19 =	vor.u32 $0xD, v2;
	_ =	sdelay $0x3  }
0x14d: {  	[tilespmem:v18+s13+$0x0] =	vst.idx.msk vm0, v4  }
0x14e: {  	v20 =	vor.u32 $0xD, v3;
	v4 =	vld.idx.msk [tilespmem:v19+s9+$0x0], vm0  }
0x14f: {  	v21 =	vor.u32 $0xE, v2;
	_ =	sdelay $0x3  }
0x150: {  	[tilespmem:v20+s13+$0x0] =	vst.idx.msk vm0, v4  }
0x151: {  	v22 =	vor.u32 $0xE, v3;
	v4 =	vld.idx.msk [tilespmem:v21+s9+$0x0], vm0  }
0x152: {  	v23 =	vor.u32 $0xF, v2;
	_ =	sdelay $0x3  }
0x153: {  	[tilespmem:v22+s13+$0x0] =	vst.idx.msk vm0, v4  }
0x154: {  	v24 =	vor.u32 $0xF, v3;
	v4 =	vld.idx.msk [tilespmem:v23+s9+$0x0], vm0  }
0x155: {  	v25 =	vor.u32 $0x10, v2;
	_ =	sdelay $0x3  }
0x156: {  	[tilespmem:v24+s13+$0x0] =	vst.idx.msk vm0, v4  }
0x157: {  	v26 =	vor.u32 $0x10, v3;
	v4 =	vld.idx.msk [tilespmem:v25+s9+$0x0], vm0  }
0x158: {  	v27 =	vor.u32 $0x11, v2;
	_ =	sdelay $0x3  }
0x159: {  	[tilespmem:v26+s13+$0x0] =	vst.idx.msk vm0, v4  }
0x15a: {  	v28 =	vor.u32 $0x11, v3;
	v4 =	vld.idx.msk [tilespmem:v27+s9+$0x0], vm0  }
0x15b: {  	v29 =	vor.u32 $0x12, v2;
	_ =	sdelay $0x3  }
0x15c: {  	[tilespmem:v28+s13+$0x0] =	vst.idx.msk vm0, v4  }
0x15d: {  	v30 =	vor.u32 $0x12, v3;
	v4 =	vld.idx.msk [tilespmem:v29+s9+$0x0], vm0  }
0x15e: {  	v31 =	vor.u32 $0x13, v2;
	_ =	sdelay $0x3  }
0x15f: {  	[tilespmem:v30+s13+$0x0] =	vst.idx.msk vm0, v4  }
0x160: {  	v32 =	vor.u32 $0x13, v3;
	v4 =	vld.idx.msk [tilespmem:v31+s9+$0x0], vm0  }
0x161: {  	v33 =	vor.u32 $0x14, v2;
	_ =	sdelay $0x3  }
0x162: {  	[tilespmem:v32+s13+$0x0] =	vst.idx.msk vm0, v4  }
0x163: {  	v34 =	vor.u32 $0x14, v3;
	v4 =	vld.idx.msk [tilespmem:v33+s9+$0x0], vm0  }
0x164: {  	v35 =	vor.u32 $0x15, v2;
	_ =	sdelay $0x3  }
0x165: {  	[tilespmem:v34+s13+$0x0] =	vst.idx.msk vm0, v4  }
0x166: {  	v36 =	vor.u32 $0x15, v3;
	v4 =	vld.idx.msk [tilespmem:v35+s9+$0x0], vm0  }
0x167: {  	v37 =	vor.u32 $0x16, v2;
	_ =	sdelay $0x3  }
0x168: {  	[tilespmem:v36+s13+$0x0] =	vst.idx.msk vm0, v4  }
0x169: {  	v38 =	vor.u32 $0x16, v3;
	v4 =	vld.idx.msk [tilespmem:v37+s9+$0x0], vm0  }
0x16a: {  	v39 =	vor.u32 $0x17, v2;
	_ =	sdelay $0x3  }
0x16b: {  	[tilespmem:v38+s13+$0x0] =	vst.idx.msk vm0, v4  }
0x16c: {  	v40 =	vor.u32 $0x17, v3;
	v4 =	vld.idx.msk [tilespmem:v39+s9+$0x0], vm0  }
0x16d: {  	v41 =	vor.u32 $0x18, v2;
	_ =	sdelay $0x3  }
0x16e: {  	[tilespmem:v40+s13+$0x0] =	vst.idx.msk vm0, v4  }
0x16f: {  	v42 =	vor.u32 $0x18, v3;
	v4 =	vld.idx.msk [tilespmem:v41+s9+$0x0], vm0  }
0x170: {  	v43 =	vor.u32 $0x19, v2;
	_ =	sdelay $0x3  }
0x171: {  	[tilespmem:v42+s13+$0x0] =	vst.idx.msk vm0, v4  }
0x172: {  	v44 =	vor.u32 $0x19, v3;
	v4 =	vld.idx.msk [tilespmem:v43+s9+$0x0], vm0  }
0x173: {  	v45 =	vor.u32 $0x1A, v2;
	_ =	sdelay $0x3  }
0x174: {  	[tilespmem:v44+s13+$0x0] =	vst.idx.msk vm0, v4  }
0x175: {  	v46 =	vor.u32 $0x1A, v3;
	v4 =	vld.idx.msk [tilespmem:v45+s9+$0x0], vm0  }
0x176: {  	v47 =	vor.u32 $0x1B, v2;
	_ =	sdelay $0x3  }
0x177: {  	[tilespmem:v46+s13+$0x0] =	vst.idx.msk vm0, v4  }
0x178: {  	v48 =	vor.u32 $0x1B, v3;
	v4 =	vld.idx.msk [tilespmem:v47+s9+$0x0], vm0  }
0x179: {  	v49 =	vor.u32 $0x1C, v2;
	_ =	sdelay $0x3  }
0x17a: {  	[tilespmem:v48+s13+$0x0] =	vst.idx.msk vm0, v4  }
0x17b: {  	v50 =	vor.u32 $0x1C, v3;
	v4 =	vld.idx.msk [tilespmem:v49+s9+$0x0], vm0  }
0x17c: {  	v51 =	vor.u32 $0x1D, v2;
	_ =	sdelay $0x3  }
0x17d: {  	[tilespmem:v50+s13+$0x0] =	vst.idx.msk vm0, v4  }
0x17e: {  	v52 =	vor.u32 $0x1D, v3;
	v4 =	vld.idx.msk [tilespmem:v51+s9+$0x0], vm0  }
0x17f: {  	v53 =	vor.u32 $0x1E, v2;
	_ =	sdelay $0x3  }
0x180: {  	[tilespmem:v52+s13+$0x0] =	vst.idx.msk vm0, v4  }
0x181: {  	v54 =	vor.u32 $0x1E, v3;
	v4 =	vld.idx.msk [tilespmem:v53+s9+$0x0], vm0  }
0x182: {  	v55 =	vor.u32 $0x1F, v2;
	_ =	sdelay $0x3  }
0x183: {  	[tilespmem:v54+s13+$0x0] =	vst.idx.msk vm0, v4  }
0x184: {  	v56 =	vor.u32 $0x1F, v3;
	v4 =	vld.idx.msk [tilespmem:v55+s9+$0x0], vm0  }
0x185: {  	v57 =	vor.u32 $0x20, v2;
	_ =	sdelay $0x3  }
0x186: {  	[tilespmem:v56+s13+$0x0] =	vst.idx.msk vm0, v4  }
0x187: {  	v58 =	vor.u32 $0x20, v3;
	v4 =	vld.idx.msk [tilespmem:v57+s9+$0x0], vm0  }
0x188: {  	v59 =	vor.u32 $0x21, v2;
	_ =	sdelay $0x3  }
0x189: {  	[tilespmem:v58+s13+$0x0] =	vst.idx.msk vm0, v4  }
0x18a: {  	v60 =	vor.u32 $0x21, v3;
	v4 =	vld.idx.msk [tilespmem:v59+s9+$0x0], vm0  }
0x18b: {  	v61 =	vor.u32 $0x22, v2;
	_ =	sdelay $0x3  }
0x18c: {  	[tilespmem:v60+s13+$0x0] =	vst.idx.msk vm0, v4  }
0x18d: {  	v62 =	vor.u32 $0x22, v3;
	v4 =	vld.idx.msk [tilespmem:v61+s9+$0x0], vm0  }
0x18e: {  	v63 =	vor.u32 $0x23, v2;
	_ =	sdelay $0x3  }
0x18f: {  	[tilespmem:v62+s13+$0x0] =	vst.idx.msk vm0, v4  }
0x190: {  	v9 =	vor.u32 $0x23, v3;
	v4 =	vld.idx.msk [tilespmem:v63+s9+$0x0], vm0  }
0x191: {  	v10 =	vor.u32 $0x24, v2;
	_ =	sdelay $0x3  }
0x192: {  	[tilespmem:v9+s13+$0x0] =	vst.idx.msk vm0, v4  }
0x193: {  	v11 =	vor.u32 $0x24, v3;
	v4 =	vld.idx.msk [tilespmem:v10+s9+$0x0], vm0  }
0x194: {  	v12 =	vor.u32 $0x25, v2;
	_ =	sdelay $0x3  }
0x195: {  	[tilespmem:v11+s13+$0x0] =	vst.idx.msk vm0, v4  }
0x196: {  	v13 =	vor.u32 $0x25, v3;
	v4 =	vld.idx.msk [tilespmem:v12+s9+$0x0], vm0  }
0x197: {  	v14 =	vor.u32 $0x26, v2;
	_ =	sdelay $0x3  }
0x198: {  	[tilespmem:v13+s13+$0x0] =	vst.idx.msk vm0, v4  }
0x199: {  	v15 =	vor.u32 $0x26, v3;
	v4 =	vld.idx.msk [tilespmem:v14+s9+$0x0], vm0  }
0x19a: {  	v16 =	vor.u32 $0x27, v2;
	_ =	sdelay $0x3  }
0x19b: {  	[tilespmem:v15+s13+$0x0] =	vst.idx.msk vm0, v4  }
0x19c: {  	v17 =	vor.u32 $0x27, v3;
	v4 =	vld.idx.msk [tilespmem:v16+s9+$0x0], vm0  }
0x19d: {  	v18 =	vor.u32 $0x28, v2;
	_ =	sdelay $0x3  }
0x19e: {  	[tilespmem:v17+s13+$0x0] =	vst.idx.msk vm0, v4  }
0x19f: {  	v19 =	vor.u32 $0x28, v3;
	v4 =	vld.idx.msk [tilespmem:v18+s9+$0x0], vm0  }
0x1a0: {  	v20 =	vor.u32 $0x29, v2;
	_ =	sdelay $0x3  }
0x1a1: {  	[tilespmem:v19+s13+$0x0] =	vst.idx.msk vm0, v4  }
0x1a2: {  	v21 =	vor.u32 $0x29, v3;
	v4 =	vld.idx.msk [tilespmem:v20+s9+$0x0], vm0  }
0x1a3: {  	v22 =	vor.u32 $0x2A, v2;
	_ =	sdelay $0x3  }
0x1a4: {  	[tilespmem:v21+s13+$0x0] =	vst.idx.msk vm0, v4  }
0x1a5: {  	v23 =	vor.u32 $0x2A, v3;
	v4 =	vld.idx.msk [tilespmem:v22+s9+$0x0], vm0  }
0x1a6: {  	v24 =	vor.u32 $0x2B, v2;
	_ =	sdelay $0x3  }
0x1a7: {  	[tilespmem:v23+s13+$0x0] =	vst.idx.msk vm0, v4  }
0x1a8: {  	v25 =	vor.u32 $0x2B, v3;
	v4 =	vld.idx.msk [tilespmem:v24+s9+$0x0], vm0  }
0x1a9: {  	v26 =	vor.u32 $0x2C, v2;
	_ =	sdelay $0x3  }
0x1aa: {  	[tilespmem:v25+s13+$0x0] =	vst.idx.msk vm0, v4  }
0x1ab: {  	v27 =	vor.u32 $0x2C, v3;
	v4 =	vld.idx.msk [tilespmem:v26+s9+$0x0], vm0  }
0x1ac: {  	v28 =	vor.u32 $0x2D, v2;
	_ =	sdelay $0x3  }
0x1ad: {  	[tilespmem:v27+s13+$0x0] =	vst.idx.msk vm0, v4  }
0x1ae: {  	v29 =	vor.u32 $0x2D, v3;
	v4 =	vld.idx.msk [tilespmem:v28+s9+$0x0], vm0  }
0x1af: {  	v30 =	vor.u32 $0x2E, v2;
	_ =	sdelay $0x3  }
0x1b0: {  	[tilespmem:v29+s13+$0x0] =	vst.idx.msk vm0, v4  }
0x1b1: {  	v31 =	vor.u32 $0x2E, v3;
	v4 =	vld.idx.msk [tilespmem:v30+s9+$0x0], vm0  }
0x1b2: {  	v32 =	vor.u32 $0x2F, v2;
	_ =	sdelay $0x3  }
0x1b3: {  	[tilespmem:v31+s13+$0x0] =	vst.idx.msk vm0, v4  }
0x1b4: {  	v33 =	vor.u32 $0x2F, v3;
	v4 =	vld.idx.msk [tilespmem:v32+s9+$0x0], vm0  }
0x1b5: {  	v34 =	vor.u32 $0x30, v2;
	_ =	sdelay $0x3  }
0x1b6: {  	[tilespmem:v33+s13+$0x0] =	vst.idx.msk vm0, v4  }
0x1b7: {  	v35 =	vor.u32 $0x30, v3;
	v4 =	vld.idx.msk [tilespmem:v34+s9+$0x0], vm0  }
0x1b8: {  	v36 =	vor.u32 $0x31, v2;
	_ =	sdelay $0x3  }
0x1b9: {  	[tilespmem:v35+s13+$0x0] =	vst.idx.msk vm0, v4  }
0x1ba: {  	v37 =	vor.u32 $0x31, v3;
	v4 =	vld.idx.msk [tilespmem:v36+s9+$0x0], vm0  }
0x1bb: {  	v38 =	vor.u32 $0x32, v2;
	_ =	sdelay $0x3  }
0x1bc: {  	[tilespmem:v37+s13+$0x0] =	vst.idx.msk vm0, v4  }
0x1bd: {  	v39 =	vor.u32 $0x32, v3;
	v4 =	vld.idx.msk [tilespmem:v38+s9+$0x0], vm0  }
0x1be: {  	v40 =	vor.u32 $0x33, v2;
	_ =	sdelay $0x3  }
0x1bf: {  	[tilespmem:v39+s13+$0x0] =	vst.idx.msk vm0, v4  }
0x1c0: {  	v41 =	vor.u32 $0x33, v3;
	v4 =	vld.idx.msk [tilespmem:v40+s9+$0x0], vm0  }
0x1c1: {  	v42 =	vor.u32 $0x34, v2;
	_ =	sdelay $0x3  }
0x1c2: {  	[tilespmem:v41+s13+$0x0] =	vst.idx.msk vm0, v4  }
0x1c3: {  	v43 =	vor.u32 $0x34, v3;
	v4 =	vld.idx.msk [tilespmem:v42+s9+$0x0], vm0  }
0x1c4: {  	v44 =	vor.u32 $0x35, v2;
	_ =	sdelay $0x3  }
0x1c5: {  	[tilespmem:v43+s13+$0x0] =	vst.idx.msk vm0, v4  }
0x1c6: {  	v45 =	vor.u32 $0x35, v3;
	v4 =	vld.idx.msk [tilespmem:v44+s9+$0x0], vm0  }
0x1c7: {  	v46 =	vor.u32 $0x36, v2;
	_ =	sdelay $0x3  }
0x1c8: {  	[tilespmem:v45+s13+$0x0] =	vst.idx.msk vm0, v4  }
0x1c9: {  	v47 =	vor.u32 $0x36, v3;
	v4 =	vld.idx.msk [tilespmem:v46+s9+$0x0], vm0  }
0x1ca: {  	v48 =	vor.u32 $0x37, v2;
	_ =	sdelay $0x3  }
0x1cb: {  	[tilespmem:v47+s13+$0x0] =	vst.idx.msk vm0, v4  }
0x1cc: {  	v49 =	vor.u32 $0x37, v3;
	v4 =	vld.idx.msk [tilespmem:v48+s9+$0x0], vm0  }
0x1cd: {  	v50 =	vor.u32 $0x38, v2;
	_ =	sdelay $0x3  }
0x1ce: {  	[tilespmem:v49+s13+$0x0] =	vst.idx.msk vm0, v4  }
0x1cf: {  	v51 =	vor.u32 $0x38, v3;
	v4 =	vld.idx.msk [tilespmem:v50+s9+$0x0], vm0  }
0x1d0: {  	v52 =	vor.u32 $0x39, v2;
	_ =	sdelay $0x3  }
0x1d1: {  	[tilespmem:v51+s13+$0x0] =	vst.idx.msk vm0, v4  }
0x1d2: {  	v53 =	vor.u32 $0x39, v3;
	v4 =	vld.idx.msk [tilespmem:v52+s9+$0x0], vm0  }
0x1d3: {  	v54 =	vor.u32 $0x3A, v2;
	_ =	sdelay $0x3  }
0x1d4: {  	[tilespmem:v53+s13+$0x0] =	vst.idx.msk vm0, v4  }
0x1d5: {  	v55 =	vor.u32 $0x3A, v3;
	v4 =	vld.idx.msk [tilespmem:v54+s9+$0x0], vm0  }
0x1d6: {  	v56 =	vor.u32 $0x3B, v2;
	_ =	sdelay $0x3  }
0x1d7: {  	[tilespmem:v55+s13+$0x0] =	vst.idx.msk vm0, v4  }
0x1d8: {  	v57 =	vor.u32 $0x3B, v3;
	v4 =	vld.idx.msk [tilespmem:v56+s9+$0x0], vm0  }
0x1d9: {  	v58 =	vor.u32 $0x3C, v2;
	_ =	sdelay $0x3  }
0x1da: {  	[tilespmem:v57+s13+$0x0] =	vst.idx.msk vm0, v4  }
0x1db: {  	v59 =	vor.u32 $0x3C, v3;
	v4 =	vld.idx.msk [tilespmem:v58+s9+$0x0], vm0  }
0x1dc: {  	v60 =	vor.u32 $0x3D, v2;
	_ =	sdelay $0x3  }
0x1dd: {  	[tilespmem:v59+s13+$0x0] =	vst.idx.msk vm0, v4  }
0x1de: {  	v61 =	vor.u32 $0x3D, v3;
	v4 =	vld.idx.msk [tilespmem:v60+s9+$0x0], vm0  }
0x1df: {  	v62 =	vor.u32 $0x3E, v2;
	_ =	sdelay $0x3  }
0x1e0: {  	[tilespmem:v61+s13+$0x0] =	vst.idx.msk vm0, v4  }
0x1e1: {  	v63 =	vor.u32 $0x3E, v3;
	v4 =	vld.idx.msk [tilespmem:v62+s9+$0x0], vm0  }
0x1e2: {  	v2 =	vor.u32 $0x3F, v2;
	_ =	sdelay $0x3  }
0x1e3: {  	[tilespmem:v63+s13+$0x0] =	vst.idx.msk vm0, v4  }
0x1e4: {  	v3 =	vor.u32 $0x3F, v3;
	v2 =	vld.idx.msk [tilespmem:v2+s9+$0x0], vm0  }
.Ltmp8:
0x1e5: {  	_ = 	snop;
	(pc) =	sbr.rel .LBB2_7-.Ltmp8, $2  }
0x1e6: {  	_ =	sdelay $0x2  }
0x1e7: {  	[tilespmem:v3+s13+$0x0] =	vst.idx.msk vm0, v2  }
.LBB2_8:
0x1e8: {  	s26 =	simm.s32 $0x0  }
0x1e9: {  	v2 =	vor.u32 s26, v0  }
0x1ea: {  	v3 =	vmulhi.u32 $0x4EC4EC4F, v2;
	_ =	sdelay $0x1  }
0x1eb: {  	v3 =	vshrl.u32 v3, $0x3  }
0x1ec: {  	v4 =	vmul.u32 $0xFFFFFFE6, v3  }
0x1ed: {  	s28 =	smul.u32 $0xD0, s25  }
0x1ee: {  	v5 =	vmov s26;
	v2 =	vadd.s32 v2, v4  }
0x1ef: {  	s28 =	sadd.s32 s1, s28;
	vm0 =	veq.s32 v5, v0;
	vm1 =	vne.s32 v2, $0x0  }
0x1f0: {  	[hbm4b:s28+s2] =	stream.linear.scatter [tilespmem:s13], [sflag:$0x2], $0xD000, $0x38;
	vm0 =	vmand vm0, vm1;
	[tilespmem:$0x1BC00] =	vst v63  }
0x1f1: {  	s28 =	simm.s32 @!p0 $0x3;
	v4 =	vsel vm0, $0xFFFFFFFF, v1  }
0x1f2: {  	s25 =	sor.u32 $0x20, s25;
	_ =	swait.ge @!p0 [sflag:s28], $0xD000;
	v3 =	vadd.s32 v4, v3  }
0x1f3: {  	s29 =	sshll.u32 s25, $0x2;
	[sflag:s28] =	ssyncset.done @!p0 $0x0;
	v3 =	vshll.u32 v3, $0x5  }
0x1f4: {  	[sflag:s28] =	ssyncadd.s32 @!p0 $0xFFFF3000;
	s28 =	sadd.s32 s4, s29;
	s29 =	simm.s32 $0x10;
	v2 =	vor.u32 v2, v3  }
0x1f5: {  	[tilespmem:s26], [sflag:$0x4] =	stream.linear.gather [hbm4b:s28+s26], $0x400, $0x38;
	[tilespmem:$0x1BC00] =	vst v63  }
0x1f6: {  	_ =	swait.ge [sflag:s10], $0x400;
	v3 =	vor.u32 s29, v0  }
0x1f7: {  	[sflag:s10] =	ssyncset.done $0x0;
	v4 =	vmulhi.u32 $0x4EC4EC4F, v3  }
0x1f8: {  	[sflag:s10] =	ssyncadd.s32 $0xFFFFFC00  }
0x1f9: {  	v4 =	vshrl.u32 v4, $0x3;
	v5 =	vld.idx.msk [tilespmem:v2+s2+$0x0], $0xffff  }
0x1fa: {  	v6 =	vmul.u32 $0xFFFFFFE6, v4;
	_ =	sdelay $0x1  }
0x1fb: {  	v7 =	vmov s29;
	v3 =	vadd.s32 v3, v6  }
0x1fc: {  	vm0 =	veq.s32 v7, v0;
	vm1 =	vne.s32 v3, $0x0  }
0x1fd: {  	vm0 =	vmand vm0, vm1;
	v6 =	vadd.s32 $0xFFFFFFFE, v5  }
0x1fe: {  	v5 =	vsel vm0, $0xFFFFFFFF, v1;
	vm0 =	vgt.s32 v6, $0x0  }
0x1ff: {  	v4 =	vadd.s32 v5, v4;
	v5 =	vnsel vm0, $0x0, v6  }
0x200: {  	v5 =	vmin.u32 v5, $0xF41FF  }
0x201: {  	s26 =	simm.s32 $0x20;
	v4 =	vshll.u32 v4, $0x5;
	vm0 =	vgt.s32 v6, $0x7A0FF;
	v5 =	vshll.u32 v5, $0x1  }
0x202: {  	s28 =	simm.s32 $0x30;
	v3 =	vor.u32 v3, v4;
	v4 =	vor.u32 s26, v0;
	v6 =	vadd.s32 $0xFFF0BE01, v5  }
.LBB2_9:
0x203: {  	p0 =	sne.s32 s28, $0x330;
	v7 =	vmulhi.u32 $0x4EC4EC4F, v4;
	v5 =	vsel vm0, v6, v5  }
0x204: {  	[tilespmem:v2+s14+$0x0] =	vst.idx.msk $0xffff, v5;
	v2 =	vmov v3  }
0x205: {  	v5 =	vshrl.u32 v7, $0x3;
	v3 =	vld.idx.msk [tilespmem:v3+s2+$0x0], $0xffff  }
0x206: {  	v6 =	vmul.u32 $0xFFFFFFE6, v5;
	_ =	sdelay $0x1  }
0x207: {  	v7 =	vmov s26;
	s26 =	smov.u32 s28;
	v4 =	vadd.s32 v4, v6  }
0x208: {  	vm0 =	veq.s32 v7, v0;
	vm1 =	vne.s32 v4, $0x0  }
0x209: {  	vm0 =	vmand vm0, vm1  }
0x20a: {  	v7 =	vadd.s32 $0xFFFFFFFE, v3;
	v6 =	vsel vm0, $0xFFFFFFFF, v1  }
.Ltmp9:
0x20b: {  	vm0 =	vgt.s32 v7, $0x0;
	v3 =	vadd.s32 v6, v5;
	(pc) =	sbr.rel @p0 .LBB2_9-.Ltmp9, $4  }
0x20c: {  	v5 =	vnsel vm0, $0x0, v7;
	v3 =	vshll.u32 v3, $0x5  }
0x20d: {  	v3 =	vor.u32 v4, v3;
	v4 =	vmin.u32 v5, $0xF41FF  }
0x20e: {  	v5 =	vshll.u32 v4, $0x1  }
0x20f: {  	s28 =	sadd.s32 $0x10, s28;
	vm0 =	vgt.s32 v7, $0x7A0FF;
	v4 =	vor.u32 s26, v0;
	v6 =	vadd.s32 $0xFFF0BE01, v5  }
0x210: {  	_ =	sdelay $0x1  }
0x211: {  	v7 =	vmulhi.u32 $0x4EC4EC4F, v4  }
0x212: {  	v5 =	vsel vm0, v6, v5  }
0x213: {  	[tilespmem:v2+s14+$0x0] =	vst.idx.msk $0xffff, v5;
	v2 =	vshrl.u32 v7, $0x3  }
0x214: {  	v5 =	vld.idx.msk [tilespmem:v3+s2+$0x0], $0xffff;
	v56 =	vmul.u32 $0xFFFFFFE6, v2;
	_ =	sdelay $0x1  }
0x215: {  	v57 =	vmov s26;
	v58 =	vadd.s32 v4, v56  }
0x216: {  	vm11 =	veq.s32 v57, v0;
	vm1 =	vne.s32 v58, $0x0  }
0x217: {  	vm0 =	vmand vm11, vm1  }
0x218: {  	v5 =	vadd.s32 $0xFFFFFFFE, v5;
	v59 =	vsel vm0, $0xFFFFFFFF, v1  }
0x219: {  	vm12 =	vgt.s32 v5, $0x0;
	v2 =	vadd.s32 v59, v2  }
0x21a: {  	v60 =	vnsel vm12, $0x0, v5;
	v2 =	vshll.u32 v2, $0x5  }
0x21b: {  	v61 =	vmin.u32 v60, $0xF41FF;
	v2 =	vor.u32 v58, v2  }
0x21c: {  	v4 =	vshll.u32 v61, $0x1  }
0x21d: {  	vm13 =	vgt.s32 v5, $0x7A0FF;
	v62 =	vadd.s32 $0xFFF0BE01, v4  }
0x21e: {  	v4 =	vsel vm13, v62, v4  }
0x21f: {  	[tilespmem:v3+s14+$0x0] =	vst.idx.msk $0xffff, v4  }
0x220: {  	v3 =	vld.idx.msk [tilespmem:v2+s2+$0x0], $0xffff;
	_ =	sdelay $0x4  }
0x221: {  	v3 =	vadd.s32 $0xFFFFFFFE, v3  }
0x222: {  	vm14 =	vgt.s32 v3, $0x0  }
0x223: {  	v63 =	vnsel vm14, $0x0, v3  }
0x224: {  	v4 =	vmin.u32 v63, $0xF41FF  }
0x225: {  	v4 =	vshll.u32 v4, $0x1  }
0x226: {  	vm15 =	vgt.s32 v3, $0x7A0FF;
	v3 =	vadd.s32 $0xFFF0BE01, v4  }
0x227: {  	v3 =	vsel vm15, v3, v4  }
0x228: {  	[tilespmem:v2+s14+$0x0] =	vst.idx.msk $0xffff, v3  }
0x229: {  	[tilespmem:s15], [sflag:$0x1] =	stream.indirect.gather [hbm4b:s6+s12], $0x40, s14, s12, $0xb8;
	[tilespmem:$0x1BC00] =	vst v63  }
0x22a: {  	s29 =	simm.s32 $0x820;
	s28 =	simm.s32 $0xE280  }
0x22b: {  	[tilespmem:s28], [sflag:$0x1] =	stream.indirect.gather [hbm4b:s6+s12], $0x40, s29, s12, $0xb8;
	[tilespmem:$0x1BC00] =	vst v63  }
0x22c: {  	s26 =	simm.s32 $0x840;
	s29 =	simm.s32 $0xE900  }
0x22d: {  	[tilespmem:s29], [sflag:$0x1] =	stream.indirect.gather [hbm4b:s6+s12], $0x40, s26, s12, $0xb8;
	[tilespmem:$0x1BC00] =	vst v63  }
0x22e: {  	s26 =	simm.s32 $0x860;
	s29 =	simm.s32 $0xEF80  }
0x22f: {  	[tilespmem:s29], [sflag:$0x1] =	stream.indirect.gather [hbm4b:s6+s12], $0x40, s26, s12, $0xb8;
	[tilespmem:$0x1BC00] =	vst v63  }
0x230: {  	s26 =	simm.s32 $0x880;
	s29 =	simm.s32 $0xF600  }
0x231: {  	[tilespmem:s29], [sflag:$0x1] =	stream.indirect.gather [hbm4b:s6+s12], $0x40, s26, s12, $0xb8;
	[tilespmem:$0x1BC00] =	vst v63  }
0x232: {  	s26 =	simm.s32 $0x8A0;
	s29 =	simm.s32 $0xFC80  }
0x233: {  	[tilespmem:s29], [sflag:$0x1] =	stream.indirect.gather [hbm4b:s6+s12], $0x40, s26, s12, $0xb8;
	[tilespmem:$0x1BC00] =	vst v63  }
0x234: {  	s26 =	simm.s32 $0x8C0;
	s29 =	simm.s32 $0x10300  }
0x235: {  	[tilespmem:s29], [sflag:$0x1] =	stream.indirect.gather [hbm4b:s6+s12], $0x40, s26, s12, $0xb8;
	[tilespmem:$0x1BC00] =	vst v63  }
0x236: {  	s26 =	simm.s32 $0x8E0;
	s29 =	simm.s32 $0x10980  }
0x237: {  	[tilespmem:s29], [sflag:$0x1] =	stream.indirect.gather [hbm4b:s6+s12], $0x40, s26, s12, $0xb8;
	[tilespmem:$0x1BC00] =	vst v63  }
0x238: {  	s26 =	simm.s32 $0x900;
	s29 =	simm.s32 $0x11000  }
0x239: {  	[tilespmem:s29], [sflag:$0x1] =	stream.indirect.gather [hbm4b:s6+s12], $0x40, s26, s12, $0xb8;
	[tilespmem:$0x1BC00] =	vst v63  }
0x23a: {  	s26 =	simm.s32 $0x920;
	s29 =	simm.s32 $0x11680  }
0x23b: {  	[tilespmem:s29], [sflag:$0x1] =	stream.indirect.gather [hbm4b:s6+s12], $0x40, s26, s12, $0xb8;
	[tilespmem:$0x1BC00] =	vst v63  }
0x23c: {  	s26 =	simm.s32 $0x940;
	s29 =	simm.s32 $0x11D00  }
0x23d: {  	[tilespmem:s29], [sflag:$0x1] =	stream.indirect.gather [hbm4b:s6+s12], $0x40, s26, s12, $0xb8;
	[tilespmem:$0x1BC00] =	vst v63  }
0x23e: {  	s26 =	simm.s32 $0x960;
	s29 =	simm.s32 $0x12380  }
0x23f: {  	[tilespmem:s29], [sflag:$0x1] =	stream.indirect.gather [hbm4b:s6+s12], $0x40, s26, s12, $0xb8;
	[tilespmem:$0x1BC00] =	vst v63  }
0x240: {  	s26 =	simm.s32 $0x980;
	s29 =	simm.s32 $0x12A00  }
0x241: {  	[tilespmem:s29], [sflag:$0x1] =	stream.indirect.gather [hbm4b:s6+s12], $0x40, s26, s12, $0xb8;
	[tilespmem:$0x1BC00] =	vst v63  }
0x242: {  	s26 =	simm.s32 $0x9A0;
	s29 =	simm.s32 $0x13080  }
0x243: {  	[tilespmem:s29], [sflag:$0x1] =	stream.indirect.gather [hbm4b:s6+s12], $0x40, s26, s12, $0xb8;
	[tilespmem:$0x1BC00] =	vst v63  }
0x244: {  	s26 =	simm.s32 $0x9C0;
	s29 =	simm.s32 $0x13700  }
0x245: {  	[tilespmem:s29], [sflag:$0x1] =	stream.indirect.gather [hbm4b:s6+s12], $0x40, s26, s12, $0xb8;
	[tilespmem:$0x1BC00] =	vst v63  }
0x246: {  	s26 =	simm.s32 $0x9E0;
	s29 =	simm.s32 $0x13D80  }
0x247: {  	[tilespmem:s29], [sflag:$0x1] =	stream.indirect.gather [hbm4b:s6+s12], $0x40, s26, s12, $0xb8;
	[tilespmem:$0x1BC00] =	vst v63  }
0x248: {  	s26 =	simm.s32 $0xA00;
	s29 =	simm.s32 $0x14400  }
0x249: {  	[tilespmem:s29], [sflag:$0x1] =	stream.indirect.gather [hbm4b:s6+s12], $0x40, s26, s12, $0xb8;
	[tilespmem:$0x1BC00] =	vst v63  }
0x24a: {  	s26 =	simm.s32 $0xA20;
	s29 =	simm.s32 $0x14A80  }
0x24b: {  	[tilespmem:s29], [sflag:$0x1] =	stream.indirect.gather [hbm4b:s6+s12], $0x40, s26, s12, $0xb8;
	[tilespmem:$0x1BC00] =	vst v63  }
0x24c: {  	s26 =	simm.s32 $0xA40;
	s29 =	simm.s32 $0x15100  }
0x24d: {  	[tilespmem:s29], [sflag:$0x1] =	stream.indirect.gather [hbm4b:s6+s12], $0x40, s26, s12, $0xb8;
	[tilespmem:$0x1BC00] =	vst v63  }
0x24e: {  	s26 =	simm.s32 $0xA60;
	s29 =	simm.s32 $0x15780  }
0x24f: {  	[tilespmem:s29], [sflag:$0x1] =	stream.indirect.gather [hbm4b:s6+s12], $0x40, s26, s12, $0xb8;
	[tilespmem:$0x1BC00] =	vst v63  }
0x250: {  	s26 =	simm.s32 $0xA80;
	s29 =	simm.s32 $0x15E00  }
0x251: {  	[tilespmem:s29], [sflag:$0x1] =	stream.indirect.gather [hbm4b:s6+s12], $0x40, s26, s12, $0xb8;
	[tilespmem:$0x1BC00] =	vst v63  }
0x252: {  	s26 =	simm.s32 $0xAA0;
	s29 =	simm.s32 $0x16480  }
0x253: {  	[tilespmem:s29], [sflag:$0x1] =	stream.indirect.gather [hbm4b:s6+s12], $0x40, s26, s12, $0xb8;
	[tilespmem:$0x1BC00] =	vst v63  }
0x254: {  	s26 =	simm.s32 $0xAC0;
	s29 =	simm.s32 $0x16B00  }
0x255: {  	[tilespmem:s29], [sflag:$0x1] =	stream.indirect.gather [hbm4b:s6+s12], $0x40, s26, s12, $0xb8;
	[tilespmem:$0x1BC00] =	vst v63  }
0x256: {  	s26 =	simm.s32 $0xAE0;
	s29 =	simm.s32 $0x17180  }
0x257: {  	[tilespmem:s29], [sflag:$0x1] =	stream.indirect.gather [hbm4b:s6+s12], $0x40, s26, s12, $0xb8;
	[tilespmem:$0x1BC00] =	vst v63  }
0x258: {  	s26 =	simm.s32 $0xB00;
	s29 =	simm.s32 $0x17800  }
0x259: {  	[tilespmem:s29], [sflag:$0x1] =	stream.indirect.gather [hbm4b:s6+s12], $0x40, s26, s12, $0xb8;
	[tilespmem:$0x1BC00] =	vst v63  }
0x25a: {  	s29 =	simm.s32 $0xB20  }
0x25b: {  	[tilespmem:s30], [sflag:$0x1] =	stream.indirect.gather [hbm4b:s6+s12], $0x40, s29, s12, $0xb8;
	[tilespmem:$0x1BC00] =	vst v63  }
0x25c: {  	_ = 	snop  }
0x25d: {  	[tilespmem:s0], [sflag:$0x1] =	stream.indirect.gather [hbm4b:s6+s12], $0x40, s31, s12, $0xb8;
	[tilespmem:$0x1BC00] =	vst v63  }
0x25e: {  	_ = 	snop  }
0x25f: {  	[tilespmem:s5], [sflag:$0x1] =	stream.indirect.gather [hbm4b:s6+s12], $0x40, s3, s12, $0xb8;
	[tilespmem:$0x1BC00] =	vst v63  }
0x260: {  	_ = 	snop  }
0x261: {  	[tilespmem:s17], [sflag:$0x1] =	stream.indirect.gather [hbm4b:s6+s12], $0x40, s16, s12, $0xb8;
	[tilespmem:$0x1BC00] =	vst v63  }
0x262: {  	_ = 	snop  }
0x263: {  	[tilespmem:s19], [sflag:$0x1] =	stream.indirect.gather [hbm4b:s6+s12], $0x40, s18, s12, $0xb8;
	[tilespmem:$0x1BC00] =	vst v63  }
0x264: {  	_ = 	snop  }
0x265: {  	[tilespmem:s21], [sflag:$0x1] =	stream.indirect.gather [hbm4b:s6+s12], $0x40, s20, s12, $0xb8;
	[tilespmem:$0x1BC00] =	vst v63  }
0x266: {  	_ = 	snop  }
0x267: {  	[tilespmem:s23], [sflag:$0x1] =	stream.indirect.gather [hbm4b:s6+s12], $0x40, s22, s12, $0xb8;
	[tilespmem:$0x1BC00] =	vst v63  }
0x268: {  	_ =	swait.ge [sflag:s8], $0x680  }
0x269: {  	[sflag:s8] =	ssyncset.done $0x0  }
0x26a: {  	[sflag:s8] =	ssyncadd.s32 $0xFFFFF980  }
0x26b: {  	_ =	swait.ge [sflag:s8], $0x680  }
0x26c: {  	[sflag:s8] =	ssyncset.done $0x0  }
0x26d: {  	[sflag:s8] =	ssyncadd.s32 $0xFFFFF980  }
0x26e: {  	_ =	swait.ge [sflag:s8], $0x680  }
0x26f: {  	[sflag:s8] =	ssyncset.done $0x0  }
0x270: {  	[sflag:s8] =	ssyncadd.s32 $0xFFFFF980  }
0x271: {  	_ =	swait.ge [sflag:s8], $0x680  }
0x272: {  	[sflag:s8] =	ssyncset.done $0x0  }
0x273: {  	[sflag:s8] =	ssyncadd.s32 $0xFFFFF980  }
0x274: {  	_ =	swait.ge [sflag:s8], $0x680  }
0x275: {  	[sflag:s8] =	ssyncset.done $0x0  }
0x276: {  	[sflag:s8] =	ssyncadd.s32 $0xFFFFF980  }
0x277: {  	_ =	swait.ge [sflag:s8], $0x680  }
0x278: {  	[sflag:s8] =	ssyncset.done $0x0  }
0x279: {  	[sflag:s8] =	ssyncadd.s32 $0xFFFFF980  }
0x27a: {  	_ =	swait.ge [sflag:s8], $0x680  }
0x27b: {  	[sflag:s8] =	ssyncset.done $0x0  }
0x27c: {  	[sflag:s8] =	ssyncadd.s32 $0xFFFFF980  }
0x27d: {  	_ =	swait.ge [sflag:s8], $0x680  }
0x27e: {  	[sflag:s8] =	ssyncset.done $0x0  }
0x27f: {  	[sflag:s8] =	ssyncadd.s32 $0xFFFFF980  }
0x280: {  	_ =	swait.ge [sflag:s8], $0x680  }
0x281: {  	[sflag:s8] =	ssyncset.done $0x0  }
0x282: {  	[sflag:s8] =	ssyncadd.s32 $0xFFFFF980  }
0x283: {  	_ =	swait.ge [sflag:s8], $0x680  }
0x284: {  	[sflag:s8] =	ssyncset.done $0x0  }
0x285: {  	[sflag:s8] =	ssyncadd.s32 $0xFFFFF980  }
0x286: {  	_ =	swait.ge [sflag:s8], $0x680  }
0x287: {  	[sflag:s8] =	ssyncset.done $0x0  }
0x288: {  	[sflag:s8] =	ssyncadd.s32 $0xFFFFF980  }
0x289: {  	_ =	swait.ge [sflag:s8], $0x680  }
0x28a: {  	[sflag:s8] =	ssyncset.done $0x0  }
0x28b: {  	[sflag:s8] =	ssyncadd.s32 $0xFFFFF980  }
0x28c: {  	_ =	swait.ge [sflag:s8], $0x680  }
0x28d: {  	[sflag:s8] =	ssyncset.done $0x0  }
0x28e: {  	[sflag:s8] =	ssyncadd.s32 $0xFFFFF980  }
0x28f: {  	_ =	swait.ge [sflag:s8], $0x680  }
0x290: {  	[sflag:s8] =	ssyncset.done $0x0  }
0x291: {  	[sflag:s8] =	ssyncadd.s32 $0xFFFFF980  }
0x292: {  	_ =	swait.ge [sflag:s8], $0x680  }
0x293: {  	[sflag:s8] =	ssyncset.done $0x0  }
0x294: {  	[sflag:s8] =	ssyncadd.s32 $0xFFFFF980  }
0x295: {  	_ =	swait.ge [sflag:s8], $0x680  }
0x296: {  	[sflag:s8] =	ssyncset.done $0x0  }
0x297: {  	[sflag:s8] =	ssyncadd.s32 $0xFFFFF980  }
0x298: {  	_ =	swait.ge [sflag:s8], $0x680  }
0x299: {  	[sflag:s8] =	ssyncset.done $0x0  }
0x29a: {  	[sflag:s8] =	ssyncadd.s32 $0xFFFFF980  }
0x29b: {  	_ =	swait.ge [sflag:s8], $0x680  }
0x29c: {  	[sflag:s8] =	ssyncset.done $0x0  }
0x29d: {  	[sflag:s8] =	ssyncadd.s32 $0xFFFFF980  }
0x29e: {  	_ =	swait.ge [sflag:s8], $0x680  }
0x29f: {  	[sflag:s8] =	ssyncset.done $0x0  }
0x2a0: {  	[sflag:s8] =	ssyncadd.s32 $0xFFFFF980  }
0x2a1: {  	_ =	swait.ge [sflag:s8], $0x680  }
0x2a2: {  	[sflag:s8] =	ssyncset.done $0x0  }
0x2a3: {  	[sflag:s8] =	ssyncadd.s32 $0xFFFFF980  }
0x2a4: {  	_ =	swait.ge [sflag:s8], $0x680  }
0x2a5: {  	[sflag:s8] =	ssyncset.done $0x0  }
0x2a6: {  	[sflag:s8] =	ssyncadd.s32 $0xFFFFF980  }
0x2a7: {  	_ =	swait.ge [sflag:s8], $0x680  }
0x2a8: {  	[sflag:s8] =	ssyncset.done $0x0  }
0x2a9: {  	[sflag:s8] =	ssyncadd.s32 $0xFFFFF980  }
0x2aa: {  	_ =	swait.ge [sflag:s8], $0x680  }
0x2ab: {  	[sflag:s8] =	ssyncset.done $0x0  }
0x2ac: {  	[sflag:s8] =	ssyncadd.s32 $0xFFFFF980  }
0x2ad: {  	_ =	swait.ge [sflag:s8], $0x680  }
0x2ae: {  	[sflag:s8] =	ssyncset.done $0x0  }
0x2af: {  	[sflag:s8] =	ssyncadd.s32 $0xFFFFF980  }
0x2b0: {  	_ =	swait.ge [sflag:s8], $0x680  }
0x2b1: {  	[sflag:s8] =	ssyncset.done $0x0  }
0x2b2: {  	[sflag:s8] =	ssyncadd.s32 $0xFFFFF980  }
0x2b3: {  	_ =	swait.ge [sflag:s8], $0x680  }
0x2b4: {  	[sflag:s8] =	ssyncset.done $0x0  }
0x2b5: {  	[sflag:s8] =	ssyncadd.s32 $0xFFFFF980  }
0x2b6: {  	_ =	swait.ge [sflag:s8], $0x680  }
0x2b7: {  	[sflag:s8] =	ssyncset.done $0x0  }
0x2b8: {  	[sflag:s8] =	ssyncadd.s32 $0xFFFFF980  }
0x2b9: {  	_ =	swait.ge [sflag:s8], $0x680  }
0x2ba: {  	[sflag:s8] =	ssyncset.done $0x0  }
0x2bb: {  	[sflag:s8] =	ssyncadd.s32 $0xFFFFF980  }
0x2bc: {  	_ =	swait.ge [sflag:s8], $0x680  }
0x2bd: {  	[sflag:s8] =	ssyncset.done $0x0  }
0x2be: {  	[sflag:s8] =	ssyncadd.s32 $0xFFFFF980  }
0x2bf: {  	_ =	swait.ge [sflag:s8], $0x680  }
0x2c0: {  	[sflag:s8] =	ssyncset.done $0x0  }
0x2c1: {  	[sflag:s8] =	ssyncadd.s32 $0xFFFFF980  }
0x2c2: {  	_ =	swait.ge [sflag:s8], $0x680  }
.Ltmp10:
0x2c3: {  	[sflag:s8] =	ssyncset.done $0x0;
	(pc) =	sbr.rel .LBB2_11-.Ltmp10, $4  }
0x2c4: {  	[sflag:s8] =	ssyncadd.s32 $0xFFFFF980  }
0x2c5: {  	_ =	swait.ge [sflag:s8], $0x680  }
0x2c6: {  	[sflag:s8] =	ssyncset.done $0x0  }
0x2c7: {  	s26 =	simm.s32 $0x0;
	[sflag:s8] =	ssyncadd.s32 $0xFFFFF980  }
.LBB2_13:
0x2c8: {  	s26 =	sadd.s32 $0x10, s26  }
0x2c9: {  	p0 =	sne.s32 s26, $0x340  }
.Ltmp11:
0x2ca: {  	_ = 	snop;
	(pc) =	sbr.rel @!p0 .LBB2_14-.Ltmp11, $1  }
0x2cb: {  	_ =	sdelay $0x3  }
.LBB2_11:
0x2cc: {  	v2 =	vor.u32 s26, v0  }
0x2cd: {  	v3 =	vmulhi.u32 $0x4EC4EC4F, v2;
	_ =	sdelay $0x1  }
0x2ce: {  	v4 =	vshrl.u32 v3, $0x3  }
0x2cf: {  	v3 =	vmul.u32 $0xFFFFFFE6, v4;
	_ =	sdelay $0x1  }
0x2d0: {  	v5 =	vmov s26;
	v3 =	vadd.s32 v2, v3  }
0x2d1: {  	vm0 =	veq.s32 v5, v0;
	vm1 =	vne.s32 v3, $0x0  }
0x2d2: {  	vm0 =	vmand vm0, vm1  }
0x2d3: {  	v2 =	vsel vm0, $0xFFFFFFFF, v1  }
0x2d4: {  	v4 =	vadd.s32 v2, v4  }
0x2d5: {  	v2 =	vshll.u32 v4, $0x5  }
0x2d6: {  	v2 =	vor.u32 v3, v2;
	_ =	sdelay $0x4  }
0x2d7: {  	v2 =	vld.idx.msk [tilespmem:v2+s2+$0x0], $0xffff;
	_ =	sdelay $0x4  }
0x2d8: {  	v5 =	vadd.s32 $0xFFF0BDFE, v2  }
0x2d9: {  	vm0 =	vlt.u32 v5, $0xFFF0BE00  }
0x2da: {  	v5 =	vmpcnt.ones.xlane vm0;
	_ =	sdelay $0x1  }
0x2db: {  	(v2sf) =	vpush v5, $0x0;
	_ =	sdelay $0xe  }
0x2dc: {  	s28 =	spop (v2sf)  }
0x2dd: {  	p0 =	slt.s32 s28, $0x1  }
.Ltmp12:
0x2de: {  	_ = 	snop;
	(pc) =	sbr.rel @p0 .LBB2_13-.Ltmp12, $1  }
0x2df: {  	_ =	sdelay $0x3  }
0x2e0: {  	vm1 =	vlt.s32 v2, $0x2;
	v5 =	vadd.s32 $0xFFF0BE00, v2  }
0x2e1: {  	v2 =	vsel vm1, v2, v5  }
0x2e2: {  	vm1 =	vgt.s32 v2, $0x0  }
0x2e3: {  	v2 =	vnsel vm1, $0x0, v2  }
0x2e4: {  	v2 =	vmin.u32 v2, $0x3F  }
0x2e5: {  	v2 =	vshll.u32 v2, $0x6;
	_ =	sdelay $0x2  }
0x2e6: {  	v4 =	vmul.u32 $0x680, v4  }
0x2e7: {  	v3 =	vshll.u32 v3, $0x6  }
0x2e8: {  	v3 =	vadd.s32 v3, v4;
	v50 =	vld.idx.msk [tilespmem:v2+s9+$0x0], vm0  }
0x2e9: {  	v51 =	vor.u32 $0x1, v2;
	_ =	sdelay $0x3  }
0x2ea: {  	[tilespmem:v3+s15+$0x0] =	vst.idx.msk vm0, v50  }
0x2eb: {  	v52 =	vor.u32 $0x1, v3;
	v4 =	vld.idx.msk [tilespmem:v51+s9+$0x0], vm0  }
0x2ec: {  	v6 =	vor.u32 $0x2, v2;
	_ =	sdelay $0x3  }
0x2ed: {  	[tilespmem:v52+s15+$0x0] =	vst.idx.msk vm0, v4  }
0x2ee: {  	v53 =	vor.u32 $0x2, v3;
	v4 =	vld.idx.msk [tilespmem:v6+s9+$0x0], vm0  }
0x2ef: {  	v54 =	vor.u32 $0x3, v2;
	_ =	sdelay $0x3  }
0x2f0: {  	[tilespmem:v53+s15+$0x0] =	vst.idx.msk vm0, v4  }
0x2f1: {  	v55 =	vor.u32 $0x3, v3;
	v4 =	vld.idx.msk [tilespmem:v54+s9+$0x0], vm0  }
0x2f2: {  	v56 =	vor.u32 $0x4, v2;
	_ =	sdelay $0x3  }
0x2f3: {  	[tilespmem:v55+s15+$0x0] =	vst.idx.msk vm0, v4  }
0x2f4: {  	v57 =	vor.u32 $0x4, v3;
	v4 =	vld.idx.msk [tilespmem:v56+s9+$0x0], vm0  }
0x2f5: {  	v58 =	vor.u32 $0x5, v2;
	_ =	sdelay $0x3  }
0x2f6: {  	[tilespmem:v57+s15+$0x0] =	vst.idx.msk vm0, v4  }
0x2f7: {  	v59 =	vor.u32 $0x5, v3;
	v4 =	vld.idx.msk [tilespmem:v58+s9+$0x0], vm0  }
0x2f8: {  	v60 =	vor.u32 $0x6, v2;
	_ =	sdelay $0x3  }
0x2f9: {  	[tilespmem:v59+s15+$0x0] =	vst.idx.msk vm0, v4  }
0x2fa: {  	v61 =	vor.u32 $0x6, v3;
	v4 =	vld.idx.msk [tilespmem:v60+s9+$0x0], vm0  }
0x2fb: {  	v62 =	vor.u32 $0x7, v2;
	_ =	sdelay $0x3  }
0x2fc: {  	[tilespmem:v61+s15+$0x0] =	vst.idx.msk vm0, v4  }
0x2fd: {  	v63 =	vor.u32 $0x7, v3;
	v4 =	vld.idx.msk [tilespmem:v62+s9+$0x0], vm0  }
0x2fe: {  	v9 =	vor.u32 $0x8, v2;
	_ =	sdelay $0x3  }
0x2ff: {  	[tilespmem:v63+s15+$0x0] =	vst.idx.msk vm0, v4  }
0x300: {  	v10 =	vor.u32 $0x8, v3;
	v4 =	vld.idx.msk [tilespmem:v9+s9+$0x0], vm0  }
0x301: {  	v11 =	vor.u32 $0x9, v2;
	_ =	sdelay $0x3  }
0x302: {  	[tilespmem:v10+s15+$0x0] =	vst.idx.msk vm0, v4  }
0x303: {  	v12 =	vor.u32 $0x9, v3;
	v4 =	vld.idx.msk [tilespmem:v11+s9+$0x0], vm0  }
0x304: {  	v13 =	vor.u32 $0xA, v2;
	_ =	sdelay $0x3  }
0x305: {  	[tilespmem:v12+s15+$0x0] =	vst.idx.msk vm0, v4  }
0x306: {  	v14 =	vor.u32 $0xA, v3;
	v4 =	vld.idx.msk [tilespmem:v13+s9+$0x0], vm0  }
0x307: {  	v15 =	vor.u32 $0xB, v2;
	_ =	sdelay $0x3  }
0x308: {  	[tilespmem:v14+s15+$0x0] =	vst.idx.msk vm0, v4  }
0x309: {  	v16 =	vor.u32 $0xB, v3;
	v4 =	vld.idx.msk [tilespmem:v15+s9+$0x0], vm0  }
0x30a: {  	v17 =	vor.u32 $0xC, v2;
	_ =	sdelay $0x3  }
0x30b: {  	[tilespmem:v16+s15+$0x0] =	vst.idx.msk vm0, v4  }
0x30c: {  	v18 =	vor.u32 $0xC, v3;
	v4 =	vld.idx.msk [tilespmem:v17+s9+$0x0], vm0  }
0x30d: {  	v19 =	vor.u32 $0xD, v2;
	_ =	sdelay $0x3  }
0x30e: {  	[tilespmem:v18+s15+$0x0] =	vst.idx.msk vm0, v4  }
0x30f: {  	v20 =	vor.u32 $0xD, v3;
	v4 =	vld.idx.msk [tilespmem:v19+s9+$0x0], vm0  }
0x310: {  	v21 =	vor.u32 $0xE, v2;
	_ =	sdelay $0x3  }
0x311: {  	[tilespmem:v20+s15+$0x0] =	vst.idx.msk vm0, v4  }
0x312: {  	v22 =	vor.u32 $0xE, v3;
	v4 =	vld.idx.msk [tilespmem:v21+s9+$0x0], vm0  }
0x313: {  	v23 =	vor.u32 $0xF, v2;
	_ =	sdelay $0x3  }
0x314: {  	[tilespmem:v22+s15+$0x0] =	vst.idx.msk vm0, v4  }
0x315: {  	v24 =	vor.u32 $0xF, v3;
	v4 =	vld.idx.msk [tilespmem:v23+s9+$0x0], vm0  }
0x316: {  	v25 =	vor.u32 $0x10, v2;
	_ =	sdelay $0x3  }
0x317: {  	[tilespmem:v24+s15+$0x0] =	vst.idx.msk vm0, v4  }
0x318: {  	v26 =	vor.u32 $0x10, v3;
	v4 =	vld.idx.msk [tilespmem:v25+s9+$0x0], vm0  }
0x319: {  	v27 =	vor.u32 $0x11, v2;
	_ =	sdelay $0x3  }
0x31a: {  	[tilespmem:v26+s15+$0x0] =	vst.idx.msk vm0, v4  }
0x31b: {  	v28 =	vor.u32 $0x11, v3;
	v4 =	vld.idx.msk [tilespmem:v27+s9+$0x0], vm0  }
0x31c: {  	v29 =	vor.u32 $0x12, v2;
	_ =	sdelay $0x3  }
0x31d: {  	[tilespmem:v28+s15+$0x0] =	vst.idx.msk vm0, v4  }
0x31e: {  	v30 =	vor.u32 $0x12, v3;
	v4 =	vld.idx.msk [tilespmem:v29+s9+$0x0], vm0  }
0x31f: {  	v31 =	vor.u32 $0x13, v2;
	_ =	sdelay $0x3  }
0x320: {  	[tilespmem:v30+s15+$0x0] =	vst.idx.msk vm0, v4  }
0x321: {  	v32 =	vor.u32 $0x13, v3;
	v4 =	vld.idx.msk [tilespmem:v31+s9+$0x0], vm0  }
0x322: {  	v33 =	vor.u32 $0x14, v2;
	_ =	sdelay $0x3  }
0x323: {  	[tilespmem:v32+s15+$0x0] =	vst.idx.msk vm0, v4  }
0x324: {  	v34 =	vor.u32 $0x14, v3;
	v4 =	vld.idx.msk [tilespmem:v33+s9+$0x0], vm0  }
0x325: {  	v35 =	vor.u32 $0x15, v2;
	_ =	sdelay $0x3  }
0x326: {  	[tilespmem:v34+s15+$0x0] =	vst.idx.msk vm0, v4  }
0x327: {  	v36 =	vor.u32 $0x15, v3;
	v4 =	vld.idx.msk [tilespmem:v35+s9+$0x0], vm0  }
0x328: {  	v37 =	vor.u32 $0x16, v2;
	_ =	sdelay $0x3  }
0x329: {  	[tilespmem:v36+s15+$0x0] =	vst.idx.msk vm0, v4  }
0x32a: {  	v38 =	vor.u32 $0x16, v3;
	v4 =	vld.idx.msk [tilespmem:v37+s9+$0x0], vm0  }
0x32b: {  	v39 =	vor.u32 $0x17, v2;
	_ =	sdelay $0x3  }
0x32c: {  	[tilespmem:v38+s15+$0x0] =	vst.idx.msk vm0, v4  }
0x32d: {  	v40 =	vor.u32 $0x17, v3;
	v4 =	vld.idx.msk [tilespmem:v39+s9+$0x0], vm0  }
0x32e: {  	v41 =	vor.u32 $0x18, v2;
	_ =	sdelay $0x3  }
0x32f: {  	[tilespmem:v40+s15+$0x0] =	vst.idx.msk vm0, v4  }
0x330: {  	v42 =	vor.u32 $0x18, v3;
	v4 =	vld.idx.msk [tilespmem:v41+s9+$0x0], vm0  }
0x331: {  	v43 =	vor.u32 $0x19, v2;
	_ =	sdelay $0x3  }
0x332: {  	[tilespmem:v42+s15+$0x0] =	vst.idx.msk vm0, v4  }
0x333: {  	v44 =	vor.u32 $0x19, v3;
	v4 =	vld.idx.msk [tilespmem:v43+s9+$0x0], vm0  }
0x334: {  	v45 =	vor.u32 $0x1A, v2;
	_ =	sdelay $0x3  }
0x335: {  	[tilespmem:v44+s15+$0x0] =	vst.idx.msk vm0, v4  }
0x336: {  	v46 =	vor.u32 $0x1A, v3;
	v4 =	vld.idx.msk [tilespmem:v45+s9+$0x0], vm0  }
0x337: {  	v47 =	vor.u32 $0x1B, v2;
	_ =	sdelay $0x3  }
0x338: {  	[tilespmem:v46+s15+$0x0] =	vst.idx.msk vm0, v4  }
0x339: {  	v48 =	vor.u32 $0x1B, v3;
	v4 =	vld.idx.msk [tilespmem:v47+s9+$0x0], vm0  }
0x33a: {  	v49 =	vor.u32 $0x1C, v2;
	_ =	sdelay $0x3  }
0x33b: {  	[tilespmem:v48+s15+$0x0] =	vst.idx.msk vm0, v4  }
0x33c: {  	v50 =	vor.u32 $0x1C, v3;
	v4 =	vld.idx.msk [tilespmem:v49+s9+$0x0], vm0  }
0x33d: {  	v51 =	vor.u32 $0x1D, v2;
	_ =	sdelay $0x3  }
0x33e: {  	[tilespmem:v50+s15+$0x0] =	vst.idx.msk vm0, v4  }
0x33f: {  	v52 =	vor.u32 $0x1D, v3;
	v4 =	vld.idx.msk [tilespmem:v51+s9+$0x0], vm0  }
0x340: {  	v53 =	vor.u32 $0x1E, v2;
	_ =	sdelay $0x3  }
0x341: {  	[tilespmem:v52+s15+$0x0] =	vst.idx.msk vm0, v4  }
0x342: {  	v54 =	vor.u32 $0x1E, v3;
	v4 =	vld.idx.msk [tilespmem:v53+s9+$0x0], vm0  }
0x343: {  	v55 =	vor.u32 $0x1F, v2;
	_ =	sdelay $0x3  }
0x344: {  	[tilespmem:v54+s15+$0x0] =	vst.idx.msk vm0, v4  }
0x345: {  	v56 =	vor.u32 $0x1F, v3;
	v4 =	vld.idx.msk [tilespmem:v55+s9+$0x0], vm0  }
0x346: {  	v57 =	vor.u32 $0x20, v2;
	_ =	sdelay $0x3  }
0x347: {  	[tilespmem:v56+s15+$0x0] =	vst.idx.msk vm0, v4  }
0x348: {  	v58 =	vor.u32 $0x20, v3;
	v4 =	vld.idx.msk [tilespmem:v57+s9+$0x0], vm0  }
0x349: {  	v59 =	vor.u32 $0x21, v2;
	_ =	sdelay $0x3  }
0x34a: {  	[tilespmem:v58+s15+$0x0] =	vst.idx.msk vm0, v4  }
0x34b: {  	v60 =	vor.u32 $0x21, v3;
	v4 =	vld.idx.msk [tilespmem:v59+s9+$0x0], vm0  }
0x34c: {  	v61 =	vor.u32 $0x22, v2;
	_ =	sdelay $0x3  }
0x34d: {  	[tilespmem:v60+s15+$0x0] =	vst.idx.msk vm0, v4  }
0x34e: {  	v62 =	vor.u32 $0x22, v3;
	v4 =	vld.idx.msk [tilespmem:v61+s9+$0x0], vm0  }
0x34f: {  	v63 =	vor.u32 $0x23, v2;
	_ =	sdelay $0x3  }
0x350: {  	[tilespmem:v62+s15+$0x0] =	vst.idx.msk vm0, v4  }
0x351: {  	v9 =	vor.u32 $0x23, v3;
	v4 =	vld.idx.msk [tilespmem:v63+s9+$0x0], vm0  }
0x352: {  	v10 =	vor.u32 $0x24, v2;
	_ =	sdelay $0x3  }
0x353: {  	[tilespmem:v9+s15+$0x0] =	vst.idx.msk vm0, v4  }
0x354: {  	v11 =	vor.u32 $0x24, v3;
	v4 =	vld.idx.msk [tilespmem:v10+s9+$0x0], vm0  }
0x355: {  	v12 =	vor.u32 $0x25, v2;
	_ =	sdelay $0x3  }
0x356: {  	[tilespmem:v11+s15+$0x0] =	vst.idx.msk vm0, v4  }
0x357: {  	v13 =	vor.u32 $0x25, v3;
	v4 =	vld.idx.msk [tilespmem:v12+s9+$0x0], vm0  }
0x358: {  	v14 =	vor.u32 $0x26, v2;
	_ =	sdelay $0x3  }
0x359: {  	[tilespmem:v13+s15+$0x0] =	vst.idx.msk vm0, v4  }
0x35a: {  	v15 =	vor.u32 $0x26, v3;
	v4 =	vld.idx.msk [tilespmem:v14+s9+$0x0], vm0  }
0x35b: {  	v16 =	vor.u32 $0x27, v2;
	_ =	sdelay $0x3  }
0x35c: {  	[tilespmem:v15+s15+$0x0] =	vst.idx.msk vm0, v4  }
0x35d: {  	v17 =	vor.u32 $0x27, v3;
	v4 =	vld.idx.msk [tilespmem:v16+s9+$0x0], vm0  }
0x35e: {  	v18 =	vor.u32 $0x28, v2;
	_ =	sdelay $0x3  }
0x35f: {  	[tilespmem:v17+s15+$0x0] =	vst.idx.msk vm0, v4  }
0x360: {  	v19 =	vor.u32 $0x28, v3;
	v4 =	vld.idx.msk [tilespmem:v18+s9+$0x0], vm0  }
0x361: {  	v20 =	vor.u32 $0x29, v2;
	_ =	sdelay $0x3  }
0x362: {  	[tilespmem:v19+s15+$0x0] =	vst.idx.msk vm0, v4  }
0x363: {  	v21 =	vor.u32 $0x29, v3;
	v4 =	vld.idx.msk [tilespmem:v20+s9+$0x0], vm0  }
0x364: {  	v22 =	vor.u32 $0x2A, v2;
	_ =	sdelay $0x3  }
0x365: {  	[tilespmem:v21+s15+$0x0] =	vst.idx.msk vm0, v4  }
0x366: {  	v23 =	vor.u32 $0x2A, v3;
	v4 =	vld.idx.msk [tilespmem:v22+s9+$0x0], vm0  }
0x367: {  	v24 =	vor.u32 $0x2B, v2;
	_ =	sdelay $0x3  }
0x368: {  	[tilespmem:v23+s15+$0x0] =	vst.idx.msk vm0, v4  }
0x369: {  	v25 =	vor.u32 $0x2B, v3;
	v4 =	vld.idx.msk [tilespmem:v24+s9+$0x0], vm0  }
0x36a: {  	v26 =	vor.u32 $0x2C, v2;
	_ =	sdelay $0x3  }
0x36b: {  	[tilespmem:v25+s15+$0x0] =	vst.idx.msk vm0, v4  }
0x36c: {  	v27 =	vor.u32 $0x2C, v3;
	v4 =	vld.idx.msk [tilespmem:v26+s9+$0x0], vm0  }
0x36d: {  	v28 =	vor.u32 $0x2D, v2;
	_ =	sdelay $0x3  }
0x36e: {  	[tilespmem:v27+s15+$0x0] =	vst.idx.msk vm0, v4  }
0x36f: {  	v29 =	vor.u32 $0x2D, v3;
	v4 =	vld.idx.msk [tilespmem:v28+s9+$0x0], vm0  }
0x370: {  	v30 =	vor.u32 $0x2E, v2;
	_ =	sdelay $0x3  }
0x371: {  	[tilespmem:v29+s15+$0x0] =	vst.idx.msk vm0, v4  }
0x372: {  	v31 =	vor.u32 $0x2E, v3;
	v4 =	vld.idx.msk [tilespmem:v30+s9+$0x0], vm0  }
0x373: {  	v32 =	vor.u32 $0x2F, v2;
	_ =	sdelay $0x3  }
0x374: {  	[tilespmem:v31+s15+$0x0] =	vst.idx.msk vm0, v4  }
0x375: {  	v33 =	vor.u32 $0x2F, v3;
	v4 =	vld.idx.msk [tilespmem:v32+s9+$0x0], vm0  }
0x376: {  	v34 =	vor.u32 $0x30, v2;
	_ =	sdelay $0x3  }
0x377: {  	[tilespmem:v33+s15+$0x0] =	vst.idx.msk vm0, v4  }
0x378: {  	v35 =	vor.u32 $0x30, v3;
	v4 =	vld.idx.msk [tilespmem:v34+s9+$0x0], vm0  }
0x379: {  	v36 =	vor.u32 $0x31, v2;
	_ =	sdelay $0x3  }
0x37a: {  	[tilespmem:v35+s15+$0x0] =	vst.idx.msk vm0, v4  }
0x37b: {  	v37 =	vor.u32 $0x31, v3;
	v4 =	vld.idx.msk [tilespmem:v36+s9+$0x0], vm0  }
0x37c: {  	v38 =	vor.u32 $0x32, v2;
	_ =	sdelay $0x3  }
0x37d: {  	[tilespmem:v37+s15+$0x0] =	vst.idx.msk vm0, v4  }
0x37e: {  	v39 =	vor.u32 $0x32, v3;
	v4 =	vld.idx.msk [tilespmem:v38+s9+$0x0], vm0  }
0x37f: {  	v40 =	vor.u32 $0x33, v2;
	_ =	sdelay $0x3  }
0x380: {  	[tilespmem:v39+s15+$0x0] =	vst.idx.msk vm0, v4  }
0x381: {  	v41 =	vor.u32 $0x33, v3;
	v4 =	vld.idx.msk [tilespmem:v40+s9+$0x0], vm0  }
0x382: {  	v42 =	vor.u32 $0x34, v2;
	_ =	sdelay $0x3  }
0x383: {  	[tilespmem:v41+s15+$0x0] =	vst.idx.msk vm0, v4  }
0x384: {  	v43 =	vor.u32 $0x34, v3;
	v4 =	vld.idx.msk [tilespmem:v42+s9+$0x0], vm0  }
0x385: {  	v44 =	vor.u32 $0x35, v2;
	_ =	sdelay $0x3  }
0x386: {  	[tilespmem:v43+s15+$0x0] =	vst.idx.msk vm0, v4  }
0x387: {  	v45 =	vor.u32 $0x35, v3;
	v4 =	vld.idx.msk [tilespmem:v44+s9+$0x0], vm0  }
0x388: {  	v46 =	vor.u32 $0x36, v2;
	_ =	sdelay $0x3  }
0x389: {  	[tilespmem:v45+s15+$0x0] =	vst.idx.msk vm0, v4  }
0x38a: {  	v47 =	vor.u32 $0x36, v3;
	v4 =	vld.idx.msk [tilespmem:v46+s9+$0x0], vm0  }
0x38b: {  	v48 =	vor.u32 $0x37, v2;
	_ =	sdelay $0x3  }
0x38c: {  	[tilespmem:v47+s15+$0x0] =	vst.idx.msk vm0, v4  }
0x38d: {  	v49 =	vor.u32 $0x37, v3;
	v4 =	vld.idx.msk [tilespmem:v48+s9+$0x0], vm0  }
0x38e: {  	v50 =	vor.u32 $0x38, v2;
	_ =	sdelay $0x3  }
0x38f: {  	[tilespmem:v49+s15+$0x0] =	vst.idx.msk vm0, v4  }
0x390: {  	v51 =	vor.u32 $0x38, v3;
	v4 =	vld.idx.msk [tilespmem:v50+s9+$0x0], vm0  }
0x391: {  	v52 =	vor.u32 $0x39, v2;
	_ =	sdelay $0x3  }
0x392: {  	[tilespmem:v51+s15+$0x0] =	vst.idx.msk vm0, v4  }
0x393: {  	v53 =	vor.u32 $0x39, v3;
	v4 =	vld.idx.msk [tilespmem:v52+s9+$0x0], vm0  }
0x394: {  	v54 =	vor.u32 $0x3A, v2;
	_ =	sdelay $0x3  }
0x395: {  	[tilespmem:v53+s15+$0x0] =	vst.idx.msk vm0, v4  }
0x396: {  	v55 =	vor.u32 $0x3A, v3;
	v4 =	vld.idx.msk [tilespmem:v54+s9+$0x0], vm0  }
0x397: {  	v56 =	vor.u32 $0x3B, v2;
	_ =	sdelay $0x3  }
0x398: {  	[tilespmem:v55+s15+$0x0] =	vst.idx.msk vm0, v4  }
0x399: {  	v57 =	vor.u32 $0x3B, v3;
	v4 =	vld.idx.msk [tilespmem:v56+s9+$0x0], vm0  }
0x39a: {  	v58 =	vor.u32 $0x3C, v2;
	_ =	sdelay $0x3  }
0x39b: {  	[tilespmem:v57+s15+$0x0] =	vst.idx.msk vm0, v4  }
0x39c: {  	v59 =	vor.u32 $0x3C, v3;
	v4 =	vld.idx.msk [tilespmem:v58+s9+$0x0], vm0  }
0x39d: {  	v60 =	vor.u32 $0x3D, v2;
	_ =	sdelay $0x3  }
0x39e: {  	[tilespmem:v59+s15+$0x0] =	vst.idx.msk vm0, v4  }
0x39f: {  	v61 =	vor.u32 $0x3D, v3;
	v4 =	vld.idx.msk [tilespmem:v60+s9+$0x0], vm0  }
0x3a0: {  	v62 =	vor.u32 $0x3E, v2;
	_ =	sdelay $0x3  }
0x3a1: {  	[tilespmem:v61+s15+$0x0] =	vst.idx.msk vm0, v4  }
0x3a2: {  	v63 =	vor.u32 $0x3E, v3;
	v4 =	vld.idx.msk [tilespmem:v62+s9+$0x0], vm0  }
0x3a3: {  	v2 =	vor.u32 $0x3F, v2;
	_ =	sdelay $0x3  }
0x3a4: {  	[tilespmem:v63+s15+$0x0] =	vst.idx.msk vm0, v4  }
0x3a5: {  	v3 =	vor.u32 $0x3F, v3;
	v2 =	vld.idx.msk [tilespmem:v2+s9+$0x0], vm0  }
.Ltmp13:
0x3a6: {  	_ = 	snop;
	(pc) =	sbr.rel .LBB2_13-.Ltmp13, $2  }
0x3a7: {  	_ =	sdelay $0x2  }
0x3a8: {  	[tilespmem:v3+s15+$0x0] =	vst.idx.msk vm0, v2  }
.LBB2_16:
0x3a9: {  	_ =	sfence.sel $0x180000  }
0x3aa: {  	[bflag:$0x0] =	sbarrier.arrive $0xFFFF  }
0x3ab: {  	_ =	strace $0x90000047  }
0x3ac: {  	s0 =	stileid.u32;
	[bflag:$0x2] =	sbarrier.arrive $0xFFFF  }
0x3ad: {  	p0 =	sne.s32 s0, $0x0;
	s0 =	rddreg [dreg:$0x2]  }
0x3ae: {  	s0 =	sadd.s32 @!p0 $0x100000, s0  }
0x3af: {  	[sflag:s0] =	ssyncadd.tile.s32 @!p0 $0x1;
	_ =	shalt  }
.Lfunc_end2:
_tile_overlayer_lowered:
.L_overlay_start_2:
0x3b0: {  	(tag) =	ssettag $0x2  }
0x3b1: {  	s0 =	rddreg [dreg:$0x0];
	s2 =	stileid.u32  }
0x3b2: {  	s1 =	rddreg [dreg:$0x1];
	p0 =	sne.s32 s2, $0x0  }
0x3b3: {  	s3 =	rddreg [dreg:$0x2];
	[bflag:$0x3] =	sbarrier.arrive $0xFFFF;
	s2 =	simm.s32 @!p0 $0x1C04  }
0x3b4: {  	[timem:s3], [sflag:s2] =	dma.local @!p0 [hbm:s0], s1  }
0x3b5: {  	s0 =	simm.s32 @!p0 $0x4  }
0x3b6: {  	_ =	swait.ge @!p0 [sflag:s0], s1  }
0x3b7: {  	s1 =	ssub.s32 @!p0 $0x0, s1;
	[sflag:s0] =	ssyncset.done @!p0 $0x0  }
0x3b8: {  	[sflag:s0] =	ssyncadd.s32 @!p0 s1  }
0x3b9: {  	[bflag:$0x3] =	sbarrier.arrive $0xFFFF  }
0x3ba: {  	_ =	shalt  }

// kernel: sparse-core-data-format-call.cloned.1.call-start
scs
called_computation_lowered:
.L_overlay_start_0:
0x0: {  	s2 =	sld [smem:$0x3FD9]  }
0x1: {  	s3 =	sld [smem:$0x3FFE];
	_ =	sdelay $0x1  }
0x2: {  	s1 =	srdreg.scid  }
0x3: {  	s0 =	sand.u32 $0x1, s1  }
0x4: {  	s18 =	sshll.u32 s0, $0xA;
	s2 =	sadd.s32 s3, s2  }
0x5: {  	s2 =	sadd.s32 s2, s18  }
0x6: {  	[smem:$0x3FC5] =	sst s2  }
0x7: {  	_ = 	snop  }
0x8: {  	s2 =	sld [smem:$0x3FD0];
	(tm) =	ssettm $0x1  }
0x9: {  	s19 =	sld [smem:$0x3FFB];
	_ =	sdelay $0x3  }
0xa: {  	_ =	strace s19  }
0xb: {  	s3 =	sld [smem:$0x3FFC];
	_ =	sdelay $0x3  }
0xc: {  	_ =	strace s3  }
0xd: {  	s3 =	sld [smem:$0x3FFD];
	_ =	sdelay $0x3  }
0xe: {  	_ =	strace s3  }
0xf: {  	_ =	strace $0x8FFFFFFF  }
0x10: {  	s20 =	sld [smem:$0x3FDB];
	_ =	sdelay $0x1  }
0x11: {  	s4 =	simm.s32 $_scs_section_size  }
0x12: {  	s5 =	simm.s32 $_size__tile_overlayer_lowered;
	s6 =	simm.s32 $_tile_overlayer_lowered  }
0x13: {  	s23 =	simm.s32 $0x1BFF;
	s22 =	sshll.u32 s6, $0x1;
	s3 =	sadd.s32 s4, s20  }
0x14: {  	s7 =	simm.s32 $0x0;
	s21 =	sshll.u32 s5, $0x1;
	s5 =	sadd.s32 s22, s3  }
0x15: {  	[timem:s7], [sflag:s23] =	dma.local [hbm:s5], s21  }
0x16: {  	_ =	swait.ge [sflag:s23], s21  }
0x17: {  	s4 =	ssub.s32 $0x0, s21;
	[sflag:s23] =	ssyncset.done $0x0  }
0x18: {  	[sflag:s23] =	ssyncadd.s32 s4;
	_ =	sdelay $0x1  }
0x19: {  	s24 =	simm.s32 $0x1B8B  }
0x1a: {  	_ =	swait.ge [sflag:s24], $0x1  }
0x1b: {  	[sflag:s24] =	ssyncset.done $0x0  }
0x1c: {  	s26 =	simm.s32 $0x1B8E;
	s25 =	sld [smem:$0x3FFE];
	[sflag:s24] =	ssyncadd.s32 $0xFFFFFFFF  }
0x1d: {  	s27 =	simm.s32 $execute0_lowered;
	[smem:$0x3FD2] =	sst s26  }
0x1e: {  	s5 =	sshll.u32 s27, $0x1;
	_ =	strace $0x80000049;
	[dreg:$0x1] =	wrdreg $0xFFFFFFFF  }
0x1f: {  	s28 =	simm.s32 $_size_execute0_lowered;
	s3 =	sadd.s32 s3, s5;
	[dreg:$0x0] =	wrdreg $0x0  }
0x20: {  	s5 =	sshll.u32 s28, $0x1;
	[dreg:$0x2] =	wrdreg s3  }
0x21: {  	[dreg:$0x3] =	wrdreg s5  }
0x22: {  	[dreg:$0x4] =	wrdreg $0xC0  }
0x23: {  	_ =	task [dreg:s7], $0x5FFFF  }
0x24: {  	[dreg:$0x1] =	wrdreg $0xFFFFFFFF  }
0x25: {  	[dreg:$0x0] =	wrdreg $0x60  }
0x26: {  	[dreg:$0x2] =	wrdreg s25  }
0x27: {  	[dreg:$0x3] =	wrdreg s2  }
0x28: {  	[dreg:$0x4] =	wrdreg $0x9  }
0x29: {  	_ =	task.clear_ibuf [dreg:s7], $0x5FFFF;
	_ =	strace $0x90000049  }
0x2a: {  	s29 =	simm.s32 $0x9;
	_ =	strace $0x8000004B  }
0x2b: {  	_ =	swait.ge [sflag:s29], $0x1  }
0x2c: {  	[sflag:s29] =	ssyncadd.s32 $0xFFFFFFFF  }
0x2d: {  	_ =	strace $0x9000004B  }
0x2e: {  	_ =	sfence  }
0x2f: {  	s30 =	sld [smem:$0x0];
	_ =	sdelay $0x2  }
0x30: {  	s31 =	sshll.u32 s1, $0xD;
	s1 =	sshrl.u32 s1, $0x2  }
0x31: {  	s3 =	sand.u32 $0x4000, s31;
	s1 =	sadd.s32 s1, s30  }
0x32: {  	s0 =	sor.u32 s3, s0;
	s1 =	sshll.u32 s1, $0x11  }
0x33: {  	s0 =	sor.u32 s1, s0  }
0x34: {  	s0 =	sadd.s32 $0x8F2B, s0  }
0x35: {  	[sflag:s0] =	ssyncadd.remote.s32 $0x1  }
0x36: {  	_ =	sfence.sel $0xFFFF  }
0x37: {  	[dreg:$0x0] =	wrdreg $0xFFFFFFFF;
	(pc) =	sbr.abs _section_cstart, $3  }
0x38: {  	[dreg:$0x1] =	wrdreg $0xFFFFFFFF  }
0x39: {  	_ =	task.clear_ibuf [dreg:s7], $0x2FFFF;
	_ =	strace $0x9FFFFFFF  }
0x3a: {  	(tm) =	ssettm $0x7FFFFFFF  }
0x3b: {  	_ =	shalt  }
tec
execute0_lowered:
.L_overlay_start_1:
0x0: {  	(tag) =	ssettag $0x1  }
0x1: {  	s0 =	srdreg.scid  }
0x2: {  	s1 =	sshll.u32 s0, $0x4  }
0x3: {  	s0 =	stileid.u32;
	s1 =	sand.u32 $0x10, s1  }
0x4: {  	s1 =	sor.u32 s0, s1  }
0x5: {  	s6 =	rddreg [dreg:$0x0];
	s4 =	simm.s32 $0x1;
	s2 =	sshll.u32 s1, $0x7  }
0x6: {  	s7 =	simm.s32 $0x2;
	s12 =	simm.s32 $0x0;
	s1 =	ssub.s32 $0x4000, s2  }
0x7: {  	s8 =	simm.s32 $0x20000;
	s13 =	simm.s32 $0x0;
	s3 =	sand.u32 $0xF80, s1  }
0x8: {  	s9 =	simm.s32 $0x0;
	s5 =	sshrl.u32 s1, $0xC;
	p0 =	sne.s32 s3, $0x0  }
.Ltmp0:
0x9: {  	s1 =	rddreg [dreg:$0x2];
	s4 =	simm.s32 @!p0 $0x0;
	(pc) =	sbr.rel .LBB1_1-.Ltmp0, $4  }
0xa: {  	s11 =	simm.s32 $0x0;
	s3 =	rddreg [dreg:$0x1];
	s5 =	sadd.s32 s4, s5  }
0xb: {  	_ =	strace $0x8000004A;
	s4 =	simm.s32 $0x1;
	s5 =	smul.u32 $0x1A, s5  }
0xc: {  	s6 =	sadd.s32 $0x800, s6;
	s10 =	smov.u32 s2;
	[sflag:s4] =	ssyncpa.u1 $0x0  }
0xd: {  	p0 =	por $0x0, $0x0;
	[sflag:s7] =	ssyncpa.u1 $0x0;
	s7 =	sor.u32 $0x1, s5  }
.LBB1_4:
0xe: {  	s16 =	sshll.u32 s13, $0x3;
	s17 =	sand.u32 $0x78, s13  }
0xf: {  	s30 =	sand.u32 $0x1F800, s13;
	s12 =	sshll.u32 s12, $0x11;
	s16 =	sand.u32 $0x3C00, s16  }
0x10: {  	[tilespmem:s15+$0x810 ss:$0x81] =	vst.msk $0xffff, v2;
	s31 =	sand.u32 $0x7, s13;
	s16 =	sor.u32 s17, s16;
	s17 =	sadd.s32 s3, s30  }
0x11: {  	[tilespmem:s15+$0x1020 ss:$0x81] =	vst.msk $0xffff, v0;
	s13 =	sshll.u32 s31, $0x12;
	s12 =	sadd.s32 s12, s17;
	s16 =	sshrl.u32 s16, $0x3  }
0x12: {  	[tilespmem:s15+$0x0 ss:$0x81] =	vst.msk $0xffff, v1;
	s13 =	sor.u32 $0x400, s13;
	s12 =	sadd.s32 s16, s12  }
0x13: {  	[hbm4b:s12+s13] =	stream.strided.scatter [tilespmem:s14], [sflag:$0x2], $0x2000, s8, s13, $0x20;
	[tilespmem:$0x8080] =	vst v63  }
.LBB1_5:
0x14: {  	s14 =	sadd.s32 $0x1, s9  }
0x15: {  	s12 =	sadd.s32 $0x1000, s10;
	s16 =	smov.u32 s10;
	p2 =	sgt.s32 s14, $0x19  }
0x16: {  	s16 =	smov.u32 @p2 s12  }
0x17: {  	s14 =	simm.s32 @p2 $0x0;
	p2 =	sgt.s32 s16, $0x3FFF  }
0x18: {  	s16 =	smov.u32 @p2 s2;
	p2 =	sne.s32 s11, s7  }
.Ltmp1:
0x19: {  	p1 =	slt.u32 s11, $0x2;
	(pc) =	sbr.rel @!p2 .LBB1_6-.Ltmp1, $4  }
0x1a: {  	s15 =	simm.s32 @!p1 $0x2  }
0x1b: {  	s13 =	smov.u32 s10;
	p0 =	por !p0, !p0;
	_ =	swait.ge @!p1 [sflag:s15], $0x2000  }
0x1c: {  	s12 =	smov.u32 s9;
	[sflag:s15] =	ssyncset.done @!p1 $0x0;
	s9 =	smov.u32 s14  }
0x1d: {  	s11 =	sadd.s32 $0x1, s11;
	[sflag:s15] =	ssyncadd.s32 @!p1 $0xFFFFE000;
	s10 =	smov.u32 s16  }
.LBB1_1:
0x1e: {  	p1 =	sge.u32 s11, s5  }
0x1f: {  	s31 =	sadd.s32 $0xFFFFFFFF, s11;
	s14 =	sxor.u32 @!p1 $0xFFFFFFFF, s11  }
0x20: {  	s15 =	sshll.u32 @!p1 s10, $0x9;
	s16 =	sshll.u32 @!p1 s9, $0x4;
	s17 =	simm.s32 @!p1 $0x1000  }
0x21: {  	s14 =	sshll.u32 @!p1 s14, $0xD;
	s16 =	sand.u32 @!p1 $0x1F0, s16;
	s15 =	sadd.s32 @!p1 s6, s15  }
0x22: {  	s14 =	sand.u32 @!p1 $0x2000, s14;
	s15 =	sadd.s32 @!p1 s16, s15;
	s16 =	simm.s32 @!p1 $0x40  }
0x23: {  	[tilespmem:s14], [sflag:$0x1] =	stream.strided.gather @!p1 [hbm4b:s15+s16], $0x2000, s17, s16, $0x38;
	[tilespmem:$0x8080] =	vst v63  }
0x24: {  	p1 =	sge.u32 s31, s5  }
.Ltmp2:
0x25: {  	_ = 	snop;
	(pc) =	sbr.rel @p1 .LBB1_5-.Ltmp2, $1  }
0x26: {  	_ =	sdelay $0x3  }
0x27: {  	s14 =	simm.s32 $0x1  }
0x28: {  	_ =	swait.ge [sflag:s4], $0x2000;
	s14 =	simm.s32 @!p0 $0x0  }
0x29: {  	[sflag:s4] =	ssyncset.done $0x0;
	s15 =	sshll.u32 s14, $0xD  }
0x2a: {  	[sflag:s4] =	ssyncadd.s32 $0xFFFFE000;
	s18 =	sor.u32 $0x20, s15  }
0x2b: {  	s14 =	smul.u32 $0x8100, s14;
	v3 =	vld [tilespmem:s18+$0x10]  }
0x2c: {  	s30 =	sand.u32 $0x1, s11;
	v2 =	vld [tilespmem:s18+$0xFFFFFFF0]  }
0x2d: {  	s15 =	smul.u32 $0x8100, s30;
	s14 =	sshrl.u32 s14, $0x2;
	v0 =	vld [tilespmem:s18+$0x0]  }
0x2e: {  	v1 =	vld [tilespmem:s18+$0xFFFFFFE0];
	s16 =	sor.u32 $0x4000, s14  }
0x2f: {  	s31 =	sshrl.u32 s15, $0x2;
	s15 =	sadd.s32 $0x0, s16  }
0x30: {  	s17 =	simm.s32 $0x4;
	s18 =	sadd.s32 $0x40, s18;
	s14 =	sor.u32 $0x4000, s31;
	[tilespmem:s15+$0x1830 ss:$0x81] =	vst.msk $0xffff, v3  }
.LBB1_3:
0x31: {  	v3 =	vld [tilespmem:s18+$0x10];
	p1 =	sne.s32 s17, $0x1FC;
	[tilespmem:s15+$0x810 ss:$0x81] =	vst.msk $0xffff, v2;
	s19 =	smov.u32 s17;
	s17 =	sadd.s32 $0x4, s17  }
.Ltmp3:
0x32: {  	v2 =	vld [tilespmem:s18+$0xFFFFFFF0];
	[tilespmem:s15+$0x1020 ss:$0x81] =	vst.msk $0xffff, v0;
	(pc) =	sbr.rel @p1 .LBB1_3-.Ltmp3, $4  }
0x33: {  	v0 =	vld [tilespmem:s18+$0x0];
	[tilespmem:s15+$0x0 ss:$0x81] =	vst.msk $0xffff, v1  }
0x34: {  	s15 =	sshra.s32 s19, $0x2;
	v1 =	vld [tilespmem:s18+$0xFFFFFFE0]  }
0x35: {  	s15 =	sadd.s32 s15, s16  }
0x36: {  	s18 =	sadd.s32 $0x40, s18;
	[tilespmem:s15+$0x1830 ss:$0x81] =	vst.msk $0xffff, v3  }
.Ltmp4:
0x37: {  	_ = 	snop;
	(pc) =	sbr.rel .LBB1_4-.Ltmp4, $1  }
0x38: {  	_ =	sdelay $0x3  }
.LBB1_6:
0x39: {  	_ =	sfence.sel $0x180000  }
0x3a: {  	s2 =	simm.s32 $0x1;
	[bflag:$0x0] =	sbarrier.arrive $0xFFFF  }
0x3b: {  	s31 =	simm.s32 $0x2;
	[sflag:s2] =	ssyncpa.u1 $0x1  }
0x3c: {  	[sflag:s31] =	ssyncpa.u1 $0x1  }
0x3d: {  	p0 =	sne.s32 s0, $0x0;
	_ =	strace $0x9000004A  }
0x3e: {  	s0 =	sadd.s32 @!p0 $0x100000, s1;
	[bflag:$0x2] =	sbarrier.arrive $0xFFFF  }
0x3f: {  	[sflag:s0] =	ssyncadd.tile.s32 @!p0 $0x1;
	_ =	shalt  }
.Lfunc_end1:
_tile_overlayer_lowered:
.L_overlay_start_2:
0x40: {  	(tag) =	ssettag $0x2  }
0x41: {  	s0 =	rddreg [dreg:$0x0];
	s2 =	stileid.u32  }
0x42: {  	s1 =	rddreg [dreg:$0x1];
	p0 =	sne.s32 s2, $0x0  }
0x43: {  	s3 =	rddreg [dreg:$0x2];
	[bflag:$0x3] =	sbarrier.arrive $0xFFFF;
	s2 =	simm.s32 @!p0 $0x1C01  }
0x44: {  	[timem:s3], [sflag:s2] =	dma.local @!p0 [hbm:s0], s1  }
0x45: {  	s0 =	simm.s32 @!p0 $0x1  }
0x46: {  	_ =	swait.ge @!p0 [sflag:s0], s1  }
0x47: {  	s1 =	ssub.s32 @!p0 $0x0, s1;
	[sflag:s0] =	ssyncset.done @!p0 $0x0  }
0x48: {  	[sflag:s0] =	ssyncadd.s32 @!p0 s1  }
0x49: {  	[bflag:$0x3] =	sbarrier.arrive $0xFFFF  }
0x4a: {  	_ =	shalt  }

</sc_bundles>
